<compile_context>
chip_gen: v7x
topology: tpu7x:2x2x1
jax: 0.10.2.dev20260603
libtpu: 0.0.44.dev20260713+nightly
codegen_flags: <defaults>
</compile_context>

<pallas_src>
import functools

import jax
import jax.numpy as jnp
from jax import lax
from jax.experimental import pallas as pl
from jax.experimental.pallas import tpu as pltpu
from jax.experimental.pallas import tpu_sc as plsc

N = 10000
E = 320000
D = 128
NC = 2
NS = 16
C = 128
CPT = -(-E // (C * NS))
EPAD = CPT * C * NS
HALF = N // 2
ACC_R = 5120
TRASH = 5100
RPT = ACC_R // NS
WFULL = 320
WLAST = HALF - 15 * RPT

_mesh = plsc.VectorSubcoreMesh(
    core_axis_name="c", subcore_axis_name="s", num_cores=NC, num_subcores=NS)


@functools.partial(
    pl.kernel,
    out_type=jax.ShapeDtypeStruct((N, D), jnp.float32),
    mesh=_mesh,
    scratch_types=[
        pltpu.VMEM((2, C), jnp.int32),
        pltpu.VMEM((2, C), jnp.int32),
        pltpu.VMEM((2, C, D), jnp.float32),
        pltpu.VMEM_SHARED((ACC_R, D), jnp.float32),
        pltpu.SemaphoreType.DMA,
        pltpu.SemaphoreType.DMA,
        pltpu.SemaphoreType.DMA,
    ],
)
def _sc_pass(h_hbm, src_hbm, dst2_hbm, out_hbm, sidx, didx, rows, acc, sem,
             sems0, sems1):
  cid = lax.axis_index("c")
  sid = lax.axis_index("s")

  def zero(i, _):
    for j in range(D // 16):
      rows[0, i, pl.ds(j * 16, 16)] = jnp.zeros((16,), jnp.float32)
    return 0
  lax.fori_loop(0, C, zero, 0)
  base0 = sid * RPT
  pltpu.sync_copy(rows.at[0], acc.at[pl.ds(base0, C)])
  pltpu.sync_copy(rows.at[0], acc.at[pl.ds(base0 + C, C)])
  pltpu.sync_copy(rows.at[0].at[pl.ds(0, RPT - 2 * C)],
                  acc.at[pl.ds(base0 + 2 * C, RPT - 2 * C)])
  plsc.subcore_barrier()

  def start(chunk, b):
    base = (chunk * NS + sid) * C
    pltpu.sync_copy(src_hbm.at[pl.ds(base, C)], sidx.at[b])
    pltpu.sync_copy(dst2_hbm.at[pl.ds(cid * EPAD + base, C)], didx.at[b])
    pltpu.async_copy(h_hbm.at[sidx.at[b]], rows.at[b], sem)

  def wait_g(b):
    pltpu.make_async_copy(h_hbm.at[sidx.at[b]], rows.at[b], sem).wait()

  ssem = (sems0, sems1)

  def scat(b):
    pltpu.async_copy(rows.at[b], acc.at[didx.at[b]], ssem[b], add=True)

  def wait_s(b):
    pltpu.make_async_copy(rows.at[b], acc.at[didx.at[b]], ssem[b]).wait()

  start(0, 0)
  wait_g(0)
  start(1, 1)
  scat(0)

  def body(jj, _):
    wait_g(1)
    wait_s(0)
    start(2 * jj + 2, 0)
    scat(1)
    wait_g(0)
    wait_s(1)

    @pl.when(2 * jj + 3 < CPT)
    def _():
      start(2 * jj + 3, 1)
    scat(0)
    return 0
  lax.fori_loop(0, (CPT - 1) // 2, body, 0)
  wait_s(0)
  plsc.subcore_barrier()

  @pl.when(sid < NS - 1)
  def _():
    pltpu.sync_copy(acc.at[pl.ds(sid * RPT, WFULL)],
                    out_hbm.at[pl.ds(cid * HALF + sid * RPT, WFULL)])

  @pl.when(sid == NS - 1)
  def _():
    pltpu.sync_copy(acc.at[pl.ds((NS - 1) * RPT, WLAST)],
                    out_hbm.at[pl.ds(cid * HALF + (NS - 1) * RPT, WLAST)])


@functools.partial(
    pl.kernel,
    out_type=jax.ShapeDtypeStruct((N, D), jnp.float32),
    mesh=_mesh,
    scratch_types=[
        pltpu.VMEM((C,), jnp.int32),
        pltpu.VMEM((C, D), jnp.float32),
        pltpu.VMEM((C, D), jnp.float32),
        pltpu.VMEM_SHARED((ACC_R, D), jnp.float32),
        pltpu.SemaphoreType.DMA,
    ],
)
def _sc_deg(dst2_hbm, out_hbm, didx, ones_v, zbuf, acc, sem):
  cid = lax.axis_index("c")
  sid = lax.axis_index("s")

  def init(i, _):
    for j in range(D // 16):
      ones_v[i, pl.ds(j * 16, 16)] = jnp.ones((16,), jnp.float32)
      zbuf[i, pl.ds(j * 16, 16)] = jnp.zeros((16,), jnp.float32)
    return 0
  lax.fori_loop(0, C, init, 0)
  base0 = sid * RPT
  pltpu.sync_copy(zbuf, acc.at[pl.ds(base0, C)])
  pltpu.sync_copy(zbuf, acc.at[pl.ds(base0 + C, C)])
  pltpu.sync_copy(zbuf.at[pl.ds(0, RPT - 2 * C)],
                  acc.at[pl.ds(base0 + 2 * C, RPT - 2 * C)])
  plsc.subcore_barrier()

  def body(j, _):
    base = (j * NS + sid) * C
    pltpu.async_copy(dst2_hbm.at[pl.ds(cid * EPAD + base, C)], didx,
                     sem).wait()
    pltpu.sync_copy(ones_v, acc.at[didx], add=True)
    return 0
  lax.fori_loop(0, CPT, body, 0)
  plsc.subcore_barrier()

  @pl.when(sid < NS - 1)
  def _():
    pltpu.sync_copy(acc.at[pl.ds(sid * RPT, WFULL)],
                    out_hbm.at[pl.ds(cid * HALF + sid * RPT, WFULL)])

  @pl.when(sid == NS - 1)
  def _():
    pltpu.sync_copy(acc.at[pl.ds((NS - 1) * RPT, WLAST)],
                    out_hbm.at[pl.ds(cid * HALF + (NS - 1) * RPT, WLAST)])


_BR = 1000


def _row_spec(width):
  return pl.BlockSpec((_BR, width), lambda i: (i, 0))


def _e0_body(deg_ref, feat_ref, h0_ref, s_ref, invd_ref):
  d = jnp.maximum(deg_ref[:, 0], 1.0)[:, None]
  s = lax.rsqrt(d)
  s_ref[...] = s
  invd_ref[...] = 1.0 / d
  h0_ref[...] = feat_ref[...] * s


def _e0(deg, feat):
  return pl.pallas_call(
      _e0_body,
      grid=(N // _BR,),
      in_specs=[_row_spec(D), _row_spec(D)],
      out_specs=[_row_spec(D), _row_spec(1), _row_spec(1)],
      out_shape=[
          jax.ShapeDtypeStruct((N, D), jnp.float32),
          jax.ShapeDtypeStruct((N, 1), jnp.float32),
          jax.ShapeDtypeStruct((N, 1), jnp.float32),
      ],
  )(deg, feat)


def _e1_body(theta_ref, g_ref, feat_ref, s_ref, invd_ref,
             h1_ref, t1_ref, acc_ref):
  g = g_ref[...]
  t1 = -s_ref[...] * g
  t1_ref[...] = t1
  h1_ref[...] = -invd_ref[...] * g
  acc_ref[...] = (theta_ref[0] * feat_ref[...]
                  + theta_ref[1] * (t1 + 1.0) * 0.5)


def _e1(g1, feat, s, invd, theta):
  return pl.pallas_call(
      _e1_body,
      grid=(N // _BR,),
      in_specs=[
          pl.BlockSpec(memory_space=pltpu.SMEM),
          _row_spec(D), _row_spec(D), _row_spec(1), _row_spec(1),
      ],
      out_specs=[_row_spec(D), _row_spec(D), _row_spec(D)],
      out_shape=[
          jax.ShapeDtypeStruct((N, D), jnp.float32),
          jax.ShapeDtypeStruct((N, D), jnp.float32),
          jax.ShapeDtypeStruct((N, D), jnp.float32),
      ],
  )(theta, g1, feat, s, invd)


def _e2_body(theta_ref, g_ref, feat_ref, h0_ref, s_ref, invd_ref, acc_ref,
             h2_ref, acc2_ref):
  g = g_ref[...]
  t2 = -2.0 * s_ref[...] * g - feat_ref[...]
  h2_ref[...] = -2.0 * invd_ref[...] * g - h0_ref[...]
  acc2_ref[...] = acc_ref[...] + theta_ref[2] * (t2 + 1.0) * 0.5


def _e2(g2, feat, h0, s, invd, acc, theta):
  return pl.pallas_call(
      _e2_body,
      grid=(N // _BR,),
      in_specs=[
          pl.BlockSpec(memory_space=pltpu.SMEM),
          _row_spec(D), _row_spec(D), _row_spec(D), _row_spec(1),
          _row_spec(1), _row_spec(D),
      ],
      out_specs=[_row_spec(D), _row_spec(D)],
      out_shape=[
          jax.ShapeDtypeStruct((N, D), jnp.float32),
          jax.ShapeDtypeStruct((N, D), jnp.float32),
      ],
  )(theta, g2, feat, h0, s, invd, acc)


def _e3_body(theta_ref, g_ref, t1_ref, s_ref, acc_ref, w_ref, out_ref):
  g = g_ref[...]
  t3 = -2.0 * s_ref[...] * g - t1_ref[...]
  h = acc_ref[...] + theta_ref[3] * (t3 + 1.0) * 0.5
  y = lax.dot_general(h, w_ref[...], (((1,), (1,)), ((), ())),
                      preferred_element_type=jnp.float32)
  out_ref[...] = jnp.where(y >= 0.0, y, 0.01 * y)


def _e3(g3, t1, s, acc, W, theta):
  return pl.pallas_call(
      _e3_body,
      grid=(N // _BR,),
      in_specs=[
          pl.BlockSpec(memory_space=pltpu.SMEM),
          _row_spec(D), _row_spec(D), _row_spec(1), _row_spec(D),
          pl.BlockSpec((D, D), lambda i: (0, 0)),
      ],
      out_specs=_row_spec(D),
      out_shape=jax.ShapeDtypeStruct((N, D), jnp.float32),
  )(theta, g3, t1, s, acc, W)


def _prep_edges(src, dst):
  pad = EPAD - E
  srcp = jnp.concatenate([src, jnp.zeros((pad,), jnp.int32)])
  padd = jnp.full((pad,), TRASH, jnp.int32)
  d0 = jnp.where(dst < HALF, dst, TRASH)
  d1 = jnp.where(dst >= HALF, dst - HALF, TRASH)
  dst2 = jnp.concatenate([d0, padd, d1, padd])
  return srcp, dst2


def kernel(feat, edge_index, W, theta):
  src = edge_index[0].astype(jnp.int32)
  dst = edge_index[1].astype(jnp.int32)
  theta = theta.astype(jnp.float32)
  srcp, dst2 = _prep_edges(src, dst)

  deg = _sc_deg(dst2)
  h0, s, invd = _e0(deg, feat)
  g1 = _sc_pass(h0, srcp, dst2)
  h1, t1, acc1 = _e1(g1, feat, s, invd, theta)
  g2 = _sc_pass(h1, srcp, dst2)
  h2, acc2 = _e2(g2, feat, h0, s, invd, acc1, theta)
  g3 = _sc_pass(h2, srcp, dst2)
  return _e3(g3, t1, s, acc2, W, theta)

# --- scband reference (transcript-rebuilt; emitter-appended) ---
"""Pipeline reference for scband-domain-adjusted-chebyshev-conv-42502996361884 (READ-ONLY COPY).

The authoritative reference and input builder live on the scoring server;
editing this copy changes nothing except your own understanding.
"""

import jax, jax.numpy as jnp
import numpy as np

N = 10000
E = 320000
D_IN = 128
D_OUT = 128
K = 3

def setup_inputs(seed: int = 0) -> dict:
    key = jax.random.key(seed)
    k1, k2, k3, k4 = jax.random.split(key, 4)
    feat = jax.random.normal(k1, (N, D_IN), dtype=jnp.float32)
    edge_index = jax.random.randint(k2, (2, E), 0, N)
    limit = float(np.sqrt(6.0 / (D_IN + D_OUT)))
    W = jax.random.uniform(k3, (D_OUT, D_IN), minval=-limit, maxval=limit, dtype=jnp.float32)
    theta = jax.random.normal(k4, (K + 1,), dtype=jnp.float32) * 0.1
    return {"feat": feat, "edge_index": edge_index, "W": W, "theta": theta}

def reference(feat, edge_index, W, theta):
    src = edge_index[0]
    dst = edge_index[1]
    # in-degrees (messages flow src -> dst in DGL update_all with copy_u)
    deg = jax.ops.segment_sum(jnp.ones((E,), dtype=jnp.float32), dst, num_segments=N)
    D_invsqrt = jnp.power(jnp.clip(deg, 1.0, None), -0.5)[:, None]

    def L_prime(x):
        h = x * D_invsqrt
        agg = jax.ops.segment_sum(h[src], dst, num_segments=N)
        return -agg * D_invsqrt

    def chebyshev_basis(x, k):
        if k == 0:
            return x
        if k == 1:
            return L_prime(x)
        T_k_minus_1 = L_prime(x)
        T_k_minus_2 = x
        for _ in range(2, k + 1):
            T_k = 2 * L_prime(T_k_minus_1) - T_k_minus_2
            T_k_minus_2, T_k_minus_1 = T_k_minus_1, T_k
        return T_k

    h = theta[0] * feat
    for order in range(1, K + 1):
        T_k = chebyshev_basis(feat, order)
        adjusted_T_k = (T_k + 1) / 2
        h = h + theta[order] * adjusted_T_k
    h = h @ W.T
    return jax.nn.leaky_relu(h, negative_slope=0.01)

if __name__ == "__main__":
    import jax
    _d = setup_inputs()
    print(jax.jit(kernel)(*tuple(_d.values())))

</pallas_src>

<mosaic_0001>
#map = affine_map<(d0, d1) -> (0)>
#map1 = affine_map<(d0, d1) -> (0, 0)>
module attributes {stable_mosaic.version = 14 : i64} {
  func.func @_sc_deg(%arg0: i32, %arg1: i32, %arg2: memref<643072xi32, #tpu.memory_space<hbm>>, %arg3: memref<10000x128xf32, #tpu.memory_space<hbm>>, %arg4: memref<128xi32, #tpu.memory_space<vmem>>, %arg5: memref<128x128xf32, #tpu.memory_space<vmem>>, %arg6: memref<128x128xf32, #tpu.memory_space<vmem>>, %arg7: memref<5120x128xf32, #tpu.memory_space<vmem_shared>>, %arg8: memref<!tpu.dma_semaphore, #tpu.memory_space<semaphore_mem>>) attributes {dimension_semantics = [#tpu.dimension_semantics<core_parallel>, #tpu.dimension_semantics<subcore_parallel>], iteration_bounds = array<i64: 2, 16>, scalar_prefetch = 0 : i64, scratch_operands = 5 : i64, tpu.core_type = #tpu.core_type<sc_vector_subcore>, window_params = [{transform_indices = #map}, {transform_indices = #map1}]} {
    %scan3A = arith.constant 0 : i32
    %scan3A_0 = arith.constant 0 : i32
    %scan3A_1 = arith.constant 128 : i32
    %scan3A_2 = arith.addi %scan3A_0, %scan3A_1 : i32
    %scan3A_3 = arith.constant 1 : i32
    %scan3A_4 = scf.for %scan3A_24 = %scan3A_0 to %scan3A_2 step %scan3A_3 iter_args(%scan3A_25 = %scan3A) -> (i32)  : i32 {
      %broadcast_in_dim3A = arith.constant 1.000000e+00 : f32
      %broadcast_in_dim3A_26 = vector.broadcast %broadcast_in_dim3A : f32 to vector<16xf32>
      %swap3A = arith.index_cast %scan3A_24 : i32 to index
      %swap3A_27 = arith.constant 0 : index
      %swap3A_28 = tpu.vector_load %arg5[%swap3A, %swap3A_27] {strides = array<i32>} : memref<128x128xf32, #tpu.memory_space<vmem>>, vector<1x16xf32>,
      %swap3A_29 = vector.shape_cast %swap3A_28 : vector<1x16xf32> to vector<16xf32>
      %swap3A_30 = vector.shape_cast %broadcast_in_dim3A_26 : vector<16xf32> to vector<1x16xf32>
      tpu.vector_store %arg5[%swap3A, %swap3A_27], %swap3A_30 {strides = array<i32>} : memref<128x128xf32, #tpu.memory_space<vmem>>, vector<1x16xf32>,
      %broadcast_in_dim3A_31 = arith.constant 0.000000e+00 : f32
      %broadcast_in_dim3A_32 = vector.broadcast %broadcast_in_dim3A_31 : f32 to vector<16xf32>
      %swap3A_33 = arith.index_cast %scan3A_24 : i32 to index
      %swap3A_34 = arith.constant 0 : index
      %swap3A_35 = tpu.vector_load %arg6[%swap3A_33, %swap3A_34] {strides = array<i32>} : memref<128x128xf32, #tpu.memory_space<vmem>>, vector<1x16xf32>,
      %swap3A_36 = vector.shape_cast %swap3A_35 : vector<1x16xf32> to vector<16xf32>
      %swap3A_37 = vector.shape_cast %broadcast_in_dim3A_32 : vector<16xf32> to vector<1x16xf32>
      tpu.vector_store %arg6[%swap3A_33, %swap3A_34], %swap3A_37 {strides = array<i32>} : memref<128x128xf32, #tpu.memory_space<vmem>>, vector<1x16xf32>,
      %broadcast_in_dim3A_38 = arith.constant 1.000000e+00 : f32
      %broadcast_in_dim3A_39 = vector.broadcast %broadcast_in_dim3A_38 : f32 to vector<16xf32>
      %swap3A_40 = arith.index_cast %scan3A_24 : i32 to index
      %swap3A_41 = arith.constant 16 : index
      %swap3A_42 = tpu.vector_load %arg5[%swap3A_40, %swap3A_41] {strides = array<i32>} : memref<128x128xf32, #tpu.memory_space<vmem>>, vector<1x16xf32>,
      %swap3A_43 = vector.shape_cast %swap3A_42 : vector<1x16xf32> to vector<16xf32>
      %swap3A_44 = vector.shape_cast %broadcast_in_dim3A_39 : vector<16xf32> to vector<1x16xf32>
      tpu.vector_store %arg5[%swap3A_40, %swap3A_41], %swap3A_44 {strides = array<i32>} : memref<128x128xf32, #tpu.memory_space<vmem>>, vector<1x16xf32>,
      %broadcast_in_dim3A_45 = arith.constant 0.000000e+00 : f32
      %broadcast_in_dim3A_46 = vector.broadcast %broadcast_in_dim3A_45 : f32 to vector<16xf32>
      %swap3A_47 = arith.index_cast %scan3A_24 : i32 to index
      %swap3A_48 = arith.constant 16 : index
      %swap3A_49 = tpu.vector_load %arg6[%swap3A_47, %swap3A_48] {strides = array<i32>} : memref<128x128xf32, #tpu.memory_space<vmem>>, vector<1x16xf32>,
      %swap3A_50 = vector.shape_cast %swap3A_49 : vector<1x16xf32> to vector<16xf32>
      %swap3A_51 = vector.shape_cast %broadcast_in_dim3A_46 : vector<16xf32> to vector<1x16xf32>
      tpu.vector_store %arg6[%swap3A_47, %swap3A_48], %swap3A_51 {strides = array<i32>} : memref<128x128xf32, #tpu.memory_space<vmem>>, vector<1x16xf32>,
      %broadcast_in_dim3A_52 = arith.constant 1.000000e+00 : f32
      %broadcast_in_dim3A_53 = vector.broadcast %broadcast_in_dim3A_52 : f32 to vector<16xf32>
      %swap3A_54 = arith.index_cast %scan3A_24 : i32 to index
      %swap3A_55 = arith.constant 32 : index
      %swap3A_56 = tpu.vector_load %arg5[%swap3A_54, %swap3A_55] {strides = array<i32>} : memref<128x128xf32, #tpu.memory_space<vmem>>, vector<1x16xf32>,
      %swap3A_57 = vector.shape_cast %swap3A_56 : vector<1x16xf32> to vector<16xf32>
      %swap3A_58 = vector.shape_cast %broadcast_in_dim3A_53 : vector<16xf32> to vector<1x16xf32>
      tpu.vector_store %arg5[%swap3A_54, %swap3A_55], %swap3A_58 {strides = array<i32>} : memref<128x128xf32, #tpu.memory_space<vmem>>, vector<1x16xf32>,
      %broadcast_in_dim3A_59 = arith.constant 0.000000e+00 : f32
      %broadcast_in_dim3A_60 = vector.broadcast %broadcast_in_dim3A_59 : f32 to vector<16xf32>
      %swap3A_61 = arith.index_cast %scan3A_24 : i32 to index
      %swap3A_62 = arith.constant 32 : index
      %swap3A_63 = tpu.vector_load %arg6[%swap3A_61, %swap3A_62] {strides = array<i32>} : memref<128x128xf32, #tpu.memory_space<vmem>>, vector<1x16xf32>,
      %swap3A_64 = vector.shape_cast %swap3A_63 : vector<1x16xf32> to vector<16xf32>
      %swap3A_65 = vector.shape_cast %broadcast_in_dim3A_60 : vector<16xf32> to vector<1x16xf32>
      tpu.vector_store %arg6[%swap3A_61, %swap3A_62], %swap3A_65 {strides = array<i32>} : memref<128x128xf32, #tpu.memory_space<vmem>>, vector<1x16xf32>,
      %broadcast_in_dim3A_66 = arith.constant 1.000000e+00 : f32
      %broadcast_in_dim3A_67 = vector.broadcast %broadcast_in_dim3A_66 : f32 to vector<16xf32>
      %swap3A_68 = arith.index_cast %scan3A_24 : i32 to index
      %swap3A_69 = arith.constant 48 : index
      %swap3A_70 = tpu.vector_load %arg5[%swap3A_68, %swap3A_69] {strides = array<i32>} : memref<128x128xf32, #tpu.memory_space<vmem>>, vector<1x16xf32>,
      %swap3A_71 = vector.shape_cast %swap3A_70 : vector<1x16xf32> to vector<16xf32>
      %swap3A_72 = vector.shape_cast %broadcast_in_dim3A_67 : vector<16xf32> to vector<1x16xf32>
      tpu.vector_store %arg5[%swap3A_68, %swap3A_69], %swap3A_72 {strides = array<i32>} : memref<128x128xf32, #tpu.memory_space<vmem>>, vector<1x16xf32>,
      %broadcast_in_dim3A_73 = arith.constant 0.000000e+00 : f32
      %broadcast_in_dim3A_74 = vector.broadcast %broadcast_in_dim3A_73 : f32 to vector<16xf32>
      %swap3A_75 = arith.index_cast %scan3A_24 : i32 to index
      %swap3A_76 = arith.constant 48 : index
      %swap3A_77 = tpu.vector_load %arg6[%swap3A_75, %swap3A_76] {strides = array<i32>} : memref<128x128xf32, #tpu.memory_space<vmem>>, vector<1x16xf32>,
      %swap3A_78 = vector.shape_cast %swap3A_77 : vector<1x16xf32> to vector<16xf32>
      %swap3A_79 = vector.shape_cast %broadcast_in_dim3A_74 : vector<16xf32> to vector<1x16xf32>
      tpu.vector_store %arg6[%swap3A_75, %swap3A_76], %swap3A_79 {strides = array<i32>} : memref<128x128xf32, #tpu.memory_space<vmem>>, vector<1x16xf32>,
      %broadcast_in_dim3A_80 = arith.constant 1.000000e+00 : f32
      %broadcast_in_dim3A_81 = vector.broadcast %broadcast_in_dim3A_80 : f32 to vector<16xf32>
      %swap3A_82 = arith.index_cast %scan3A_24 : i32 to index
      %swap3A_83 = arith.constant 64 : index
      %swap3A_84 = tpu.vector_load %arg5[%swap3A_82, %swap3A_83] {strides = array<i32>} : memref<128x128xf32, #tpu.memory_space<vmem>>, vector<1x16xf32>,
      %swap3A_85 = vector.shape_cast %swap3A_84 : vector<1x16xf32> to vector<16xf32>
      %swap3A_86 = vector.shape_cast %broadcast_in_dim3A_81 : vector<16xf32> to vector<1x16xf32>
      tpu.vector_store %arg5[%swap3A_82, %swap3A_83], %swap3A_86 {strides = array<i32>} : memref<128x128xf32, #tpu.memory_space<vmem>>, vector<1x16xf32>,
      %broadcast_in_dim3A_87 = arith.constant 0.000000e+00 : f32
      %broadcast_in_dim3A_88 = vector.broadcast %broadcast_in_dim3A_87 : f32 to vector<16xf32>
      %swap3A_89 = arith.index_cast %scan3A_24 : i32 to index
      %swap3A_90 = arith.constant 64 : index
      %swap3A_91 = tpu.vector_load %arg6[%swap3A_89, %swap3A_90] {strides = array<i32>} : memref<128x128xf32, #tpu.memory_space<vmem>>, vector<1x16xf32>,
      %swap3A_92 = vector.shape_cast %swap3A_91 : vector<1x16xf32> to vector<16xf32>
      %swap3A_93 = vector.shape_cast %broadcast_in_dim3A_88 : vector<16xf32> to vector<1x16xf32>
      tpu.vector_store %arg6[%swap3A_89, %swap3A_90], %swap3A_93 {strides = array<i32>} : memref<128x128xf32, #tpu.memory_space<vmem>>, vector<1x16xf32>,
      %broadcast_in_dim3A_94 = arith.constant 1.000000e+00 : f32
      %broadcast_in_dim3A_95 = vector.broadcast %broadcast_in_dim3A_94 : f32 to vector<16xf32>
      %swap3A_96 = arith.index_cast %scan3A_24 : i32 to index
      %swap3A_97 = arith.constant 80 : index
      %swap3A_98 = tpu.vector_load %arg5[%swap3A_96, %swap3A_97] {strides = array<i32>} : memref<128x128xf32, #tpu.memory_space<vmem>>, vector<1x16xf32>,
      %swap3A_99 = vector.shape_cast %swap3A_98 : vector<1x16xf32> to vector<16xf32>
      %swap3A_100 = vector.shape_cast %broadcast_in_dim3A_95 : vector<16xf32> to vector<1x16xf32>
      tpu.vector_store %arg5[%swap3A_96, %swap3A_97], %swap3A_100 {strides = array<i32>} : memref<128x128xf32, #tpu.memory_space<vmem>>, vector<1x16xf32>,
      %broadcast_in_dim3A_101 = arith.constant 0.000000e+00 : f32
      %broadcast_in_dim3A_102 = vector.broadcast %broadcast_in_dim3A_101 : f32 to vector<16xf32>
      %swap3A_103 = arith.index_cast %scan3A_24 : i32 to index
      %swap3A_104 = arith.constant 80 : index
      %swap3A_105 = tpu.vector_load %arg6[%swap3A_103, %swap3A_104] {strides = array<i32>} : memref<128x128xf32, #tpu.memory_space<vmem>>, vector<1x16xf32>,
      %swap3A_106 = vector.shape_cast %swap3A_105 : vector<1x16xf32> to vector<16xf32>
      %swap3A_107 = vector.shape_cast %broadcast_in_dim3A_102 : vector<16xf32> to vector<1x16xf32>
      tpu.vector_store %arg6[%swap3A_103, %swap3A_104], %swap3A_107 {strides = array<i32>} : memref<128x128xf32, #tpu.memory_space<vmem>>, vector<1x16xf32>,
      %broadcast_in_dim3A_108 = arith.constant 1.000000e+00 : f32
      %broadcast_in_dim3A_109 = vector.broadcast %broadcast_in_dim3A_108 : f32 to vector<16xf32>
      %swap3A_110 = arith.index_cast %scan3A_24 : i32 to index
      %swap3A_111 = arith.constant 96 : index
      %swap3A_112 = tpu.vector_load %arg5[%swap3A_110, %swap3A_111] {strides = array<i32>} : memref<128x128xf32, #tpu.memory_space<vmem>>, vector<1x16xf32>,
      %swap3A_113 = vector.shape_cast %swap3A_112 : vector<1x16xf32> to vector<16xf32>
      %swap3A_114 = vector.shape_cast %broadcast_in_dim3A_109 : vector<16xf32> to vector<1x16xf32>
      tpu.vector_store %arg5[%swap3A_110, %swap3A_111], %swap3A_114 {strides = array<i32>} : memref<128x128xf32, #tpu.memory_space<vmem>>, vector<1x16xf32>,
      %broadcast_in_dim3A_115 = arith.constant 0.000000e+00 : f32
      %broadcast_in_dim3A_116 = vector.broadcast %broadcast_in_dim3A_115 : f32 to vector<16xf32>
      %swap3A_117 = arith.index_cast %scan3A_24 : i32 to index
      %swap3A_118 = arith.constant 96 : index
      %swap3A_119 = tpu.vector_load %arg6[%swap3A_117, %swap3A_118] {strides = array<i32>} : memref<128x128xf32, #tpu.memory_space<vmem>>, vector<1x16xf32>,
      %swap3A_120 = vector.shape_cast %swap3A_119 : vector<1x16xf32> to vector<16xf32>
      %swap3A_121 = vector.shape_cast %broadcast_in_dim3A_116 : vector<16xf32> to vector<1x16xf32>
      tpu.vector_store %arg6[%swap3A_117, %swap3A_118], %swap3A_121 {strides = array<i32>} : memref<128x128xf32, #tpu.memory_space<vmem>>, vector<1x16xf32>,
      %broadcast_in_dim3A_122 = arith.constant 1.000000e+00 : f32
      %broadcast_in_dim3A_123 = vector.broadcast %broadcast_in_dim3A_122 : f32 to vector<16xf32>
      %swap3A_124 = arith.index_cast %scan3A_24 : i32 to index
      %swap3A_125 = arith.constant 112 : index
      %swap3A_126 = tpu.vector_load %arg5[%swap3A_124, %swap3A_125] {strides = array<i32>} : memref<128x128xf32, #tpu.memory_space<vmem>>, vector<1x16xf32>,
      %swap3A_127 = vector.shape_cast %swap3A_126 : vector<1x16xf32> to vector<16xf32>
      %swap3A_128 = vector.shape_cast %broadcast_in_dim3A_123 : vector<16xf32> to vector<1x16xf32>
      tpu.vector_store %arg5[%swap3A_124, %swap3A_125], %swap3A_128 {strides = array<i32>} : memref<128x128xf32, #tpu.memory_space<vmem>>, vector<1x16xf32>,
      %broadcast_in_dim3A_129 = arith.constant 0.000000e+00 : f32
      %broadcast_in_dim3A_130 = vector.broadcast %broadcast_in_dim3A_129 : f32 to vector<16xf32>
      %swap3A_131 = arith.index_cast %scan3A_24 : i32 to index
      %swap3A_132 = arith.constant 112 : index
      %swap3A_133 = tpu.vector_load %arg6[%swap3A_131, %swap3A_132] {strides = array<i32>} : memref<128x128xf32, #tpu.memory_space<vmem>>, vector<1x16xf32>,
      %swap3A_134 = vector.shape_cast %swap3A_133 : vector<1x16xf32> to vector<16xf32>
      %swap3A_135 = vector.shape_cast %broadcast_in_dim3A_130 : vector<16xf32> to vector<1x16xf32>
      tpu.vector_store %arg6[%swap3A_131, %swap3A_132], %swap3A_135 {strides = array<i32>} : memref<128x128xf32, #tpu.memory_space<vmem>>, vector<1x16xf32>,
      %scan3A_136 = arith.constant 0 : i32
      scf.yield %scan3A_136 : i32
    }
    %scan3A_5 = arith.constant 128 : i32
    %mul3A = arith.constant 320 : i32
    %mul3A_6 = arith.muli %arg1, %mul3A : i32
    "tpu.region"() ({
      %run_scoped3A = tpu.sem_alloc : memref<!tpu.dma_semaphore, #tpu.memory_space<semaphore_mem>>
      %dma_start3A = arith.constant 0 : i32
      %dma_start3A_24 = tpu.memref_slice %arg7[%mul3A_6, %dma_start3A] : memref<5120x128xf32, #tpu.memory_space<vmem_shared>> -> memref<128x128xf32, #tpu.memory_space<vmem_shared>>
      %dma_start3A_25 = arith.constant 0 : i32
      %dma_start3A_26 = tpu.memref_slice %arg7[%mul3A_6, %dma_start3A_25] : memref<5120x128xf32, #tpu.memory_space<vmem_shared>> -> memref<128x128xf32, #tpu.memory_space<vmem_shared>>
      tpu.enqueue_dma source(%arg6 : memref<128x128xf32, #tpu.memory_space<vmem>>) target(%dma_start3A_26 : memref<128x128xf32, #tpu.memory_space<vmem_shared>>) target_semaphore(%run_scoped3A : memref<!tpu.dma_semaphore, #tpu.memory_space<semaphore_mem>>)
      %dma_wait3A = arith.constant 0 : i32
      %dma_wait3A_27 = tpu.memref_slice %arg7[%mul3A_6, %dma_wait3A] : memref<5120x128xf32, #tpu.memory_space<vmem_shared>> -> memref<128x128xf32, #tpu.memory_space<vmem_shared>>
      %dma_wait3A_28 = arith.constant 0 : i32
      %dma_wait3A_29 = tpu.memref_slice %arg7[%mul3A_6, %dma_wait3A_28] : memref<5120x128xf32, #tpu.memory_space<vmem_shared>> -> memref<128x128xf32, #tpu.memory_space<vmem_shared>>
      tpu.wait_dma2 semaphore(%run_scoped3A : memref<!tpu.dma_semaphore, #tpu.memory_space<semaphore_mem>>) src(%arg6 : memref<128x128xf32, #tpu.memory_space<vmem>>) dst(%dma_wait3A_29 : memref<128x128xf32, #tpu.memory_space<vmem_shared>>)
      tpu.yield
    }) : () -> ()
    %add3A = arith.constant 128 : i32
    %add3A_7 = arith.addi %mul3A_6, %add3A : i32
    "tpu.region"() ({
      %run_scoped3A = tpu.sem_alloc : memref<!tpu.dma_semaphore, #tpu.memory_space<semaphore_mem>>
      %dma_start3A = arith.constant 0 : i32
      %dma_start3A_24 = tpu.memref_slice %arg7[%add3A_7, %dma_start3A] : memref<5120x128xf32, #tpu.memory_space<vmem_shared>> -> memref<128x128xf32, #tpu.memory_space<vmem_shared>>
      %dma_start3A_25 = arith.constant 0 : i32
      %dma_start3A_26 = tpu.memref_slice %arg7[%add3A_7, %dma_start3A_25] : memref<5120x128xf32, #tpu.memory_space<vmem_shared>> -> memref<128x128xf32, #tpu.memory_space<vmem_shared>>
      tpu.enqueue_dma source(%arg6 : memref<128x128xf32, #tpu.memory_space<vmem>>) target(%dma_start3A_26 : memref<128x128xf32, #tpu.memory_space<vmem_shared>>) target_semaphore(%run_scoped3A : memref<!tpu.dma_semaphore, #tpu.memory_space<semaphore_mem>>)
      %dma_wait3A = arith.constant 0 : i32
      %dma_wait3A_27 = tpu.memref_slice %arg7[%add3A_7, %dma_wait3A] : memref<5120x128xf32, #tpu.memory_space<vmem_shared>> -> memref<128x128xf32, #tpu.memory_space<vmem_shared>>
      %dma_wait3A_28 = arith.constant 0 : i32
      %dma_wait3A_29 = tpu.memref_slice %arg7[%add3A_7, %dma_wait3A_28] : memref<5120x128xf32, #tpu.memory_space<vmem_shared>> -> memref<128x128xf32, #tpu.memory_space<vmem_shared>>
      tpu.wait_dma2 semaphore(%run_scoped3A : memref<!tpu.dma_semaphore, #tpu.memory_space<semaphore_mem>>) src(%arg6 : memref<128x128xf32, #tpu.memory_space<vmem>>) dst(%dma_wait3A_29 : memref<128x128xf32, #tpu.memory_space<vmem_shared>>)
      tpu.yield
    }) : () -> ()
    %add3A_8 = arith.constant 256 : i32
    %add3A_9 = arith.addi %mul3A_6, %add3A_8 : i32
    "tpu.region"() ({
      %run_scoped3A = tpu.sem_alloc : memref<!tpu.dma_semaphore, #tpu.memory_space<semaphore_mem>>
      %dma_start3A = arith.constant 0 : i32
      %dma_start3A_24 = arith.constant 0 : i32
      %dma_start3A_25 = tpu.memref_slice %arg6[%dma_start3A, %dma_start3A_24] : memref<128x128xf32, #tpu.memory_space<vmem>> -> memref<64x128xf32, #tpu.memory_space<vmem>>
      %dma_start3A_26 = arith.constant 0 : i32
      %dma_start3A_27 = tpu.memref_slice %arg7[%add3A_9, %dma_start3A_26] : memref<5120x128xf32, #tpu.memory_space<vmem_shared>> -> memref<64x128xf32, #tpu.memory_space<vmem_shared>>
      %dma_start3A_28 = arith.constant 0 : i32
      %dma_start3A_29 = tpu.memref_slice %arg7[%add3A_9, %dma_start3A_28] : memref<5120x128xf32, #tpu.memory_space<vmem_shared>> -> memref<64x128xf32, #tpu.memory_space<vmem_shared>>
      %dma_start3A_30 = arith.constant 0 : i32
      %dma_start3A_31 = arith.constant 0 : i32
      %dma_start3A_32 = tpu.memref_slice %arg6[%dma_start3A_30, %dma_start3A_31] : memref<128x128xf32, #tpu.memory_space<vmem>> -> memref<64x128xf32, #tpu.memory_space<vmem>>
      tpu.enqueue_dma source(%dma_start3A_32 : memref<64x128xf32, #tpu.memory_space<vmem>>) target(%dma_start3A_29 : memref<64x128xf32, #tpu.memory_space<vmem_shared>>) target_semaphore(%run_scoped3A : memref<!tpu.dma_semaphore, #tpu.memory_space<semaphore_mem>>)
      %dma_wait3A = arith.constant 0 : i32
      %dma_wait3A_33 = arith.constant 0 : i32
      %dma_wait3A_34 = tpu.memref_slice %arg6[%dma_wait3A, %dma_wait3A_33] : memref<128x128xf32, #tpu.memory_space<vmem>> -> memref<64x128xf32, #tpu.memory_space<vmem>>
      %dma_wait3A_35 = arith.constant 0 : i32
      %dma_wait3A_36 = tpu.memref_slice %arg7[%add3A_9, %dma_wait3A_35] : memref<5120x128xf32, #tpu.memory_space<vmem_shared>> -> memref<64x128xf32, #tpu.memory_space<vmem_shared>>
      %dma_wait3A_37 = arith.constant 0 : i32
      %dma_wait3A_38 = tpu.memref_slice %arg7[%add3A_9, %dma_wait3A_37] : memref<5120x128xf32, #tpu.memory_space<vmem_shared>> -> memref<64x128xf32, #tpu.memory_space<vmem_shared>>
      %dma_wait3A_39 = arith.constant 0 : i32
      %dma_wait3A_40 = arith.constant 0 : i32
      %dma_wait3A_41 = tpu.memref_slice %arg6[%dma_wait3A_39, %dma_wait3A_40] : memref<128x128xf32, #tpu.memory_space<vmem>> -> memref<64x128xf32, #tpu.memory_space<vmem>>
      tpu.wait_dma2 semaphore(%run_scoped3A : memref<!tpu.dma_semaphore, #tpu.memory_space<semaphore_mem>>) src(%dma_wait3A_41 : memref<64x128xf32, #tpu.memory_space<vmem>>) dst(%dma_wait3A_38 : memref<64x128xf32, #tpu.memory_space<vmem_shared>>)
      tpu.yield
    }) : () -> ()
    %barrier3A = arith.constant 0 : index
    tpu.barrier barrier_id(%barrier3A)
    %scan3A_10 = arith.constant 0 : i32
    %scan3A_11 = arith.constant 0 : i32
    %scan3A_12 = arith.constant 157 : i32
    %scan3A_13 = arith.addi %scan3A_11, %scan3A_12 : i32
    %scan3A_14 = arith.constant 1 : i32
    %scan3A_15 = scf.for %scan3A_24 = %scan3A_11 to %scan3A_13 step %scan3A_14 iter_args(%scan3A_25 = %scan3A_10) -> (i32)  : i32 {
      %mul3A_26 = arith.constant 16 : i32
      %mul3A_27 = arith.muli %scan3A_24, %mul3A_26 : i32
      %add3A_28 = arith.addi %mul3A_27, %arg1 : i32
      %mul3A_29 = arith.constant 128 : i32
      %mul3A_30 = arith.muli %add3A_28, %mul3A_29 : i32
      %mul3A_31 = arith.constant 321536 : i32
      %mul3A_32 = arith.muli %arg0, %mul3A_31 : i32
      %add3A_33 = arith.addi %mul3A_32, %mul3A_30 : i32
      %dma_start3A = tpu.memref_slice %arg2[%add3A_33] : memref<643072xi32, #tpu.memory_space<hbm>> -> memref<128xi32, #tpu.memory_space<hbm>>
      %dma_start3A_34 = tpu.memref_slice %arg2[%add3A_33] : memref<643072xi32, #tpu.memory_space<hbm>> -> memref<128xi32, #tpu.memory_space<hbm>>
      tpu.enqueue_dma source(%dma_start3A_34 : memref<128xi32, #tpu.memory_space<hbm>>) target(%arg4 : memref<128xi32, #tpu.memory_space<vmem>>) target_semaphore(%arg8 : memref<!tpu.dma_semaphore, #tpu.memory_space<semaphore_mem>>)
      %dma_wait3A = tpu.memref_slice %arg2[%add3A_33] : memref<643072xi32, #tpu.memory_space<hbm>> -> memref<128xi32, #tpu.memory_space<hbm>>
      %dma_wait3A_35 = tpu.memref_slice %arg2[%add3A_33] : memref<643072xi32, #tpu.memory_space<hbm>> -> memref<128xi32, #tpu.memory_space<hbm>>
      tpu.wait_dma2 semaphore(%arg8 : memref<!tpu.dma_semaphore, #tpu.memory_space<semaphore_mem>>) src(%dma_wait3A_35 : memref<128xi32, #tpu.memory_space<hbm>>) dst(%arg4 : memref<128xi32, #tpu.memory_space<vmem>>)
      "tpu.region"() ({
        %run_scoped3A = tpu.sem_alloc : memref<!tpu.dma_semaphore, #tpu.memory_space<semaphore_mem>>
        %dma_start3A_37 = arith.constant 0 : i32
        %dma_start3A_38 = arith.constant 0 : i32
        %dma_start3A_39 = tpu.memref_slice %arg7[%dma_start3A_37, %dma_start3A_38] : memref<5120x128xf32, #tpu.memory_space<vmem_shared>> -> memref<5120x128xf32, #tpu.memory_space<vmem_shared>>
        tpu.enqueue_indirect_dma source(%arg5 : memref<128x128xf32, #tpu.memory_space<vmem>>) target(%dma_start3A_39 : memref<5120x128xf32, #tpu.memory_space<vmem_shared>>) offsets(%arg4 : memref<128xi32, #tpu.memory_space<vmem>>) semaphore(%run_scoped3A : memref<!tpu.dma_semaphore, #tpu.memory_space<semaphore_mem>>) {add = true}
        %dma_wait3A_40 = arith.constant 0 : i32
        %dma_wait3A_41 = arith.constant 0 : i32
        %dma_wait3A_42 = tpu.memref_slice %arg7[%dma_wait3A_40, %dma_wait3A_41] : memref<5120x128xf32, #tpu.memory_space<vmem_shared>> -> memref<5120x128xf32, #tpu.memory_space<vmem_shared>>
        tpu.wait_indirect_dma semaphore(%run_scoped3A : memref<!tpu.dma_semaphore, #tpu.memory_space<semaphore_mem>>) src(%arg5 : memref<128x128xf32, #tpu.memory_space<vmem>>) dst(%dma_wait3A_42 : memref<5120x128xf32, #tpu.memory_space<vmem_shared>>)
        tpu.yield
      }) : () -> ()
      %scan3A_36 = arith.constant 0 : i32
      scf.yield %scan3A_36 : i32
    }
    %scan3A_16 = arith.constant 157 : i32
    %barrier3A_17 = arith.constant 0 : index
    tpu.barrier barrier_id(%barrier3A_17)
    %lt3A = arith.constant 15 : i32
    %lt3A_18 = arith.cmpi slt, %arg1, %lt3A : i32
    %convert_element_type3A = arith.extui %lt3A_18 : i1 to i32
    %cond3A = arith.constant 0 : i32
    %cond3A_19 = arith.cmpi ne, %convert_element_type3A, %cond3A : i32
    scf.if %cond3A_19 {
      %mul3A_24 = arith.constant 320 : i32
      %mul3A_25 = arith.muli %arg1, %mul3A_24 : i32
      %mul3A_26 = arith.constant 5000 : i32
      %mul3A_27 = arith.muli %arg0, %mul3A_26 : i32
      %mul3A_28 = arith.constant 320 : i32
      %mul3A_29 = arith.muli %arg1, %mul3A_28 : i32
      %add3A_30 = arith.addi %mul3A_27, %mul3A_29 : i32
      "tpu.region"() ({
        %run_scoped3A = tpu.sem_alloc : memref<!tpu.dma_semaphore, #tpu.memory_space<semaphore_mem>>
        %dma_start3A = arith.constant 0 : i32
        %dma_start3A_31 = tpu.memref_slice %arg3[%add3A_30, %dma_start3A] : memref<10000x128xf32, #tpu.memory_space<hbm>> -> memref<320x128xf32, #tpu.memory_space<hbm>>
        %dma_start3A_32 = arith.constant 0 : i32
        %dma_start3A_33 = tpu.memref_slice %arg7[%mul3A_25, %dma_start3A_32] : memref<5120x128xf32, #tpu.memory_space<vmem_shared>> -> memref<320x128xf32, #tpu.memory_space<vmem_shared>>
        tpu.enqueue_dma source(%dma_start3A_33 : memref<320x128xf32, #tpu.memory_space<vmem_shared>>) target(%dma_start3A_31 : memref<320x128xf32, #tpu.memory_space<hbm>>) target_semaphore(%run_scoped3A : memref<!tpu.dma_semaphore, #tpu.memory_space<semaphore_mem>>)
        %dma_wait3A = arith.constant 0 : i32
        %dma_wait3A_34 = tpu.memref_slice %arg3[%add3A_30, %dma_wait3A] : memref<10000x128xf32, #tpu.memory_space<hbm>> -> memref<320x128xf32, #tpu.memory_space<hbm>>
        %dma_wait3A_35 = arith.constant 0 : i32
        %dma_wait3A_36 = tpu.memref_slice %arg7[%mul3A_25, %dma_wait3A_35] : memref<5120x128xf32, #tpu.memory_space<vmem_shared>> -> memref<320x128xf32, #tpu.memory_space<vmem_shared>>
        tpu.wait_dma2 semaphore(%run_scoped3A : memref<!tpu.dma_semaphore, #tpu.memory_space<semaphore_mem>>) src(%dma_wait3A_36 : memref<320x128xf32, #tpu.memory_space<vmem_shared>>) dst(%dma_wait3A_34 : memref<320x128xf32, #tpu.memory_space<hbm>>)
        tpu.yield
      }) : () -> ()
    } else {
    }
    %eq3A = arith.constant 15 : i32
    %eq3A_20 = arith.cmpi eq, %arg1, %eq3A : i32
    %convert_element_type3A_21 = arith.extui %eq3A_20 : i1 to i32
    %cond3A_22 = arith.constant 0 : i32
    %cond3A_23 = arith.cmpi ne, %convert_element_type3A_21, %cond3A_22 : i32
    scf.if %cond3A_23 {
      %mul3A_24 = arith.constant 5000 : i32
      %mul3A_25 = arith.muli %arg0, %mul3A_24 : i32
      %add3A_26 = arith.constant 4800 : i32
      %add3A_27 = arith.addi %mul3A_25, %add3A_26 : i32
      "tpu.region"() ({
        %run_scoped3A = tpu.sem_alloc : memref<!tpu.dma_semaphore, #tpu.memory_space<semaphore_mem>>
        %dma_start3A = arith.constant 0 : i32
        %dma_start3A_28 = tpu.memref_slice %arg3[%add3A_27, %dma_start3A] : memref<10000x128xf32, #tpu.memory_space<hbm>> -> memref<200x128xf32, #tpu.memory_space<hbm>>
        %dma_start3A_29 = arith.constant 4800 : i32
        %dma_start3A_30 = arith.constant 0 : i32
        %dma_start3A_31 = tpu.memref_slice %arg7[%dma_start3A_29, %dma_start3A_30] : memref<5120x128xf32, #tpu.memory_space<vmem_shared>> -> memref<200x128xf32, #tpu.memory_space<vmem_shared>>
        tpu.enqueue_dma source(%dma_start3A_31 : memref<200x128xf32, #tpu.memory_space<vmem_shared>>) target(%dma_start3A_28 : memref<200x128xf32, #tpu.memory_space<hbm>>) target_semaphore(%run_scoped3A : memref<!tpu.dma_semaphore, #tpu.memory_space<semaphore_mem>>)
        %dma_wait3A = arith.constant 0 : i32
        %dma_wait3A_32 = tpu.memref_slice %arg3[%add3A_27, %dma_wait3A] : memref<10000x128xf32, #tpu.memory_space<hbm>> -> memref<200x128xf32, #tpu.memory_space<hbm>>
        %dma_wait3A_33 = arith.constant 4800 : i32
        %dma_wait3A_34 = arith.constant 0 : i32
        %dma_wait3A_35 = tpu.memref_slice %arg7[%dma_wait3A_33, %dma_wait3A_34] : memref<5120x128xf32, #tpu.memory_space<vmem_shared>> -> memref<200x128xf32, #tpu.memory_space<vmem_shared>>
        tpu.wait_dma2 semaphore(%run_scoped3A : memref<!tpu.dma_semaphore, #tpu.memory_space<semaphore_mem>>) src(%dma_wait3A_35 : memref<200x128xf32, #tpu.memory_space<vmem_shared>>) dst(%dma_wait3A_32 : memref<200x128xf32, #tpu.memory_space<hbm>>)
        tpu.yield
      }) : () -> ()
    } else {
    }
    return
  }
}

#map = affine_map<(d0, d1) -> (0, 0)>
#map1 = affine_map<(d0, d1) -> (0)>
module attributes {stable_mosaic.version = 14 : i64} {
  func.func @_sc_pass(%arg0: i32, %arg1: i32, %arg2: memref<10000x128xf32, #tpu.memory_space<hbm>>, %arg3: memref<321536xi32, #tpu.memory_space<hbm>>, %arg4: memref<643072xi32, #tpu.memory_space<hbm>>, %arg5: memref<10000x128xf32, #tpu.memory_space<hbm>>, %arg6: memref<2x128xi32, #tpu.memory_space<vmem>>, %arg7: memref<2x128xi32, #tpu.memory_space<vmem>>, %arg8: memref<2x128x128xf32, #tpu.memory_space<vmem>>, %arg9: memref<5120x128xf32, #tpu.memory_space<vmem_shared>>, %arg10: memref<!tpu.dma_semaphore, #tpu.memory_space<semaphore_mem>>, %arg11: memref<!tpu.dma_semaphore, #tpu.memory_space<semaphore_mem>>, %arg12: memref<!tpu.dma_semaphore, #tpu.memory_space<semaphore_mem>>) attributes {dimension_semantics = [#tpu.dimension_semantics<core_parallel>, #tpu.dimension_semantics<subcore_parallel>], iteration_bounds = array<i64: 2, 16>, scalar_prefetch = 0 : i64, scratch_operands = 7 : i64, tpu.core_type = #tpu.core_type<sc_vector_subcore>, window_params = [{transform_indices = #map}, {transform_indices = #map1}, {transform_indices = #map1}, {transform_indices = #map}]} {
    %scan3A = arith.constant 0 : i32
    %scan3A_0 = arith.constant 0 : i32
    %scan3A_1 = arith.constant 128 : i32
    %scan3A_2 = arith.addi %scan3A_0, %scan3A_1 : i32
    %scan3A_3 = arith.constant 1 : i32
    %scan3A_4 = scf.for %scan3A_102 = %scan3A_0 to %scan3A_2 step %scan3A_3 iter_args(%scan3A_103 = %scan3A) -> (i32)  : i32 {
      %broadcast_in_dim3A = arith.constant 0.000000e+00 : f32
      %broadcast_in_dim3A_104 = vector.broadcast %broadcast_in_dim3A : f32 to vector<16xf32>
      %swap3A = arith.constant 0 : i32
      %swap3A_105 = arith.index_cast %swap3A : i32 to index
      %swap3A_106 = arith.index_cast %scan3A_102 : i32 to index
      %swap3A_107 = arith.constant 0 : index
      %swap3A_108 = tpu.vector_load %arg8[%swap3A_105, %swap3A_106, %swap3A_107] {strides = array<i32>} : memref<2x128x128xf32, #tpu.memory_space<vmem>>, vector<1x1x16xf32>,
      %swap3A_109 = vector.shape_cast %swap3A_108 : vector<1x1x16xf32> to vector<16xf32>
      %swap3A_110 = vector.shape_cast %broadcast_in_dim3A_104 : vector<16xf32> to vector<1x1x16xf32>
      tpu.vector_store %arg8[%swap3A_105, %swap3A_106, %swap3A_107], %swap3A_110 {strides = array<i32>} : memref<2x128x128xf32, #tpu.memory_space<vmem>>, vector<1x1x16xf32>,
      %broadcast_in_dim3A_111 = arith.constant 0.000000e+00 : f32
      %broadcast_in_dim3A_112 = vector.broadcast %broadcast_in_dim3A_111 : f32 to vector<16xf32>
      %swap3A_113 = arith.constant 0 : i32
      %swap3A_114 = arith.index_cast %swap3A_113 : i32 to index
      %swap3A_115 = arith.index_cast %scan3A_102 : i32 to index
      %swap3A_116 = arith.constant 16 : index
      %swap3A_117 = tpu.vector_load %arg8[%swap3A_114, %swap3A_115, %swap3A_116] {strides = array<i32>} : memref<2x128x128xf32, #tpu.memory_space<vmem>>, vector<1x1x16xf32>,
      %swap3A_118 = vector.shape_cast %swap3A_117 : vector<1x1x16xf32> to vector<16xf32>
      %swap3A_119 = vector.shape_cast %broadcast_in_dim3A_112 : vector<16xf32> to vector<1x1x16xf32>
      tpu.vector_store %arg8[%swap3A_114, %swap3A_115, %swap3A_116], %swap3A_119 {strides = array<i32>} : memref<2x128x128xf32, #tpu.memory_space<vmem>>, vector<1x1x16xf32>,
      %broadcast_in_dim3A_120 = arith.constant 0.000000e+00 : f32
      %broadcast_in_dim3A_121 = vector.broadcast %broadcast_in_dim3A_120 : f32 to vector<16xf32>
      %swap3A_122 = arith.constant 0 : i32
      %swap3A_123 = arith.index_cast %swap3A_122 : i32 to index
      %swap3A_124 = arith.index_cast %scan3A_102 : i32 to index
      %swap3A_125 = arith.constant 32 : index
      %swap3A_126 = tpu.vector_load %arg8[%swap3A_123, %swap3A_124, %swap3A_125] {strides = array<i32>} : memref<2x128x128xf32, #tpu.memory_space<vmem>>, vector<1x1x16xf32>,
      %swap3A_127 = vector.shape_cast %swap3A_126 : vector<1x1x16xf32> to vector<16xf32>
      %swap3A_128 = vector.shape_cast %broadcast_in_dim3A_121 : vector<16xf32> to vector<1x1x16xf32>
      tpu.vector_store %arg8[%swap3A_123, %swap3A_124, %swap3A_125], %swap3A_128 {strides = array<i32>} : memref<2x128x128xf32, #tpu.memory_space<vmem>>, vector<1x1x16xf32>,
      %broadcast_in_dim3A_129 = arith.constant 0.000000e+00 : f32
      %broadcast_in_dim3A_130 = vector.broadcast %broadcast_in_dim3A_129 : f32 to vector<16xf32>
      %swap3A_131 = arith.constant 0 : i32
      %swap3A_132 = arith.index_cast %swap3A_131 : i32 to index
      %swap3A_133 = arith.index_cast %scan3A_102 : i32 to index
      %swap3A_134 = arith.constant 48 : index
      %swap3A_135 = tpu.vector_load %arg8[%swap3A_132, %swap3A_133, %swap3A_134] {strides = array<i32>} : memref<2x128x128xf32, #tpu.memory_space<vmem>>, vector<1x1x16xf32>,
      %swap3A_136 = vector.shape_cast %swap3A_135 : vector<1x1x16xf32> to vector<16xf32>
      %swap3A_137 = vector.shape_cast %broadcast_in_dim3A_130 : vector<16xf32> to vector<1x1x16xf32>
      tpu.vector_store %arg8[%swap3A_132, %swap3A_133, %swap3A_134], %swap3A_137 {strides = array<i32>} : memref<2x128x128xf32, #tpu.memory_space<vmem>>, vector<1x1x16xf32>,
      %broadcast_in_dim3A_138 = arith.constant 0.000000e+00 : f32
      %broadcast_in_dim3A_139 = vector.broadcast %broadcast_in_dim3A_138 : f32 to vector<16xf32>
      %swap3A_140 = arith.constant 0 : i32
      %swap3A_141 = arith.index_cast %swap3A_140 : i32 to index
      %swap3A_142 = arith.index_cast %scan3A_102 : i32 to index
      %swap3A_143 = arith.constant 64 : index
      %swap3A_144 = tpu.vector_load %arg8[%swap3A_141, %swap3A_142, %swap3A_143] {strides = array<i32>} : memref<2x128x128xf32, #tpu.memory_space<vmem>>, vector<1x1x16xf32>,
      %swap3A_145 = vector.shape_cast %swap3A_144 : vector<1x1x16xf32> to vector<16xf32>
      %swap3A_146 = vector.shape_cast %broadcast_in_dim3A_139 : vector<16xf32> to vector<1x1x16xf32>
      tpu.vector_store %arg8[%swap3A_141, %swap3A_142, %swap3A_143], %swap3A_146 {strides = array<i32>} : memref<2x128x128xf32, #tpu.memory_space<vmem>>, vector<1x1x16xf32>,
      %broadcast_in_dim3A_147 = arith.constant 0.000000e+00 : f32
      %broadcast_in_dim3A_148 = vector.broadcast %broadcast_in_dim3A_147 : f32 to vector<16xf32>
      %swap3A_149 = arith.constant 0 : i32
      %swap3A_150 = arith.index_cast %swap3A_149 : i32 to index
      %swap3A_151 = arith.index_cast %scan3A_102 : i32 to index
      %swap3A_152 = arith.constant 80 : index
      %swap3A_153 = tpu.vector_load %arg8[%swap3A_150, %swap3A_151, %swap3A_152] {strides = array<i32>} : memref<2x128x128xf32, #tpu.memory_space<vmem>>, vector<1x1x16xf32>,
      %swap3A_154 = vector.shape_cast %swap3A_153 : vector<1x1x16xf32> to vector<16xf32>
      %swap3A_155 = vector.shape_cast %broadcast_in_dim3A_148 : vector<16xf32> to vector<1x1x16xf32>
      tpu.vector_store %arg8[%swap3A_150, %swap3A_151, %swap3A_152], %swap3A_155 {strides = array<i32>} : memref<2x128x128xf32, #tpu.memory_space<vmem>>, vector<1x1x16xf32>,
      %broadcast_in_dim3A_156 = arith.constant 0.000000e+00 : f32
      %broadcast_in_dim3A_157 = vector.broadcast %broadcast_in_dim3A_156 : f32 to vector<16xf32>
      %swap3A_158 = arith.constant 0 : i32
      %swap3A_159 = arith.index_cast %swap3A_158 : i32 to index
      %swap3A_160 = arith.index_cast %scan3A_102 : i32 to index
      %swap3A_161 = arith.constant 96 : index
      %swap3A_162 = tpu.vector_load %arg8[%swap3A_159, %swap3A_160, %swap3A_161] {strides = array<i32>} : memref<2x128x128xf32, #tpu.memory_space<vmem>>, vector<1x1x16xf32>,
      %swap3A_163 = vector.shape_cast %swap3A_162 : vector<1x1x16xf32> to vector<16xf32>
      %swap3A_164 = vector.shape_cast %broadcast_in_dim3A_157 : vector<16xf32> to vector<1x1x16xf32>
      tpu.vector_store %arg8[%swap3A_159, %swap3A_160, %swap3A_161], %swap3A_164 {strides = array<i32>} : memref<2x128x128xf32, #tpu.memory_space<vmem>>, vector<1x1x16xf32>,
      %broadcast_in_dim3A_165 = arith.constant 0.000000e+00 : f32
      %broadcast_in_dim3A_166 = vector.broadcast %broadcast_in_dim3A_165 : f32 to vector<16xf32>
      %swap3A_167 = arith.constant 0 : i32
      %swap3A_168 = arith.index_cast %swap3A_167 : i32 to index
      %swap3A_169 = arith.index_cast %scan3A_102 : i32 to index
      %swap3A_170 = arith.constant 112 : index
      %swap3A_171 = tpu.vector_load %arg8[%swap3A_168, %swap3A_169, %swap3A_170] {strides = array<i32>} : memref<2x128x128xf32, #tpu.memory_space<vmem>>, vector<1x1x16xf32>,
      %swap3A_172 = vector.shape_cast %swap3A_171 : vector<1x1x16xf32> to vector<16xf32>
      %swap3A_173 = vector.shape_cast %broadcast_in_dim3A_166 : vector<16xf32> to vector<1x1x16xf32>
      tpu.vector_store %arg8[%swap3A_168, %swap3A_169, %swap3A_170], %swap3A_173 {strides = array<i32>} : memref<2x128x128xf32, #tpu.memory_space<vmem>>, vector<1x1x16xf32>,
      %scan3A_174 = arith.constant 0 : i32
      scf.yield %scan3A_174 : i32
    }
    %scan3A_5 = arith.constant 128 : i32
    %mul3A = arith.constant 320 : i32
    %mul3A_6 = arith.muli %arg1, %mul3A : i32
    %run_scoped3A = arith.constant 0 : i32
    "tpu.region"() ({
      %run_scoped3A_102 = tpu.sem_alloc : memref<!tpu.dma_semaphore, #tpu.memory_space<semaphore_mem>>
      %dma_start3A_103 = arith.constant 0 : i32
      %dma_start3A_104 = arith.constant 0 : i32
      %dma_start3A_105 = tpu.memref_slice %arg8[%run_scoped3A, %dma_start3A_103, %dma_start3A_104] : memref<2x128x128xf32, #tpu.memory_space<vmem>> -> memref<1x128x128xf32, #tpu.memory_space<vmem>>
      %dma_start3A_106 = tpu.memref_squeeze %dma_start3A_105 : memref<1x128x128xf32, #tpu.memory_space<vmem>> -> memref<128x128xf32, #tpu.memory_space<vmem>>
      %dma_start3A_107 = arith.constant 0 : i32
      %dma_start3A_108 = tpu.memref_slice %arg9[%mul3A_6, %dma_start3A_107] : memref<5120x128xf32, #tpu.memory_space<vmem_shared>> -> memref<128x128xf32, #tpu.memory_space<vmem_shared>>
      %dma_start3A_109 = arith.constant 0 : i32
      %dma_start3A_110 = tpu.memref_slice %arg9[%mul3A_6, %dma_start3A_109] : memref<5120x128xf32, #tpu.memory_space<vmem_shared>> -> memref<128x128xf32, #tpu.memory_space<vmem_shared>>
      %dma_start3A_111 = arith.constant 0 : i32
      %dma_start3A_112 = arith.constant 0 : i32
      %dma_start3A_113 = tpu.memref_slice %arg8[%run_scoped3A, %dma_start3A_111, %dma_start3A_112] : memref<2x128x128xf32, #tpu.memory_space<vmem>> -> memref<1x128x128xf32, #tpu.memory_space<vmem>>
      %dma_start3A_114 = tpu.memref_squeeze %dma_start3A_113 : memref<1x128x128xf32, #tpu.memory_space<vmem>> -> memref<128x128xf32, #tpu.memory_space<vmem>>
      tpu.enqueue_dma source(%dma_start3A_114 : memref<128x128xf32, #tpu.memory_space<vmem>>) target(%dma_start3A_110 : memref<128x128xf32, #tpu.memory_space<vmem_shared>>) target_semaphore(%run_scoped3A_102 : memref<!tpu.dma_semaphore, #tpu.memory_space<semaphore_mem>>)
      %dma_wait3A_115 = arith.constant 0 : i32
      %dma_wait3A_116 = arith.constant 0 : i32
      %dma_wait3A_117 = tpu.memref_slice %arg8[%run_scoped3A, %dma_wait3A_115, %dma_wait3A_116] : memref<2x128x128xf32, #tpu.memory_space<vmem>> -> memref<1x128x128xf32, #tpu.memory_space<vmem>>
      %dma_wait3A_118 = tpu.memref_squeeze %dma_wait3A_117 : memref<1x128x128xf32, #tpu.memory_space<vmem>> -> memref<128x128xf32, #tpu.memory_space<vmem>>
      %dma_wait3A_119 = arith.constant 0 : i32
      %dma_wait3A_120 = tpu.memref_slice %arg9[%mul3A_6, %dma_wait3A_119] : memref<5120x128xf32, #tpu.memory_space<vmem_shared>> -> memref<128x128xf32, #tpu.memory_space<vmem_shared>>
      %dma_wait3A_121 = arith.constant 0 : i32
      %dma_wait3A_122 = tpu.memref_slice %arg9[%mul3A_6, %dma_wait3A_121] : memref<5120x128xf32, #tpu.memory_space<vmem_shared>> -> memref<128x128xf32, #tpu.memory_space<vmem_shared>>
      %dma_wait3A_123 = arith.constant 0 : i32
      %dma_wait3A_124 = arith.constant 0 : i32
      %dma_wait3A_125 = tpu.memref_slice %arg8[%run_scoped3A, %dma_wait3A_123, %dma_wait3A_124] : memref<2x128x128xf32, #tpu.memory_space<vmem>> -> memref<1x128x128xf32, #tpu.memory_space<vmem>>
      %dma_wait3A_126 = tpu.memref_squeeze %dma_wait3A_125 : memref<1x128x128xf32, #tpu.memory_space<vmem>> -> memref<128x128xf32, #tpu.memory_space<vmem>>
      tpu.wait_dma2 semaphore(%run_scoped3A_102 : memref<!tpu.dma_semaphore, #tpu.memory_space<semaphore_mem>>) src(%dma_wait3A_126 : memref<128x128xf32, #tpu.memory_space<vmem>>) dst(%dma_wait3A_122 : memref<128x128xf32, #tpu.memory_space<vmem_shared>>)
      tpu.yield
    }) : () -> ()
    %add3A = arith.constant 128 : i32
    %add3A_7 = arith.addi %mul3A_6, %add3A : i32
    %run_scoped3A_8 = arith.constant 0 : i32
    "tpu.region"() ({
      %run_scoped3A_102 = tpu.sem_alloc : memref<!tpu.dma_semaphore, #tpu.memory_space<semaphore_mem>>
      %dma_start3A_103 = arith.constant 0 : i32
      %dma_start3A_104 = arith.constant 0 : i32
      %dma_start3A_105 = tpu.memref_slice %arg8[%run_scoped3A_8, %dma_start3A_103, %dma_start3A_104] : memref<2x128x128xf32, #tpu.memory_space<vmem>> -> memref<1x128x128xf32, #tpu.memory_space<vmem>>
      %dma_start3A_106 = tpu.memref_squeeze %dma_start3A_105 : memref<1x128x128xf32, #tpu.memory_space<vmem>> -> memref<128x128xf32, #tpu.memory_space<vmem>>
      %dma_start3A_107 = arith.constant 0 : i32
      %dma_start3A_108 = tpu.memref_slice %arg9[%add3A_7, %dma_start3A_107] : memref<5120x128xf32, #tpu.memory_space<vmem_shared>> -> memref<128x128xf32, #tpu.memory_space<vmem_shared>>
      %dma_start3A_109 = arith.constant 0 : i32
      %dma_start3A_110 = tpu.memref_slice %arg9[%add3A_7, %dma_start3A_109] : memref<5120x128xf32, #tpu.memory_space<vmem_shared>> -> memref<128x128xf32, #tpu.memory_space<vmem_shared>>
      %dma_start3A_111 = arith.constant 0 : i32
      %dma_start3A_112 = arith.constant 0 : i32
      %dma_start3A_113 = tpu.memref_slice %arg8[%run_scoped3A_8, %dma_start3A_111, %dma_start3A_112] : memref<2x128x128xf32, #tpu.memory_space<vmem>> -> memref<1x128x128xf32, #tpu.memory_space<vmem>>
      %dma_start3A_114 = tpu.memref_squeeze %dma_start3A_113 : memref<1x128x128xf32, #tpu.memory_space<vmem>> -> memref<128x128xf32, #tpu.memory_space<vmem>>
      tpu.enqueue_dma source(%dma_start3A_114 : memref<128x128xf32, #tpu.memory_space<vmem>>) target(%dma_start3A_110 : memref<128x128xf32, #tpu.memory_space<vmem_shared>>) target_semaphore(%run_scoped3A_102 : memref<!tpu.dma_semaphore, #tpu.memory_space<semaphore_mem>>)
      %dma_wait3A_115 = arith.constant 0 : i32
      %dma_wait3A_116 = arith.constant 0 : i32
      %dma_wait3A_117 = tpu.memref_slice %arg8[%run_scoped3A_8, %dma_wait3A_115, %dma_wait3A_116] : memref<2x128x128xf32, #tpu.memory_space<vmem>> -> memref<1x128x128xf32, #tpu.memory_space<vmem>>
      %dma_wait3A_118 = tpu.memref_squeeze %dma_wait3A_117 : memref<1x128x128xf32, #tpu.memory_space<vmem>> -> memref<128x128xf32, #tpu.memory_space<vmem>>
      %dma_wait3A_119 = arith.constant 0 : i32
      %dma_wait3A_120 = tpu.memref_slice %arg9[%add3A_7, %dma_wait3A_119] : memref<5120x128xf32, #tpu.memory_space<vmem_shared>> -> memref<128x128xf32, #tpu.memory_space<vmem_shared>>
      %dma_wait3A_121 = arith.constant 0 : i32
      %dma_wait3A_122 = tpu.memref_slice %arg9[%add3A_7, %dma_wait3A_121] : memref<5120x128xf32, #tpu.memory_space<vmem_shared>> -> memref<128x128xf32, #tpu.memory_space<vmem_shared>>
      %dma_wait3A_123 = arith.constant 0 : i32
      %dma_wait3A_124 = arith.constant 0 : i32
      %dma_wait3A_125 = tpu.memref_slice %arg8[%run_scoped3A_8, %dma_wait3A_123, %dma_wait3A_124] : memref<2x128x128xf32, #tpu.memory_space<vmem>> -> memref<1x128x128xf32, #tpu.memory_space<vmem>>
      %dma_wait3A_126 = tpu.memref_squeeze %dma_wait3A_125 : memref<1x128x128xf32, #tpu.memory_space<vmem>> -> memref<128x128xf32, #tpu.memory_space<vmem>>
      tpu.wait_dma2 semaphore(%run_scoped3A_102 : memref<!tpu.dma_semaphore, #tpu.memory_space<semaphore_mem>>) src(%dma_wait3A_126 : memref<128x128xf32, #tpu.memory_space<vmem>>) dst(%dma_wait3A_122 : memref<128x128xf32, #tpu.memory_space<vmem_shared>>)
      tpu.yield
    }) : () -> ()
    %add3A_9 = arith.constant 256 : i32
    %add3A_10 = arith.addi %mul3A_6, %add3A_9 : i32
    %run_scoped3A_11 = arith.constant 0 : i32
    "tpu.region"() ({
      %run_scoped3A_102 = tpu.sem_alloc : memref<!tpu.dma_semaphore, #tpu.memory_space<semaphore_mem>>
      %dma_start3A_103 = arith.constant 0 : i32
      %dma_start3A_104 = arith.constant 0 : i32
      %dma_start3A_105 = tpu.memref_slice %arg8[%run_scoped3A_11, %dma_start3A_103, %dma_start3A_104] : memref<2x128x128xf32, #tpu.memory_space<vmem>> -> memref<1x128x128xf32, #tpu.memory_space<vmem>>
      %dma_start3A_106 = tpu.memref_squeeze %dma_start3A_105 : memref<1x128x128xf32, #tpu.memory_space<vmem>> -> memref<128x128xf32, #tpu.memory_space<vmem>>
      %dma_start3A_107 = arith.constant 0 : i32
      %dma_start3A_108 = arith.constant 0 : i32
      %dma_start3A_109 = tpu.memref_slice %dma_start3A_106[%dma_start3A_107, %dma_start3A_108] : memref<128x128xf32, #tpu.memory_space<vmem>> -> memref<64x128xf32, #tpu.memory_space<vmem>>
      %dma_start3A_110 = arith.constant 0 : i32
      %dma_start3A_111 = tpu.memref_slice %arg9[%add3A_10, %dma_start3A_110] : memref<5120x128xf32, #tpu.memory_space<vmem_shared>> -> memref<64x128xf32, #tpu.memory_space<vmem_shared>>
      %dma_start3A_112 = arith.constant 0 : i32
      %dma_start3A_113 = tpu.memref_slice %arg9[%add3A_10, %dma_start3A_112] : memref<5120x128xf32, #tpu.memory_space<vmem_shared>> -> memref<64x128xf32, #tpu.memory_space<vmem_shared>>
      %dma_start3A_114 = arith.constant 0 : i32
      %dma_start3A_115 = arith.constant 0 : i32
      %dma_start3A_116 = tpu.memref_slice %arg8[%run_scoped3A_11, %dma_start3A_114, %dma_start3A_115] : memref<2x128x128xf32, #tpu.memory_space<vmem>> -> memref<1x128x128xf32, #tpu.memory_space<vmem>>
      %dma_start3A_117 = tpu.memref_squeeze %dma_start3A_116 : memref<1x128x128xf32, #tpu.memory_space<vmem>> -> memref<128x128xf32, #tpu.memory_space<vmem>>
      %dma_start3A_118 = arith.constant 0 : i32
      %dma_start3A_119 = arith.constant 0 : i32
      %dma_start3A_120 = tpu.memref_slice %dma_start3A_117[%dma_start3A_118, %dma_start3A_119] : memref<128x128xf32, #tpu.memory_space<vmem>> -> memref<64x128xf32, #tpu.memory_space<vmem>>
      tpu.enqueue_dma source(%dma_start3A_120 : memref<64x128xf32, #tpu.memory_space<vmem>>) target(%dma_start3A_113 : memref<64x128xf32, #tpu.memory_space<vmem_shared>>) target_semaphore(%run_scoped3A_102 : memref<!tpu.dma_semaphore, #tpu.memory_space<semaphore_mem>>)
      %dma_wait3A_121 = arith.constant 0 : i32
      %dma_wait3A_122 = arith.constant 0 : i32
      %dma_wait3A_123 = tpu.memref_slice %arg8[%run_scoped3A_11, %dma_wait3A_121, %dma_wait3A_122] : memref<2x128x128xf32, #tpu.memory_space<vmem>> -> memref<1x128x128xf32, #tpu.memory_space<vmem>>
      %dma_wait3A_124 = tpu.memref_squeeze %dma_wait3A_123 : memref<1x128x128xf32, #tpu.memory_space<vmem>> -> memref<128x128xf32, #tpu.memory_space<vmem>>
      %dma_wait3A_125 = arith.constant 0 : i32
      %dma_wait3A_126 = arith.constant 0 : i32
      %dma_wait3A_127 = tpu.memref_slice %dma_wait3A_124[%dma_wait3A_125, %dma_wait3A_126] : memref<128x128xf32, #tpu.memory_space<vmem>> -> memref<64x128xf32, #tpu.memory_space<vmem>>
      %dma_wait3A_128 = arith.constant 0 : i32
      %dma_wait3A_129 = tpu.memref_slice %arg9[%add3A_10, %dma_wait3A_128] : memref<5120x128xf32, #tpu.memory_space<vmem_shared>> -> memref<64x128xf32, #tpu.memory_space<vmem_shared>>
      %dma_wait3A_130 = arith.constant 0 : i32
      %dma_wait3A_131 = tpu.memref_slice %arg9[%add3A_10, %dma_wait3A_130] : memref<5120x128xf32, #tpu.memory_space<vmem_shared>> -> memref<64x128xf32, #tpu.memory_space<vmem_shared>>
      %dma_wait3A_132 = arith.constant 0 : i32
      %dma_wait3A_133 = arith.constant 0 : i32
      %dma_wait3A_134 = tpu.memref_slice %arg8[%run_scoped3A_11, %dma_wait3A_132, %dma_wait3A_133] : memref<2x128x128xf32, #tpu.memory_space<vmem>> -> memref<1x128x128xf32, #tpu.memory_space<vmem>>
      %dma_wait3A_135 = tpu.memref_squeeze %dma_wait3A_134 : memref<1x128x128xf32, #tpu.memory_space<vmem>> -> memref<128x128xf32, #tpu.memory_space<vmem>>
      %dma_wait3A_136 = arith.constant 0 : i32
      %dma_wait3A_137 = arith.constant 0 : i32
      %dma_wait3A_138 = tpu.memref_slice %dma_wait3A_135[%dma_wait3A_136, %dma_wait3A_137] : memref<128x128xf32, #tpu.memory_space<vmem>> -> memref<64x128xf32, #tpu.memory_space<vmem>>
      tpu.wait_dma2 semaphore(%run_scoped3A_102 : memref<!tpu.dma_semaphore, #tpu.memory_space<semaphore_mem>>) src(%dma_wait3A_138 : memref<64x128xf32, #tpu.memory_space<vmem>>) dst(%dma_wait3A_131 : memref<64x128xf32, #tpu.memory_space<vmem_shared>>)
      tpu.yield
    }) : () -> ()
    %barrier3A = arith.constant 0 : index
    tpu.barrier barrier_id(%barrier3A)
    %add3A_12 = arith.constant 0 : i32
    %add3A_13 = arith.addi %add3A_12, %arg1 : i32
    %mul3A_14 = arith.constant 128 : i32
    %mul3A_15 = arith.muli %add3A_13, %mul3A_14 : i32
    %run_scoped3A_16 = arith.constant 0 : i32
    "tpu.region"() ({
      %run_scoped3A_102 = tpu.sem_alloc : memref<!tpu.dma_semaphore, #tpu.memory_space<semaphore_mem>>
      %dma_start3A_103 = arith.constant 0 : i32
      %dma_start3A_104 = tpu.memref_slice %arg6[%run_scoped3A_16, %dma_start3A_103] : memref<2x128xi32, #tpu.memory_space<vmem>> -> memref<1x128xi32, #tpu.memory_space<vmem>>
      %dma_start3A_105 = tpu.memref_squeeze %dma_start3A_104 : memref<1x128xi32, #tpu.memory_space<vmem>> -> memref<128xi32, #tpu.memory_space<vmem>>
      %dma_start3A_106 = tpu.memref_slice %arg3[%mul3A_15] : memref<321536xi32, #tpu.memory_space<hbm>> -> memref<128xi32, #tpu.memory_space<hbm>>
      %dma_start3A_107 = arith.constant 0 : i32
      %dma_start3A_108 = tpu.memref_slice %arg6[%run_scoped3A_16, %dma_start3A_107] : memref<2x128xi32, #tpu.memory_space<vmem>> -> memref<1x128xi32, #tpu.memory_space<vmem>>
      %dma_start3A_109 = tpu.memref_squeeze %dma_start3A_108 : memref<1x128xi32, #tpu.memory_space<vmem>> -> memref<128xi32, #tpu.memory_space<vmem>>
      %dma_start3A_110 = tpu.memref_slice %arg3[%mul3A_15] : memref<321536xi32, #tpu.memory_space<hbm>> -> memref<128xi32, #tpu.memory_space<hbm>>
      tpu.enqueue_dma source(%dma_start3A_110 : memref<128xi32, #tpu.memory_space<hbm>>) target(%dma_start3A_109 : memref<128xi32, #tpu.memory_space<vmem>>) target_semaphore(%run_scoped3A_102 : memref<!tpu.dma_semaphore, #tpu.memory_space<semaphore_mem>>)
      %dma_wait3A_111 = arith.constant 0 : i32
      %dma_wait3A_112 = tpu.memref_slice %arg6[%run_scoped3A_16, %dma_wait3A_111] : memref<2x128xi32, #tpu.memory_space<vmem>> -> memref<1x128xi32, #tpu.memory_space<vmem>>
      %dma_wait3A_113 = tpu.memref_squeeze %dma_wait3A_112 : memref<1x128xi32, #tpu.memory_space<vmem>> -> memref<128xi32, #tpu.memory_space<vmem>>
      %dma_wait3A_114 = tpu.memref_slice %arg3[%mul3A_15] : memref<321536xi32, #tpu.memory_space<hbm>> -> memref<128xi32, #tpu.memory_space<hbm>>
      %dma_wait3A_115 = arith.constant 0 : i32
      %dma_wait3A_116 = tpu.memref_slice %arg6[%run_scoped3A_16, %dma_wait3A_115] : memref<2x128xi32, #tpu.memory_space<vmem>> -> memref<1x128xi32, #tpu.memory_space<vmem>>
      %dma_wait3A_117 = tpu.memref_squeeze %dma_wait3A_116 : memref<1x128xi32, #tpu.memory_space<vmem>> -> memref<128xi32, #tpu.memory_space<vmem>>
      %dma_wait3A_118 = tpu.memref_slice %arg3[%mul3A_15] : memref<321536xi32, #tpu.memory_space<hbm>> -> memref<128xi32, #tpu.memory_space<hbm>>
      tpu.wait_dma2 semaphore(%run_scoped3A_102 : memref<!tpu.dma_semaphore, #tpu.memory_space<semaphore_mem>>) src(%dma_wait3A_118 : memref<128xi32, #tpu.memory_space<hbm>>) dst(%dma_wait3A_117 : memref<128xi32, #tpu.memory_space<vmem>>)
      tpu.yield
    }) : () -> ()
    %mul3A_17 = arith.constant 321536 : i32
    %mul3A_18 = arith.muli %arg0, %mul3A_17 : i32
    %add3A_19 = arith.addi %mul3A_18, %mul3A_15 : i32
    %run_scoped3A_20 = arith.constant 0 : i32
    "tpu.region"() ({
      %run_scoped3A_102 = tpu.sem_alloc : memref<!tpu.dma_semaphore, #tpu.memory_space<semaphore_mem>>
      %dma_start3A_103 = arith.constant 0 : i32
      %dma_start3A_104 = tpu.memref_slice %arg7[%run_scoped3A_20, %dma_start3A_103] : memref<2x128xi32, #tpu.memory_space<vmem>> -> memref<1x128xi32, #tpu.memory_space<vmem>>
      %dma_start3A_105 = tpu.memref_squeeze %dma_start3A_104 : memref<1x128xi32, #tpu.memory_space<vmem>> -> memref<128xi32, #tpu.memory_space<vmem>>
      %dma_start3A_106 = tpu.memref_slice %arg4[%add3A_19] : memref<643072xi32, #tpu.memory_space<hbm>> -> memref<128xi32, #tpu.memory_space<hbm>>
      %dma_start3A_107 = arith.constant 0 : i32
      %dma_start3A_108 = tpu.memref_slice %arg7[%run_scoped3A_20, %dma_start3A_107] : memref<2x128xi32, #tpu.memory_space<vmem>> -> memref<1x128xi32, #tpu.memory_space<vmem>>
      %dma_start3A_109 = tpu.memref_squeeze %dma_start3A_108 : memref<1x128xi32, #tpu.memory_space<vmem>> -> memref<128xi32, #tpu.memory_space<vmem>>
      %dma_start3A_110 = tpu.memref_slice %arg4[%add3A_19] : memref<643072xi32, #tpu.memory_space<hbm>> -> memref<128xi32, #tpu.memory_space<hbm>>
      tpu.enqueue_dma source(%dma_start3A_110 : memref<128xi32, #tpu.memory_space<hbm>>) target(%dma_start3A_109 : memref<128xi32, #tpu.memory_space<vmem>>) target_semaphore(%run_scoped3A_102 : memref<!tpu.dma_semaphore, #tpu.memory_space<semaphore_mem>>)
      %dma_wait3A_111 = arith.constant 0 : i32
      %dma_wait3A_112 = tpu.memref_slice %arg7[%run_scoped3A_20, %dma_wait3A_111] : memref<2x128xi32, #tpu.memory_space<vmem>> -> memref<1x128xi32, #tpu.memory_space<vmem>>
      %dma_wait3A_113 = tpu.memref_squeeze %dma_wait3A_112 : memref<1x128xi32, #tpu.memory_space<vmem>> -> memref<128xi32, #tpu.memory_space<vmem>>
      %dma_wait3A_114 = tpu.memref_slice %arg4[%add3A_19] : memref<643072xi32, #tpu.memory_space<hbm>> -> memref<128xi32, #tpu.memory_space<hbm>>
      %dma_wait3A_115 = arith.constant 0 : i32
      %dma_wait3A_116 = tpu.memref_slice %arg7[%run_scoped3A_20, %dma_wait3A_115] : memref<2x128xi32, #tpu.memory_space<vmem>> -> memref<1x128xi32, #tpu.memory_space<vmem>>
      %dma_wait3A_117 = tpu.memref_squeeze %dma_wait3A_116 : memref<1x128xi32, #tpu.memory_space<vmem>> -> memref<128xi32, #tpu.memory_space<vmem>>
      %dma_wait3A_118 = tpu.memref_slice %arg4[%add3A_19] : memref<643072xi32, #tpu.memory_space<hbm>> -> memref<128xi32, #tpu.memory_space<hbm>>
      tpu.wait_dma2 semaphore(%run_scoped3A_102 : memref<!tpu.dma_semaphore, #tpu.memory_space<semaphore_mem>>) src(%dma_wait3A_118 : memref<128xi32, #tpu.memory_space<hbm>>) dst(%dma_wait3A_117 : memref<128xi32, #tpu.memory_space<vmem>>)
      tpu.yield
    }) : () -> ()
    %dma_start3A = arith.constant 0 : i32
    %dma_start3A_21 = arith.constant 0 : i32
    %dma_start3A_22 = arith.constant 0 : i32
    %dma_start3A_23 = arith.constant 0 : i32
    %dma_start3A_24 = tpu.memref_slice %arg8[%dma_start3A_21, %dma_start3A_22, %dma_start3A_23] : memref<2x128x128xf32, #tpu.memory_space<vmem>> -> memref<1x128x128xf32, #tpu.memory_space<vmem>>
    %dma_start3A_25 = tpu.memref_squeeze %dma_start3A_24 : memref<1x128x128xf32, #tpu.memory_space<vmem>> -> memref<128x128xf32, #tpu.memory_space<vmem>>
    %dma_start3A_26 = arith.constant 0 : i32
    %dma_start3A_27 = tpu.memref_slice %arg6[%dma_start3A, %dma_start3A_26] : memref<2x128xi32, #tpu.memory_space<vmem>> -> memref<1x128xi32, #tpu.memory_space<vmem>>
    %dma_start3A_28 = tpu.memref_squeeze %dma_start3A_27 : memref<1x128xi32, #tpu.memory_space<vmem>> -> memref<128xi32, #tpu.memory_space<vmem>>
    %dma_start3A_29 = arith.constant 0 : i32
    %dma_start3A_30 = arith.constant 0 : i32
    %dma_start3A_31 = tpu.memref_slice %arg2[%dma_start3A_29, %dma_start3A_30] : memref<10000x128xf32, #tpu.memory_space<hbm>> -> memref<10000x128xf32, #tpu.memory_space<hbm>>
    tpu.enqueue_indirect_dma source(%dma_start3A_31 : memref<10000x128xf32, #tpu.memory_space<hbm>>) target(%dma_start3A_25 : memref<128x128xf32, #tpu.memory_space<vmem>>) offsets(%dma_start3A_28 : memref<128xi32, #tpu.memory_space<vmem>>) semaphore(%arg10 : memref<!tpu.dma_semaphore, #tpu.memory_space<semaphore_mem>>)
    %dma_wait3A = arith.constant 0 : i32
    %dma_wait3A_32 = arith.constant 0 : i32
    %dma_wait3A_33 = arith.constant 0 : i32
    %dma_wait3A_34 = arith.constant 0 : i32
    %dma_wait3A_35 = tpu.memref_slice %arg8[%dma_wait3A_32, %dma_wait3A_33, %dma_wait3A_34] : memref<2x128x128xf32, #tpu.memory_space<vmem>> -> memref<1x128x128xf32, #tpu.memory_space<vmem>>
    %dma_wait3A_36 = tpu.memref_squeeze %dma_wait3A_35 : memref<1x128x128xf32, #tpu.memory_space<vmem>> -> memref<128x128xf32, #tpu.memory_space<vmem>>
    %dma_wait3A_37 = arith.constant 0 : i32
    %dma_wait3A_38 = tpu.memref_slice %arg6[%dma_wait3A, %dma_wait3A_37] : memref<2x128xi32, #tpu.memory_space<vmem>> -> memref<1x128xi32, #tpu.memory_space<vmem>>
    %dma_wait3A_39 = tpu.memref_squeeze %dma_wait3A_38 : memref<1x128xi32, #tpu.memory_space<vmem>> -> memref<128xi32, #tpu.memory_space<vmem>>
    %dma_wait3A_40 = arith.constant 0 : i32
    %dma_wait3A_41 = arith.constant 0 : i32
    %dma_wait3A_42 = tpu.memref_slice %arg2[%dma_wait3A_40, %dma_wait3A_41] : memref<10000x128xf32, #tpu.memory_space<hbm>> -> memref<10000x128xf32, #tpu.memory_space<hbm>>
    tpu.wait_indirect_dma semaphore(%arg10 : memref<!tpu.dma_semaphore, #tpu.memory_space<semaphore_mem>>) src(%dma_wait3A_42 : memref<10000x128xf32, #tpu.memory_space<hbm>>) dst(%dma_wait3A_36 : memref<128x128xf32, #tpu.memory_space<vmem>>)
    %add3A_43 = arith.constant 16 : i32
    %add3A_44 = arith.addi %add3A_43, %arg1 : i32
    %mul3A_45 = arith.constant 128 : i32
    %mul3A_46 = arith.muli %add3A_44, %mul3A_45 : i32
    %run_scoped3A_47 = arith.constant 1 : i32
    "tpu.region"() ({
      %run_scoped3A_102 = tpu.sem_alloc : memref<!tpu.dma_semaphore, #tpu.memory_space<semaphore_mem>>
      %dma_start3A_103 = arith.constant 0 : i32
      %dma_start3A_104 = tpu.memref_slice %arg6[%run_scoped3A_47, %dma_start3A_103] : memref<2x128xi32, #tpu.memory_space<vmem>> -> memref<1x128xi32, #tpu.memory_space<vmem>>
      %dma_start3A_105 = tpu.memref_squeeze %dma_start3A_104 : memref<1x128xi32, #tpu.memory_space<vmem>> -> memref<128xi32, #tpu.memory_space<vmem>>
      %dma_start3A_106 = tpu.memref_slice %arg3[%mul3A_46] : memref<321536xi32, #tpu.memory_space<hbm>> -> memref<128xi32, #tpu.memory_space<hbm>>
      %dma_start3A_107 = arith.constant 0 : i32
      %dma_start3A_108 = tpu.memref_slice %arg6[%run_scoped3A_47, %dma_start3A_107] : memref<2x128xi32, #tpu.memory_space<vmem>> -> memref<1x128xi32, #tpu.memory_space<vmem>>
      %dma_start3A_109 = tpu.memref_squeeze %dma_start3A_108 : memref<1x128xi32, #tpu.memory_space<vmem>> -> memref<128xi32, #tpu.memory_space<vmem>>
      %dma_start3A_110 = tpu.memref_slice %arg3[%mul3A_46] : memref<321536xi32, #tpu.memory_space<hbm>> -> memref<128xi32, #tpu.memory_space<hbm>>
      tpu.enqueue_dma source(%dma_start3A_110 : memref<128xi32, #tpu.memory_space<hbm>>) target(%dma_start3A_109 : memref<128xi32, #tpu.memory_space<vmem>>) target_semaphore(%run_scoped3A_102 : memref<!tpu.dma_semaphore, #tpu.memory_space<semaphore_mem>>)
      %dma_wait3A_111 = arith.constant 0 : i32
      %dma_wait3A_112 = tpu.memref_slice %arg6[%run_scoped3A_47, %dma_wait3A_111] : memref<2x128xi32, #tpu.memory_space<vmem>> -> memref<1x128xi32, #tpu.memory_space<vmem>>
      %dma_wait3A_113 = tpu.memref_squeeze %dma_wait3A_112 : memref<1x128xi32, #tpu.memory_space<vmem>> -> memref<128xi32, #tpu.memory_space<vmem>>
      %dma_wait3A_114 = tpu.memref_slice %arg3[%mul3A_46] : memref<321536xi32, #tpu.memory_space<hbm>> -> memref<128xi32, #tpu.memory_space<hbm>>
      %dma_wait3A_115 = arith.constant 0 : i32
      %dma_wait3A_116 = tpu.memref_slice %arg6[%run_scoped3A_47, %dma_wait3A_115] : memref<2x128xi32, #tpu.memory_space<vmem>> -> memref<1x128xi32, #tpu.memory_space<vmem>>
      %dma_wait3A_117 = tpu.memref_squeeze %dma_wait3A_116 : memref<1x128xi32, #tpu.memory_space<vmem>> -> memref<128xi32, #tpu.memory_space<vmem>>
      %dma_wait3A_118 = tpu.memref_slice %arg3[%mul3A_46] : memref<321536xi32, #tpu.memory_space<hbm>> -> memref<128xi32, #tpu.memory_space<hbm>>
      tpu.wait_dma2 semaphore(%run_scoped3A_102 : memref<!tpu.dma_semaphore, #tpu.memory_space<semaphore_mem>>) src(%dma_wait3A_118 : memref<128xi32, #tpu.memory_space<hbm>>) dst(%dma_wait3A_117 : memref<128xi32, #tpu.memory_space<vmem>>)
      tpu.yield
    }) : () -> ()
    %mul3A_48 = arith.constant 321536 : i32
    %mul3A_49 = arith.muli %arg0, %mul3A_48 : i32
    %add3A_50 = arith.addi %mul3A_49, %mul3A_46 : i32
    %run_scoped3A_51 = arith.constant 1 : i32
    "tpu.region"() ({
      %run_scoped3A_102 = tpu.sem_alloc : memref<!tpu.dma_semaphore, #tpu.memory_space<semaphore_mem>>
      %dma_start3A_103 = arith.constant 0 : i32
      %dma_start3A_104 = tpu.memref_slice %arg7[%run_scoped3A_51, %dma_start3A_103] : memref<2x128xi32, #tpu.memory_space<vmem>> -> memref<1x128xi32, #tpu.memory_space<vmem>>
      %dma_start3A_105 = tpu.memref_squeeze %dma_start3A_104 : memref<1x128xi32, #tpu.memory_space<vmem>> -> memref<128xi32, #tpu.memory_space<vmem>>
      %dma_start3A_106 = tpu.memref_slice %arg4[%add3A_50] : memref<643072xi32, #tpu.memory_space<hbm>> -> memref<128xi32, #tpu.memory_space<hbm>>
      %dma_start3A_107 = arith.constant 0 : i32
      %dma_start3A_108 = tpu.memref_slice %arg7[%run_scoped3A_51, %dma_start3A_107] : memref<2x128xi32, #tpu.memory_space<vmem>> -> memref<1x128xi32, #tpu.memory_space<vmem>>
      %dma_start3A_109 = tpu.memref_squeeze %dma_start3A_108 : memref<1x128xi32, #tpu.memory_space<vmem>> -> memref<128xi32, #tpu.memory_space<vmem>>
      %dma_start3A_110 = tpu.memref_slice %arg4[%add3A_50] : memref<643072xi32, #tpu.memory_space<hbm>> -> memref<128xi32, #tpu.memory_space<hbm>>
      tpu.enqueue_dma source(%dma_start3A_110 : memref<128xi32, #tpu.memory_space<hbm>>) target(%dma_start3A_109 : memref<128xi32, #tpu.memory_space<vmem>>) target_semaphore(%run_scoped3A_102 : memref<!tpu.dma_semaphore, #tpu.memory_space<semaphore_mem>>)
      %dma_wait3A_111 = arith.constant 0 : i32
      %dma_wait3A_112 = tpu.memref_slice %arg7[%run_scoped3A_51, %dma_wait3A_111] : memref<2x128xi32, #tpu.memory_space<vmem>> -> memref<1x128xi32, #tpu.memory_space<vmem>>
      %dma_wait3A_113 = tpu.memref_squeeze %dma_wait3A_112 : memref<1x128xi32, #tpu.memory_space<vmem>> -> memref<128xi32, #tpu.memory_space<vmem>>
      %dma_wait3A_114 = tpu.memref_slice %arg4[%add3A_50] : memref<643072xi32, #tpu.memory_space<hbm>> -> memref<128xi32, #tpu.memory_space<hbm>>
      %dma_wait3A_115 = arith.constant 0 : i32
      %dma_wait3A_116 = tpu.memref_slice %arg7[%run_scoped3A_51, %dma_wait3A_115] : memref<2x128xi32, #tpu.memory_space<vmem>> -> memref<1x128xi32, #tpu.memory_space<vmem>>
      %dma_wait3A_117 = tpu.memref_squeeze %dma_wait3A_116 : memref<1x128xi32, #tpu.memory_space<vmem>> -> memref<128xi32, #tpu.memory_space<vmem>>
      %dma_wait3A_118 = tpu.memref_slice %arg4[%add3A_50] : memref<643072xi32, #tpu.memory_space<hbm>> -> memref<128xi32, #tpu.memory_space<hbm>>
      tpu.wait_dma2 semaphore(%run_scoped3A_102 : memref<!tpu.dma_semaphore, #tpu.memory_space<semaphore_mem>>) src(%dma_wait3A_118 : memref<128xi32, #tpu.memory_space<hbm>>) dst(%dma_wait3A_117 : memref<128xi32, #tpu.memory_space<vmem>>)
      tpu.yield
    }) : () -> ()
    %dma_start3A_52 = arith.constant 1 : i32
    %dma_start3A_53 = arith.constant 1 : i32
    %dma_start3A_54 = arith.constant 0 : i32
    %dma_start3A_55 = arith.constant 0 : i32
    %dma_start3A_56 = tpu.memref_slice %arg8[%dma_start3A_53, %dma_start3A_54, %dma_start3A_55] : memref<2x128x128xf32, #tpu.memory_space<vmem>> -> memref<1x128x128xf32, #tpu.memory_space<vmem>>
    %dma_start3A_57 = tpu.memref_squeeze %dma_start3A_56 : memref<1x128x128xf32, #tpu.memory_space<vmem>> -> memref<128x128xf32, #tpu.memory_space<vmem>>
    %dma_start3A_58 = arith.constant 0 : i32
    %dma_start3A_59 = tpu.memref_slice %arg6[%dma_start3A_52, %dma_start3A_58] : memref<2x128xi32, #tpu.memory_space<vmem>> -> memref<1x128xi32, #tpu.memory_space<vmem>>
    %dma_start3A_60 = tpu.memref_squeeze %dma_start3A_59 : memref<1x128xi32, #tpu.memory_space<vmem>> -> memref<128xi32, #tpu.memory_space<vmem>>
    %dma_start3A_61 = arith.constant 0 : i32
    %dma_start3A_62 = arith.constant 0 : i32
    %dma_start3A_63 = tpu.memref_slice %arg2[%dma_start3A_61, %dma_start3A_62] : memref<10000x128xf32, #tpu.memory_space<hbm>> -> memref<10000x128xf32, #tpu.memory_space<hbm>>
    tpu.enqueue_indirect_dma source(%dma_start3A_63 : memref<10000x128xf32, #tpu.memory_space<hbm>>) target(%dma_start3A_57 : memref<128x128xf32, #tpu.memory_space<vmem>>) offsets(%dma_start3A_60 : memref<128xi32, #tpu.memory_space<vmem>>) semaphore(%arg10 : memref<!tpu.dma_semaphore, #tpu.memory_space<semaphore_mem>>)
    %dma_start3A_64 = arith.constant 0 : i32
    %dma_start3A_65 = arith.constant 0 : i32
    %dma_start3A_66 = arith.constant 0 : i32
    %dma_start3A_67 = arith.constant 0 : i32
    %dma_start3A_68 = tpu.memref_slice %arg8[%dma_start3A_64, %dma_start3A_66, %dma_start3A_67] : memref<2x128x128xf32, #tpu.memory_space<vmem>> -> memref<1x128x128xf32, #tpu.memory_space<vmem>>
    %dma_start3A_69 = tpu.memref_squeeze %dma_start3A_68 : memref<1x128x128xf32, #tpu.memory_space<vmem>> -> memref<128x128xf32, #tpu.memory_space<vmem>>
    %dma_start3A_70 = arith.constant 0 : i32
    %dma_start3A_71 = tpu.memref_slice %arg7[%dma_start3A_65, %dma_start3A_70] : memref<2x128xi32, #tpu.memory_space<vmem>> -> memref<1x128xi32, #tpu.memory_space<vmem>>
    %dma_start3A_72 = tpu.memref_squeeze %dma_start3A_71 : memref<1x128xi32, #tpu.memory_space<vmem>> -> memref<128xi32, #tpu.memory_space<vmem>>
    %dma_start3A_73 = arith.constant 0 : i32
    %dma_start3A_74 = arith.constant 0 : i32
    %dma_start3A_75 = tpu.memref_slice %arg9[%dma_start3A_73, %dma_start3A_74] : memref<5120x128xf32, #tpu.memory_space<vmem_shared>> -> memref<5120x128xf32, #tpu.memory_space<vmem_shared>>
    tpu.enqueue_indirect_dma source(%dma_start3A_69 : memref<128x128xf32, #tpu.memory_space<vmem>>) target(%dma_start3A_75 : memref<5120x128xf32, #tpu.memory_space<vmem_shared>>) offsets(%dma_start3A_72 : memref<128xi32, #tpu.memory_space<vmem>>) semaphore(%arg11 : memref<!tpu.dma_semaphore, #tpu.memory_space<semaphore_mem>>) {add = true}
    %scan3A_76 = arith.constant 0 : i32
    %scan3A_77 = arith.constant 0 : i32
    %scan3A_78 = arith.constant 78 : i32
    %scan3A_79 = arith.addi %scan3A_77, %scan3A_78 : i32
    %scan3A_80 = arith.constant 1 : i32
    %scan3A_81 = scf.for %scan3A_102 = %scan3A_77 to %scan3A_79 step %scan3A_80 iter_args(%scan3A_103 = %scan3A_76) -> (i32)  : i32 {
      %dma_wait3A_104 = arith.constant 1 : i32
      %dma_wait3A_105 = arith.constant 1 : i32
      %dma_wait3A_106 = arith.constant 0 : i32
      %dma_wait3A_107 = arith.constant 0 : i32
      %dma_wait3A_108 = tpu.memref_slice %arg8[%dma_wait3A_105, %dma_wait3A_106, %dma_wait3A_107] : memref<2x128x128xf32, #tpu.memory_space<vmem>> -> memref<1x128x128xf32, #tpu.memory_space<vmem>>
      %dma_wait3A_109 = tpu.memref_squeeze %dma_wait3A_108 : memref<1x128x128xf32, #tpu.memory_space<vmem>> -> memref<128x128xf32, #tpu.memory_space<vmem>>
      %dma_wait3A_110 = arith.constant 0 : i32
      %dma_wait3A_111 = tpu.memref_slice %arg6[%dma_wait3A_104, %dma_wait3A_110] : memref<2x128xi32, #tpu.memory_space<vmem>> -> memref<1x128xi32, #tpu.memory_space<vmem>>
      %dma_wait3A_112 = tpu.memref_squeeze %dma_wait3A_111 : memref<1x128xi32, #tpu.memory_space<vmem>> -> memref<128xi32, #tpu.memory_space<vmem>>
      %dma_wait3A_113 = arith.constant 0 : i32
      %dma_wait3A_114 = arith.constant 0 : i32
      %dma_wait3A_115 = tpu.memref_slice %arg2[%dma_wait3A_113, %dma_wait3A_114] : memref<10000x128xf32, #tpu.memory_space<hbm>> -> memref<10000x128xf32, #tpu.memory_space<hbm>>
      tpu.wait_indirect_dma semaphore(%arg10 : memref<!tpu.dma_semaphore, #tpu.memory_space<semaphore_mem>>) src(%dma_wait3A_115 : memref<10000x128xf32, #tpu.memory_space<hbm>>) dst(%dma_wait3A_109 : memref<128x128xf32, #tpu.memory_space<vmem>>)
      %dma_wait3A_116 = arith.constant 0 : i32
      %dma_wait3A_117 = arith.constant 0 : i32
      %dma_wait3A_118 = arith.constant 0 : i32
      %dma_wait3A_119 = arith.constant 0 : i32
      %dma_wait3A_120 = tpu.memref_slice %arg8[%dma_wait3A_116, %dma_wait3A_118, %dma_wait3A_119] : memref<2x128x128xf32, #tpu.memory_space<vmem>> -> memref<1x128x128xf32, #tpu.memory_space<vmem>>
      %dma_wait3A_121 = tpu.memref_squeeze %dma_wait3A_120 : memref<1x128x128xf32, #tpu.memory_space<vmem>> -> memref<128x128xf32, #tpu.memory_space<vmem>>
      %dma_wait3A_122 = arith.constant 0 : i32
      %dma_wait3A_123 = tpu.memref_slice %arg7[%dma_wait3A_117, %dma_wait3A_122] : memref<2x128xi32, #tpu.memory_space<vmem>> -> memref<1x128xi32, #tpu.memory_space<vmem>>
      %dma_wait3A_124 = tpu.memref_squeeze %dma_wait3A_123 : memref<1x128xi32, #tpu.memory_space<vmem>> -> memref<128xi32, #tpu.memory_space<vmem>>
      %dma_wait3A_125 = arith.constant 0 : i32
      %dma_wait3A_126 = arith.constant 0 : i32
      %dma_wait3A_127 = tpu.memref_slice %arg9[%dma_wait3A_125, %dma_wait3A_126] : memref<5120x128xf32, #tpu.memory_space<vmem_shared>> -> memref<5120x128xf32, #tpu.memory_space<vmem_shared>>
      tpu.wait_indirect_dma semaphore(%arg11 : memref<!tpu.dma_semaphore, #tpu.memory_space<semaphore_mem>>) src(%dma_wait3A_121 : memref<128x128xf32, #tpu.memory_space<vmem>>) dst(%dma_wait3A_127 : memref<5120x128xf32, #tpu.memory_space<vmem_shared>>)
      %mul3A_128 = arith.constant 2 : i32
      %mul3A_129 = arith.muli %mul3A_128, %scan3A_102 : i32
      %add3A_130 = arith.constant 2 : i32
      %add3A_131 = arith.addi %mul3A_129, %add3A_130 : i32
      %mul3A_132 = arith.constant 16 : i32
      %mul3A_133 = arith.muli %add3A_131, %mul3A_132 : i32
      %add3A_134 = arith.addi %mul3A_133, %arg1 : i32
      %mul3A_135 = arith.constant 128 : i32
      %mul3A_136 = arith.muli %add3A_134, %mul3A_135 : i32
      %run_scoped3A_137 = arith.constant 0 : i32
      "tpu.region"() ({
        %run_scoped3A_212 = tpu.sem_alloc : memref<!tpu.dma_semaphore, #tpu.memory_space<semaphore_mem>>
        %dma_start3A_213 = arith.constant 0 : i32
        %dma_start3A_214 = tpu.memref_slice %arg6[%run_scoped3A_137, %dma_start3A_213] : memref<2x128xi32, #tpu.memory_space<vmem>> -> memref<1x128xi32, #tpu.memory_space<vmem>>
        %dma_start3A_215 = tpu.memref_squeeze %dma_start3A_214 : memref<1x128xi32, #tpu.memory_space<vmem>> -> memref<128xi32, #tpu.memory_space<vmem>>
        %dma_start3A_216 = tpu.memref_slice %arg3[%mul3A_136] : memref<321536xi32, #tpu.memory_space<hbm>> -> memref<128xi32, #tpu.memory_space<hbm>>
        %dma_start3A_217 = arith.constant 0 : i32
        %dma_start3A_218 = tpu.memref_slice %arg6[%run_scoped3A_137, %dma_start3A_217] : memref<2x128xi32, #tpu.memory_space<vmem>> -> memref<1x128xi32, #tpu.memory_space<vmem>>
        %dma_start3A_219 = tpu.memref_squeeze %dma_start3A_218 : memref<1x128xi32, #tpu.memory_space<vmem>> -> memref<128xi32, #tpu.memory_space<vmem>>
        %dma_start3A_220 = tpu.memref_slice %arg3[%mul3A_136] : memref<321536xi32, #tpu.memory_space<hbm>> -> memref<128xi32, #tpu.memory_space<hbm>>
        tpu.enqueue_dma source(%dma_start3A_220 : memref<128xi32, #tpu.memory_space<hbm>>) target(%dma_start3A_219 : memref<128xi32, #tpu.memory_space<vmem>>) target_semaphore(%run_scoped3A_212 : memref<!tpu.dma_semaphore, #tpu.memory_space<semaphore_mem>>)
        %dma_wait3A_221 = arith.constant 0 : i32
        %dma_wait3A_222 = tpu.memref_slice %arg6[%run_scoped3A_137, %dma_wait3A_221] : memref<2x128xi32, #tpu.memory_space<vmem>> -> memref<1x128xi32, #tpu.memory_space<vmem>>
        %dma_wait3A_223 = tpu.memref_squeeze %dma_wait3A_222 : memref<1x128xi32, #tpu.memory_space<vmem>> -> memref<128xi32, #tpu.memory_space<vmem>>
        %dma_wait3A_224 = tpu.memref_slice %arg3[%mul3A_136] : memref<321536xi32, #tpu.memory_space<hbm>> -> memref<128xi32, #tpu.memory_space<hbm>>
        %dma_wait3A_225 = arith.constant 0 : i32
        %dma_wait3A_226 = tpu.memref_slice %arg6[%run_scoped3A_137, %dma_wait3A_225] : memref<2x128xi32, #tpu.memory_space<vmem>> -> memref<1x128xi32, #tpu.memory_space<vmem>>
        %dma_wait3A_227 = tpu.memref_squeeze %dma_wait3A_226 : memref<1x128xi32, #tpu.memory_space<vmem>> -> memref<128xi32, #tpu.memory_space<vmem>>
        %dma_wait3A_228 = tpu.memref_slice %arg3[%mul3A_136] : memref<321536xi32, #tpu.memory_space<hbm>> -> memref<128xi32, #tpu.memory_space<hbm>>
        tpu.wait_dma2 semaphore(%run_scoped3A_212 : memref<!tpu.dma_semaphore, #tpu.memory_space<semaphore_mem>>) src(%dma_wait3A_228 : memref<128xi32, #tpu.memory_space<hbm>>) dst(%dma_wait3A_227 : memref<128xi32, #tpu.memory_space<vmem>>)
        tpu.yield
      }) : () -> ()
      %mul3A_138 = arith.constant 321536 : i32
      %mul3A_139 = arith.muli %arg0, %mul3A_138 : i32
      %add3A_140 = arith.addi %mul3A_139, %mul3A_136 : i32
      %run_scoped3A_141 = arith.constant 0 : i32
      "tpu.region"() ({
        %run_scoped3A_212 = tpu.sem_alloc : memref<!tpu.dma_semaphore, #tpu.memory_space<semaphore_mem>>
        %dma_start3A_213 = arith.constant 0 : i32
        %dma_start3A_214 = tpu.memref_slice %arg7[%run_scoped3A_141, %dma_start3A_213] : memref<2x128xi32, #tpu.memory_space<vmem>> -> memref<1x128xi32, #tpu.memory_space<vmem>>
        %dma_start3A_215 = tpu.memref_squeeze %dma_start3A_214 : memref<1x128xi32, #tpu.memory_space<vmem>> -> memref<128xi32, #tpu.memory_space<vmem>>
        %dma_start3A_216 = tpu.memref_slice %arg4[%add3A_140] : memref<643072xi32, #tpu.memory_space<hbm>> -> memref<128xi32, #tpu.memory_space<hbm>>
        %dma_start3A_217 = arith.constant 0 : i32
        %dma_start3A_218 = tpu.memref_slice %arg7[%run_scoped3A_141, %dma_start3A_217] : memref<2x128xi32, #tpu.memory_space<vmem>> -> memref<1x128xi32, #tpu.memory_space<vmem>>
        %dma_start3A_219 = tpu.memref_squeeze %dma_start3A_218 : memref<1x128xi32, #tpu.memory_space<vmem>> -> memref<128xi32, #tpu.memory_space<vmem>>
        %dma_start3A_220 = tpu.memref_slice %arg4[%add3A_140] : memref<643072xi32, #tpu.memory_space<hbm>> -> memref<128xi32, #tpu.memory_space<hbm>>
        tpu.enqueue_dma source(%dma_start3A_220 : memref<128xi32, #tpu.memory_space<hbm>>) target(%dma_start3A_219 : memref<128xi32, #tpu.memory_space<vmem>>) target_semaphore(%run_scoped3A_212 : memref<!tpu.dma_semaphore, #tpu.memory_space<semaphore_mem>>)
        %dma_wait3A_221 = arith.constant 0 : i32
        %dma_wait3A_222 = tpu.memref_slice %arg7[%run_scoped3A_141, %dma_wait3A_221] : memref<2x128xi32, #tpu.memory_space<vmem>> -> memref<1x128xi32, #tpu.memory_space<vmem>>
        %dma_wait3A_223 = tpu.memref_squeeze %dma_wait3A_222 : memref<1x128xi32, #tpu.memory_space<vmem>> -> memref<128xi32, #tpu.memory_space<vmem>>
        %dma_wait3A_224 = tpu.memref_slice %arg4[%add3A_140] : memref<643072xi32, #tpu.memory_space<hbm>> -> memref<128xi32, #tpu.memory_space<hbm>>
        %dma_wait3A_225 = arith.constant 0 : i32
        %dma_wait3A_226 = tpu.memref_slice %arg7[%run_scoped3A_141, %dma_wait3A_225] : memref<2x128xi32, #tpu.memory_space<vmem>> -> memref<1x128xi32, #tpu.memory_space<vmem>>
        %dma_wait3A_227 = tpu.memref_squeeze %dma_wait3A_226 : memref<1x128xi32, #tpu.memory_space<vmem>> -> memref<128xi32, #tpu.memory_space<vmem>>
        %dma_wait3A_228 = tpu.memref_slice %arg4[%add3A_140] : memref<643072xi32, #tpu.memory_space<hbm>> -> memref<128xi32, #tpu.memory_space<hbm>>
        tpu.wait_dma2 semaphore(%run_scoped3A_212 : memref<!tpu.dma_semaphore, #tpu.memory_space<semaphore_mem>>) src(%dma_wait3A_228 : memref<128xi32, #tpu.memory_space<hbm>>) dst(%dma_wait3A_227 : memref<128xi32, #tpu.memory_space<vmem>>)
        tpu.yield
      }) : () -> ()
      %dma_start3A_142 = arith.constant 0 : i32
      %dma_start3A_143 = arith.constant 0 : i32
      %dma_start3A_144 = arith.constant 0 : i32
      %dma_start3A_145 = arith.constant 0 : i32
      %dma_start3A_146 = tpu.memref_slice %arg8[%dma_start3A_143, %dma_start3A_144, %dma_start3A_145] : memref<2x128x128xf32, #tpu.memory_space<vmem>> -> memref<1x128x128xf32, #tpu.memory_space<vmem>>
      %dma_start3A_147 = tpu.memref_squeeze %dma_start3A_146 : memref<1x128x128xf32, #tpu.memory_space<vmem>> -> memref<128x128xf32, #tpu.memory_space<vmem>>
      %dma_start3A_148 = arith.constant 0 : i32
      %dma_start3A_149 = tpu.memref_slice %arg6[%dma_start3A_142, %dma_start3A_148] : memref<2x128xi32, #tpu.memory_space<vmem>> -> memref<1x128xi32, #tpu.memory_space<vmem>>
      %dma_start3A_150 = tpu.memref_squeeze %dma_start3A_149 : memref<1x128xi32, #tpu.memory_space<vmem>> -> memref<128xi32, #tpu.memory_space<vmem>>
      %dma_start3A_151 = arith.constant 0 : i32
      %dma_start3A_152 = arith.constant 0 : i32
      %dma_start3A_153 = tpu.memref_slice %arg2[%dma_start3A_151, %dma_start3A_152] : memref<10000x128xf32, #tpu.memory_space<hbm>> -> memref<10000x128xf32, #tpu.memory_space<hbm>>
      tpu.enqueue_indirect_dma source(%dma_start3A_153 : memref<10000x128xf32, #tpu.memory_space<hbm>>) target(%dma_start3A_147 : memref<128x128xf32, #tpu.memory_space<vmem>>) offsets(%dma_start3A_150 : memref<128xi32, #tpu.memory_space<vmem>>) semaphore(%arg10 : memref<!tpu.dma_semaphore, #tpu.memory_space<semaphore_mem>>)
      %dma_start3A_154 = arith.constant 1 : i32
      %dma_start3A_155 = arith.constant 1 : i32
      %dma_start3A_156 = arith.constant 0 : i32
      %dma_start3A_157 = arith.constant 0 : i32
      %dma_start3A_158 = tpu.memref_slice %arg8[%dma_start3A_154, %dma_start3A_156, %dma_start3A_157] : memref<2x128x128xf32, #tpu.memory_space<vmem>> -> memref<1x128x128xf32, #tpu.memory_space<vmem>>
      %dma_start3A_159 = tpu.memref_squeeze %dma_start3A_158 : memref<1x128x128xf32, #tpu.memory_space<vmem>> -> memref<128x128xf32, #tpu.memory_space<vmem>>
      %dma_start3A_160 = arith.constant 0 : i32
      %dma_start3A_161 = tpu.memref_slice %arg7[%dma_start3A_155, %dma_start3A_160] : memref<2x128xi32, #tpu.memory_space<vmem>> -> memref<1x128xi32, #tpu.memory_space<vmem>>
      %dma_start3A_162 = tpu.memref_squeeze %dma_start3A_161 : memref<1x128xi32, #tpu.memory_space<vmem>> -> memref<128xi32, #tpu.memory_space<vmem>>
      %dma_start3A_163 = arith.constant 0 : i32
      %dma_start3A_164 = arith.constant 0 : i32
      %dma_start3A_165 = tpu.memref_slice %arg9[%dma_start3A_163, %dma_start3A_164] : memref<5120x128xf32, #tpu.memory_space<vmem_shared>> -> memref<5120x128xf32, #tpu.memory_space<vmem_shared>>
      tpu.enqueue_indirect_dma source(%dma_start3A_159 : memref<128x128xf32, #tpu.memory_space<vmem>>) target(%dma_start3A_165 : memref<5120x128xf32, #tpu.memory_space<vmem_shared>>) offsets(%dma_start3A_162 : memref<128xi32, #tpu.memory_space<vmem>>) semaphore(%arg12 : memref<!tpu.dma_semaphore, #tpu.memory_space<semaphore_mem>>) {add = true}
      %dma_wait3A_166 = arith.constant 0 : i32
      %dma_wait3A_167 = arith.constant 0 : i32
      %dma_wait3A_168 = arith.constant 0 : i32
      %dma_wait3A_169 = arith.constant 0 : i32
      %dma_wait3A_170 = tpu.memref_slice %arg8[%dma_wait3A_167, %dma_wait3A_168, %dma_wait3A_169] : memref<2x128x128xf32, #tpu.memory_space<vmem>> -> memref<1x128x128xf32, #tpu.memory_space<vmem>>
      %dma_wait3A_171 = tpu.memref_squeeze %dma_wait3A_170 : memref<1x128x128xf32, #tpu.memory_space<vmem>> -> memref<128x128xf32, #tpu.memory_space<vmem>>
      %dma_wait3A_172 = arith.constant 0 : i32
      %dma_wait3A_173 = tpu.memref_slice %arg6[%dma_wait3A_166, %dma_wait3A_172] : memref<2x128xi32, #tpu.memory_space<vmem>> -> memref<1x128xi32, #tpu.memory_space<vmem>>
      %dma_wait3A_174 = tpu.memref_squeeze %dma_wait3A_173 : memref<1x128xi32, #tpu.memory_space<vmem>> -> memref<128xi32, #tpu.memory_space<vmem>>
      %dma_wait3A_175 = arith.constant 0 : i32
      %dma_wait3A_176 = arith.constant 0 : i32
      %dma_wait3A_177 = tpu.memref_slice %arg2[%dma_wait3A_175, %dma_wait3A_176] : memref<10000x128xf32, #tpu.memory_space<hbm>> -> memref<10000x128xf32, #tpu.memory_space<hbm>>
      tpu.wait_indirect_dma semaphore(%arg10 : memref<!tpu.dma_semaphore, #tpu.memory_space<semaphore_mem>>) src(%dma_wait3A_177 : memref<10000x128xf32, #tpu.memory_space<hbm>>) dst(%dma_wait3A_171 : memref<128x128xf32, #tpu.memory_space<vmem>>)
      %dma_wait3A_178 = arith.constant 1 : i32
      %dma_wait3A_179 = arith.constant 1 : i32
      %dma_wait3A_180 = arith.constant 0 : i32
      %dma_wait3A_181 = arith.constant 0 : i32
      %dma_wait3A_182 = tpu.memref_slice %arg8[%dma_wait3A_178, %dma_wait3A_180, %dma_wait3A_181] : memref<2x128x128xf32, #tpu.memory_space<vmem>> -> memref<1x128x128xf32, #tpu.memory_space<vmem>>
      %dma_wait3A_183 = tpu.memref_squeeze %dma_wait3A_182 : memref<1x128x128xf32, #tpu.memory_space<vmem>> -> memref<128x128xf32, #tpu.memory_space<vmem>>
      %dma_wait3A_184 = arith.constant 0 : i32
      %dma_wait3A_185 = tpu.memref_slice %arg7[%dma_wait3A_179, %dma_wait3A_184] : memref<2x128xi32, #tpu.memory_space<vmem>> -> memref<1x128xi32, #tpu.memory_space<vmem>>
      %dma_wait3A_186 = tpu.memref_squeeze %dma_wait3A_185 : memref<1x128xi32, #tpu.memory_space<vmem>> -> memref<128xi32, #tpu.memory_space<vmem>>
      %dma_wait3A_187 = arith.constant 0 : i32
      %dma_wait3A_188 = arith.constant 0 : i32
      %dma_wait3A_189 = tpu.memref_slice %arg9[%dma_wait3A_187, %dma_wait3A_188] : memref<5120x128xf32, #tpu.memory_space<vmem_shared>> -> memref<5120x128xf32, #tpu.memory_space<vmem_shared>>
      tpu.wait_indirect_dma semaphore(%arg12 : memref<!tpu.dma_semaphore, #tpu.memory_space<semaphore_mem>>) src(%dma_wait3A_183 : memref<128x128xf32, #tpu.memory_space<vmem>>) dst(%dma_wait3A_189 : memref<5120x128xf32, #tpu.memory_space<vmem_shared>>)
      %mul3A_190 = arith.constant 2 : i32
      %mul3A_191 = arith.muli %mul3A_190, %scan3A_102 : i32
      %add3A_192 = arith.constant 3 : i32
      %add3A_193 = arith.addi %mul3A_191, %add3A_192 : i32
      %lt3A_194 = arith.constant 157 : i32
      %lt3A_195 = arith.cmpi slt, %add3A_193, %lt3A_194 : i32
      %convert_element_type3A_196 = arith.extui %lt3A_195 : i1 to i32
      %cond3A_197 = arith.constant 0 : i32
      %cond3A_198 = arith.cmpi ne, %convert_element_type3A_196, %cond3A_197 : i32
      scf.if %cond3A_198 {
        %mul3A_212 = arith.constant 2 : i32
        %mul3A_213 = arith.muli %mul3A_212, %scan3A_102 : i32
        %add3A_214 = arith.constant 3 : i32
        %add3A_215 = arith.addi %mul3A_213, %add3A_214 : i32
        %mul3A_216 = arith.constant 16 : i32
        %mul3A_217 = arith.muli %add3A_215, %mul3A_216 : i32
        %add3A_218 = arith.addi %mul3A_217, %arg1 : i32
        %mul3A_219 = arith.constant 128 : i32
        %mul3A_220 = arith.muli %add3A_218, %mul3A_219 : i32
        %run_scoped3A_221 = arith.constant 1 : i32
        "tpu.region"() ({
          %run_scoped3A_238 = tpu.sem_alloc : memref<!tpu.dma_semaphore, #tpu.memory_space<semaphore_mem>>
          %dma_start3A_239 = arith.constant 0 : i32
          %dma_start3A_240 = tpu.memref_slice %arg6[%run_scoped3A_221, %dma_start3A_239] : memref<2x128xi32, #tpu.memory_space<vmem>> -> memref<1x128xi32, #tpu.memory_space<vmem>>
          %dma_start3A_241 = tpu.memref_squeeze %dma_start3A_240 : memref<1x128xi32, #tpu.memory_space<vmem>> -> memref<128xi32, #tpu.memory_space<vmem>>
          %dma_start3A_242 = tpu.memref_slice %arg3[%mul3A_220] : memref<321536xi32, #tpu.memory_space<hbm>> -> memref<128xi32, #tpu.memory_space<hbm>>
          %dma_start3A_243 = arith.constant 0 : i32
          %dma_start3A_244 = tpu.memref_slice %arg6[%run_scoped3A_221, %dma_start3A_243] : memref<2x128xi32, #tpu.memory_space<vmem>> -> memref<1x128xi32, #tpu.memory_space<vmem>>
          %dma_start3A_245 = tpu.memref_squeeze %dma_start3A_244 : memref<1x128xi32, #tpu.memory_space<vmem>> -> memref<128xi32, #tpu.memory_space<vmem>>
          %dma_start3A_246 = tpu.memref_slice %arg3[%mul3A_220] : memref<321536xi32, #tpu.memory_space<hbm>> -> memref<128xi32, #tpu.memory_space<hbm>>
          tpu.enqueue_dma source(%dma_start3A_246 : memref<128xi32, #tpu.memory_space<hbm>>) target(%dma_start3A_245 : memref<128xi32, #tpu.memory_space<vmem>>) target_semaphore(%run_scoped3A_238 : memref<!tpu.dma_semaphore, #tpu.memory_space<semaphore_mem>>)
          %dma_wait3A_247 = arith.constant 0 : i32
          %dma_wait3A_248 = tpu.memref_slice %arg6[%run_scoped3A_221, %dma_wait3A_247] : memref<2x128xi32, #tpu.memory_space<vmem>> -> memref<1x128xi32, #tpu.memory_space<vmem>>
          %dma_wait3A_249 = tpu.memref_squeeze %dma_wait3A_248 : memref<1x128xi32, #tpu.memory_space<vmem>> -> memref<128xi32, #tpu.memory_space<vmem>>
          %dma_wait3A_250 = tpu.memref_slice %arg3[%mul3A_220] : memref<321536xi32, #tpu.memory_space<hbm>> -> memref<128xi32, #tpu.memory_space<hbm>>
          %dma_wait3A_251 = arith.constant 0 : i32
          %dma_wait3A_252 = tpu.memref_slice %arg6[%run_scoped3A_221, %dma_wait3A_251] : memref<2x128xi32, #tpu.memory_space<vmem>> -> memref<1x128xi32, #tpu.memory_space<vmem>>
          %dma_wait3A_253 = tpu.memref_squeeze %dma_wait3A_252 : memref<1x128xi32, #tpu.memory_space<vmem>> -> memref<128xi32, #tpu.memory_space<vmem>>
          %dma_wait3A_254 = tpu.memref_slice %arg3[%mul3A_220] : memref<321536xi32, #tpu.memory_space<hbm>> -> memref<128xi32, #tpu.memory_space<hbm>>
          tpu.wait_dma2 semaphore(%run_scoped3A_238 : memref<!tpu.dma_semaphore, #tpu.memory_space<semaphore_mem>>) src(%dma_wait3A_254 : memref<128xi32, #tpu.memory_space<hbm>>) dst(%dma_wait3A_253 : memref<128xi32, #tpu.memory_space<vmem>>)
          tpu.yield
        }) : () -> ()
        %mul3A_222 = arith.constant 321536 : i32
        %mul3A_223 = arith.muli %arg0, %mul3A_222 : i32
        %add3A_224 = arith.addi %mul3A_223, %mul3A_220 : i32
        %run_scoped3A_225 = arith.constant 1 : i32
        "tpu.region"() ({
          %run_scoped3A_238 = tpu.sem_alloc : memref<!tpu.dma_semaphore, #tpu.memory_space<semaphore_mem>>
          %dma_start3A_239 = arith.constant 0 : i32
          %dma_start3A_240 = tpu.memref_slice %arg7[%run_scoped3A_225, %dma_start3A_239] : memref<2x128xi32, #tpu.memory_space<vmem>> -> memref<1x128xi32, #tpu.memory_space<vmem>>
          %dma_start3A_241 = tpu.memref_squeeze %dma_start3A_240 : memref<1x128xi32, #tpu.memory_space<vmem>> -> memref<128xi32, #tpu.memory_space<vmem>>
          %dma_start3A_242 = tpu.memref_slice %arg4[%add3A_224] : memref<643072xi32, #tpu.memory_space<hbm>> -> memref<128xi32, #tpu.memory_space<hbm>>
          %dma_start3A_243 = arith.constant 0 : i32
          %dma_start3A_244 = tpu.memref_slice %arg7[%run_scoped3A_225, %dma_start3A_243] : memref<2x128xi32, #tpu.memory_space<vmem>> -> memref<1x128xi32, #tpu.memory_space<vmem>>
          %dma_start3A_245 = tpu.memref_squeeze %dma_start3A_244 : memref<1x128xi32, #tpu.memory_space<vmem>> -> memref<128xi32, #tpu.memory_space<vmem>>
          %dma_start3A_246 = tpu.memref_slice %arg4[%add3A_224] : memref<643072xi32, #tpu.memory_space<hbm>> -> memref<128xi32, #tpu.memory_space<hbm>>
          tpu.enqueue_dma source(%dma_start3A_246 : memref<128xi32, #tpu.memory_space<hbm>>) target(%dma_start3A_245 : memref<128xi32, #tpu.memory_space<vmem>>) target_semaphore(%run_scoped3A_238 : memref<!tpu.dma_semaphore, #tpu.memory_space<semaphore_mem>>)
          %dma_wait3A_247 = arith.constant 0 : i32
          %dma_wait3A_248 = tpu.memref_slice %arg7[%run_scoped3A_225, %dma_wait3A_247] : memref<2x128xi32, #tpu.memory_space<vmem>> -> memref<1x128xi32, #tpu.memory_space<vmem>>
          %dma_wait3A_249 = tpu.memref_squeeze %dma_wait3A_248 : memref<1x128xi32, #tpu.memory_space<vmem>> -> memref<128xi32, #tpu.memory_space<vmem>>
          %dma_wait3A_250 = tpu.memref_slice %arg4[%add3A_224] : memref<643072xi32, #tpu.memory_space<hbm>> -> memref<128xi32, #tpu.memory_space<hbm>>
          %dma_wait3A_251 = arith.constant 0 : i32
          %dma_wait3A_252 = tpu.memref_slice %arg7[%run_scoped3A_225, %dma_wait3A_251] : memref<2x128xi32, #tpu.memory_space<vmem>> -> memref<1x128xi32, #tpu.memory_space<vmem>>
          %dma_wait3A_253 = tpu.memref_squeeze %dma_wait3A_252 : memref<1x128xi32, #tpu.memory_space<vmem>> -> memref<128xi32, #tpu.memory_space<vmem>>
          %dma_wait3A_254 = tpu.memref_slice %arg4[%add3A_224] : memref<643072xi32, #tpu.memory_space<hbm>> -> memref<128xi32, #tpu.memory_space<hbm>>
          tpu.wait_dma2 semaphore(%run_scoped3A_238 : memref<!tpu.dma_semaphore, #tpu.memory_space<semaphore_mem>>) src(%dma_wait3A_254 : memref<128xi32, #tpu.memory_space<hbm>>) dst(%dma_wait3A_253 : memref<128xi32, #tpu.memory_space<vmem>>)
          tpu.yield
        }) : () -> ()
        %dma_start3A_226 = arith.constant 1 : i32
        %dma_start3A_227 = arith.constant 1 : i32
        %dma_start3A_228 = arith.constant 0 : i32
        %dma_start3A_229 = arith.constant 0 : i32
        %dma_start3A_230 = tpu.memref_slice %arg8[%dma_start3A_227, %dma_start3A_228, %dma_start3A_229] : memref<2x128x128xf32, #tpu.memory_space<vmem>> -> memref<1x128x128xf32, #tpu.memory_space<vmem>>
        %dma_start3A_231 = tpu.memref_squeeze %dma_start3A_230 : memref<1x128x128xf32, #tpu.memory_space<vmem>> -> memref<128x128xf32, #tpu.memory_space<vmem>>
        %dma_start3A_232 = arith.constant 0 : i32
        %dma_start3A_233 = tpu.memref_slice %arg6[%dma_start3A_226, %dma_start3A_232] : memref<2x128xi32, #tpu.memory_space<vmem>> -> memref<1x128xi32, #tpu.memory_space<vmem>>
        %dma_start3A_234 = tpu.memref_squeeze %dma_start3A_233 : memref<1x128xi32, #tpu.memory_space<vmem>> -> memref<128xi32, #tpu.memory_space<vmem>>
        %dma_start3A_235 = arith.constant 0 : i32
        %dma_start3A_236 = arith.constant 0 : i32
        %dma_start3A_237 = tpu.memref_slice %arg2[%dma_start3A_235, %dma_start3A_236] : memref<10000x128xf32, #tpu.memory_space<hbm>> -> memref<10000x128xf32, #tpu.memory_space<hbm>>
        tpu.enqueue_indirect_dma source(%dma_start3A_237 : memref<10000x128xf32, #tpu.memory_space<hbm>>) target(%dma_start3A_231 : memref<128x128xf32, #tpu.memory_space<vmem>>) offsets(%dma_start3A_234 : memref<128xi32, #tpu.memory_space<vmem>>) semaphore(%arg10 : memref<!tpu.dma_semaphore, #tpu.memory_space<semaphore_mem>>)
      } else {
      }
      %dma_start3A_199 = arith.constant 0 : i32
      %dma_start3A_200 = arith.constant 0 : i32
      %dma_start3A_201 = arith.constant 0 : i32
      %dma_start3A_202 = arith.constant 0 : i32
      %dma_start3A_203 = tpu.memref_slice %arg8[%dma_start3A_199, %dma_start3A_201, %dma_start3A_202] : memref<2x128x128xf32, #tpu.memory_space<vmem>> -> memref<1x128x128xf32, #tpu.memory_space<vmem>>
      %dma_start3A_204 = tpu.memref_squeeze %dma_start3A_203 : memref<1x128x128xf32, #tpu.memory_space<vmem>> -> memref<128x128xf32, #tpu.memory_space<vmem>>
      %dma_start3A_205 = arith.constant 0 : i32
      %dma_start3A_206 = tpu.memref_slice %arg7[%dma_start3A_200, %dma_start3A_205] : memref<2x128xi32, #tpu.memory_space<vmem>> -> memref<1x128xi32, #tpu.memory_space<vmem>>
      %dma_start3A_207 = tpu.memref_squeeze %dma_start3A_206 : memref<1x128xi32, #tpu.memory_space<vmem>> -> memref<128xi32, #tpu.memory_space<vmem>>
      %dma_start3A_208 = arith.constant 0 : i32
      %dma_start3A_209 = arith.constant 0 : i32
      %dma_start3A_210 = tpu.memref_slice %arg9[%dma_start3A_208, %dma_start3A_209] : memref<5120x128xf32, #tpu.memory_space<vmem_shared>> -> memref<5120x128xf32, #tpu.memory_space<vmem_shared>>
      tpu.enqueue_indirect_dma source(%dma_start3A_204 : memref<128x128xf32, #tpu.memory_space<vmem>>) target(%dma_start3A_210 : memref<5120x128xf32, #tpu.memory_space<vmem_shared>>) offsets(%dma_start3A_207 : memref<128xi32, #tpu.memory_space<vmem>>) semaphore(%arg11 : memref<!tpu.dma_semaphore, #tpu.memory_space<semaphore_mem>>) {add = true}
      %scan3A_211 = arith.constant 0 : i32
      scf.yield %scan3A_211 : i32
    }
    %scan3A_82 = arith.constant 78 : i32
    %dma_wait3A_83 = arith.constant 0 : i32
    %dma_wait3A_84 = arith.constant 0 : i32
    %dma_wait3A_85 = arith.constant 0 : i32
    %dma_wait3A_86 = arith.constant 0 : i32
    %dma_wait3A_87 = tpu.memref_slice %arg8[%dma_wait3A_83, %dma_wait3A_85, %dma_wait3A_86] : memref<2x128x128xf32, #tpu.memory_space<vmem>> -> memref<1x128x128xf32, #tpu.memory_space<vmem>>
    %dma_wait3A_88 = tpu.memref_squeeze %dma_wait3A_87 : memref<1x128x128xf32, #tpu.memory_space<vmem>> -> memref<128x128xf32, #tpu.memory_space<vmem>>
    %dma_wait3A_89 = arith.constant 0 : i32
    %dma_wait3A_90 = tpu.memref_slice %arg7[%dma_wait3A_84, %dma_wait3A_89] : memref<2x128xi32, #tpu.memory_space<vmem>> -> memref<1x128xi32, #tpu.memory_space<vmem>>
    %dma_wait3A_91 = tpu.memref_squeeze %dma_wait3A_90 : memref<1x128xi32, #tpu.memory_space<vmem>> -> memref<128xi32, #tpu.memory_space<vmem>>
    %dma_wait3A_92 = arith.constant 0 : i32
    %dma_wait3A_93 = arith.constant 0 : i32
    %dma_wait3A_94 = tpu.memref_slice %arg9[%dma_wait3A_92, %dma_wait3A_93] : memref<5120x128xf32, #tpu.memory_space<vmem_shared>> -> memref<5120x128xf32, #tpu.memory_space<vmem_shared>>
    tpu.wait_indirect_dma semaphore(%arg11 : memref<!tpu.dma_semaphore, #tpu.memory_space<semaphore_mem>>) src(%dma_wait3A_88 : memref<128x128xf32, #tpu.memory_space<vmem>>) dst(%dma_wait3A_94 : memref<5120x128xf32, #tpu.memory_space<vmem_shared>>)
    %barrier3A_95 = arith.constant 0 : index
    tpu.barrier barrier_id(%barrier3A_95)
    %lt3A = arith.constant 15 : i32
    %lt3A_96 = arith.cmpi slt, %arg1, %lt3A : i32
    %convert_element_type3A = arith.extui %lt3A_96 : i1 to i32
    %cond3A = arith.constant 0 : i32
    %cond3A_97 = arith.cmpi ne, %convert_element_type3A, %cond3A : i32
    scf.if %cond3A_97 {
      %mul3A_102 = arith.constant 320 : i32
      %mul3A_103 = arith.muli %arg1, %mul3A_102 : i32
      %mul3A_104 = arith.constant 5000 : i32
      %mul3A_105 = arith.muli %arg0, %mul3A_104 : i32
      %mul3A_106 = arith.constant 320 : i32
      %mul3A_107 = arith.muli %arg1, %mul3A_106 : i32
      %add3A_108 = arith.addi %mul3A_105, %mul3A_107 : i32
      "tpu.region"() ({
        %run_scoped3A_109 = tpu.sem_alloc : memref<!tpu.dma_semaphore, #tpu.memory_space<semaphore_mem>>
        %dma_start3A_110 = arith.constant 0 : i32
        %dma_start3A_111 = tpu.memref_slice %arg5[%add3A_108, %dma_start3A_110] : memref<10000x128xf32, #tpu.memory_space<hbm>> -> memref<320x128xf32, #tpu.memory_space<hbm>>
        %dma_start3A_112 = arith.constant 0 : i32
        %dma_start3A_113 = tpu.memref_slice %arg9[%mul3A_103, %dma_start3A_112] : memref<5120x128xf32, #tpu.memory_space<vmem_shared>> -> memref<320x128xf32, #tpu.memory_space<vmem_shared>>
        tpu.enqueue_dma source(%dma_start3A_113 : memref<320x128xf32, #tpu.memory_space<vmem_shared>>) target(%dma_start3A_111 : memref<320x128xf32, #tpu.memory_space<hbm>>) target_semaphore(%run_scoped3A_109 : memref<!tpu.dma_semaphore, #tpu.memory_space<semaphore_mem>>)
        %dma_wait3A_114 = arith.constant 0 : i32
        %dma_wait3A_115 = tpu.memref_slice %arg5[%add3A_108, %dma_wait3A_114] : memref<10000x128xf32, #tpu.memory_space<hbm>> -> memref<320x128xf32, #tpu.memory_space<hbm>>
        %dma_wait3A_116 = arith.constant 0 : i32
        %dma_wait3A_117 = tpu.memref_slice %arg9[%mul3A_103, %dma_wait3A_116] : memref<5120x128xf32, #tpu.memory_space<vmem_shared>> -> memref<320x128xf32, #tpu.memory_space<vmem_shared>>
        tpu.wait_dma2 semaphore(%run_scoped3A_109 : memref<!tpu.dma_semaphore, #tpu.memory_space<semaphore_mem>>) src(%dma_wait3A_117 : memref<320x128xf32, #tpu.memory_space<vmem_shared>>) dst(%dma_wait3A_115 : memref<320x128xf32, #tpu.memory_space<hbm>>)
        tpu.yield
      }) : () -> ()
    } else {
    }
    %eq3A = arith.constant 15 : i32
    %eq3A_98 = arith.cmpi eq, %arg1, %eq3A : i32
    %convert_element_type3A_99 = arith.extui %eq3A_98 : i1 to i32
    %cond3A_100 = arith.constant 0 : i32
    %cond3A_101 = arith.cmpi ne, %convert_element_type3A_99, %cond3A_100 : i32
    scf.if %cond3A_101 {
      %mul3A_102 = arith.constant 5000 : i32
      %mul3A_103 = arith.muli %arg0, %mul3A_102 : i32
      %add3A_104 = arith.constant 4800 : i32
      %add3A_105 = arith.addi %mul3A_103, %add3A_104 : i32
      "tpu.region"() ({
        %run_scoped3A_106 = tpu.sem_alloc : memref<!tpu.dma_semaphore, #tpu.memory_space<semaphore_mem>>
        %dma_start3A_107 = arith.constant 0 : i32
        %dma_start3A_108 = tpu.memref_slice %arg5[%add3A_105, %dma_start3A_107] : memref<10000x128xf32, #tpu.memory_space<hbm>> -> memref<200x128xf32, #tpu.memory_space<hbm>>
        %dma_start3A_109 = arith.constant 4800 : i32
        %dma_start3A_110 = arith.constant 0 : i32
        %dma_start3A_111 = tpu.memref_slice %arg9[%dma_start3A_109, %dma_start3A_110] : memref<5120x128xf32, #tpu.memory_space<vmem_shared>> -> memref<200x128xf32, #tpu.memory_space<vmem_shared>>
        tpu.enqueue_dma source(%dma_start3A_111 : memref<200x128xf32, #tpu.memory_space<vmem_shared>>) target(%dma_start3A_108 : memref<200x128xf32, #tpu.memory_space<hbm>>) target_semaphore(%run_scoped3A_106 : memref<!tpu.dma_semaphore, #tpu.memory_space<semaphore_mem>>)
        %dma_wait3A_112 = arith.constant 0 : i32
        %dma_wait3A_113 = tpu.memref_slice %arg5[%add3A_105, %dma_wait3A_112] : memref<10000x128xf32, #tpu.memory_space<hbm>> -> memref<200x128xf32, #tpu.memory_space<hbm>>
        %dma_wait3A_114 = arith.constant 4800 : i32
        %dma_wait3A_115 = arith.constant 0 : i32
        %dma_wait3A_116 = tpu.memref_slice %arg9[%dma_wait3A_114, %dma_wait3A_115] : memref<5120x128xf32, #tpu.memory_space<vmem_shared>> -> memref<200x128xf32, #tpu.memory_space<vmem_shared>>
        tpu.wait_dma2 semaphore(%run_scoped3A_106 : memref<!tpu.dma_semaphore, #tpu.memory_space<semaphore_mem>>) src(%dma_wait3A_116 : memref<200x128xf32, #tpu.memory_space<vmem_shared>>) dst(%dma_wait3A_113 : memref<200x128xf32, #tpu.memory_space<hbm>>)
        tpu.yield
      }) : () -> ()
    } else {
    }
    return
  }
}

#map = affine_map<(d0, d1) -> (0, 0)>
#map1 = affine_map<(d0, d1) -> (0)>
module attributes {stable_mosaic.version = 14 : i64} {
  func.func @_sc_pass(%arg0: i32, %arg1: i32, %arg2: memref<10000x128xf32, #tpu.memory_space<hbm>>, %arg3: memref<321536xi32, #tpu.memory_space<hbm>>, %arg4: memref<643072xi32, #tpu.memory_space<hbm>>, %arg5: memref<10000x128xf32, #tpu.memory_space<hbm>>, %arg6: memref<2x128xi32, #tpu.memory_space<vmem>>, %arg7: memref<2x128xi32, #tpu.memory_space<vmem>>, %arg8: memref<2x128x128xf32, #tpu.memory_space<vmem>>, %arg9: memref<5120x128xf32, #tpu.memory_space<vmem_shared>>, %arg10: memref<!tpu.dma_semaphore, #tpu.memory_space<semaphore_mem>>, %arg11: memref<!tpu.dma_semaphore, #tpu.memory_space<semaphore_mem>>, %arg12: memref<!tpu.dma_semaphore, #tpu.memory_space<semaphore_mem>>) attributes {dimension_semantics = [#tpu.dimension_semantics<core_parallel>, #tpu.dimension_semantics<subcore_parallel>], iteration_bounds = array<i64: 2, 16>, scalar_prefetch = 0 : i64, scratch_operands = 7 : i64, tpu.core_type = #tpu.core_type<sc_vector_subcore>, window_params = [{transform_indices = #map}, {transform_indices = #map1}, {transform_indices = #map1}, {transform_indices = #map}]} {
    %scan3A = arith.constant 0 : i32
    %scan3A_0 = arith.constant 0 : i32
    %scan3A_1 = arith.constant 128 : i32
    %scan3A_2 = arith.addi %scan3A_0, %scan3A_1 : i32
    %scan3A_3 = arith.constant 1 : i32
    %scan3A_4 = scf.for %scan3A_102 = %scan3A_0 to %scan3A_2 step %scan3A_3 iter_args(%scan3A_103 = %scan3A) -> (i32)  : i32 {
      %broadcast_in_dim3A = arith.constant 0.000000e+00 : f32
      %broadcast_in_dim3A_104 = vector.broadcast %broadcast_in_dim3A : f32 to vector<16xf32>
      %swap3A = arith.constant 0 : i32
      %swap3A_105 = arith.index_cast %swap3A : i32 to index
      %swap3A_106 = arith.index_cast %scan3A_102 : i32 to index
      %swap3A_107 = arith.constant 0 : index
      %swap3A_108 = tpu.vector_load %arg8[%swap3A_105, %swap3A_106, %swap3A_107] {strides = array<i32>} : memref<2x128x128xf32, #tpu.memory_space<vmem>>, vector<1x1x16xf32>,
      %swap3A_109 = vector.shape_cast %swap3A_108 : vector<1x1x16xf32> to vector<16xf32>
      %swap3A_110 = vector.shape_cast %broadcast_in_dim3A_104 : vector<16xf32> to vector<1x1x16xf32>
      tpu.vector_store %arg8[%swap3A_105, %swap3A_106, %swap3A_107], %swap3A_110 {strides = array<i32>} : memref<2x128x128xf32, #tpu.memory_space<vmem>>, vector<1x1x16xf32>,
      %broadcast_in_dim3A_111 = arith.constant 0.000000e+00 : f32
      %broadcast_in_dim3A_112 = vector.broadcast %broadcast_in_dim3A_111 : f32 to vector<16xf32>
      %swap3A_113 = arith.constant 0 : i32
      %swap3A_114 = arith.index_cast %swap3A_113 : i32 to index
      %swap3A_115 = arith.index_cast %scan3A_102 : i32 to index
      %swap3A_116 = arith.constant 16 : index
      %swap3A_117 = tpu.vector_load %arg8[%swap3A_114, %swap3A_115, %swap3A_116] {strides = array<i32>} : memref<2x128x128xf32, #tpu.memory_space<vmem>>, vector<1x1x16xf32>,
      %swap3A_118 = vector.shape_cast %swap3A_117 : vector<1x1x16xf32> to vector<16xf32>
      %swap3A_119 = vector.shape_cast %broadcast_in_dim3A_112 : vector<16xf32> to vector<1x1x16xf32>
      tpu.vector_store %arg8[%swap3A_114, %swap3A_115, %swap3A_116], %swap3A_119 {strides = array<i32>} : memref<2x128x128xf32, #tpu.memory_space<vmem>>, vector<1x1x16xf32>,
      %broadcast_in_dim3A_120 = arith.constant 0.000000e+00 : f32
      %broadcast_in_dim3A_121 = vector.broadcast %broadcast_in_dim3A_120 : f32 to vector<16xf32>
      %swap3A_122 = arith.constant 0 : i32
      %swap3A_123 = arith.index_cast %swap3A_122 : i32 to index
      %swap3A_124 = arith.index_cast %scan3A_102 : i32 to index
      %swap3A_125 = arith.constant 32 : index
      %swap3A_126 = tpu.vector_load %arg8[%swap3A_123, %swap3A_124, %swap3A_125] {strides = array<i32>} : memref<2x128x128xf32, #tpu.memory_space<vmem>>, vector<1x1x16xf32>,
      %swap3A_127 = vector.shape_cast %swap3A_126 : vector<1x1x16xf32> to vector<16xf32>
      %swap3A_128 = vector.shape_cast %broadcast_in_dim3A_121 : vector<16xf32> to vector<1x1x16xf32>
      tpu.vector_store %arg8[%swap3A_123, %swap3A_124, %swap3A_125], %swap3A_128 {strides = array<i32>} : memref<2x128x128xf32, #tpu.memory_space<vmem>>, vector<1x1x16xf32>,
      %broadcast_in_dim3A_129 = arith.constant 0.000000e+00 : f32
      %broadcast_in_dim3A_130 = vector.broadcast %broadcast_in_dim3A_129 : f32 to vector<16xf32>
      %swap3A_131 = arith.constant 0 : i32
      %swap3A_132 = arith.index_cast %swap3A_131 : i32 to index
      %swap3A_133 = arith.index_cast %scan3A_102 : i32 to index
      %swap3A_134 = arith.constant 48 : index
      %swap3A_135 = tpu.vector_load %arg8[%swap3A_132, %swap3A_133, %swap3A_134] {strides = array<i32>} : memref<2x128x128xf32, #tpu.memory_space<vmem>>, vector<1x1x16xf32>,
      %swap3A_136 = vector.shape_cast %swap3A_135 : vector<1x1x16xf32> to vector<16xf32>
      %swap3A_137 = vector.shape_cast %broadcast_in_dim3A_130 : vector<16xf32> to vector<1x1x16xf32>
      tpu.vector_store %arg8[%swap3A_132, %swap3A_133, %swap3A_134], %swap3A_137 {strides = array<i32>} : memref<2x128x128xf32, #tpu.memory_space<vmem>>, vector<1x1x16xf32>,
      %broadcast_in_dim3A_138 = arith.constant 0.000000e+00 : f32
      %broadcast_in_dim3A_139 = vector.broadcast %broadcast_in_dim3A_138 : f32 to vector<16xf32>
      %swap3A_140 = arith.constant 0 : i32
      %swap3A_141 = arith.index_cast %swap3A_140 : i32 to index
      %swap3A_142 = arith.index_cast %scan3A_102 : i32 to index
      %swap3A_143 = arith.constant 64 : index
      %swap3A_144 = tpu.vector_load %arg8[%swap3A_141, %swap3A_142, %swap3A_143] {strides = array<i32>} : memref<2x128x128xf32, #tpu.memory_space<vmem>>, vector<1x1x16xf32>,
      %swap3A_145 = vector.shape_cast %swap3A_144 : vector<1x1x16xf32> to vector<16xf32>
      %swap3A_146 = vector.shape_cast %broadcast_in_dim3A_139 : vector<16xf32> to vector<1x1x16xf32>
      tpu.vector_store %arg8[%swap3A_141, %swap3A_142, %swap3A_143], %swap3A_146 {strides = array<i32>} : memref<2x128x128xf32, #tpu.memory_space<vmem>>, vector<1x1x16xf32>,
      %broadcast_in_dim3A_147 = arith.constant 0.000000e+00 : f32
      %broadcast_in_dim3A_148 = vector.broadcast %broadcast_in_dim3A_147 : f32 to vector<16xf32>
      %swap3A_149 = arith.constant 0 : i32
      %swap3A_150 = arith.index_cast %swap3A_149 : i32 to index
      %swap3A_151 = arith.index_cast %scan3A_102 : i32 to index
      %swap3A_152 = arith.constant 80 : index
      %swap3A_153 = tpu.vector_load %arg8[%swap3A_150, %swap3A_151, %swap3A_152] {strides = array<i32>} : memref<2x128x128xf32, #tpu.memory_space<vmem>>, vector<1x1x16xf32>,
      %swap3A_154 = vector.shape_cast %swap3A_153 : vector<1x1x16xf32> to vector<16xf32>
      %swap3A_155 = vector.shape_cast %broadcast_in_dim3A_148 : vector<16xf32> to vector<1x1x16xf32>
      tpu.vector_store %arg8[%swap3A_150, %swap3A_151, %swap3A_152], %swap3A_155 {strides = array<i32>} : memref<2x128x128xf32, #tpu.memory_space<vmem>>, vector<1x1x16xf32>,
      %broadcast_in_dim3A_156 = arith.constant 0.000000e+00 : f32
      %broadcast_in_dim3A_157 = vector.broadcast %broadcast_in_dim3A_156 : f32 to vector<16xf32>
      %swap3A_158 = arith.constant 0 : i32
      %swap3A_159 = arith.index_cast %swap3A_158 : i32 to index
      %swap3A_160 = arith.index_cast %scan3A_102 : i32 to index
      %swap3A_161 = arith.constant 96 : index
      %swap3A_162 = tpu.vector_load %arg8[%swap3A_159, %swap3A_160, %swap3A_161] {strides = array<i32>} : memref<2x128x128xf32, #tpu.memory_space<vmem>>, vector<1x1x16xf32>,
      %swap3A_163 = vector.shape_cast %swap3A_162 : vector<1x1x16xf32> to vector<16xf32>
      %swap3A_164 = vector.shape_cast %broadcast_in_dim3A_157 : vector<16xf32> to vector<1x1x16xf32>
      tpu.vector_store %arg8[%swap3A_159, %swap3A_160, %swap3A_161], %swap3A_164 {strides = array<i32>} : memref<2x128x128xf32, #tpu.memory_space<vmem>>, vector<1x1x16xf32>,
      %broadcast_in_dim3A_165 = arith.constant 0.000000e+00 : f32
      %broadcast_in_dim3A_166 = vector.broadcast %broadcast_in_dim3A_165 : f32 to vector<16xf32>
      %swap3A_167 = arith.constant 0 : i32
      %swap3A_168 = arith.index_cast %swap3A_167 : i32 to index
      %swap3A_169 = arith.index_cast %scan3A_102 : i32 to index
      %swap3A_170 = arith.constant 112 : index
      %swap3A_171 = tpu.vector_load %arg8[%swap3A_168, %swap3A_169, %swap3A_170] {strides = array<i32>} : memref<2x128x128xf32, #tpu.memory_space<vmem>>, vector<1x1x16xf32>,
      %swap3A_172 = vector.shape_cast %swap3A_171 : vector<1x1x16xf32> to vector<16xf32>
      %swap3A_173 = vector.shape_cast %broadcast_in_dim3A_166 : vector<16xf32> to vector<1x1x16xf32>
      tpu.vector_store %arg8[%swap3A_168, %swap3A_169, %swap3A_170], %swap3A_173 {strides = array<i32>} : memref<2x128x128xf32, #tpu.memory_space<vmem>>, vector<1x1x16xf32>,
      %scan3A_174 = arith.constant 0 : i32
      scf.yield %scan3A_174 : i32
    }
    %scan3A_5 = arith.constant 128 : i32
    %mul3A = arith.constant 320 : i32
    %mul3A_6 = arith.muli %arg1, %mul3A : i32
    %run_scoped3A = arith.constant 0 : i32
    "tpu.region"() ({
      %run_scoped3A_102 = tpu.sem_alloc : memref<!tpu.dma_semaphore, #tpu.memory_space<semaphore_mem>>
      %dma_start3A_103 = arith.constant 0 : i32
      %dma_start3A_104 = arith.constant 0 : i32
      %dma_start3A_105 = tpu.memref_slice %arg8[%run_scoped3A, %dma_start3A_103, %dma_start3A_104] : memref<2x128x128xf32, #tpu.memory_space<vmem>> -> memref<1x128x128xf32, #tpu.memory_space<vmem>>
      %dma_start3A_106 = tpu.memref_squeeze %dma_start3A_105 : memref<1x128x128xf32, #tpu.memory_space<vmem>> -> memref<128x128xf32, #tpu.memory_space<vmem>>
      %dma_start3A_107 = arith.constant 0 : i32
      %dma_start3A_108 = tpu.memref_slice %arg9[%mul3A_6, %dma_start3A_107] : memref<5120x128xf32, #tpu.memory_space<vmem_shared>> -> memref<128x128xf32, #tpu.memory_space<vmem_shared>>
      %dma_start3A_109 = arith.constant 0 : i32
      %dma_start3A_110 = tpu.memref_slice %arg9[%mul3A_6, %dma_start3A_109] : memref<5120x128xf32, #tpu.memory_space<vmem_shared>> -> memref<128x128xf32, #tpu.memory_space<vmem_shared>>
      %dma_start3A_111 = arith.constant 0 : i32
      %dma_start3A_112 = arith.constant 0 : i32
      %dma_start3A_113 = tpu.memref_slice %arg8[%run_scoped3A, %dma_start3A_111, %dma_start3A_112] : memref<2x128x128xf32, #tpu.memory_space<vmem>> -> memref<1x128x128xf32, #tpu.memory_space<vmem>>
      %dma_start3A_114 = tpu.memref_squeeze %dma_start3A_113 : memref<1x128x128xf32, #tpu.memory_space<vmem>> -> memref<128x128xf32, #tpu.memory_space<vmem>>
      tpu.enqueue_dma source(%dma_start3A_114 : memref<128x128xf32, #tpu.memory_space<vmem>>) target(%dma_start3A_110 : memref<128x128xf32, #tpu.memory_space<vmem_shared>>) target_semaphore(%run_scoped3A_102 : memref<!tpu.dma_semaphore, #tpu.memory_space<semaphore_mem>>)
      %dma_wait3A_115 = arith.constant 0 : i32
      %dma_wait3A_116 = arith.constant 0 : i32
      %dma_wait3A_117 = tpu.memref_slice %arg8[%run_scoped3A, %dma_wait3A_115, %dma_wait3A_116] : memref<2x128x128xf32, #tpu.memory_space<vmem>> -> memref<1x128x128xf32, #tpu.memory_space<vmem>>
      %dma_wait3A_118 = tpu.memref_squeeze %dma_wait3A_117 : memref<1x128x128xf32, #tpu.memory_space<vmem>> -> memref<128x128xf32, #tpu.memory_space<vmem>>
      %dma_wait3A_119 = arith.constant 0 : i32
      %dma_wait3A_120 = tpu.memref_slice %arg9[%mul3A_6, %dma_wait3A_119] : memref<5120x128xf32, #tpu.memory_space<vmem_shared>> -> memref<128x128xf32, #tpu.memory_space<vmem_shared>>
      %dma_wait3A_121 = arith.constant 0 : i32
      %dma_wait3A_122 = tpu.memref_slice %arg9[%mul3A_6, %dma_wait3A_121] : memref<5120x128xf32, #tpu.memory_space<vmem_shared>> -> memref<128x128xf32, #tpu.memory_space<vmem_shared>>
      %dma_wait3A_123 = arith.constant 0 : i32
      %dma_wait3A_124 = arith.constant 0 : i32
      %dma_wait3A_125 = tpu.memref_slice %arg8[%run_scoped3A, %dma_wait3A_123, %dma_wait3A_124] : memref<2x128x128xf32, #tpu.memory_space<vmem>> -> memref<1x128x128xf32, #tpu.memory_space<vmem>>
      %dma_wait3A_126 = tpu.memref_squeeze %dma_wait3A_125 : memref<1x128x128xf32, #tpu.memory_space<vmem>> -> memref<128x128xf32, #tpu.memory_space<vmem>>
      tpu.wait_dma2 semaphore(%run_scoped3A_102 : memref<!tpu.dma_semaphore, #tpu.memory_space<semaphore_mem>>) src(%dma_wait3A_126 : memref<128x128xf32, #tpu.memory_space<vmem>>) dst(%dma_wait3A_122 : memref<128x128xf32, #tpu.memory_space<vmem_shared>>)
      tpu.yield
    }) : () -> ()
    %add3A = arith.constant 128 : i32
    %add3A_7 = arith.addi %mul3A_6, %add3A : i32
    %run_scoped3A_8 = arith.constant 0 : i32
    "tpu.region"() ({
      %run_scoped3A_102 = tpu.sem_alloc : memref<!tpu.dma_semaphore, #tpu.memory_space<semaphore_mem>>
      %dma_start3A_103 = arith.constant 0 : i32
      %dma_start3A_104 = arith.constant 0 : i32
      %dma_start3A_105 = tpu.memref_slice %arg8[%run_scoped3A_8, %dma_start3A_103, %dma_start3A_104] : memref<2x128x128xf32, #tpu.memory_space<vmem>> -> memref<1x128x128xf32, #tpu.memory_space<vmem>>
      %dma_start3A_106 = tpu.memref_squeeze %dma_start3A_105 : memref<1x128x128xf32, #tpu.memory_space<vmem>> -> memref<128x128xf32, #tpu.memory_space<vmem>>
      %dma_start3A_107 = arith.constant 0 : i32
      %dma_start3A_108 = tpu.memref_slice %arg9[%add3A_7, %dma_start3A_107] : memref<5120x128xf32, #tpu.memory_space<vmem_shared>> -> memref<128x128xf32, #tpu.memory_space<vmem_shared>>
      %dma_start3A_109 = arith.constant 0 : i32
      %dma_start3A_110 = tpu.memref_slice %arg9[%add3A_7, %dma_start3A_109] : memref<5120x128xf32, #tpu.memory_space<vmem_shared>> -> memref<128x128xf32, #tpu.memory_space<vmem_shared>>
      %dma_start3A_111 = arith.constant 0 : i32
      %dma_start3A_112 = arith.constant 0 : i32
      %dma_start3A_113 = tpu.memref_slice %arg8[%run_scoped3A_8, %dma_start3A_111, %dma_start3A_112] : memref<2x128x128xf32, #tpu.memory_space<vmem>> -> memref<1x128x128xf32, #tpu.memory_space<vmem>>
      %dma_start3A_114 = tpu.memref_squeeze %dma_start3A_113 : memref<1x128x128xf32, #tpu.memory_space<vmem>> -> memref<128x128xf32, #tpu.memory_space<vmem>>
      tpu.enqueue_dma source(%dma_start3A_114 : memref<128x128xf32, #tpu.memory_space<vmem>>) target(%dma_start3A_110 : memref<128x128xf32, #tpu.memory_space<vmem_shared>>) target_semaphore(%run_scoped3A_102 : memref<!tpu.dma_semaphore, #tpu.memory_space<semaphore_mem>>)
      %dma_wait3A_115 = arith.constant 0 : i32
      %dma_wait3A_116 = arith.constant 0 : i32
      %dma_wait3A_117 = tpu.memref_slice %arg8[%run_scoped3A_8, %dma_wait3A_115, %dma_wait3A_116] : memref<2x128x128xf32, #tpu.memory_space<vmem>> -> memref<1x128x128xf32, #tpu.memory_space<vmem>>
      %dma_wait3A_118 = tpu.memref_squeeze %dma_wait3A_117 : memref<1x128x128xf32, #tpu.memory_space<vmem>> -> memref<128x128xf32, #tpu.memory_space<vmem>>
      %dma_wait3A_119 = arith.constant 0 : i32
      %dma_wait3A_120 = tpu.memref_slice %arg9[%add3A_7, %dma_wait3A_119] : memref<5120x128xf32, #tpu.memory_space<vmem_shared>> -> memref<128x128xf32, #tpu.memory_space<vmem_shared>>
      %dma_wait3A_121 = arith.constant 0 : i32
      %dma_wait3A_122 = tpu.memref_slice %arg9[%add3A_7, %dma_wait3A_121] : memref<5120x128xf32, #tpu.memory_space<vmem_shared>> -> memref<128x128xf32, #tpu.memory_space<vmem_shared>>
      %dma_wait3A_123 = arith.constant 0 : i32
      %dma_wait3A_124 = arith.constant 0 : i32
      %dma_wait3A_125 = tpu.memref_slice %arg8[%run_scoped3A_8, %dma_wait3A_123, %dma_wait3A_124] : memref<2x128x128xf32, #tpu.memory_space<vmem>> -> memref<1x128x128xf32, #tpu.memory_space<vmem>>
      %dma_wait3A_126 = tpu.memref_squeeze %dma_wait3A_125 : memref<1x128x128xf32, #tpu.memory_space<vmem>> -> memref<128x128xf32, #tpu.memory_space<vmem>>
      tpu.wait_dma2 semaphore(%run_scoped3A_102 : memref<!tpu.dma_semaphore, #tpu.memory_space<semaphore_mem>>) src(%dma_wait3A_126 : memref<128x128xf32, #tpu.memory_space<vmem>>) dst(%dma_wait3A_122 : memref<128x128xf32, #tpu.memory_space<vmem_shared>>)
      tpu.yield
    }) : () -> ()
    %add3A_9 = arith.constant 256 : i32
    %add3A_10 = arith.addi %mul3A_6, %add3A_9 : i32
    %run_scoped3A_11 = arith.constant 0 : i32
    "tpu.region"() ({
      %run_scoped3A_102 = tpu.sem_alloc : memref<!tpu.dma_semaphore, #tpu.memory_space<semaphore_mem>>
      %dma_start3A_103 = arith.constant 0 : i32
      %dma_start3A_104 = arith.constant 0 : i32
      %dma_start3A_105 = tpu.memref_slice %arg8[%run_scoped3A_11, %dma_start3A_103, %dma_start3A_104] : memref<2x128x128xf32, #tpu.memory_space<vmem>> -> memref<1x128x128xf32, #tpu.memory_space<vmem>>
      %dma_start3A_106 = tpu.memref_squeeze %dma_start3A_105 : memref<1x128x128xf32, #tpu.memory_space<vmem>> -> memref<128x128xf32, #tpu.memory_space<vmem>>
      %dma_start3A_107 = arith.constant 0 : i32
      %dma_start3A_108 = arith.constant 0 : i32
      %dma_start3A_109 = tpu.memref_slice %dma_start3A_106[%dma_start3A_107, %dma_start3A_108] : memref<128x128xf32, #tpu.memory_space<vmem>> -> memref<64x128xf32, #tpu.memory_space<vmem>>
      %dma_start3A_110 = arith.constant 0 : i32
      %dma_start3A_111 = tpu.memref_slice %arg9[%add3A_10, %dma_start3A_110] : memref<5120x128xf32, #tpu.memory_space<vmem_shared>> -> memref<64x128xf32, #tpu.memory_space<vmem_shared>>
      %dma_start3A_112 = arith.constant 0 : i32
      %dma_start3A_113 = tpu.memref_slice %arg9[%add3A_10, %dma_start3A_112] : memref<5120x128xf32, #tpu.memory_space<vmem_shared>> -> memref<64x128xf32, #tpu.memory_space<vmem_shared>>
      %dma_start3A_114 = arith.constant 0 : i32
      %dma_start3A_115 = arith.constant 0 : i32
      %dma_start3A_116 = tpu.memref_slice %arg8[%run_scoped3A_11, %dma_start3A_114, %dma_start3A_115] : memref<2x128x128xf32, #tpu.memory_space<vmem>> -> memref<1x128x128xf32, #tpu.memory_space<vmem>>
      %dma_start3A_117 = tpu.memref_squeeze %dma_start3A_116 : memref<1x128x128xf32, #tpu.memory_space<vmem>> -> memref<128x128xf32, #tpu.memory_space<vmem>>
      %dma_start3A_118 = arith.constant 0 : i32
      %dma_start3A_119 = arith.constant 0 : i32
      %dma_start3A_120 = tpu.memref_slice %dma_start3A_117[%dma_start3A_118, %dma_start3A_119] : memref<128x128xf32, #tpu.memory_space<vmem>> -> memref<64x128xf32, #tpu.memory_space<vmem>>
      tpu.enqueue_dma source(%dma_start3A_120 : memref<64x128xf32, #tpu.memory_space<vmem>>) target(%dma_start3A_113 : memref<64x128xf32, #tpu.memory_space<vmem_shared>>) target_semaphore(%run_scoped3A_102 : memref<!tpu.dma_semaphore, #tpu.memory_space<semaphore_mem>>)
      %dma_wait3A_121 = arith.constant 0 : i32
      %dma_wait3A_122 = arith.constant 0 : i32
      %dma_wait3A_123 = tpu.memref_slice %arg8[%run_scoped3A_11, %dma_wait3A_121, %dma_wait3A_122] : memref<2x128x128xf32, #tpu.memory_space<vmem>> -> memref<1x128x128xf32, #tpu.memory_space<vmem>>
      %dma_wait3A_124 = tpu.memref_squeeze %dma_wait3A_123 : memref<1x128x128xf32, #tpu.memory_space<vmem>> -> memref<128x128xf32, #tpu.memory_space<vmem>>
      %dma_wait3A_125 = arith.constant 0 : i32
      %dma_wait3A_126 = arith.constant 0 : i32
      %dma_wait3A_127 = tpu.memref_slice %dma_wait3A_124[%dma_wait3A_125, %dma_wait3A_126] : memref<128x128xf32, #tpu.memory_space<vmem>> -> memref<64x128xf32, #tpu.memory_space<vmem>>
      %dma_wait3A_128 = arith.constant 0 : i32
      %dma_wait3A_129 = tpu.memref_slice %arg9[%add3A_10, %dma_wait3A_128] : memref<5120x128xf32, #tpu.memory_space<vmem_shared>> -> memref<64x128xf32, #tpu.memory_space<vmem_shared>>
      %dma_wait3A_130 = arith.constant 0 : i32
      %dma_wait3A_131 = tpu.memref_slice %arg9[%add3A_10, %dma_wait3A_130] : memref<5120x128xf32, #tpu.memory_space<vmem_shared>> -> memref<64x128xf32, #tpu.memory_space<vmem_shared>>
      %dma_wait3A_132 = arith.constant 0 : i32
      %dma_wait3A_133 = arith.constant 0 : i32
      %dma_wait3A_134 = tpu.memref_slice %arg8[%run_scoped3A_11, %dma_wait3A_132, %dma_wait3A_133] : memref<2x128x128xf32, #tpu.memory_space<vmem>> -> memref<1x128x128xf32, #tpu.memory_space<vmem>>
      %dma_wait3A_135 = tpu.memref_squeeze %dma_wait3A_134 : memref<1x128x128xf32, #tpu.memory_space<vmem>> -> memref<128x128xf32, #tpu.memory_space<vmem>>
      %dma_wait3A_136 = arith.constant 0 : i32
      %dma_wait3A_137 = arith.constant 0 : i32
      %dma_wait3A_138 = tpu.memref_slice %dma_wait3A_135[%dma_wait3A_136, %dma_wait3A_137] : memref<128x128xf32, #tpu.memory_space<vmem>> -> memref<64x128xf32, #tpu.memory_space<vmem>>
      tpu.wait_dma2 semaphore(%run_scoped3A_102 : memref<!tpu.dma_semaphore, #tpu.memory_space<semaphore_mem>>) src(%dma_wait3A_138 : memref<64x128xf32, #tpu.memory_space<vmem>>) dst(%dma_wait3A_131 : memref<64x128xf32, #tpu.memory_space<vmem_shared>>)
      tpu.yield
    }) : () -> ()
    %barrier3A = arith.constant 0 : index
    tpu.barrier barrier_id(%barrier3A)
    %add3A_12 = arith.constant 0 : i32
    %add3A_13 = arith.addi %add3A_12, %arg1 : i32
    %mul3A_14 = arith.constant 128 : i32
    %mul3A_15 = arith.muli %add3A_13, %mul3A_14 : i32
    %run_scoped3A_16 = arith.constant 0 : i32
    "tpu.region"() ({
      %run_scoped3A_102 = tpu.sem_alloc : memref<!tpu.dma_semaphore, #tpu.memory_space<semaphore_mem>>
      %dma_start3A_103 = arith.constant 0 : i32
      %dma_start3A_104 = tpu.memref_slice %arg6[%run_scoped3A_16, %dma_start3A_103] : memref<2x128xi32, #tpu.memory_space<vmem>> -> memref<1x128xi32, #tpu.memory_space<vmem>>
      %dma_start3A_105 = tpu.memref_squeeze %dma_start3A_104 : memref<1x128xi32, #tpu.memory_space<vmem>> -> memref<128xi32, #tpu.memory_space<vmem>>
      %dma_start3A_106 = tpu.memref_slice %arg3[%mul3A_15] : memref<321536xi32, #tpu.memory_space<hbm>> -> memref<128xi32, #tpu.memory_space<hbm>>
      %dma_start3A_107 = arith.constant 0 : i32
      %dma_start3A_108 = tpu.memref_slice %arg6[%run_scoped3A_16, %dma_start3A_107] : memref<2x128xi32, #tpu.memory_space<vmem>> -> memref<1x128xi32, #tpu.memory_space<vmem>>
      %dma_start3A_109 = tpu.memref_squeeze %dma_start3A_108 : memref<1x128xi32, #tpu.memory_space<vmem>> -> memref<128xi32, #tpu.memory_space<vmem>>
      %dma_start3A_110 = tpu.memref_slice %arg3[%mul3A_15] : memref<321536xi32, #tpu.memory_space<hbm>> -> memref<128xi32, #tpu.memory_space<hbm>>
      tpu.enqueue_dma source(%dma_start3A_110 : memref<128xi32, #tpu.memory_space<hbm>>) target(%dma_start3A_109 : memref<128xi32, #tpu.memory_space<vmem>>) target_semaphore(%run_scoped3A_102 : memref<!tpu.dma_semaphore, #tpu.memory_space<semaphore_mem>>)
      %dma_wait3A_111 = arith.constant 0 : i32
      %dma_wait3A_112 = tpu.memref_slice %arg6[%run_scoped3A_16, %dma_wait3A_111] : memref<2x128xi32, #tpu.memory_space<vmem>> -> memref<1x128xi32, #tpu.memory_space<vmem>>
      %dma_wait3A_113 = tpu.memref_squeeze %dma_wait3A_112 : memref<1x128xi32, #tpu.memory_space<vmem>> -> memref<128xi32, #tpu.memory_space<vmem>>
      %dma_wait3A_114 = tpu.memref_slice %arg3[%mul3A_15] : memref<321536xi32, #tpu.memory_space<hbm>> -> memref<128xi32, #tpu.memory_space<hbm>>
      %dma_wait3A_115 = arith.constant 0 : i32
      %dma_wait3A_116 = tpu.memref_slice %arg6[%run_scoped3A_16, %dma_wait3A_115] : memref<2x128xi32, #tpu.memory_space<vmem>> -> memref<1x128xi32, #tpu.memory_space<vmem>>
      %dma_wait3A_117 = tpu.memref_squeeze %dma_wait3A_116 : memref<1x128xi32, #tpu.memory_space<vmem>> -> memref<128xi32, #tpu.memory_space<vmem>>
      %dma_wait3A_118 = tpu.memref_slice %arg3[%mul3A_15] : memref<321536xi32, #tpu.memory_space<hbm>> -> memref<128xi32, #tpu.memory_space<hbm>>
      tpu.wait_dma2 semaphore(%run_scoped3A_102 : memref<!tpu.dma_semaphore, #tpu.memory_space<semaphore_mem>>) src(%dma_wait3A_118 : memref<128xi32, #tpu.memory_space<hbm>>) dst(%dma_wait3A_117 : memref<128xi32, #tpu.memory_space<vmem>>)
      tpu.yield
    }) : () -> ()
    %mul3A_17 = arith.constant 321536 : i32
    %mul3A_18 = arith.muli %arg0, %mul3A_17 : i32
    %add3A_19 = arith.addi %mul3A_18, %mul3A_15 : i32
    %run_scoped3A_20 = arith.constant 0 : i32
    "tpu.region"() ({
      %run_scoped3A_102 = tpu.sem_alloc : memref<!tpu.dma_semaphore, #tpu.memory_space<semaphore_mem>>
      %dma_start3A_103 = arith.constant 0 : i32
      %dma_start3A_104 = tpu.memref_slice %arg7[%run_scoped3A_20, %dma_start3A_103] : memref<2x128xi32, #tpu.memory_space<vmem>> -> memref<1x128xi32, #tpu.memory_space<vmem>>
      %dma_start3A_105 = tpu.memref_squeeze %dma_start3A_104 : memref<1x128xi32, #tpu.memory_space<vmem>> -> memref<128xi32, #tpu.memory_space<vmem>>
      %dma_start3A_106 = tpu.memref_slice %arg4[%add3A_19] : memref<643072xi32, #tpu.memory_space<hbm>> -> memref<128xi32, #tpu.memory_space<hbm>>
      %dma_start3A_107 = arith.constant 0 : i32
      %dma_start3A_108 = tpu.memref_slice %arg7[%run_scoped3A_20, %dma_start3A_107] : memref<2x128xi32, #tpu.memory_space<vmem>> -> memref<1x128xi32, #tpu.memory_space<vmem>>
      %dma_start3A_109 = tpu.memref_squeeze %dma_start3A_108 : memref<1x128xi32, #tpu.memory_space<vmem>> -> memref<128xi32, #tpu.memory_space<vmem>>
      %dma_start3A_110 = tpu.memref_slice %arg4[%add3A_19] : memref<643072xi32, #tpu.memory_space<hbm>> -> memref<128xi32, #tpu.memory_space<hbm>>
      tpu.enqueue_dma source(%dma_start3A_110 : memref<128xi32, #tpu.memory_space<hbm>>) target(%dma_start3A_109 : memref<128xi32, #tpu.memory_space<vmem>>) target_semaphore(%run_scoped3A_102 : memref<!tpu.dma_semaphore, #tpu.memory_space<semaphore_mem>>)
      %dma_wait3A_111 = arith.constant 0 : i32
      %dma_wait3A_112 = tpu.memref_slice %arg7[%run_scoped3A_20, %dma_wait3A_111] : memref<2x128xi32, #tpu.memory_space<vmem>> -> memref<1x128xi32, #tpu.memory_space<vmem>>
      %dma_wait3A_113 = tpu.memref_squeeze %dma_wait3A_112 : memref<1x128xi32, #tpu.memory_space<vmem>> -> memref<128xi32, #tpu.memory_space<vmem>>
      %dma_wait3A_114 = tpu.memref_slice %arg4[%add3A_19] : memref<643072xi32, #tpu.memory_space<hbm>> -> memref<128xi32, #tpu.memory_space<hbm>>
      %dma_wait3A_115 = arith.constant 0 : i32
      %dma_wait3A_116 = tpu.memref_slice %arg7[%run_scoped3A_20, %dma_wait3A_115] : memref<2x128xi32, #tpu.memory_space<vmem>> -> memref<1x128xi32, #tpu.memory_space<vmem>>
      %dma_wait3A_117 = tpu.memref_squeeze %dma_wait3A_116 : memref<1x128xi32, #tpu.memory_space<vmem>> -> memref<128xi32, #tpu.memory_space<vmem>>
      %dma_wait3A_118 = tpu.memref_slice %arg4[%add3A_19] : memref<643072xi32, #tpu.memory_space<hbm>> -> memref<128xi32, #tpu.memory_space<hbm>>
      tpu.wait_dma2 semaphore(%run_scoped3A_102 : memref<!tpu.dma_semaphore, #tpu.memory_space<semaphore_mem>>) src(%dma_wait3A_118 : memref<128xi32, #tpu.memory_space<hbm>>) dst(%dma_wait3A_117 : memref<128xi32, #tpu.memory_space<vmem>>)
      tpu.yield
    }) : () -> ()
    %dma_start3A = arith.constant 0 : i32
    %dma_start3A_21 = arith.constant 0 : i32
    %dma_start3A_22 = arith.constant 0 : i32
    %dma_start3A_23 = arith.constant 0 : i32
    %dma_start3A_24 = tpu.memref_slice %arg8[%dma_start3A_21, %dma_start3A_22, %dma_start3A_23] : memref<2x128x128xf32, #tpu.memory_space<vmem>> -> memref<1x128x128xf32, #tpu.memory_space<vmem>>
    %dma_start3A_25 = tpu.memref_squeeze %dma_start3A_24 : memref<1x128x128xf32, #tpu.memory_space<vmem>> -> memref<128x128xf32, #tpu.memory_space<vmem>>
    %dma_start3A_26 = arith.constant 0 : i32
    %dma_start3A_27 = tpu.memref_slice %arg6[%dma_start3A, %dma_start3A_26] : memref<2x128xi32, #tpu.memory_space<vmem>> -> memref<1x128xi32, #tpu.memory_space<vmem>>
    %dma_start3A_28 = tpu.memref_squeeze %dma_start3A_27 : memref<1x128xi32, #tpu.memory_space<vmem>> -> memref<128xi32, #tpu.memory_space<vmem>>
    %dma_start3A_29 = arith.constant 0 : i32
    %dma_start3A_30 = arith.constant 0 : i32
    %dma_start3A_31 = tpu.memref_slice %arg2[%dma_start3A_29, %dma_start3A_30] : memref<10000x128xf32, #tpu.memory_space<hbm>> -> memref<10000x128xf32, #tpu.memory_space<hbm>>
    tpu.enqueue_indirect_dma source(%dma_start3A_31 : memref<10000x128xf32, #tpu.memory_space<hbm>>) target(%dma_start3A_25 : memref<128x128xf32, #tpu.memory_space<vmem>>) offsets(%dma_start3A_28 : memref<128xi32, #tpu.memory_space<vmem>>) semaphore(%arg10 : memref<!tpu.dma_semaphore, #tpu.memory_space<semaphore_mem>>)
    %dma_wait3A = arith.constant 0 : i32
    %dma_wait3A_32 = arith.constant 0 : i32
    %dma_wait3A_33 = arith.constant 0 : i32
    %dma_wait3A_34 = arith.constant 0 : i32
    %dma_wait3A_35 = tpu.memref_slice %arg8[%dma_wait3A_32, %dma_wait3A_33, %dma_wait3A_34] : memref<2x128x128xf32, #tpu.memory_space<vmem>> -> memref<1x128x128xf32, #tpu.memory_space<vmem>>
    %dma_wait3A_36 = tpu.memref_squeeze %dma_wait3A_35 : memref<1x128x128xf32, #tpu.memory_space<vmem>> -> memref<128x128xf32, #tpu.memory_space<vmem>>
    %dma_wait3A_37 = arith.constant 0 : i32
    %dma_wait3A_38 = tpu.memref_slice %arg6[%dma_wait3A, %dma_wait3A_37] : memref<2x128xi32, #tpu.memory_space<vmem>> -> memref<1x128xi32, #tpu.memory_space<vmem>>
    %dma_wait3A_39 = tpu.memref_squeeze %dma_wait3A_38 : memref<1x128xi32, #tpu.memory_space<vmem>> -> memref<128xi32, #tpu.memory_space<vmem>>
    %dma_wait3A_40 = arith.constant 0 : i32
    %dma_wait3A_41 = arith.constant 0 : i32
    %dma_wait3A_42 = tpu.memref_slice %arg2[%dma_wait3A_40, %dma_wait3A_41] : memref<10000x128xf32, #tpu.memory_space<hbm>> -> memref<10000x128xf32, #tpu.memory_space<hbm>>
    tpu.wait_indirect_dma semaphore(%arg10 : memref<!tpu.dma_semaphore, #tpu.memory_space<semaphore_mem>>) src(%dma_wait3A_42 : memref<10000x128xf32, #tpu.memory_space<hbm>>) dst(%dma_wait3A_36 : memref<128x128xf32, #tpu.memory_space<vmem>>)
    %add3A_43 = arith.constant 16 : i32
    %add3A_44 = arith.addi %add3A_43, %arg1 : i32
    %mul3A_45 = arith.constant 128 : i32
    %mul3A_46 = arith.muli %add3A_44, %mul3A_45 : i32
    %run_scoped3A_47 = arith.constant 1 : i32
    "tpu.region"() ({
      %run_scoped3A_102 = tpu.sem_alloc : memref<!tpu.dma_semaphore, #tpu.memory_space<semaphore_mem>>
      %dma_start3A_103 = arith.constant 0 : i32
      %dma_start3A_104 = tpu.memref_slice %arg6[%run_scoped3A_47, %dma_start3A_103] : memref<2x128xi32, #tpu.memory_space<vmem>> -> memref<1x128xi32, #tpu.memory_space<vmem>>
      %dma_start3A_105 = tpu.memref_squeeze %dma_start3A_104 : memref<1x128xi32, #tpu.memory_space<vmem>> -> memref<128xi32, #tpu.memory_space<vmem>>
      %dma_start3A_106 = tpu.memref_slice %arg3[%mul3A_46] : memref<321536xi32, #tpu.memory_space<hbm>> -> memref<128xi32, #tpu.memory_space<hbm>>
      %dma_start3A_107 = arith.constant 0 : i32
      %dma_start3A_108 = tpu.memref_slice %arg6[%run_scoped3A_47, %dma_start3A_107] : memref<2x128xi32, #tpu.memory_space<vmem>> -> memref<1x128xi32, #tpu.memory_space<vmem>>
      %dma_start3A_109 = tpu.memref_squeeze %dma_start3A_108 : memref<1x128xi32, #tpu.memory_space<vmem>> -> memref<128xi32, #tpu.memory_space<vmem>>
      %dma_start3A_110 = tpu.memref_slice %arg3[%mul3A_46] : memref<321536xi32, #tpu.memory_space<hbm>> -> memref<128xi32, #tpu.memory_space<hbm>>
      tpu.enqueue_dma source(%dma_start3A_110 : memref<128xi32, #tpu.memory_space<hbm>>) target(%dma_start3A_109 : memref<128xi32, #tpu.memory_space<vmem>>) target_semaphore(%run_scoped3A_102 : memref<!tpu.dma_semaphore, #tpu.memory_space<semaphore_mem>>)
      %dma_wait3A_111 = arith.constant 0 : i32
      %dma_wait3A_112 = tpu.memref_slice %arg6[%run_scoped3A_47, %dma_wait3A_111] : memref<2x128xi32, #tpu.memory_space<vmem>> -> memref<1x128xi32, #tpu.memory_space<vmem>>
      %dma_wait3A_113 = tpu.memref_squeeze %dma_wait3A_112 : memref<1x128xi32, #tpu.memory_space<vmem>> -> memref<128xi32, #tpu.memory_space<vmem>>
      %dma_wait3A_114 = tpu.memref_slice %arg3[%mul3A_46] : memref<321536xi32, #tpu.memory_space<hbm>> -> memref<128xi32, #tpu.memory_space<hbm>>
      %dma_wait3A_115 = arith.constant 0 : i32
      %dma_wait3A_116 = tpu.memref_slice %arg6[%run_scoped3A_47, %dma_wait3A_115] : memref<2x128xi32, #tpu.memory_space<vmem>> -> memref<1x128xi32, #tpu.memory_space<vmem>>
      %dma_wait3A_117 = tpu.memref_squeeze %dma_wait3A_116 : memref<1x128xi32, #tpu.memory_space<vmem>> -> memref<128xi32, #tpu.memory_space<vmem>>
      %dma_wait3A_118 = tpu.memref_slice %arg3[%mul3A_46] : memref<321536xi32, #tpu.memory_space<hbm>> -> memref<128xi32, #tpu.memory_space<hbm>>
      tpu.wait_dma2 semaphore(%run_scoped3A_102 : memref<!tpu.dma_semaphore, #tpu.memory_space<semaphore_mem>>) src(%dma_wait3A_118 : memref<128xi32, #tpu.memory_space<hbm>>) dst(%dma_wait3A_117 : memref<128xi32, #tpu.memory_space<vmem>>)
      tpu.yield
    }) : () -> ()
    %mul3A_48 = arith.constant 321536 : i32
    %mul3A_49 = arith.muli %arg0, %mul3A_48 : i32
    %add3A_50 = arith.addi %mul3A_49, %mul3A_46 : i32
    %run_scoped3A_51 = arith.constant 1 : i32
    "tpu.region"() ({
      %run_scoped3A_102 = tpu.sem_alloc : memref<!tpu.dma_semaphore, #tpu.memory_space<semaphore_mem>>
      %dma_start3A_103 = arith.constant 0 : i32
      %dma_start3A_104 = tpu.memref_slice %arg7[%run_scoped3A_51, %dma_start3A_103] : memref<2x128xi32, #tpu.memory_space<vmem>> -> memref<1x128xi32, #tpu.memory_space<vmem>>
      %dma_start3A_105 = tpu.memref_squeeze %dma_start3A_104 : memref<1x128xi32, #tpu.memory_space<vmem>> -> memref<128xi32, #tpu.memory_space<vmem>>
      %dma_start3A_106 = tpu.memref_slice %arg4[%add3A_50] : memref<643072xi32, #tpu.memory_space<hbm>> -> memref<128xi32, #tpu.memory_space<hbm>>
      %dma_start3A_107 = arith.constant 0 : i32
      %dma_start3A_108 = tpu.memref_slice %arg7[%run_scoped3A_51, %dma_start3A_107] : memref<2x128xi32, #tpu.memory_space<vmem>> -> memref<1x128xi32, #tpu.memory_space<vmem>>
      %dma_start3A_109 = tpu.memref_squeeze %dma_start3A_108 : memref<1x128xi32, #tpu.memory_space<vmem>> -> memref<128xi32, #tpu.memory_space<vmem>>
      %dma_start3A_110 = tpu.memref_slice %arg4[%add3A_50] : memref<643072xi32, #tpu.memory_space<hbm>> -> memref<128xi32, #tpu.memory_space<hbm>>
      tpu.enqueue_dma source(%dma_start3A_110 : memref<128xi32, #tpu.memory_space<hbm>>) target(%dma_start3A_109 : memref<128xi32, #tpu.memory_space<vmem>>) target_semaphore(%run_scoped3A_102 : memref<!tpu.dma_semaphore, #tpu.memory_space<semaphore_mem>>)
      %dma_wait3A_111 = arith.constant 0 : i32
      %dma_wait3A_112 = tpu.memref_slice %arg7[%run_scoped3A_51, %dma_wait3A_111] : memref<2x128xi32, #tpu.memory_space<vmem>> -> memref<1x128xi32, #tpu.memory_space<vmem>>
      %dma_wait3A_113 = tpu.memref_squeeze %dma_wait3A_112 : memref<1x128xi32, #tpu.memory_space<vmem>> -> memref<128xi32, #tpu.memory_space<vmem>>
      %dma_wait3A_114 = tpu.memref_slice %arg4[%add3A_50] : memref<643072xi32, #tpu.memory_space<hbm>> -> memref<128xi32, #tpu.memory_space<hbm>>
      %dma_wait3A_115 = arith.constant 0 : i32
      %dma_wait3A_116 = tpu.memref_slice %arg7[%run_scoped3A_51, %dma_wait3A_115] : memref<2x128xi32, #tpu.memory_space<vmem>> -> memref<1x128xi32, #tpu.memory_space<vmem>>
      %dma_wait3A_117 = tpu.memref_squeeze %dma_wait3A_116 : memref<1x128xi32, #tpu.memory_space<vmem>> -> memref<128xi32, #tpu.memory_space<vmem>>
      %dma_wait3A_118 = tpu.memref_slice %arg4[%add3A_50] : memref<643072xi32, #tpu.memory_space<hbm>> -> memref<128xi32, #tpu.memory_space<hbm>>
      tpu.wait_dma2 semaphore(%run_scoped3A_102 : memref<!tpu.dma_semaphore, #tpu.memory_space<semaphore_mem>>) src(%dma_wait3A_118 : memref<128xi32, #tpu.memory_space<hbm>>) dst(%dma_wait3A_117 : memref<128xi32, #tpu.memory_space<vmem>>)
      tpu.yield
    }) : () -> ()
    %dma_start3A_52 = arith.constant 1 : i32
    %dma_start3A_53 = arith.constant 1 : i32
    %dma_start3A_54 = arith.constant 0 : i32
    %dma_start3A_55 = arith.constant 0 : i32
    %dma_start3A_56 = tpu.memref_slice %arg8[%dma_start3A_53, %dma_start3A_54, %dma_start3A_55] : memref<2x128x128xf32, #tpu.memory_space<vmem>> -> memref<1x128x128xf32, #tpu.memory_space<vmem>>
    %dma_start3A_57 = tpu.memref_squeeze %dma_start3A_56 : memref<1x128x128xf32, #tpu.memory_space<vmem>> -> memref<128x128xf32, #tpu.memory_space<vmem>>
    %dma_start3A_58 = arith.constant 0 : i32
    %dma_start3A_59 = tpu.memref_slice %arg6[%dma_start3A_52, %dma_start3A_58] : memref<2x128xi32, #tpu.memory_space<vmem>> -> memref<1x128xi32, #tpu.memory_space<vmem>>
    %dma_start3A_60 = tpu.memref_squeeze %dma_start3A_59 : memref<1x128xi32, #tpu.memory_space<vmem>> -> memref<128xi32, #tpu.memory_space<vmem>>
    %dma_start3A_61 = arith.constant 0 : i32
    %dma_start3A_62 = arith.constant 0 : i32
    %dma_start3A_63 = tpu.memref_slice %arg2[%dma_start3A_61, %dma_start3A_62] : memref<10000x128xf32, #tpu.memory_space<hbm>> -> memref<10000x128xf32, #tpu.memory_space<hbm>>
    tpu.enqueue_indirect_dma source(%dma_start3A_63 : memref<10000x128xf32, #tpu.memory_space<hbm>>) target(%dma_start3A_57 : memref<128x128xf32, #tpu.memory_space<vmem>>) offsets(%dma_start3A_60 : memref<128xi32, #tpu.memory_space<vmem>>) semaphore(%arg10 : memref<!tpu.dma_semaphore, #tpu.memory_space<semaphore_mem>>)
    %dma_start3A_64 = arith.constant 0 : i32
    %dma_start3A_65 = arith.constant 0 : i32
    %dma_start3A_66 = arith.constant 0 : i32
    %dma_start3A_67 = arith.constant 0 : i32
    %dma_start3A_68 = tpu.memref_slice %arg8[%dma_start3A_64, %dma_start3A_66, %dma_start3A_67] : memref<2x128x128xf32, #tpu.memory_space<vmem>> -> memref<1x128x128xf32, #tpu.memory_space<vmem>>
    %dma_start3A_69 = tpu.memref_squeeze %dma_start3A_68 : memref<1x128x128xf32, #tpu.memory_space<vmem>> -> memref<128x128xf32, #tpu.memory_space<vmem>>
    %dma_start3A_70 = arith.constant 0 : i32
    %dma_start3A_71 = tpu.memref_slice %arg7[%dma_start3A_65, %dma_start3A_70] : memref<2x128xi32, #tpu.memory_space<vmem>> -> memref<1x128xi32, #tpu.memory_space<vmem>>
    %dma_start3A_72 = tpu.memref_squeeze %dma_start3A_71 : memref<1x128xi32, #tpu.memory_space<vmem>> -> memref<128xi32, #tpu.memory_space<vmem>>
    %dma_start3A_73 = arith.constant 0 : i32
    %dma_start3A_74 = arith.constant 0 : i32
    %dma_start3A_75 = tpu.memref_slice %arg9[%dma_start3A_73, %dma_start3A_74] : memref<5120x128xf32, #tpu.memory_space<vmem_shared>> -> memref<5120x128xf32, #tpu.memory_space<vmem_shared>>
    tpu.enqueue_indirect_dma source(%dma_start3A_69 : memref<128x128xf32, #tpu.memory_space<vmem>>) target(%dma_start3A_75 : memref<5120x128xf32, #tpu.memory_space<vmem_shared>>) offsets(%dma_start3A_72 : memref<128xi32, #tpu.memory_space<vmem>>) semaphore(%arg11 : memref<!tpu.dma_semaphore, #tpu.memory_space<semaphore_mem>>) {add = true}
    %scan3A_76 = arith.constant 0 : i32
    %scan3A_77 = arith.constant 0 : i32
    %scan3A_78 = arith.constant 78 : i32
    %scan3A_79 = arith.addi %scan3A_77, %scan3A_78 : i32
    %scan3A_80 = arith.constant 1 : i32
    %scan3A_81 = scf.for %scan3A_102 = %scan3A_77 to %scan3A_79 step %scan3A_80 iter_args(%scan3A_103 = %scan3A_76) -> (i32)  : i32 {
      %dma_wait3A_104 = arith.constant 1 : i32
      %dma_wait3A_105 = arith.constant 1 : i32
      %dma_wait3A_106 = arith.constant 0 : i32
      %dma_wait3A_107 = arith.constant 0 : i32
      %dma_wait3A_108 = tpu.memref_slice %arg8[%dma_wait3A_105, %dma_wait3A_106, %dma_wait3A_107] : memref<2x128x128xf32, #tpu.memory_space<vmem>> -> memref<1x128x128xf32, #tpu.memory_space<vmem>>
      %dma_wait3A_109 = tpu.memref_squeeze %dma_wait3A_108 : memref<1x128x128xf32, #tpu.memory_space<vmem>> -> memref<128x128xf32, #tpu.memory_space<vmem>>
      %dma_wait3A_110 = arith.constant 0 : i32
      %dma_wait3A_111 = tpu.memref_slice %arg6[%dma_wait3A_104, %dma_wait3A_110] : memref<2x128xi32, #tpu.memory_space<vmem>> -> memref<1x128xi32, #tpu.memory_space<vmem>>
      %dma_wait3A_112 = tpu.memref_squeeze %dma_wait3A_111 : memref<1x128xi32, #tpu.memory_space<vmem>> -> memref<128xi32, #tpu.memory_space<vmem>>
      %dma_wait3A_113 = arith.constant 0 : i32
      %dma_wait3A_114 = arith.constant 0 : i32
      %dma_wait3A_115 = tpu.memref_slice %arg2[%dma_wait3A_113, %dma_wait3A_114] : memref<10000x128xf32, #tpu.memory_space<hbm>> -> memref<10000x128xf32, #tpu.memory_space<hbm>>
      tpu.wait_indirect_dma semaphore(%arg10 : memref<!tpu.dma_semaphore, #tpu.memory_space<semaphore_mem>>) src(%dma_wait3A_115 : memref<10000x128xf32, #tpu.memory_space<hbm>>) dst(%dma_wait3A_109 : memref<128x128xf32, #tpu.memory_space<vmem>>)
      %dma_wait3A_116 = arith.constant 0 : i32
      %dma_wait3A_117 = arith.constant 0 : i32
      %dma_wait3A_118 = arith.constant 0 : i32
      %dma_wait3A_119 = arith.constant 0 : i32
      %dma_wait3A_120 = tpu.memref_slice %arg8[%dma_wait3A_116, %dma_wait3A_118, %dma_wait3A_119] : memref<2x128x128xf32, #tpu.memory_space<vmem>> -> memref<1x128x128xf32, #tpu.memory_space<vmem>>
      %dma_wait3A_121 = tpu.memref_squeeze %dma_wait3A_120 : memref<1x128x128xf32, #tpu.memory_space<vmem>> -> memref<128x128xf32, #tpu.memory_space<vmem>>
      %dma_wait3A_122 = arith.constant 0 : i32
      %dma_wait3A_123 = tpu.memref_slice %arg7[%dma_wait3A_117, %dma_wait3A_122] : memref<2x128xi32, #tpu.memory_space<vmem>> -> memref<1x128xi32, #tpu.memory_space<vmem>>
      %dma_wait3A_124 = tpu.memref_squeeze %dma_wait3A_123 : memref<1x128xi32, #tpu.memory_space<vmem>> -> memref<128xi32, #tpu.memory_space<vmem>>
      %dma_wait3A_125 = arith.constant 0 : i32
      %dma_wait3A_126 = arith.constant 0 : i32
      %dma_wait3A_127 = tpu.memref_slice %arg9[%dma_wait3A_125, %dma_wait3A_126] : memref<5120x128xf32, #tpu.memory_space<vmem_shared>> -> memref<5120x128xf32, #tpu.memory_space<vmem_shared>>
      tpu.wait_indirect_dma semaphore(%arg11 : memref<!tpu.dma_semaphore, #tpu.memory_space<semaphore_mem>>) src(%dma_wait3A_121 : memref<128x128xf32, #tpu.memory_space<vmem>>) dst(%dma_wait3A_127 : memref<5120x128xf32, #tpu.memory_space<vmem_shared>>)
      %mul3A_128 = arith.constant 2 : i32
      %mul3A_129 = arith.muli %mul3A_128, %scan3A_102 : i32
      %add3A_130 = arith.constant 2 : i32
      %add3A_131 = arith.addi %mul3A_129, %add3A_130 : i32
      %mul3A_132 = arith.constant 16 : i32
      %mul3A_133 = arith.muli %add3A_131, %mul3A_132 : i32
      %add3A_134 = arith.addi %mul3A_133, %arg1 : i32
      %mul3A_135 = arith.constant 128 : i32
      %mul3A_136 = arith.muli %add3A_134, %mul3A_135 : i32
      %run_scoped3A_137 = arith.constant 0 : i32
      "tpu.region"() ({
        %run_scoped3A_212 = tpu.sem_alloc : memref<!tpu.dma_semaphore, #tpu.memory_space<semaphore_mem>>
        %dma_start3A_213 = arith.constant 0 : i32
        %dma_start3A_214 = tpu.memref_slice %arg6[%run_scoped3A_137, %dma_start3A_213] : memref<2x128xi32, #tpu.memory_space<vmem>> -> memref<1x128xi32, #tpu.memory_space<vmem>>
        %dma_start3A_215 = tpu.memref_squeeze %dma_start3A_214 : memref<1x128xi32, #tpu.memory_space<vmem>> -> memref<128xi32, #tpu.memory_space<vmem>>
        %dma_start3A_216 = tpu.memref_slice %arg3[%mul3A_136] : memref<321536xi32, #tpu.memory_space<hbm>> -> memref<128xi32, #tpu.memory_space<hbm>>
        %dma_start3A_217 = arith.constant 0 : i32
        %dma_start3A_218 = tpu.memref_slice %arg6[%run_scoped3A_137, %dma_start3A_217] : memref<2x128xi32, #tpu.memory_space<vmem>> -> memref<1x128xi32, #tpu.memory_space<vmem>>
        %dma_start3A_219 = tpu.memref_squeeze %dma_start3A_218 : memref<1x128xi32, #tpu.memory_space<vmem>> -> memref<128xi32, #tpu.memory_space<vmem>>
        %dma_start3A_220 = tpu.memref_slice %arg3[%mul3A_136] : memref<321536xi32, #tpu.memory_space<hbm>> -> memref<128xi32, #tpu.memory_space<hbm>>
        tpu.enqueue_dma source(%dma_start3A_220 : memref<128xi32, #tpu.memory_space<hbm>>) target(%dma_start3A_219 : memref<128xi32, #tpu.memory_space<vmem>>) target_semaphore(%run_scoped3A_212 : memref<!tpu.dma_semaphore, #tpu.memory_space<semaphore_mem>>)
        %dma_wait3A_221 = arith.constant 0 : i32
        %dma_wait3A_222 = tpu.memref_slice %arg6[%run_scoped3A_137, %dma_wait3A_221] : memref<2x128xi32, #tpu.memory_space<vmem>> -> memref<1x128xi32, #tpu.memory_space<vmem>>
        %dma_wait3A_223 = tpu.memref_squeeze %dma_wait3A_222 : memref<1x128xi32, #tpu.memory_space<vmem>> -> memref<128xi32, #tpu.memory_space<vmem>>
        %dma_wait3A_224 = tpu.memref_slice %arg3[%mul3A_136] : memref<321536xi32, #tpu.memory_space<hbm>> -> memref<128xi32, #tpu.memory_space<hbm>>
        %dma_wait3A_225 = arith.constant 0 : i32
        %dma_wait3A_226 = tpu.memref_slice %arg6[%run_scoped3A_137, %dma_wait3A_225] : memref<2x128xi32, #tpu.memory_space<vmem>> -> memref<1x128xi32, #tpu.memory_space<vmem>>
        %dma_wait3A_227 = tpu.memref_squeeze %dma_wait3A_226 : memref<1x128xi32, #tpu.memory_space<vmem>> -> memref<128xi32, #tpu.memory_space<vmem>>
        %dma_wait3A_228 = tpu.memref_slice %arg3[%mul3A_136] : memref<321536xi32, #tpu.memory_space<hbm>> -> memref<128xi32, #tpu.memory_space<hbm>>
        tpu.wait_dma2 semaphore(%run_scoped3A_212 : memref<!tpu.dma_semaphore, #tpu.memory_space<semaphore_mem>>) src(%dma_wait3A_228 : memref<128xi32, #tpu.memory_space<hbm>>) dst(%dma_wait3A_227 : memref<128xi32, #tpu.memory_space<vmem>>)
        tpu.yield
      }) : () -> ()
      %mul3A_138 = arith.constant 321536 : i32
      %mul3A_139 = arith.muli %arg0, %mul3A_138 : i32
      %add3A_140 = arith.addi %mul3A_139, %mul3A_136 : i32
      %run_scoped3A_141 = arith.constant 0 : i32
      "tpu.region"() ({
        %run_scoped3A_212 = tpu.sem_alloc : memref<!tpu.dma_semaphore, #tpu.memory_space<semaphore_mem>>
        %dma_start3A_213 = arith.constant 0 : i32
        %dma_start3A_214 = tpu.memref_slice %arg7[%run_scoped3A_141, %dma_start3A_213] : memref<2x128xi32, #tpu.memory_space<vmem>> -> memref<1x128xi32, #tpu.memory_space<vmem>>
        %dma_start3A_215 = tpu.memref_squeeze %dma_start3A_214 : memref<1x128xi32, #tpu.memory_space<vmem>> -> memref<128xi32, #tpu.memory_space<vmem>>
        %dma_start3A_216 = tpu.memref_slice %arg4[%add3A_140] : memref<643072xi32, #tpu.memory_space<hbm>> -> memref<128xi32, #tpu.memory_space<hbm>>
        %dma_start3A_217 = arith.constant 0 : i32
        %dma_start3A_218 = tpu.memref_slice %arg7[%run_scoped3A_141, %dma_start3A_217] : memref<2x128xi32, #tpu.memory_space<vmem>> -> memref<1x128xi32, #tpu.memory_space<vmem>>
        %dma_start3A_219 = tpu.memref_squeeze %dma_start3A_218 : memref<1x128xi32, #tpu.memory_space<vmem>> -> memref<128xi32, #tpu.memory_space<vmem>>
        %dma_start3A_220 = tpu.memref_slice %arg4[%add3A_140] : memref<643072xi32, #tpu.memory_space<hbm>> -> memref<128xi32, #tpu.memory_space<hbm>>
        tpu.enqueue_dma source(%dma_start3A_220 : memref<128xi32, #tpu.memory_space<hbm>>) target(%dma_start3A_219 : memref<128xi32, #tpu.memory_space<vmem>>) target_semaphore(%run_scoped3A_212 : memref<!tpu.dma_semaphore, #tpu.memory_space<semaphore_mem>>)
        %dma_wait3A_221 = arith.constant 0 : i32
        %dma_wait3A_222 = tpu.memref_slice %arg7[%run_scoped3A_141, %dma_wait3A_221] : memref<2x128xi32, #tpu.memory_space<vmem>> -> memref<1x128xi32, #tpu.memory_space<vmem>>
        %dma_wait3A_223 = tpu.memref_squeeze %dma_wait3A_222 : memref<1x128xi32, #tpu.memory_space<vmem>> -> memref<128xi32, #tpu.memory_space<vmem>>
        %dma_wait3A_224 = tpu.memref_slice %arg4[%add3A_140] : memref<643072xi32, #tpu.memory_space<hbm>> -> memref<128xi32, #tpu.memory_space<hbm>>
        %dma_wait3A_225 = arith.constant 0 : i32
        %dma_wait3A_226 = tpu.memref_slice %arg7[%run_scoped3A_141, %dma_wait3A_225] : memref<2x128xi32, #tpu.memory_space<vmem>> -> memref<1x128xi32, #tpu.memory_space<vmem>>
        %dma_wait3A_227 = tpu.memref_squeeze %dma_wait3A_226 : memref<1x128xi32, #tpu.memory_space<vmem>> -> memref<128xi32, #tpu.memory_space<vmem>>
        %dma_wait3A_228 = tpu.memref_slice %arg4[%add3A_140] : memref<643072xi32, #tpu.memory_space<hbm>> -> memref<128xi32, #tpu.memory_space<hbm>>
        tpu.wait_dma2 semaphore(%run_scoped3A_212 : memref<!tpu.dma_semaphore, #tpu.memory_space<semaphore_mem>>) src(%dma_wait3A_228 : memref<128xi32, #tpu.memory_space<hbm>>) dst(%dma_wait3A_227 : memref<128xi32, #tpu.memory_space<vmem>>)
        tpu.yield
      }) : () -> ()
      %dma_start3A_142 = arith.constant 0 : i32
      %dma_start3A_143 = arith.constant 0 : i32
      %dma_start3A_144 = arith.constant 0 : i32
      %dma_start3A_145 = arith.constant 0 : i32
      %dma_start3A_146 = tpu.memref_slice %arg8[%dma_start3A_143, %dma_start3A_144, %dma_start3A_145] : memref<2x128x128xf32, #tpu.memory_space<vmem>> -> memref<1x128x128xf32, #tpu.memory_space<vmem>>
      %dma_start3A_147 = tpu.memref_squeeze %dma_start3A_146 : memref<1x128x128xf32, #tpu.memory_space<vmem>> -> memref<128x128xf32, #tpu.memory_space<vmem>>
      %dma_start3A_148 = arith.constant 0 : i32
      %dma_start3A_149 = tpu.memref_slice %arg6[%dma_start3A_142, %dma_start3A_148] : memref<2x128xi32, #tpu.memory_space<vmem>> -> memref<1x128xi32, #tpu.memory_space<vmem>>
      %dma_start3A_150 = tpu.memref_squeeze %dma_start3A_149 : memref<1x128xi32, #tpu.memory_space<vmem>> -> memref<128xi32, #tpu.memory_space<vmem>>
      %dma_start3A_151 = arith.constant 0 : i32
      %dma_start3A_152 = arith.constant 0 : i32
      %dma_start3A_153 = tpu.memref_slice %arg2[%dma_start3A_151, %dma_start3A_152] : memref<10000x128xf32, #tpu.memory_space<hbm>> -> memref<10000x128xf32, #tpu.memory_space<hbm>>
      tpu.enqueue_indirect_dma source(%dma_start3A_153 : memref<10000x128xf32, #tpu.memory_space<hbm>>) target(%dma_start3A_147 : memref<128x128xf32, #tpu.memory_space<vmem>>) offsets(%dma_start3A_150 : memref<128xi32, #tpu.memory_space<vmem>>) semaphore(%arg10 : memref<!tpu.dma_semaphore, #tpu.memory_space<semaphore_mem>>)
      %dma_start3A_154 = arith.constant 1 : i32
      %dma_start3A_155 = arith.constant 1 : i32
      %dma_start3A_156 = arith.constant 0 : i32
      %dma_start3A_157 = arith.constant 0 : i32
      %dma_start3A_158 = tpu.memref_slice %arg8[%dma_start3A_154, %dma_start3A_156, %dma_start3A_157] : memref<2x128x128xf32, #tpu.memory_space<vmem>> -> memref<1x128x128xf32, #tpu.memory_space<vmem>>
      %dma_start3A_159 = tpu.memref_squeeze %dma_start3A_158 : memref<1x128x128xf32, #tpu.memory_space<vmem>> -> memref<128x128xf32, #tpu.memory_space<vmem>>
      %dma_start3A_160 = arith.constant 0 : i32
      %dma_start3A_161 = tpu.memref_slice %arg7[%dma_start3A_155, %dma_start3A_160] : memref<2x128xi32, #tpu.memory_space<vmem>> -> memref<1x128xi32, #tpu.memory_space<vmem>>
      %dma_start3A_162 = tpu.memref_squeeze %dma_start3A_161 : memref<1x128xi32, #tpu.memory_space<vmem>> -> memref<128xi32, #tpu.memory_space<vmem>>
      %dma_start3A_163 = arith.constant 0 : i32
      %dma_start3A_164 = arith.constant 0 : i32
      %dma_start3A_165 = tpu.memref_slice %arg9[%dma_start3A_163, %dma_start3A_164] : memref<5120x128xf32, #tpu.memory_space<vmem_shared>> -> memref<5120x128xf32, #tpu.memory_space<vmem_shared>>
      tpu.enqueue_indirect_dma source(%dma_start3A_159 : memref<128x128xf32, #tpu.memory_space<vmem>>) target(%dma_start3A_165 : memref<5120x128xf32, #tpu.memory_space<vmem_shared>>) offsets(%dma_start3A_162 : memref<128xi32, #tpu.memory_space<vmem>>) semaphore(%arg12 : memref<!tpu.dma_semaphore, #tpu.memory_space<semaphore_mem>>) {add = true}
      %dma_wait3A_166 = arith.constant 0 : i32
      %dma_wait3A_167 = arith.constant 0 : i32
      %dma_wait3A_168 = arith.constant 0 : i32
      %dma_wait3A_169 = arith.constant 0 : i32
      %dma_wait3A_170 = tpu.memref_slice %arg8[%dma_wait3A_167, %dma_wait3A_168, %dma_wait3A_169] : memref<2x128x128xf32, #tpu.memory_space<vmem>> -> memref<1x128x128xf32, #tpu.memory_space<vmem>>
      %dma_wait3A_171 = tpu.memref_squeeze %dma_wait3A_170 : memref<1x128x128xf32, #tpu.memory_space<vmem>> -> memref<128x128xf32, #tpu.memory_space<vmem>>
      %dma_wait3A_172 = arith.constant 0 : i32
      %dma_wait3A_173 = tpu.memref_slice %arg6[%dma_wait3A_166, %dma_wait3A_172] : memref<2x128xi32, #tpu.memory_space<vmem>> -> memref<1x128xi32, #tpu.memory_space<vmem>>
      %dma_wait3A_174 = tpu.memref_squeeze %dma_wait3A_173 : memref<1x128xi32, #tpu.memory_space<vmem>> -> memref<128xi32, #tpu.memory_space<vmem>>
      %dma_wait3A_175 = arith.constant 0 : i32
      %dma_wait3A_176 = arith.constant 0 : i32
      %dma_wait3A_177 = tpu.memref_slice %arg2[%dma_wait3A_175, %dma_wait3A_176] : memref<10000x128xf32, #tpu.memory_space<hbm>> -> memref<10000x128xf32, #tpu.memory_space<hbm>>
      tpu.wait_indirect_dma semaphore(%arg10 : memref<!tpu.dma_semaphore, #tpu.memory_space<semaphore_mem>>) src(%dma_wait3A_177 : memref<10000x128xf32, #tpu.memory_space<hbm>>) dst(%dma_wait3A_171 : memref<128x128xf32, #tpu.memory_space<vmem>>)
      %dma_wait3A_178 = arith.constant 1 : i32
      %dma_wait3A_179 = arith.constant 1 : i32
      %dma_wait3A_180 = arith.constant 0 : i32
      %dma_wait3A_181 = arith.constant 0 : i32
      %dma_wait3A_182 = tpu.memref_slice %arg8[%dma_wait3A_178, %dma_wait3A_180, %dma_wait3A_181] : memref<2x128x128xf32, #tpu.memory_space<vmem>> -> memref<1x128x128xf32, #tpu.memory_space<vmem>>
      %dma_wait3A_183 = tpu.memref_squeeze %dma_wait3A_182 : memref<1x128x128xf32, #tpu.memory_space<vmem>> -> memref<128x128xf32, #tpu.memory_space<vmem>>
      %dma_wait3A_184 = arith.constant 0 : i32
      %dma_wait3A_185 = tpu.memref_slice %arg7[%dma_wait3A_179, %dma_wait3A_184] : memref<2x128xi32, #tpu.memory_space<vmem>> -> memref<1x128xi32, #tpu.memory_space<vmem>>
      %dma_wait3A_186 = tpu.memref_squeeze %dma_wait3A_185 : memref<1x128xi32, #tpu.memory_space<vmem>> -> memref<128xi32, #tpu.memory_space<vmem>>
      %dma_wait3A_187 = arith.constant 0 : i32
      %dma_wait3A_188 = arith.constant 0 : i32
      %dma_wait3A_189 = tpu.memref_slice %arg9[%dma_wait3A_187, %dma_wait3A_188] : memref<5120x128xf32, #tpu.memory_space<vmem_shared>> -> memref<5120x128xf32, #tpu.memory_space<vmem_shared>>
      tpu.wait_indirect_dma semaphore(%arg12 : memref<!tpu.dma_semaphore, #tpu.memory_space<semaphore_mem>>) src(%dma_wait3A_183 : memref<128x128xf32, #tpu.memory_space<vmem>>) dst(%dma_wait3A_189 : memref<5120x128xf32, #tpu.memory_space<vmem_shared>>)
      %mul3A_190 = arith.constant 2 : i32
      %mul3A_191 = arith.muli %mul3A_190, %scan3A_102 : i32
      %add3A_192 = arith.constant 3 : i32
      %add3A_193 = arith.addi %mul3A_191, %add3A_192 : i32
      %lt3A_194 = arith.constant 157 : i32
      %lt3A_195 = arith.cmpi slt, %add3A_193, %lt3A_194 : i32
      %convert_element_type3A_196 = arith.extui %lt3A_195 : i1 to i32
      %cond3A_197 = arith.constant 0 : i32
      %cond3A_198 = arith.cmpi ne, %convert_element_type3A_196, %cond3A_197 : i32
      scf.if %cond3A_198 {
        %mul3A_212 = arith.constant 2 : i32
        %mul3A_213 = arith.muli %mul3A_212, %scan3A_102 : i32
        %add3A_214 = arith.constant 3 : i32
        %add3A_215 = arith.addi %mul3A_213, %add3A_214 : i32
        %mul3A_216 = arith.constant 16 : i32
        %mul3A_217 = arith.muli %add3A_215, %mul3A_216 : i32
        %add3A_218 = arith.addi %mul3A_217, %arg1 : i32
        %mul3A_219 = arith.constant 128 : i32
        %mul3A_220 = arith.muli %add3A_218, %mul3A_219 : i32
        %run_scoped3A_221 = arith.constant 1 : i32
        "tpu.region"() ({
          %run_scoped3A_238 = tpu.sem_alloc : memref<!tpu.dma_semaphore, #tpu.memory_space<semaphore_mem>>
          %dma_start3A_239 = arith.constant 0 : i32
          %dma_start3A_240 = tpu.memref_slice %arg6[%run_scoped3A_221, %dma_start3A_239] : memref<2x128xi32, #tpu.memory_space<vmem>> -> memref<1x128xi32, #tpu.memory_space<vmem>>
          %dma_start3A_241 = tpu.memref_squeeze %dma_start3A_240 : memref<1x128xi32, #tpu.memory_space<vmem>> -> memref<128xi32, #tpu.memory_space<vmem>>
          %dma_start3A_242 = tpu.memref_slice %arg3[%mul3A_220] : memref<321536xi32, #tpu.memory_space<hbm>> -> memref<128xi32, #tpu.memory_space<hbm>>
          %dma_start3A_243 = arith.constant 0 : i32
          %dma_start3A_244 = tpu.memref_slice %arg6[%run_scoped3A_221, %dma_start3A_243] : memref<2x128xi32, #tpu.memory_space<vmem>> -> memref<1x128xi32, #tpu.memory_space<vmem>>
          %dma_start3A_245 = tpu.memref_squeeze %dma_start3A_244 : memref<1x128xi32, #tpu.memory_space<vmem>> -> memref<128xi32, #tpu.memory_space<vmem>>
          %dma_start3A_246 = tpu.memref_slice %arg3[%mul3A_220] : memref<321536xi32, #tpu.memory_space<hbm>> -> memref<128xi32, #tpu.memory_space<hbm>>
          tpu.enqueue_dma source(%dma_start3A_246 : memref<128xi32, #tpu.memory_space<hbm>>) target(%dma_start3A_245 : memref<128xi32, #tpu.memory_space<vmem>>) target_semaphore(%run_scoped3A_238 : memref<!tpu.dma_semaphore, #tpu.memory_space<semaphore_mem>>)
          %dma_wait3A_247 = arith.constant 0 : i32
          %dma_wait3A_248 = tpu.memref_slice %arg6[%run_scoped3A_221, %dma_wait3A_247] : memref<2x128xi32, #tpu.memory_space<vmem>> -> memref<1x128xi32, #tpu.memory_space<vmem>>
          %dma_wait3A_249 = tpu.memref_squeeze %dma_wait3A_248 : memref<1x128xi32, #tpu.memory_space<vmem>> -> memref<128xi32, #tpu.memory_space<vmem>>
          %dma_wait3A_250 = tpu.memref_slice %arg3[%mul3A_220] : memref<321536xi32, #tpu.memory_space<hbm>> -> memref<128xi32, #tpu.memory_space<hbm>>
          %dma_wait3A_251 = arith.constant 0 : i32
          %dma_wait3A_252 = tpu.memref_slice %arg6[%run_scoped3A_221, %dma_wait3A_251] : memref<2x128xi32, #tpu.memory_space<vmem>> -> memref<1x128xi32, #tpu.memory_space<vmem>>
          %dma_wait3A_253 = tpu.memref_squeeze %dma_wait3A_252 : memref<1x128xi32, #tpu.memory_space<vmem>> -> memref<128xi32, #tpu.memory_space<vmem>>
          %dma_wait3A_254 = tpu.memref_slice %arg3[%mul3A_220] : memref<321536xi32, #tpu.memory_space<hbm>> -> memref<128xi32, #tpu.memory_space<hbm>>
          tpu.wait_dma2 semaphore(%run_scoped3A_238 : memref<!tpu.dma_semaphore, #tpu.memory_space<semaphore_mem>>) src(%dma_wait3A_254 : memref<128xi32, #tpu.memory_space<hbm>>) dst(%dma_wait3A_253 : memref<128xi32, #tpu.memory_space<vmem>>)
          tpu.yield
        }) : () -> ()
        %mul3A_222 = arith.constant 321536 : i32
        %mul3A_223 = arith.muli %arg0, %mul3A_222 : i32
        %add3A_224 = arith.addi %mul3A_223, %mul3A_220 : i32
        %run_scoped3A_225 = arith.constant 1 : i32
        "tpu.region"() ({
          %run_scoped3A_238 = tpu.sem_alloc : memref<!tpu.dma_semaphore, #tpu.memory_space<semaphore_mem>>
          %dma_start3A_239 = arith.constant 0 : i32
          %dma_start3A_240 = tpu.memref_slice %arg7[%run_scoped3A_225, %dma_start3A_239] : memref<2x128xi32, #tpu.memory_space<vmem>> -> memref<1x128xi32, #tpu.memory_space<vmem>>
          %dma_start3A_241 = tpu.memref_squeeze %dma_start3A_240 : memref<1x128xi32, #tpu.memory_space<vmem>> -> memref<128xi32, #tpu.memory_space<vmem>>
          %dma_start3A_242 = tpu.memref_slice %arg4[%add3A_224] : memref<643072xi32, #tpu.memory_space<hbm>> -> memref<128xi32, #tpu.memory_space<hbm>>
          %dma_start3A_243 = arith.constant 0 : i32
          %dma_start3A_244 = tpu.memref_slice %arg7[%run_scoped3A_225, %dma_start3A_243] : memref<2x128xi32, #tpu.memory_space<vmem>> -> memref<1x128xi32, #tpu.memory_space<vmem>>
          %dma_start3A_245 = tpu.memref_squeeze %dma_start3A_244 : memref<1x128xi32, #tpu.memory_space<vmem>> -> memref<128xi32, #tpu.memory_space<vmem>>
          %dma_start3A_246 = tpu.memref_slice %arg4[%add3A_224] : memref<643072xi32, #tpu.memory_space<hbm>> -> memref<128xi32, #tpu.memory_space<hbm>>
          tpu.enqueue_dma source(%dma_start3A_246 : memref<128xi32, #tpu.memory_space<hbm>>) target(%dma_start3A_245 : memref<128xi32, #tpu.memory_space<vmem>>) target_semaphore(%run_scoped3A_238 : memref<!tpu.dma_semaphore, #tpu.memory_space<semaphore_mem>>)
          %dma_wait3A_247 = arith.constant 0 : i32
          %dma_wait3A_248 = tpu.memref_slice %arg7[%run_scoped3A_225, %dma_wait3A_247] : memref<2x128xi32, #tpu.memory_space<vmem>> -> memref<1x128xi32, #tpu.memory_space<vmem>>
          %dma_wait3A_249 = tpu.memref_squeeze %dma_wait3A_248 : memref<1x128xi32, #tpu.memory_space<vmem>> -> memref<128xi32, #tpu.memory_space<vmem>>
          %dma_wait3A_250 = tpu.memref_slice %arg4[%add3A_224] : memref<643072xi32, #tpu.memory_space<hbm>> -> memref<128xi32, #tpu.memory_space<hbm>>
          %dma_wait3A_251 = arith.constant 0 : i32
          %dma_wait3A_252 = tpu.memref_slice %arg7[%run_scoped3A_225, %dma_wait3A_251] : memref<2x128xi32, #tpu.memory_space<vmem>> -> memref<1x128xi32, #tpu.memory_space<vmem>>
          %dma_wait3A_253 = tpu.memref_squeeze %dma_wait3A_252 : memref<1x128xi32, #tpu.memory_space<vmem>> -> memref<128xi32, #tpu.memory_space<vmem>>
          %dma_wait3A_254 = tpu.memref_slice %arg4[%add3A_224] : memref<643072xi32, #tpu.memory_space<hbm>> -> memref<128xi32, #tpu.memory_space<hbm>>
          tpu.wait_dma2 semaphore(%run_scoped3A_238 : memref<!tpu.dma_semaphore, #tpu.memory_space<semaphore_mem>>) src(%dma_wait3A_254 : memref<128xi32, #tpu.memory_space<hbm>>) dst(%dma_wait3A_253 : memref<128xi32, #tpu.memory_space<vmem>>)
          tpu.yield
        }) : () -> ()
        %dma_start3A_226 = arith.constant 1 : i32
        %dma_start3A_227 = arith.constant 1 : i32
        %dma_start3A_228 = arith.constant 0 : i32
        %dma_start3A_229 = arith.constant 0 : i32
        %dma_start3A_230 = tpu.memref_slice %arg8[%dma_start3A_227, %dma_start3A_228, %dma_start3A_229] : memref<2x128x128xf32, #tpu.memory_space<vmem>> -> memref<1x128x128xf32, #tpu.memory_space<vmem>>
        %dma_start3A_231 = tpu.memref_squeeze %dma_start3A_230 : memref<1x128x128xf32, #tpu.memory_space<vmem>> -> memref<128x128xf32, #tpu.memory_space<vmem>>
        %dma_start3A_232 = arith.constant 0 : i32
        %dma_start3A_233 = tpu.memref_slice %arg6[%dma_start3A_226, %dma_start3A_232] : memref<2x128xi32, #tpu.memory_space<vmem>> -> memref<1x128xi32, #tpu.memory_space<vmem>>
        %dma_start3A_234 = tpu.memref_squeeze %dma_start3A_233 : memref<1x128xi32, #tpu.memory_space<vmem>> -> memref<128xi32, #tpu.memory_space<vmem>>
        %dma_start3A_235 = arith.constant 0 : i32
        %dma_start3A_236 = arith.constant 0 : i32
        %dma_start3A_237 = tpu.memref_slice %arg2[%dma_start3A_235, %dma_start3A_236] : memref<10000x128xf32, #tpu.memory_space<hbm>> -> memref<10000x128xf32, #tpu.memory_space<hbm>>
        tpu.enqueue_indirect_dma source(%dma_start3A_237 : memref<10000x128xf32, #tpu.memory_space<hbm>>) target(%dma_start3A_231 : memref<128x128xf32, #tpu.memory_space<vmem>>) offsets(%dma_start3A_234 : memref<128xi32, #tpu.memory_space<vmem>>) semaphore(%arg10 : memref<!tpu.dma_semaphore, #tpu.memory_space<semaphore_mem>>)
      } else {
      }
      %dma_start3A_199 = arith.constant 0 : i32
      %dma_start3A_200 = arith.constant 0 : i32
      %dma_start3A_201 = arith.constant 0 : i32
      %dma_start3A_202 = arith.constant 0 : i32
      %dma_start3A_203 = tpu.memref_slice %arg8[%dma_start3A_199, %dma_start3A_201, %dma_start3A_202] : memref<2x128x128xf32, #tpu.memory_space<vmem>> -> memref<1x128x128xf32, #tpu.memory_space<vmem>>
      %dma_start3A_204 = tpu.memref_squeeze %dma_start3A_203 : memref<1x128x128xf32, #tpu.memory_space<vmem>> -> memref<128x128xf32, #tpu.memory_space<vmem>>
      %dma_start3A_205 = arith.constant 0 : i32
      %dma_start3A_206 = tpu.memref_slice %arg7[%dma_start3A_200, %dma_start3A_205] : memref<2x128xi32, #tpu.memory_space<vmem>> -> memref<1x128xi32, #tpu.memory_space<vmem>>
      %dma_start3A_207 = tpu.memref_squeeze %dma_start3A_206 : memref<1x128xi32, #tpu.memory_space<vmem>> -> memref<128xi32, #tpu.memory_space<vmem>>
      %dma_start3A_208 = arith.constant 0 : i32
      %dma_start3A_209 = arith.constant 0 : i32
      %dma_start3A_210 = tpu.memref_slice %arg9[%dma_start3A_208, %dma_start3A_209] : memref<5120x128xf32, #tpu.memory_space<vmem_shared>> -> memref<5120x128xf32, #tpu.memory_space<vmem_shared>>
      tpu.enqueue_indirect_dma source(%dma_start3A_204 : memref<128x128xf32, #tpu.memory_space<vmem>>) target(%dma_start3A_210 : memref<5120x128xf32, #tpu.memory_space<vmem_shared>>) offsets(%dma_start3A_207 : memref<128xi32, #tpu.memory_space<vmem>>) semaphore(%arg11 : memref<!tpu.dma_semaphore, #tpu.memory_space<semaphore_mem>>) {add = true}
      %scan3A_211 = arith.constant 0 : i32
      scf.yield %scan3A_211 : i32
    }
    %scan3A_82 = arith.constant 78 : i32
    %dma_wait3A_83 = arith.constant 0 : i32
    %dma_wait3A_84 = arith.constant 0 : i32
    %dma_wait3A_85 = arith.constant 0 : i32
    %dma_wait3A_86 = arith.constant 0 : i32
    %dma_wait3A_87 = tpu.memref_slice %arg8[%dma_wait3A_83, %dma_wait3A_85, %dma_wait3A_86] : memref<2x128x128xf32, #tpu.memory_space<vmem>> -> memref<1x128x128xf32, #tpu.memory_space<vmem>>
    %dma_wait3A_88 = tpu.memref_squeeze %dma_wait3A_87 : memref<1x128x128xf32, #tpu.memory_space<vmem>> -> memref<128x128xf32, #tpu.memory_space<vmem>>
    %dma_wait3A_89 = arith.constant 0 : i32
    %dma_wait3A_90 = tpu.memref_slice %arg7[%dma_wait3A_84, %dma_wait3A_89] : memref<2x128xi32, #tpu.memory_space<vmem>> -> memref<1x128xi32, #tpu.memory_space<vmem>>
    %dma_wait3A_91 = tpu.memref_squeeze %dma_wait3A_90 : memref<1x128xi32, #tpu.memory_space<vmem>> -> memref<128xi32, #tpu.memory_space<vmem>>
    %dma_wait3A_92 = arith.constant 0 : i32
    %dma_wait3A_93 = arith.constant 0 : i32
    %dma_wait3A_94 = tpu.memref_slice %arg9[%dma_wait3A_92, %dma_wait3A_93] : memref<5120x128xf32, #tpu.memory_space<vmem_shared>> -> memref<5120x128xf32, #tpu.memory_space<vmem_shared>>
    tpu.wait_indirect_dma semaphore(%arg11 : memref<!tpu.dma_semaphore, #tpu.memory_space<semaphore_mem>>) src(%dma_wait3A_88 : memref<128x128xf32, #tpu.memory_space<vmem>>) dst(%dma_wait3A_94 : memref<5120x128xf32, #tpu.memory_space<vmem_shared>>)
    %barrier3A_95 = arith.constant 0 : index
    tpu.barrier barrier_id(%barrier3A_95)
    %lt3A = arith.constant 15 : i32
    %lt3A_96 = arith.cmpi slt, %arg1, %lt3A : i32
    %convert_element_type3A = arith.extui %lt3A_96 : i1 to i32
    %cond3A = arith.constant 0 : i32
    %cond3A_97 = arith.cmpi ne, %convert_element_type3A, %cond3A : i32
    scf.if %cond3A_97 {
      %mul3A_102 = arith.constant 320 : i32
      %mul3A_103 = arith.muli %arg1, %mul3A_102 : i32
      %mul3A_104 = arith.constant 5000 : i32
      %mul3A_105 = arith.muli %arg0, %mul3A_104 : i32
      %mul3A_106 = arith.constant 320 : i32
      %mul3A_107 = arith.muli %arg1, %mul3A_106 : i32
      %add3A_108 = arith.addi %mul3A_105, %mul3A_107 : i32
      "tpu.region"() ({
        %run_scoped3A_109 = tpu.sem_alloc : memref<!tpu.dma_semaphore, #tpu.memory_space<semaphore_mem>>
        %dma_start3A_110 = arith.constant 0 : i32
        %dma_start3A_111 = tpu.memref_slice %arg5[%add3A_108, %dma_start3A_110] : memref<10000x128xf32, #tpu.memory_space<hbm>> -> memref<320x128xf32, #tpu.memory_space<hbm>>
        %dma_start3A_112 = arith.constant 0 : i32
        %dma_start3A_113 = tpu.memref_slice %arg9[%mul3A_103, %dma_start3A_112] : memref<5120x128xf32, #tpu.memory_space<vmem_shared>> -> memref<320x128xf32, #tpu.memory_space<vmem_shared>>
        tpu.enqueue_dma source(%dma_start3A_113 : memref<320x128xf32, #tpu.memory_space<vmem_shared>>) target(%dma_start3A_111 : memref<320x128xf32, #tpu.memory_space<hbm>>) target_semaphore(%run_scoped3A_109 : memref<!tpu.dma_semaphore, #tpu.memory_space<semaphore_mem>>)
        %dma_wait3A_114 = arith.constant 0 : i32
        %dma_wait3A_115 = tpu.memref_slice %arg5[%add3A_108, %dma_wait3A_114] : memref<10000x128xf32, #tpu.memory_space<hbm>> -> memref<320x128xf32, #tpu.memory_space<hbm>>
        %dma_wait3A_116 = arith.constant 0 : i32
        %dma_wait3A_117 = tpu.memref_slice %arg9[%mul3A_103, %dma_wait3A_116] : memref<5120x128xf32, #tpu.memory_space<vmem_shared>> -> memref<320x128xf32, #tpu.memory_space<vmem_shared>>
        tpu.wait_dma2 semaphore(%run_scoped3A_109 : memref<!tpu.dma_semaphore, #tpu.memory_space<semaphore_mem>>) src(%dma_wait3A_117 : memref<320x128xf32, #tpu.memory_space<vmem_shared>>) dst(%dma_wait3A_115 : memref<320x128xf32, #tpu.memory_space<hbm>>)
        tpu.yield
      }) : () -> ()
    } else {
    }
    %eq3A = arith.constant 15 : i32
    %eq3A_98 = arith.cmpi eq, %arg1, %eq3A : i32
    %convert_element_type3A_99 = arith.extui %eq3A_98 : i1 to i32
    %cond3A_100 = arith.constant 0 : i32
    %cond3A_101 = arith.cmpi ne, %convert_element_type3A_99, %cond3A_100 : i32
    scf.if %cond3A_101 {
      %mul3A_102 = arith.constant 5000 : i32
      %mul3A_103 = arith.muli %arg0, %mul3A_102 : i32
      %add3A_104 = arith.constant 4800 : i32
      %add3A_105 = arith.addi %mul3A_103, %add3A_104 : i32
      "tpu.region"() ({
        %run_scoped3A_106 = tpu.sem_alloc : memref<!tpu.dma_semaphore, #tpu.memory_space<semaphore_mem>>
        %dma_start3A_107 = arith.constant 0 : i32
        %dma_start3A_108 = tpu.memref_slice %arg5[%add3A_105, %dma_start3A_107] : memref<10000x128xf32, #tpu.memory_space<hbm>> -> memref<200x128xf32, #tpu.memory_space<hbm>>
        %dma_start3A_109 = arith.constant 4800 : i32
        %dma_start3A_110 = arith.constant 0 : i32
        %dma_start3A_111 = tpu.memref_slice %arg9[%dma_start3A_109, %dma_start3A_110] : memref<5120x128xf32, #tpu.memory_space<vmem_shared>> -> memref<200x128xf32, #tpu.memory_space<vmem_shared>>
        tpu.enqueue_dma source(%dma_start3A_111 : memref<200x128xf32, #tpu.memory_space<vmem_shared>>) target(%dma_start3A_108 : memref<200x128xf32, #tpu.memory_space<hbm>>) target_semaphore(%run_scoped3A_106 : memref<!tpu.dma_semaphore, #tpu.memory_space<semaphore_mem>>)
        %dma_wait3A_112 = arith.constant 0 : i32
        %dma_wait3A_113 = tpu.memref_slice %arg5[%add3A_105, %dma_wait3A_112] : memref<10000x128xf32, #tpu.memory_space<hbm>> -> memref<200x128xf32, #tpu.memory_space<hbm>>
        %dma_wait3A_114 = arith.constant 4800 : i32
        %dma_wait3A_115 = arith.constant 0 : i32
        %dma_wait3A_116 = tpu.memref_slice %arg9[%dma_wait3A_114, %dma_wait3A_115] : memref<5120x128xf32, #tpu.memory_space<vmem_shared>> -> memref<200x128xf32, #tpu.memory_space<vmem_shared>>
        tpu.wait_dma2 semaphore(%run_scoped3A_106 : memref<!tpu.dma_semaphore, #tpu.memory_space<semaphore_mem>>) src(%dma_wait3A_116 : memref<200x128xf32, #tpu.memory_space<vmem_shared>>) dst(%dma_wait3A_113 : memref<200x128xf32, #tpu.memory_space<hbm>>)
        tpu.yield
      }) : () -> ()
    } else {
    }
    return
  }
}

#map = affine_map<(d0, d1) -> (0, 0)>
#map1 = affine_map<(d0, d1) -> (0)>
module attributes {stable_mosaic.version = 14 : i64} {
  func.func @_sc_pass(%arg0: i32, %arg1: i32, %arg2: memref<10000x128xf32, #tpu.memory_space<hbm>>, %arg3: memref<321536xi32, #tpu.memory_space<hbm>>, %arg4: memref<643072xi32, #tpu.memory_space<hbm>>, %arg5: memref<10000x128xf32, #tpu.memory_space<hbm>>, %arg6: memref<2x128xi32, #tpu.memory_space<vmem>>, %arg7: memref<2x128xi32, #tpu.memory_space<vmem>>, %arg8: memref<2x128x128xf32, #tpu.memory_space<vmem>>, %arg9: memref<5120x128xf32, #tpu.memory_space<vmem_shared>>, %arg10: memref<!tpu.dma_semaphore, #tpu.memory_space<semaphore_mem>>, %arg11: memref<!tpu.dma_semaphore, #tpu.memory_space<semaphore_mem>>, %arg12: memref<!tpu.dma_semaphore, #tpu.memory_space<semaphore_mem>>) attributes {dimension_semantics = [#tpu.dimension_semantics<core_parallel>, #tpu.dimension_semantics<subcore_parallel>], iteration_bounds = array<i64: 2, 16>, scalar_prefetch = 0 : i64, scratch_operands = 7 : i64, tpu.core_type = #tpu.core_type<sc_vector_subcore>, window_params = [{transform_indices = #map}, {transform_indices = #map1}, {transform_indices = #map1}, {transform_indices = #map}]} {
    %scan3A = arith.constant 0 : i32
    %scan3A_0 = arith.constant 0 : i32
    %scan3A_1 = arith.constant 128 : i32
    %scan3A_2 = arith.addi %scan3A_0, %scan3A_1 : i32
    %scan3A_3 = arith.constant 1 : i32
    %scan3A_4 = scf.for %scan3A_102 = %scan3A_0 to %scan3A_2 step %scan3A_3 iter_args(%scan3A_103 = %scan3A) -> (i32)  : i32 {
      %broadcast_in_dim3A = arith.constant 0.000000e+00 : f32
      %broadcast_in_dim3A_104 = vector.broadcast %broadcast_in_dim3A : f32 to vector<16xf32>
      %swap3A = arith.constant 0 : i32
      %swap3A_105 = arith.index_cast %swap3A : i32 to index
      %swap3A_106 = arith.index_cast %scan3A_102 : i32 to index
      %swap3A_107 = arith.constant 0 : index
      %swap3A_108 = tpu.vector_load %arg8[%swap3A_105, %swap3A_106, %swap3A_107] {strides = array<i32>} : memref<2x128x128xf32, #tpu.memory_space<vmem>>, vector<1x1x16xf32>,
      %swap3A_109 = vector.shape_cast %swap3A_108 : vector<1x1x16xf32> to vector<16xf32>
      %swap3A_110 = vector.shape_cast %broadcast_in_dim3A_104 : vector<16xf32> to vector<1x1x16xf32>
      tpu.vector_store %arg8[%swap3A_105, %swap3A_106, %swap3A_107], %swap3A_110 {strides = array<i32>} : memref<2x128x128xf32, #tpu.memory_space<vmem>>, vector<1x1x16xf32>,
      %broadcast_in_dim3A_111 = arith.constant 0.000000e+00 : f32
      %broadcast_in_dim3A_112 = vector.broadcast %broadcast_in_dim3A_111 : f32 to vector<16xf32>
      %swap3A_113 = arith.constant 0 : i32
      %swap3A_114 = arith.index_cast %swap3A_113 : i32 to index
      %swap3A_115 = arith.index_cast %scan3A_102 : i32 to index
      %swap3A_116 = arith.constant 16 : index
      %swap3A_117 = tpu.vector_load %arg8[%swap3A_114, %swap3A_115, %swap3A_116] {strides = array<i32>} : memref<2x128x128xf32, #tpu.memory_space<vmem>>, vector<1x1x16xf32>,
      %swap3A_118 = vector.shape_cast %swap3A_117 : vector<1x1x16xf32> to vector<16xf32>
      %swap3A_119 = vector.shape_cast %broadcast_in_dim3A_112 : vector<16xf32> to vector<1x1x16xf32>
      tpu.vector_store %arg8[%swap3A_114, %swap3A_115, %swap3A_116], %swap3A_119 {strides = array<i32>} : memref<2x128x128xf32, #tpu.memory_space<vmem>>, vector<1x1x16xf32>,
      %broadcast_in_dim3A_120 = arith.constant 0.000000e+00 : f32
      %broadcast_in_dim3A_121 = vector.broadcast %broadcast_in_dim3A_120 : f32 to vector<16xf32>
      %swap3A_122 = arith.constant 0 : i32
      %swap3A_123 = arith.index_cast %swap3A_122 : i32 to index
      %swap3A_124 = arith.index_cast %scan3A_102 : i32 to index
      %swap3A_125 = arith.constant 32 : index
      %swap3A_126 = tpu.vector_load %arg8[%swap3A_123, %swap3A_124, %swap3A_125] {strides = array<i32>} : memref<2x128x128xf32, #tpu.memory_space<vmem>>, vector<1x1x16xf32>,
      %swap3A_127 = vector.shape_cast %swap3A_126 : vector<1x1x16xf32> to vector<16xf32>
      %swap3A_128 = vector.shape_cast %broadcast_in_dim3A_121 : vector<16xf32> to vector<1x1x16xf32>
      tpu.vector_store %arg8[%swap3A_123, %swap3A_124, %swap3A_125], %swap3A_128 {strides = array<i32>} : memref<2x128x128xf32, #tpu.memory_space<vmem>>, vector<1x1x16xf32>,
      %broadcast_in_dim3A_129 = arith.constant 0.000000e+00 : f32
      %broadcast_in_dim3A_130 = vector.broadcast %broadcast_in_dim3A_129 : f32 to vector<16xf32>
      %swap3A_131 = arith.constant 0 : i32
      %swap3A_132 = arith.index_cast %swap3A_131 : i32 to index
      %swap3A_133 = arith.index_cast %scan3A_102 : i32 to index
      %swap3A_134 = arith.constant 48 : index
      %swap3A_135 = tpu.vector_load %arg8[%swap3A_132, %swap3A_133, %swap3A_134] {strides = array<i32>} : memref<2x128x128xf32, #tpu.memory_space<vmem>>, vector<1x1x16xf32>,
      %swap3A_136 = vector.shape_cast %swap3A_135 : vector<1x1x16xf32> to vector<16xf32>
      %swap3A_137 = vector.shape_cast %broadcast_in_dim3A_130 : vector<16xf32> to vector<1x1x16xf32>
      tpu.vector_store %arg8[%swap3A_132, %swap3A_133, %swap3A_134], %swap3A_137 {strides = array<i32>} : memref<2x128x128xf32, #tpu.memory_space<vmem>>, vector<1x1x16xf32>,
      %broadcast_in_dim3A_138 = arith.constant 0.000000e+00 : f32
      %broadcast_in_dim3A_139 = vector.broadcast %broadcast_in_dim3A_138 : f32 to vector<16xf32>
      %swap3A_140 = arith.constant 0 : i32
      %swap3A_141 = arith.index_cast %swap3A_140 : i32 to index
      %swap3A_142 = arith.index_cast %scan3A_102 : i32 to index
      %swap3A_143 = arith.constant 64 : index
      %swap3A_144 = tpu.vector_load %arg8[%swap3A_141, %swap3A_142, %swap3A_143] {strides = array<i32>} : memref<2x128x128xf32, #tpu.memory_space<vmem>>, vector<1x1x16xf32>,
      %swap3A_145 = vector.shape_cast %swap3A_144 : vector<1x1x16xf32> to vector<16xf32>
      %swap3A_146 = vector.shape_cast %broadcast_in_dim3A_139 : vector<16xf32> to vector<1x1x16xf32>
      tpu.vector_store %arg8[%swap3A_141, %swap3A_142, %swap3A_143], %swap3A_146 {strides = array<i32>} : memref<2x128x128xf32, #tpu.memory_space<vmem>>, vector<1x1x16xf32>,
      %broadcast_in_dim3A_147 = arith.constant 0.000000e+00 : f32
      %broadcast_in_dim3A_148 = vector.broadcast %broadcast_in_dim3A_147 : f32 to vector<16xf32>
      %swap3A_149 = arith.constant 0 : i32
      %swap3A_150 = arith.index_cast %swap3A_149 : i32 to index
      %swap3A_151 = arith.index_cast %scan3A_102 : i32 to index
      %swap3A_152 = arith.constant 80 : index
      %swap3A_153 = tpu.vector_load %arg8[%swap3A_150, %swap3A_151, %swap3A_152] {strides = array<i32>} : memref<2x128x128xf32, #tpu.memory_space<vmem>>, vector<1x1x16xf32>,
      %swap3A_154 = vector.shape_cast %swap3A_153 : vector<1x1x16xf32> to vector<16xf32>
      %swap3A_155 = vector.shape_cast %broadcast_in_dim3A_148 : vector<16xf32> to vector<1x1x16xf32>
      tpu.vector_store %arg8[%swap3A_150, %swap3A_151, %swap3A_152], %swap3A_155 {strides = array<i32>} : memref<2x128x128xf32, #tpu.memory_space<vmem>>, vector<1x1x16xf32>,
      %broadcast_in_dim3A_156 = arith.constant 0.000000e+00 : f32
      %broadcast_in_dim3A_157 = vector.broadcast %broadcast_in_dim3A_156 : f32 to vector<16xf32>
      %swap3A_158 = arith.constant 0 : i32
      %swap3A_159 = arith.index_cast %swap3A_158 : i32 to index
      %swap3A_160 = arith.index_cast %scan3A_102 : i32 to index
      %swap3A_161 = arith.constant 96 : index
      %swap3A_162 = tpu.vector_load %arg8[%swap3A_159, %swap3A_160, %swap3A_161] {strides = array<i32>} : memref<2x128x128xf32, #tpu.memory_space<vmem>>, vector<1x1x16xf32>,
      %swap3A_163 = vector.shape_cast %swap3A_162 : vector<1x1x16xf32> to vector<16xf32>
      %swap3A_164 = vector.shape_cast %broadcast_in_dim3A_157 : vector<16xf32> to vector<1x1x16xf32>
      tpu.vector_store %arg8[%swap3A_159, %swap3A_160, %swap3A_161], %swap3A_164 {strides = array<i32>} : memref<2x128x128xf32, #tpu.memory_space<vmem>>, vector<1x1x16xf32>,
      %broadcast_in_dim3A_165 = arith.constant 0.000000e+00 : f32
      %broadcast_in_dim3A_166 = vector.broadcast %broadcast_in_dim3A_165 : f32 to vector<16xf32>
      %swap3A_167 = arith.constant 0 : i32
      %swap3A_168 = arith.index_cast %swap3A_167 : i32 to index
      %swap3A_169 = arith.index_cast %scan3A_102 : i32 to index
      %swap3A_170 = arith.constant 112 : index
      %swap3A_171 = tpu.vector_load %arg8[%swap3A_168, %swap3A_169, %swap3A_170] {strides = array<i32>} : memref<2x128x128xf32, #tpu.memory_space<vmem>>, vector<1x1x16xf32>,
      %swap3A_172 = vector.shape_cast %swap3A_171 : vector<1x1x16xf32> to vector<16xf32>
      %swap3A_173 = vector.shape_cast %broadcast_in_dim3A_166 : vector<16xf32> to vector<1x1x16xf32>
      tpu.vector_store %arg8[%swap3A_168, %swap3A_169, %swap3A_170], %swap3A_173 {strides = array<i32>} : memref<2x128x128xf32, #tpu.memory_space<vmem>>, vector<1x1x16xf32>,
      %scan3A_174 = arith.constant 0 : i32
      scf.yield %scan3A_174 : i32
    }
    %scan3A_5 = arith.constant 128 : i32
    %mul3A = arith.constant 320 : i32
    %mul3A_6 = arith.muli %arg1, %mul3A : i32
    %run_scoped3A = arith.constant 0 : i32
    "tpu.region"() ({
      %run_scoped3A_102 = tpu.sem_alloc : memref<!tpu.dma_semaphore, #tpu.memory_space<semaphore_mem>>
      %dma_start3A_103 = arith.constant 0 : i32
      %dma_start3A_104 = arith.constant 0 : i32
      %dma_start3A_105 = tpu.memref_slice %arg8[%run_scoped3A, %dma_start3A_103, %dma_start3A_104] : memref<2x128x128xf32, #tpu.memory_space<vmem>> -> memref<1x128x128xf32, #tpu.memory_space<vmem>>
      %dma_start3A_106 = tpu.memref_squeeze %dma_start3A_105 : memref<1x128x128xf32, #tpu.memory_space<vmem>> -> memref<128x128xf32, #tpu.memory_space<vmem>>
      %dma_start3A_107 = arith.constant 0 : i32
      %dma_start3A_108 = tpu.memref_slice %arg9[%mul3A_6, %dma_start3A_107] : memref<5120x128xf32, #tpu.memory_space<vmem_shared>> -> memref<128x128xf32, #tpu.memory_space<vmem_shared>>
      %dma_start3A_109 = arith.constant 0 : i32
      %dma_start3A_110 = tpu.memref_slice %arg9[%mul3A_6, %dma_start3A_109] : memref<5120x128xf32, #tpu.memory_space<vmem_shared>> -> memref<128x128xf32, #tpu.memory_space<vmem_shared>>
      %dma_start3A_111 = arith.constant 0 : i32
      %dma_start3A_112 = arith.constant 0 : i32
      %dma_start3A_113 = tpu.memref_slice %arg8[%run_scoped3A, %dma_start3A_111, %dma_start3A_112] : memref<2x128x128xf32, #tpu.memory_space<vmem>> -> memref<1x128x128xf32, #tpu.memory_space<vmem>>
      %dma_start3A_114 = tpu.memref_squeeze %dma_start3A_113 : memref<1x128x128xf32, #tpu.memory_space<vmem>> -> memref<128x128xf32, #tpu.memory_space<vmem>>
      tpu.enqueue_dma source(%dma_start3A_114 : memref<128x128xf32, #tpu.memory_space<vmem>>) target(%dma_start3A_110 : memref<128x128xf32, #tpu.memory_space<vmem_shared>>) target_semaphore(%run_scoped3A_102 : memref<!tpu.dma_semaphore, #tpu.memory_space<semaphore_mem>>)
      %dma_wait3A_115 = arith.constant 0 : i32
      %dma_wait3A_116 = arith.constant 0 : i32
      %dma_wait3A_117 = tpu.memref_slice %arg8[%run_scoped3A, %dma_wait3A_115, %dma_wait3A_116] : memref<2x128x128xf32, #tpu.memory_space<vmem>> -> memref<1x128x128xf32, #tpu.memory_space<vmem>>
      %dma_wait3A_118 = tpu.memref_squeeze %dma_wait3A_117 : memref<1x128x128xf32, #tpu.memory_space<vmem>> -> memref<128x128xf32, #tpu.memory_space<vmem>>
      %dma_wait3A_119 = arith.constant 0 : i32
      %dma_wait3A_120 = tpu.memref_slice %arg9[%mul3A_6, %dma_wait3A_119] : memref<5120x128xf32, #tpu.memory_space<vmem_shared>> -> memref<128x128xf32, #tpu.memory_space<vmem_shared>>
      %dma_wait3A_121 = arith.constant 0 : i32
      %dma_wait3A_122 = tpu.memref_slice %arg9[%mul3A_6, %dma_wait3A_121] : memref<5120x128xf32, #tpu.memory_space<vmem_shared>> -> memref<128x128xf32, #tpu.memory_space<vmem_shared>>
      %dma_wait3A_123 = arith.constant 0 : i32
      %dma_wait3A_124 = arith.constant 0 : i32
      %dma_wait3A_125 = tpu.memref_slice %arg8[%run_scoped3A, %dma_wait3A_123, %dma_wait3A_124] : memref<2x128x128xf32, #tpu.memory_space<vmem>> -> memref<1x128x128xf32, #tpu.memory_space<vmem>>
      %dma_wait3A_126 = tpu.memref_squeeze %dma_wait3A_125 : memref<1x128x128xf32, #tpu.memory_space<vmem>> -> memref<128x128xf32, #tpu.memory_space<vmem>>
      tpu.wait_dma2 semaphore(%run_scoped3A_102 : memref<!tpu.dma_semaphore, #tpu.memory_space<semaphore_mem>>) src(%dma_wait3A_126 : memref<128x128xf32, #tpu.memory_space<vmem>>) dst(%dma_wait3A_122 : memref<128x128xf32, #tpu.memory_space<vmem_shared>>)
      tpu.yield
    }) : () -> ()
    %add3A = arith.constant 128 : i32
    %add3A_7 = arith.addi %mul3A_6, %add3A : i32
    %run_scoped3A_8 = arith.constant 0 : i32
    "tpu.region"() ({
      %run_scoped3A_102 = tpu.sem_alloc : memref<!tpu.dma_semaphore, #tpu.memory_space<semaphore_mem>>
      %dma_start3A_103 = arith.constant 0 : i32
      %dma_start3A_104 = arith.constant 0 : i32
      %dma_start3A_105 = tpu.memref_slice %arg8[%run_scoped3A_8, %dma_start3A_103, %dma_start3A_104] : memref<2x128x128xf32, #tpu.memory_space<vmem>> -> memref<1x128x128xf32, #tpu.memory_space<vmem>>
      %dma_start3A_106 = tpu.memref_squeeze %dma_start3A_105 : memref<1x128x128xf32, #tpu.memory_space<vmem>> -> memref<128x128xf32, #tpu.memory_space<vmem>>
      %dma_start3A_107 = arith.constant 0 : i32
      %dma_start3A_108 = tpu.memref_slice %arg9[%add3A_7, %dma_start3A_107] : memref<5120x128xf32, #tpu.memory_space<vmem_shared>> -> memref<128x128xf32, #tpu.memory_space<vmem_shared>>
      %dma_start3A_109 = arith.constant 0 : i32
      %dma_start3A_110 = tpu.memref_slice %arg9[%add3A_7, %dma_start3A_109] : memref<5120x128xf32, #tpu.memory_space<vmem_shared>> -> memref<128x128xf32, #tpu.memory_space<vmem_shared>>
      %dma_start3A_111 = arith.constant 0 : i32
      %dma_start3A_112 = arith.constant 0 : i32
      %dma_start3A_113 = tpu.memref_slice %arg8[%run_scoped3A_8, %dma_start3A_111, %dma_start3A_112] : memref<2x128x128xf32, #tpu.memory_space<vmem>> -> memref<1x128x128xf32, #tpu.memory_space<vmem>>
      %dma_start3A_114 = tpu.memref_squeeze %dma_start3A_113 : memref<1x128x128xf32, #tpu.memory_space<vmem>> -> memref<128x128xf32, #tpu.memory_space<vmem>>
      tpu.enqueue_dma source(%dma_start3A_114 : memref<128x128xf32, #tpu.memory_space<vmem>>) target(%dma_start3A_110 : memref<128x128xf32, #tpu.memory_space<vmem_shared>>) target_semaphore(%run_scoped3A_102 : memref<!tpu.dma_semaphore, #tpu.memory_space<semaphore_mem>>)
      %dma_wait3A_115 = arith.constant 0 : i32
      %dma_wait3A_116 = arith.constant 0 : i32
      %dma_wait3A_117 = tpu.memref_slice %arg8[%run_scoped3A_8, %dma_wait3A_115, %dma_wait3A_116] : memref<2x128x128xf32, #tpu.memory_space<vmem>> -> memref<1x128x128xf32, #tpu.memory_space<vmem>>
      %dma_wait3A_118 = tpu.memref_squeeze %dma_wait3A_117 : memref<1x128x128xf32, #tpu.memory_space<vmem>> -> memref<128x128xf32, #tpu.memory_space<vmem>>
      %dma_wait3A_119 = arith.constant 0 : i32
      %dma_wait3A_120 = tpu.memref_slice %arg9[%add3A_7, %dma_wait3A_119] : memref<5120x128xf32, #tpu.memory_space<vmem_shared>> -> memref<128x128xf32, #tpu.memory_space<vmem_shared>>
      %dma_wait3A_121 = arith.constant 0 : i32
      %dma_wait3A_122 = tpu.memref_slice %arg9[%add3A_7, %dma_wait3A_121] : memref<5120x128xf32, #tpu.memory_space<vmem_shared>> -> memref<128x128xf32, #tpu.memory_space<vmem_shared>>
      %dma_wait3A_123 = arith.constant 0 : i32
      %dma_wait3A_124 = arith.constant 0 : i32
      %dma_wait3A_125 = tpu.memref_slice %arg8[%run_scoped3A_8, %dma_wait3A_123, %dma_wait3A_124] : memref<2x128x128xf32, #tpu.memory_space<vmem>> -> memref<1x128x128xf32, #tpu.memory_space<vmem>>
      %dma_wait3A_126 = tpu.memref_squeeze %dma_wait3A_125 : memref<1x128x128xf32, #tpu.memory_space<vmem>> -> memref<128x128xf32, #tpu.memory_space<vmem>>
      tpu.wait_dma2 semaphore(%run_scoped3A_102 : memref<!tpu.dma_semaphore, #tpu.memory_space<semaphore_mem>>) src(%dma_wait3A_126 : memref<128x128xf32, #tpu.memory_space<vmem>>) dst(%dma_wait3A_122 : memref<128x128xf32, #tpu.memory_space<vmem_shared>>)
      tpu.yield
    }) : () -> ()
    %add3A_9 = arith.constant 256 : i32
    %add3A_10 = arith.addi %mul3A_6, %add3A_9 : i32
    %run_scoped3A_11 = arith.constant 0 : i32
    "tpu.region"() ({
      %run_scoped3A_102 = tpu.sem_alloc : memref<!tpu.dma_semaphore, #tpu.memory_space<semaphore_mem>>
      %dma_start3A_103 = arith.constant 0 : i32
      %dma_start3A_104 = arith.constant 0 : i32
      %dma_start3A_105 = tpu.memref_slice %arg8[%run_scoped3A_11, %dma_start3A_103, %dma_start3A_104] : memref<2x128x128xf32, #tpu.memory_space<vmem>> -> memref<1x128x128xf32, #tpu.memory_space<vmem>>
      %dma_start3A_106 = tpu.memref_squeeze %dma_start3A_105 : memref<1x128x128xf32, #tpu.memory_space<vmem>> -> memref<128x128xf32, #tpu.memory_space<vmem>>
      %dma_start3A_107 = arith.constant 0 : i32
      %dma_start3A_108 = arith.constant 0 : i32
      %dma_start3A_109 = tpu.memref_slice %dma_start3A_106[%dma_start3A_107, %dma_start3A_108] : memref<128x128xf32, #tpu.memory_space<vmem>> -> memref<64x128xf32, #tpu.memory_space<vmem>>
      %dma_start3A_110 = arith.constant 0 : i32
      %dma_start3A_111 = tpu.memref_slice %arg9[%add3A_10, %dma_start3A_110] : memref<5120x128xf32, #tpu.memory_space<vmem_shared>> -> memref<64x128xf32, #tpu.memory_space<vmem_shared>>
      %dma_start3A_112 = arith.constant 0 : i32
      %dma_start3A_113 = tpu.memref_slice %arg9[%add3A_10, %dma_start3A_112] : memref<5120x128xf32, #tpu.memory_space<vmem_shared>> -> memref<64x128xf32, #tpu.memory_space<vmem_shared>>
      %dma_start3A_114 = arith.constant 0 : i32
      %dma_start3A_115 = arith.constant 0 : i32
      %dma_start3A_116 = tpu.memref_slice %arg8[%run_scoped3A_11, %dma_start3A_114, %dma_start3A_115] : memref<2x128x128xf32, #tpu.memory_space<vmem>> -> memref<1x128x128xf32, #tpu.memory_space<vmem>>
      %dma_start3A_117 = tpu.memref_squeeze %dma_start3A_116 : memref<1x128x128xf32, #tpu.memory_space<vmem>> -> memref<128x128xf32, #tpu.memory_space<vmem>>
      %dma_start3A_118 = arith.constant 0 : i32
      %dma_start3A_119 = arith.constant 0 : i32
      %dma_start3A_120 = tpu.memref_slice %dma_start3A_117[%dma_start3A_118, %dma_start3A_119] : memref<128x128xf32, #tpu.memory_space<vmem>> -> memref<64x128xf32, #tpu.memory_space<vmem>>
      tpu.enqueue_dma source(%dma_start3A_120 : memref<64x128xf32, #tpu.memory_space<vmem>>) target(%dma_start3A_113 : memref<64x128xf32, #tpu.memory_space<vmem_shared>>) target_semaphore(%run_scoped3A_102 : memref<!tpu.dma_semaphore, #tpu.memory_space<semaphore_mem>>)
      %dma_wait3A_121 = arith.constant 0 : i32
      %dma_wait3A_122 = arith.constant 0 : i32
      %dma_wait3A_123 = tpu.memref_slice %arg8[%run_scoped3A_11, %dma_wait3A_121, %dma_wait3A_122] : memref<2x128x128xf32, #tpu.memory_space<vmem>> -> memref<1x128x128xf32, #tpu.memory_space<vmem>>
      %dma_wait3A_124 = tpu.memref_squeeze %dma_wait3A_123 : memref<1x128x128xf32, #tpu.memory_space<vmem>> -> memref<128x128xf32, #tpu.memory_space<vmem>>
      %dma_wait3A_125 = arith.constant 0 : i32
      %dma_wait3A_126 = arith.constant 0 : i32
      %dma_wait3A_127 = tpu.memref_slice %dma_wait3A_124[%dma_wait3A_125, %dma_wait3A_126] : memref<128x128xf32, #tpu.memory_space<vmem>> -> memref<64x128xf32, #tpu.memory_space<vmem>>
      %dma_wait3A_128 = arith.constant 0 : i32
      %dma_wait3A_129 = tpu.memref_slice %arg9[%add3A_10, %dma_wait3A_128] : memref<5120x128xf32, #tpu.memory_space<vmem_shared>> -> memref<64x128xf32, #tpu.memory_space<vmem_shared>>
      %dma_wait3A_130 = arith.constant 0 : i32
      %dma_wait3A_131 = tpu.memref_slice %arg9[%add3A_10, %dma_wait3A_130] : memref<5120x128xf32, #tpu.memory_space<vmem_shared>> -> memref<64x128xf32, #tpu.memory_space<vmem_shared>>
      %dma_wait3A_132 = arith.constant 0 : i32
      %dma_wait3A_133 = arith.constant 0 : i32
      %dma_wait3A_134 = tpu.memref_slice %arg8[%run_scoped3A_11, %dma_wait3A_132, %dma_wait3A_133] : memref<2x128x128xf32, #tpu.memory_space<vmem>> -> memref<1x128x128xf32, #tpu.memory_space<vmem>>
      %dma_wait3A_135 = tpu.memref_squeeze %dma_wait3A_134 : memref<1x128x128xf32, #tpu.memory_space<vmem>> -> memref<128x128xf32, #tpu.memory_space<vmem>>
      %dma_wait3A_136 = arith.constant 0 : i32
      %dma_wait3A_137 = arith.constant 0 : i32
      %dma_wait3A_138 = tpu.memref_slice %dma_wait3A_135[%dma_wait3A_136, %dma_wait3A_137] : memref<128x128xf32, #tpu.memory_space<vmem>> -> memref<64x128xf32, #tpu.memory_space<vmem>>
      tpu.wait_dma2 semaphore(%run_scoped3A_102 : memref<!tpu.dma_semaphore, #tpu.memory_space<semaphore_mem>>) src(%dma_wait3A_138 : memref<64x128xf32, #tpu.memory_space<vmem>>) dst(%dma_wait3A_131 : memref<64x128xf32, #tpu.memory_space<vmem_shared>>)
      tpu.yield
    }) : () -> ()
    %barrier3A = arith.constant 0 : index
    tpu.barrier barrier_id(%barrier3A)
    %add3A_12 = arith.constant 0 : i32
    %add3A_13 = arith.addi %add3A_12, %arg1 : i32
    %mul3A_14 = arith.constant 128 : i32
    %mul3A_15 = arith.muli %add3A_13, %mul3A_14 : i32
    %run_scoped3A_16 = arith.constant 0 : i32
    "tpu.region"() ({
      %run_scoped3A_102 = tpu.sem_alloc : memref<!tpu.dma_semaphore, #tpu.memory_space<semaphore_mem>>
      %dma_start3A_103 = arith.constant 0 : i32
      %dma_start3A_104 = tpu.memref_slice %arg6[%run_scoped3A_16, %dma_start3A_103] : memref<2x128xi32, #tpu.memory_space<vmem>> -> memref<1x128xi32, #tpu.memory_space<vmem>>
      %dma_start3A_105 = tpu.memref_squeeze %dma_start3A_104 : memref<1x128xi32, #tpu.memory_space<vmem>> -> memref<128xi32, #tpu.memory_space<vmem>>
      %dma_start3A_106 = tpu.memref_slice %arg3[%mul3A_15] : memref<321536xi32, #tpu.memory_space<hbm>> -> memref<128xi32, #tpu.memory_space<hbm>>
      %dma_start3A_107 = arith.constant 0 : i32
      %dma_start3A_108 = tpu.memref_slice %arg6[%run_scoped3A_16, %dma_start3A_107] : memref<2x128xi32, #tpu.memory_space<vmem>> -> memref<1x128xi32, #tpu.memory_space<vmem>>
      %dma_start3A_109 = tpu.memref_squeeze %dma_start3A_108 : memref<1x128xi32, #tpu.memory_space<vmem>> -> memref<128xi32, #tpu.memory_space<vmem>>
      %dma_start3A_110 = tpu.memref_slice %arg3[%mul3A_15] : memref<321536xi32, #tpu.memory_space<hbm>> -> memref<128xi32, #tpu.memory_space<hbm>>
      tpu.enqueue_dma source(%dma_start3A_110 : memref<128xi32, #tpu.memory_space<hbm>>) target(%dma_start3A_109 : memref<128xi32, #tpu.memory_space<vmem>>) target_semaphore(%run_scoped3A_102 : memref<!tpu.dma_semaphore, #tpu.memory_space<semaphore_mem>>)
      %dma_wait3A_111 = arith.constant 0 : i32
      %dma_wait3A_112 = tpu.memref_slice %arg6[%run_scoped3A_16, %dma_wait3A_111] : memref<2x128xi32, #tpu.memory_space<vmem>> -> memref<1x128xi32, #tpu.memory_space<vmem>>
      %dma_wait3A_113 = tpu.memref_squeeze %dma_wait3A_112 : memref<1x128xi32, #tpu.memory_space<vmem>> -> memref<128xi32, #tpu.memory_space<vmem>>
      %dma_wait3A_114 = tpu.memref_slice %arg3[%mul3A_15] : memref<321536xi32, #tpu.memory_space<hbm>> -> memref<128xi32, #tpu.memory_space<hbm>>
      %dma_wait3A_115 = arith.constant 0 : i32
      %dma_wait3A_116 = tpu.memref_slice %arg6[%run_scoped3A_16, %dma_wait3A_115] : memref<2x128xi32, #tpu.memory_space<vmem>> -> memref<1x128xi32, #tpu.memory_space<vmem>>
      %dma_wait3A_117 = tpu.memref_squeeze %dma_wait3A_116 : memref<1x128xi32, #tpu.memory_space<vmem>> -> memref<128xi32, #tpu.memory_space<vmem>>
      %dma_wait3A_118 = tpu.memref_slice %arg3[%mul3A_15] : memref<321536xi32, #tpu.memory_space<hbm>> -> memref<128xi32, #tpu.memory_space<hbm>>
      tpu.wait_dma2 semaphore(%run_scoped3A_102 : memref<!tpu.dma_semaphore, #tpu.memory_space<semaphore_mem>>) src(%dma_wait3A_118 : memref<128xi32, #tpu.memory_space<hbm>>) dst(%dma_wait3A_117 : memref<128xi32, #tpu.memory_space<vmem>>)
      tpu.yield
    }) : () -> ()
    %mul3A_17 = arith.constant 321536 : i32
    %mul3A_18 = arith.muli %arg0, %mul3A_17 : i32
    %add3A_19 = arith.addi %mul3A_18, %mul3A_15 : i32
    %run_scoped3A_20 = arith.constant 0 : i32
    "tpu.region"() ({
      %run_scoped3A_102 = tpu.sem_alloc : memref<!tpu.dma_semaphore, #tpu.memory_space<semaphore_mem>>
      %dma_start3A_103 = arith.constant 0 : i32
      %dma_start3A_104 = tpu.memref_slice %arg7[%run_scoped3A_20, %dma_start3A_103] : memref<2x128xi32, #tpu.memory_space<vmem>> -> memref<1x128xi32, #tpu.memory_space<vmem>>
      %dma_start3A_105 = tpu.memref_squeeze %dma_start3A_104 : memref<1x128xi32, #tpu.memory_space<vmem>> -> memref<128xi32, #tpu.memory_space<vmem>>
      %dma_start3A_106 = tpu.memref_slice %arg4[%add3A_19] : memref<643072xi32, #tpu.memory_space<hbm>> -> memref<128xi32, #tpu.memory_space<hbm>>
      %dma_start3A_107 = arith.constant 0 : i32
      %dma_start3A_108 = tpu.memref_slice %arg7[%run_scoped3A_20, %dma_start3A_107] : memref<2x128xi32, #tpu.memory_space<vmem>> -> memref<1x128xi32, #tpu.memory_space<vmem>>
      %dma_start3A_109 = tpu.memref_squeeze %dma_start3A_108 : memref<1x128xi32, #tpu.memory_space<vmem>> -> memref<128xi32, #tpu.memory_space<vmem>>
      %dma_start3A_110 = tpu.memref_slice %arg4[%add3A_19] : memref<643072xi32, #tpu.memory_space<hbm>> -> memref<128xi32, #tpu.memory_space<hbm>>
      tpu.enqueue_dma source(%dma_start3A_110 : memref<128xi32, #tpu.memory_space<hbm>>) target(%dma_start3A_109 : memref<128xi32, #tpu.memory_space<vmem>>) target_semaphore(%run_scoped3A_102 : memref<!tpu.dma_semaphore, #tpu.memory_space<semaphore_mem>>)
      %dma_wait3A_111 = arith.constant 0 : i32
      %dma_wait3A_112 = tpu.memref_slice %arg7[%run_scoped3A_20, %dma_wait3A_111] : memref<2x128xi32, #tpu.memory_space<vmem>> -> memref<1x128xi32, #tpu.memory_space<vmem>>
      %dma_wait3A_113 = tpu.memref_squeeze %dma_wait3A_112 : memref<1x128xi32, #tpu.memory_space<vmem>> -> memref<128xi32, #tpu.memory_space<vmem>>
      %dma_wait3A_114 = tpu.memref_slice %arg4[%add3A_19] : memref<643072xi32, #tpu.memory_space<hbm>> -> memref<128xi32, #tpu.memory_space<hbm>>
      %dma_wait3A_115 = arith.constant 0 : i32
      %dma_wait3A_116 = tpu.memref_slice %arg7[%run_scoped3A_20, %dma_wait3A_115] : memref<2x128xi32, #tpu.memory_space<vmem>> -> memref<1x128xi32, #tpu.memory_space<vmem>>
      %dma_wait3A_117 = tpu.memref_squeeze %dma_wait3A_116 : memref<1x128xi32, #tpu.memory_space<vmem>> -> memref<128xi32, #tpu.memory_space<vmem>>
      %dma_wait3A_118 = tpu.memref_slice %arg4[%add3A_19] : memref<643072xi32, #tpu.memory_space<hbm>> -> memref<128xi32, #tpu.memory_space<hbm>>
      tpu.wait_dma2 semaphore(%run_scoped3A_102 : memref<!tpu.dma_semaphore, #tpu.memory_space<semaphore_mem>>) src(%dma_wait3A_118 : memref<128xi32, #tpu.memory_space<hbm>>) dst(%dma_wait3A_117 : memref<128xi32, #tpu.memory_space<vmem>>)
      tpu.yield
    }) : () -> ()
    %dma_start3A = arith.constant 0 : i32
    %dma_start3A_21 = arith.constant 0 : i32
    %dma_start3A_22 = arith.constant 0 : i32
    %dma_start3A_23 = arith.constant 0 : i32
    %dma_start3A_24 = tpu.memref_slice %arg8[%dma_start3A_21, %dma_start3A_22, %dma_start3A_23] : memref<2x128x128xf32, #tpu.memory_space<vmem>> -> memref<1x128x128xf32, #tpu.memory_space<vmem>>
    %dma_start3A_25 = tpu.memref_squeeze %dma_start3A_24 : memref<1x128x128xf32, #tpu.memory_space<vmem>> -> memref<128x128xf32, #tpu.memory_space<vmem>>
    %dma_start3A_26 = arith.constant 0 : i32
    %dma_start3A_27 = tpu.memref_slice %arg6[%dma_start3A, %dma_start3A_26] : memref<2x128xi32, #tpu.memory_space<vmem>> -> memref<1x128xi32, #tpu.memory_space<vmem>>
    %dma_start3A_28 = tpu.memref_squeeze %dma_start3A_27 : memref<1x128xi32, #tpu.memory_space<vmem>> -> memref<128xi32, #tpu.memory_space<vmem>>
    %dma_start3A_29 = arith.constant 0 : i32
    %dma_start3A_30 = arith.constant 0 : i32
    %dma_start3A_31 = tpu.memref_slice %arg2[%dma_start3A_29, %dma_start3A_30] : memref<10000x128xf32, #tpu.memory_space<hbm>> -> memref<10000x128xf32, #tpu.memory_space<hbm>>
    tpu.enqueue_indirect_dma source(%dma_start3A_31 : memref<10000x128xf32, #tpu.memory_space<hbm>>) target(%dma_start3A_25 : memref<128x128xf32, #tpu.memory_space<vmem>>) offsets(%dma_start3A_28 : memref<128xi32, #tpu.memory_space<vmem>>) semaphore(%arg10 : memref<!tpu.dma_semaphore, #tpu.memory_space<semaphore_mem>>)
    %dma_wait3A = arith.constant 0 : i32
    %dma_wait3A_32 = arith.constant 0 : i32
    %dma_wait3A_33 = arith.constant 0 : i32
    %dma_wait3A_34 = arith.constant 0 : i32
    %dma_wait3A_35 = tpu.memref_slice %arg8[%dma_wait3A_32, %dma_wait3A_33, %dma_wait3A_34] : memref<2x128x128xf32, #tpu.memory_space<vmem>> -> memref<1x128x128xf32, #tpu.memory_space<vmem>>
    %dma_wait3A_36 = tpu.memref_squeeze %dma_wait3A_35 : memref<1x128x128xf32, #tpu.memory_space<vmem>> -> memref<128x128xf32, #tpu.memory_space<vmem>>
    %dma_wait3A_37 = arith.constant 0 : i32
    %dma_wait3A_38 = tpu.memref_slice %arg6[%dma_wait3A, %dma_wait3A_37] : memref<2x128xi32, #tpu.memory_space<vmem>> -> memref<1x128xi32, #tpu.memory_space<vmem>>
    %dma_wait3A_39 = tpu.memref_squeeze %dma_wait3A_38 : memref<1x128xi32, #tpu.memory_space<vmem>> -> memref<128xi32, #tpu.memory_space<vmem>>
    %dma_wait3A_40 = arith.constant 0 : i32
    %dma_wait3A_41 = arith.constant 0 : i32
    %dma_wait3A_42 = tpu.memref_slice %arg2[%dma_wait3A_40, %dma_wait3A_41] : memref<10000x128xf32, #tpu.memory_space<hbm>> -> memref<10000x128xf32, #tpu.memory_space<hbm>>
    tpu.wait_indirect_dma semaphore(%arg10 : memref<!tpu.dma_semaphore, #tpu.memory_space<semaphore_mem>>) src(%dma_wait3A_42 : memref<10000x128xf32, #tpu.memory_space<hbm>>) dst(%dma_wait3A_36 : memref<128x128xf32, #tpu.memory_space<vmem>>)
    %add3A_43 = arith.constant 16 : i32
    %add3A_44 = arith.addi %add3A_43, %arg1 : i32
    %mul3A_45 = arith.constant 128 : i32
    %mul3A_46 = arith.muli %add3A_44, %mul3A_45 : i32
    %run_scoped3A_47 = arith.constant 1 : i32
    "tpu.region"() ({
      %run_scoped3A_102 = tpu.sem_alloc : memref<!tpu.dma_semaphore, #tpu.memory_space<semaphore_mem>>
      %dma_start3A_103 = arith.constant 0 : i32
      %dma_start3A_104 = tpu.memref_slice %arg6[%run_scoped3A_47, %dma_start3A_103] : memref<2x128xi32, #tpu.memory_space<vmem>> -> memref<1x128xi32, #tpu.memory_space<vmem>>
      %dma_start3A_105 = tpu.memref_squeeze %dma_start3A_104 : memref<1x128xi32, #tpu.memory_space<vmem>> -> memref<128xi32, #tpu.memory_space<vmem>>
      %dma_start3A_106 = tpu.memref_slice %arg3[%mul3A_46] : memref<321536xi32, #tpu.memory_space<hbm>> -> memref<128xi32, #tpu.memory_space<hbm>>
      %dma_start3A_107 = arith.constant 0 : i32
      %dma_start3A_108 = tpu.memref_slice %arg6[%run_scoped3A_47, %dma_start3A_107] : memref<2x128xi32, #tpu.memory_space<vmem>> -> memref<1x128xi32, #tpu.memory_space<vmem>>
      %dma_start3A_109 = tpu.memref_squeeze %dma_start3A_108 : memref<1x128xi32, #tpu.memory_space<vmem>> -> memref<128xi32, #tpu.memory_space<vmem>>
      %dma_start3A_110 = tpu.memref_slice %arg3[%mul3A_46] : memref<321536xi32, #tpu.memory_space<hbm>> -> memref<128xi32, #tpu.memory_space<hbm>>
      tpu.enqueue_dma source(%dma_start3A_110 : memref<128xi32, #tpu.memory_space<hbm>>) target(%dma_start3A_109 : memref<128xi32, #tpu.memory_space<vmem>>) target_semaphore(%run_scoped3A_102 : memref<!tpu.dma_semaphore, #tpu.memory_space<semaphore_mem>>)
      %dma_wait3A_111 = arith.constant 0 : i32
      %dma_wait3A_112 = tpu.memref_slice %arg6[%run_scoped3A_47, %dma_wait3A_111] : memref<2x128xi32, #tpu.memory_space<vmem>> -> memref<1x128xi32, #tpu.memory_space<vmem>>
      %dma_wait3A_113 = tpu.memref_squeeze %dma_wait3A_112 : memref<1x128xi32, #tpu.memory_space<vmem>> -> memref<128xi32, #tpu.memory_space<vmem>>
      %dma_wait3A_114 = tpu.memref_slice %arg3[%mul3A_46] : memref<321536xi32, #tpu.memory_space<hbm>> -> memref<128xi32, #tpu.memory_space<hbm>>
      %dma_wait3A_115 = arith.constant 0 : i32
      %dma_wait3A_116 = tpu.memref_slice %arg6[%run_scoped3A_47, %dma_wait3A_115] : memref<2x128xi32, #tpu.memory_space<vmem>> -> memref<1x128xi32, #tpu.memory_space<vmem>>
      %dma_wait3A_117 = tpu.memref_squeeze %dma_wait3A_116 : memref<1x128xi32, #tpu.memory_space<vmem>> -> memref<128xi32, #tpu.memory_space<vmem>>
      %dma_wait3A_118 = tpu.memref_slice %arg3[%mul3A_46] : memref<321536xi32, #tpu.memory_space<hbm>> -> memref<128xi32, #tpu.memory_space<hbm>>
      tpu.wait_dma2 semaphore(%run_scoped3A_102 : memref<!tpu.dma_semaphore, #tpu.memory_space<semaphore_mem>>) src(%dma_wait3A_118 : memref<128xi32, #tpu.memory_space<hbm>>) dst(%dma_wait3A_117 : memref<128xi32, #tpu.memory_space<vmem>>)
      tpu.yield
    }) : () -> ()
    %mul3A_48 = arith.constant 321536 : i32
    %mul3A_49 = arith.muli %arg0, %mul3A_48 : i32
    %add3A_50 = arith.addi %mul3A_49, %mul3A_46 : i32
    %run_scoped3A_51 = arith.constant 1 : i32
    "tpu.region"() ({
      %run_scoped3A_102 = tpu.sem_alloc : memref<!tpu.dma_semaphore, #tpu.memory_space<semaphore_mem>>
      %dma_start3A_103 = arith.constant 0 : i32
      %dma_start3A_104 = tpu.memref_slice %arg7[%run_scoped3A_51, %dma_start3A_103] : memref<2x128xi32, #tpu.memory_space<vmem>> -> memref<1x128xi32, #tpu.memory_space<vmem>>
      %dma_start3A_105 = tpu.memref_squeeze %dma_start3A_104 : memref<1x128xi32, #tpu.memory_space<vmem>> -> memref<128xi32, #tpu.memory_space<vmem>>
      %dma_start3A_106 = tpu.memref_slice %arg4[%add3A_50] : memref<643072xi32, #tpu.memory_space<hbm>> -> memref<128xi32, #tpu.memory_space<hbm>>
      %dma_start3A_107 = arith.constant 0 : i32
      %dma_start3A_108 = tpu.memref_slice %arg7[%run_scoped3A_51, %dma_start3A_107] : memref<2x128xi32, #tpu.memory_space<vmem>> -> memref<1x128xi32, #tpu.memory_space<vmem>>
      %dma_start3A_109 = tpu.memref_squeeze %dma_start3A_108 : memref<1x128xi32, #tpu.memory_space<vmem>> -> memref<128xi32, #tpu.memory_space<vmem>>
      %dma_start3A_110 = tpu.memref_slice %arg4[%add3A_50] : memref<643072xi32, #tpu.memory_space<hbm>> -> memref<128xi32, #tpu.memory_space<hbm>>
      tpu.enqueue_dma source(%dma_start3A_110 : memref<128xi32, #tpu.memory_space<hbm>>) target(%dma_start3A_109 : memref<128xi32, #tpu.memory_space<vmem>>) target_semaphore(%run_scoped3A_102 : memref<!tpu.dma_semaphore, #tpu.memory_space<semaphore_mem>>)
      %dma_wait3A_111 = arith.constant 0 : i32
      %dma_wait3A_112 = tpu.memref_slice %arg7[%run_scoped3A_51, %dma_wait3A_111] : memref<2x128xi32, #tpu.memory_space<vmem>> -> memref<1x128xi32, #tpu.memory_space<vmem>>
      %dma_wait3A_113 = tpu.memref_squeeze %dma_wait3A_112 : memref<1x128xi32, #tpu.memory_space<vmem>> -> memref<128xi32, #tpu.memory_space<vmem>>
      %dma_wait3A_114 = tpu.memref_slice %arg4[%add3A_50] : memref<643072xi32, #tpu.memory_space<hbm>> -> memref<128xi32, #tpu.memory_space<hbm>>
      %dma_wait3A_115 = arith.constant 0 : i32
      %dma_wait3A_116 = tpu.memref_slice %arg7[%run_scoped3A_51, %dma_wait3A_115] : memref<2x128xi32, #tpu.memory_space<vmem>> -> memref<1x128xi32, #tpu.memory_space<vmem>>
      %dma_wait3A_117 = tpu.memref_squeeze %dma_wait3A_116 : memref<1x128xi32, #tpu.memory_space<vmem>> -> memref<128xi32, #tpu.memory_space<vmem>>
      %dma_wait3A_118 = tpu.memref_slice %arg4[%add3A_50] : memref<643072xi32, #tpu.memory_space<hbm>> -> memref<128xi32, #tpu.memory_space<hbm>>
      tpu.wait_dma2 semaphore(%run_scoped3A_102 : memref<!tpu.dma_semaphore, #tpu.memory_space<semaphore_mem>>) src(%dma_wait3A_118 : memref<128xi32, #tpu.memory_space<hbm>>) dst(%dma_wait3A_117 : memref<128xi32, #tpu.memory_space<vmem>>)
      tpu.yield
    }) : () -> ()
    %dma_start3A_52 = arith.constant 1 : i32
    %dma_start3A_53 = arith.constant 1 : i32
    %dma_start3A_54 = arith.constant 0 : i32
    %dma_start3A_55 = arith.constant 0 : i32
    %dma_start3A_56 = tpu.memref_slice %arg8[%dma_start3A_53, %dma_start3A_54, %dma_start3A_55] : memref<2x128x128xf32, #tpu.memory_space<vmem>> -> memref<1x128x128xf32, #tpu.memory_space<vmem>>
    %dma_start3A_57 = tpu.memref_squeeze %dma_start3A_56 : memref<1x128x128xf32, #tpu.memory_space<vmem>> -> memref<128x128xf32, #tpu.memory_space<vmem>>
    %dma_start3A_58 = arith.constant 0 : i32
    %dma_start3A_59 = tpu.memref_slice %arg6[%dma_start3A_52, %dma_start3A_58] : memref<2x128xi32, #tpu.memory_space<vmem>> -> memref<1x128xi32, #tpu.memory_space<vmem>>
    %dma_start3A_60 = tpu.memref_squeeze %dma_start3A_59 : memref<1x128xi32, #tpu.memory_space<vmem>> -> memref<128xi32, #tpu.memory_space<vmem>>
    %dma_start3A_61 = arith.constant 0 : i32
    %dma_start3A_62 = arith.constant 0 : i32
    %dma_start3A_63 = tpu.memref_slice %arg2[%dma_start3A_61, %dma_start3A_62] : memref<10000x128xf32, #tpu.memory_space<hbm>> -> memref<10000x128xf32, #tpu.memory_space<hbm>>
    tpu.enqueue_indirect_dma source(%dma_start3A_63 : memref<10000x128xf32, #tpu.memory_space<hbm>>) target(%dma_start3A_57 : memref<128x128xf32, #tpu.memory_space<vmem>>) offsets(%dma_start3A_60 : memref<128xi32, #tpu.memory_space<vmem>>) semaphore(%arg10 : memref<!tpu.dma_semaphore, #tpu.memory_space<semaphore_mem>>)
    %dma_start3A_64 = arith.constant 0 : i32
    %dma_start3A_65 = arith.constant 0 : i32
    %dma_start3A_66 = arith.constant 0 : i32
    %dma_start3A_67 = arith.constant 0 : i32
    %dma_start3A_68 = tpu.memref_slice %arg8[%dma_start3A_64, %dma_start3A_66, %dma_start3A_67] : memref<2x128x128xf32, #tpu.memory_space<vmem>> -> memref<1x128x128xf32, #tpu.memory_space<vmem>>
    %dma_start3A_69 = tpu.memref_squeeze %dma_start3A_68 : memref<1x128x128xf32, #tpu.memory_space<vmem>> -> memref<128x128xf32, #tpu.memory_space<vmem>>
    %dma_start3A_70 = arith.constant 0 : i32
    %dma_start3A_71 = tpu.memref_slice %arg7[%dma_start3A_65, %dma_start3A_70] : memref<2x128xi32, #tpu.memory_space<vmem>> -> memref<1x128xi32, #tpu.memory_space<vmem>>
    %dma_start3A_72 = tpu.memref_squeeze %dma_start3A_71 : memref<1x128xi32, #tpu.memory_space<vmem>> -> memref<128xi32, #tpu.memory_space<vmem>>
    %dma_start3A_73 = arith.constant 0 : i32
    %dma_start3A_74 = arith.constant 0 : i32
    %dma_start3A_75 = tpu.memref_slice %arg9[%dma_start3A_73, %dma_start3A_74] : memref<5120x128xf32, #tpu.memory_space<vmem_shared>> -> memref<5120x128xf32, #tpu.memory_space<vmem_shared>>
    tpu.enqueue_indirect_dma source(%dma_start3A_69 : memref<128x128xf32, #tpu.memory_space<vmem>>) target(%dma_start3A_75 : memref<5120x128xf32, #tpu.memory_space<vmem_shared>>) offsets(%dma_start3A_72 : memref<128xi32, #tpu.memory_space<vmem>>) semaphore(%arg11 : memref<!tpu.dma_semaphore, #tpu.memory_space<semaphore_mem>>) {add = true}
    %scan3A_76 = arith.constant 0 : i32
    %scan3A_77 = arith.constant 0 : i32
    %scan3A_78 = arith.constant 78 : i32
    %scan3A_79 = arith.addi %scan3A_77, %scan3A_78 : i32
    %scan3A_80 = arith.constant 1 : i32
    %scan3A_81 = scf.for %scan3A_102 = %scan3A_77 to %scan3A_79 step %scan3A_80 iter_args(%scan3A_103 = %scan3A_76) -> (i32)  : i32 {
      %dma_wait3A_104 = arith.constant 1 : i32
      %dma_wait3A_105 = arith.constant 1 : i32
      %dma_wait3A_106 = arith.constant 0 : i32
      %dma_wait3A_107 = arith.constant 0 : i32
      %dma_wait3A_108 = tpu.memref_slice %arg8[%dma_wait3A_105, %dma_wait3A_106, %dma_wait3A_107] : memref<2x128x128xf32, #tpu.memory_space<vmem>> -> memref<1x128x128xf32, #tpu.memory_space<vmem>>
      %dma_wait3A_109 = tpu.memref_squeeze %dma_wait3A_108 : memref<1x128x128xf32, #tpu.memory_space<vmem>> -> memref<128x128xf32, #tpu.memory_space<vmem>>
      %dma_wait3A_110 = arith.constant 0 : i32
      %dma_wait3A_111 = tpu.memref_slice %arg6[%dma_wait3A_104, %dma_wait3A_110] : memref<2x128xi32, #tpu.memory_space<vmem>> -> memref<1x128xi32, #tpu.memory_space<vmem>>
      %dma_wait3A_112 = tpu.memref_squeeze %dma_wait3A_111 : memref<1x128xi32, #tpu.memory_space<vmem>> -> memref<128xi32, #tpu.memory_space<vmem>>
      %dma_wait3A_113 = arith.constant 0 : i32
      %dma_wait3A_114 = arith.constant 0 : i32
      %dma_wait3A_115 = tpu.memref_slice %arg2[%dma_wait3A_113, %dma_wait3A_114] : memref<10000x128xf32, #tpu.memory_space<hbm>> -> memref<10000x128xf32, #tpu.memory_space<hbm>>
      tpu.wait_indirect_dma semaphore(%arg10 : memref<!tpu.dma_semaphore, #tpu.memory_space<semaphore_mem>>) src(%dma_wait3A_115 : memref<10000x128xf32, #tpu.memory_space<hbm>>) dst(%dma_wait3A_109 : memref<128x128xf32, #tpu.memory_space<vmem>>)
      %dma_wait3A_116 = arith.constant 0 : i32
      %dma_wait3A_117 = arith.constant 0 : i32
      %dma_wait3A_118 = arith.constant 0 : i32
      %dma_wait3A_119 = arith.constant 0 : i32
      %dma_wait3A_120 = tpu.memref_slice %arg8[%dma_wait3A_116, %dma_wait3A_118, %dma_wait3A_119] : memref<2x128x128xf32, #tpu.memory_space<vmem>> -> memref<1x128x128xf32, #tpu.memory_space<vmem>>
      %dma_wait3A_121 = tpu.memref_squeeze %dma_wait3A_120 : memref<1x128x128xf32, #tpu.memory_space<vmem>> -> memref<128x128xf32, #tpu.memory_space<vmem>>
      %dma_wait3A_122 = arith.constant 0 : i32
      %dma_wait3A_123 = tpu.memref_slice %arg7[%dma_wait3A_117, %dma_wait3A_122] : memref<2x128xi32, #tpu.memory_space<vmem>> -> memref<1x128xi32, #tpu.memory_space<vmem>>
      %dma_wait3A_124 = tpu.memref_squeeze %dma_wait3A_123 : memref<1x128xi32, #tpu.memory_space<vmem>> -> memref<128xi32, #tpu.memory_space<vmem>>
      %dma_wait3A_125 = arith.constant 0 : i32
      %dma_wait3A_126 = arith.constant 0 : i32
      %dma_wait3A_127 = tpu.memref_slice %arg9[%dma_wait3A_125, %dma_wait3A_126] : memref<5120x128xf32, #tpu.memory_space<vmem_shared>> -> memref<5120x128xf32, #tpu.memory_space<vmem_shared>>
      tpu.wait_indirect_dma semaphore(%arg11 : memref<!tpu.dma_semaphore, #tpu.memory_space<semaphore_mem>>) src(%dma_wait3A_121 : memref<128x128xf32, #tpu.memory_space<vmem>>) dst(%dma_wait3A_127 : memref<5120x128xf32, #tpu.memory_space<vmem_shared>>)
      %mul3A_128 = arith.constant 2 : i32
      %mul3A_129 = arith.muli %mul3A_128, %scan3A_102 : i32
      %add3A_130 = arith.constant 2 : i32
      %add3A_131 = arith.addi %mul3A_129, %add3A_130 : i32
      %mul3A_132 = arith.constant 16 : i32
      %mul3A_133 = arith.muli %add3A_131, %mul3A_132 : i32
      %add3A_134 = arith.addi %mul3A_133, %arg1 : i32
      %mul3A_135 = arith.constant 128 : i32
      %mul3A_136 = arith.muli %add3A_134, %mul3A_135 : i32
      %run_scoped3A_137 = arith.constant 0 : i32
      "tpu.region"() ({
        %run_scoped3A_212 = tpu.sem_alloc : memref<!tpu.dma_semaphore, #tpu.memory_space<semaphore_mem>>
        %dma_start3A_213 = arith.constant 0 : i32
        %dma_start3A_214 = tpu.memref_slice %arg6[%run_scoped3A_137, %dma_start3A_213] : memref<2x128xi32, #tpu.memory_space<vmem>> -> memref<1x128xi32, #tpu.memory_space<vmem>>
        %dma_start3A_215 = tpu.memref_squeeze %dma_start3A_214 : memref<1x128xi32, #tpu.memory_space<vmem>> -> memref<128xi32, #tpu.memory_space<vmem>>
        %dma_start3A_216 = tpu.memref_slice %arg3[%mul3A_136] : memref<321536xi32, #tpu.memory_space<hbm>> -> memref<128xi32, #tpu.memory_space<hbm>>
        %dma_start3A_217 = arith.constant 0 : i32
        %dma_start3A_218 = tpu.memref_slice %arg6[%run_scoped3A_137, %dma_start3A_217] : memref<2x128xi32, #tpu.memory_space<vmem>> -> memref<1x128xi32, #tpu.memory_space<vmem>>
        %dma_start3A_219 = tpu.memref_squeeze %dma_start3A_218 : memref<1x128xi32, #tpu.memory_space<vmem>> -> memref<128xi32, #tpu.memory_space<vmem>>
        %dma_start3A_220 = tpu.memref_slice %arg3[%mul3A_136] : memref<321536xi32, #tpu.memory_space<hbm>> -> memref<128xi32, #tpu.memory_space<hbm>>
        tpu.enqueue_dma source(%dma_start3A_220 : memref<128xi32, #tpu.memory_space<hbm>>) target(%dma_start3A_219 : memref<128xi32, #tpu.memory_space<vmem>>) target_semaphore(%run_scoped3A_212 : memref<!tpu.dma_semaphore, #tpu.memory_space<semaphore_mem>>)
        %dma_wait3A_221 = arith.constant 0 : i32
        %dma_wait3A_222 = tpu.memref_slice %arg6[%run_scoped3A_137, %dma_wait3A_221] : memref<2x128xi32, #tpu.memory_space<vmem>> -> memref<1x128xi32, #tpu.memory_space<vmem>>
        %dma_wait3A_223 = tpu.memref_squeeze %dma_wait3A_222 : memref<1x128xi32, #tpu.memory_space<vmem>> -> memref<128xi32, #tpu.memory_space<vmem>>
        %dma_wait3A_224 = tpu.memref_slice %arg3[%mul3A_136] : memref<321536xi32, #tpu.memory_space<hbm>> -> memref<128xi32, #tpu.memory_space<hbm>>
        %dma_wait3A_225 = arith.constant 0 : i32
        %dma_wait3A_226 = tpu.memref_slice %arg6[%run_scoped3A_137, %dma_wait3A_225] : memref<2x128xi32, #tpu.memory_space<vmem>> -> memref<1x128xi32, #tpu.memory_space<vmem>>
        %dma_wait3A_227 = tpu.memref_squeeze %dma_wait3A_226 : memref<1x128xi32, #tpu.memory_space<vmem>> -> memref<128xi32, #tpu.memory_space<vmem>>
        %dma_wait3A_228 = tpu.memref_slice %arg3[%mul3A_136] : memref<321536xi32, #tpu.memory_space<hbm>> -> memref<128xi32, #tpu.memory_space<hbm>>
        tpu.wait_dma2 semaphore(%run_scoped3A_212 : memref<!tpu.dma_semaphore, #tpu.memory_space<semaphore_mem>>) src(%dma_wait3A_228 : memref<128xi32, #tpu.memory_space<hbm>>) dst(%dma_wait3A_227 : memref<128xi32, #tpu.memory_space<vmem>>)
        tpu.yield
      }) : () -> ()
      %mul3A_138 = arith.constant 321536 : i32
      %mul3A_139 = arith.muli %arg0, %mul3A_138 : i32
      %add3A_140 = arith.addi %mul3A_139, %mul3A_136 : i32
      %run_scoped3A_141 = arith.constant 0 : i32
      "tpu.region"() ({
        %run_scoped3A_212 = tpu.sem_alloc : memref<!tpu.dma_semaphore, #tpu.memory_space<semaphore_mem>>
        %dma_start3A_213 = arith.constant 0 : i32
        %dma_start3A_214 = tpu.memref_slice %arg7[%run_scoped3A_141, %dma_start3A_213] : memref<2x128xi32, #tpu.memory_space<vmem>> -> memref<1x128xi32, #tpu.memory_space<vmem>>
        %dma_start3A_215 = tpu.memref_squeeze %dma_start3A_214 : memref<1x128xi32, #tpu.memory_space<vmem>> -> memref<128xi32, #tpu.memory_space<vmem>>
        %dma_start3A_216 = tpu.memref_slice %arg4[%add3A_140] : memref<643072xi32, #tpu.memory_space<hbm>> -> memref<128xi32, #tpu.memory_space<hbm>>
        %dma_start3A_217 = arith.constant 0 : i32
        %dma_start3A_218 = tpu.memref_slice %arg7[%run_scoped3A_141, %dma_start3A_217] : memref<2x128xi32, #tpu.memory_space<vmem>> -> memref<1x128xi32, #tpu.memory_space<vmem>>
        %dma_start3A_219 = tpu.memref_squeeze %dma_start3A_218 : memref<1x128xi32, #tpu.memory_space<vmem>> -> memref<128xi32, #tpu.memory_space<vmem>>
        %dma_start3A_220 = tpu.memref_slice %arg4[%add3A_140] : memref<643072xi32, #tpu.memory_space<hbm>> -> memref<128xi32, #tpu.memory_space<hbm>>
        tpu.enqueue_dma source(%dma_start3A_220 : memref<128xi32, #tpu.memory_space<hbm>>) target(%dma_start3A_219 : memref<128xi32, #tpu.memory_space<vmem>>) target_semaphore(%run_scoped3A_212 : memref<!tpu.dma_semaphore, #tpu.memory_space<semaphore_mem>>)
        %dma_wait3A_221 = arith.constant 0 : i32
        %dma_wait3A_222 = tpu.memref_slice %arg7[%run_scoped3A_141, %dma_wait3A_221] : memref<2x128xi32, #tpu.memory_space<vmem>> -> memref<1x128xi32, #tpu.memory_space<vmem>>
        %dma_wait3A_223 = tpu.memref_squeeze %dma_wait3A_222 : memref<1x128xi32, #tpu.memory_space<vmem>> -> memref<128xi32, #tpu.memory_space<vmem>>
        %dma_wait3A_224 = tpu.memref_slice %arg4[%add3A_140] : memref<643072xi32, #tpu.memory_space<hbm>> -> memref<128xi32, #tpu.memory_space<hbm>>
        %dma_wait3A_225 = arith.constant 0 : i32
        %dma_wait3A_226 = tpu.memref_slice %arg7[%run_scoped3A_141, %dma_wait3A_225] : memref<2x128xi32, #tpu.memory_space<vmem>> -> memref<1x128xi32, #tpu.memory_space<vmem>>
        %dma_wait3A_227 = tpu.memref_squeeze %dma_wait3A_226 : memref<1x128xi32, #tpu.memory_space<vmem>> -> memref<128xi32, #tpu.memory_space<vmem>>
        %dma_wait3A_228 = tpu.memref_slice %arg4[%add3A_140] : memref<643072xi32, #tpu.memory_space<hbm>> -> memref<128xi32, #tpu.memory_space<hbm>>
        tpu.wait_dma2 semaphore(%run_scoped3A_212 : memref<!tpu.dma_semaphore, #tpu.memory_space<semaphore_mem>>) src(%dma_wait3A_228 : memref<128xi32, #tpu.memory_space<hbm>>) dst(%dma_wait3A_227 : memref<128xi32, #tpu.memory_space<vmem>>)
        tpu.yield
      }) : () -> ()
      %dma_start3A_142 = arith.constant 0 : i32
      %dma_start3A_143 = arith.constant 0 : i32
      %dma_start3A_144 = arith.constant 0 : i32
      %dma_start3A_145 = arith.constant 0 : i32
      %dma_start3A_146 = tpu.memref_slice %arg8[%dma_start3A_143, %dma_start3A_144, %dma_start3A_145] : memref<2x128x128xf32, #tpu.memory_space<vmem>> -> memref<1x128x128xf32, #tpu.memory_space<vmem>>
      %dma_start3A_147 = tpu.memref_squeeze %dma_start3A_146 : memref<1x128x128xf32, #tpu.memory_space<vmem>> -> memref<128x128xf32, #tpu.memory_space<vmem>>
      %dma_start3A_148 = arith.constant 0 : i32
      %dma_start3A_149 = tpu.memref_slice %arg6[%dma_start3A_142, %dma_start3A_148] : memref<2x128xi32, #tpu.memory_space<vmem>> -> memref<1x128xi32, #tpu.memory_space<vmem>>
      %dma_start3A_150 = tpu.memref_squeeze %dma_start3A_149 : memref<1x128xi32, #tpu.memory_space<vmem>> -> memref<128xi32, #tpu.memory_space<vmem>>
      %dma_start3A_151 = arith.constant 0 : i32
      %dma_start3A_152 = arith.constant 0 : i32
      %dma_start3A_153 = tpu.memref_slice %arg2[%dma_start3A_151, %dma_start3A_152] : memref<10000x128xf32, #tpu.memory_space<hbm>> -> memref<10000x128xf32, #tpu.memory_space<hbm>>
      tpu.enqueue_indirect_dma source(%dma_start3A_153 : memref<10000x128xf32, #tpu.memory_space<hbm>>) target(%dma_start3A_147 : memref<128x128xf32, #tpu.memory_space<vmem>>) offsets(%dma_start3A_150 : memref<128xi32, #tpu.memory_space<vmem>>) semaphore(%arg10 : memref<!tpu.dma_semaphore, #tpu.memory_space<semaphore_mem>>)
      %dma_start3A_154 = arith.constant 1 : i32
      %dma_start3A_155 = arith.constant 1 : i32
      %dma_start3A_156 = arith.constant 0 : i32
      %dma_start3A_157 = arith.constant 0 : i32
      %dma_start3A_158 = tpu.memref_slice %arg8[%dma_start3A_154, %dma_start3A_156, %dma_start3A_157] : memref<2x128x128xf32, #tpu.memory_space<vmem>> -> memref<1x128x128xf32, #tpu.memory_space<vmem>>
      %dma_start3A_159 = tpu.memref_squeeze %dma_start3A_158 : memref<1x128x128xf32, #tpu.memory_space<vmem>> -> memref<128x128xf32, #tpu.memory_space<vmem>>
      %dma_start3A_160 = arith.constant 0 : i32
      %dma_start3A_161 = tpu.memref_slice %arg7[%dma_start3A_155, %dma_start3A_160] : memref<2x128xi32, #tpu.memory_space<vmem>> -> memref<1x128xi32, #tpu.memory_space<vmem>>
      %dma_start3A_162 = tpu.memref_squeeze %dma_start3A_161 : memref<1x128xi32, #tpu.memory_space<vmem>> -> memref<128xi32, #tpu.memory_space<vmem>>
      %dma_start3A_163 = arith.constant 0 : i32
      %dma_start3A_164 = arith.constant 0 : i32
      %dma_start3A_165 = tpu.memref_slice %arg9[%dma_start3A_163, %dma_start3A_164] : memref<5120x128xf32, #tpu.memory_space<vmem_shared>> -> memref<5120x128xf32, #tpu.memory_space<vmem_shared>>
      tpu.enqueue_indirect_dma source(%dma_start3A_159 : memref<128x128xf32, #tpu.memory_space<vmem>>) target(%dma_start3A_165 : memref<5120x128xf32, #tpu.memory_space<vmem_shared>>) offsets(%dma_start3A_162 : memref<128xi32, #tpu.memory_space<vmem>>) semaphore(%arg12 : memref<!tpu.dma_semaphore, #tpu.memory_space<semaphore_mem>>) {add = true}
      %dma_wait3A_166 = arith.constant 0 : i32
      %dma_wait3A_167 = arith.constant 0 : i32
      %dma_wait3A_168 = arith.constant 0 : i32
      %dma_wait3A_169 = arith.constant 0 : i32
      %dma_wait3A_170 = tpu.memref_slice %arg8[%dma_wait3A_167, %dma_wait3A_168, %dma_wait3A_169] : memref<2x128x128xf32, #tpu.memory_space<vmem>> -> memref<1x128x128xf32, #tpu.memory_space<vmem>>
      %dma_wait3A_171 = tpu.memref_squeeze %dma_wait3A_170 : memref<1x128x128xf32, #tpu.memory_space<vmem>> -> memref<128x128xf32, #tpu.memory_space<vmem>>
      %dma_wait3A_172 = arith.constant 0 : i32
      %dma_wait3A_173 = tpu.memref_slice %arg6[%dma_wait3A_166, %dma_wait3A_172] : memref<2x128xi32, #tpu.memory_space<vmem>> -> memref<1x128xi32, #tpu.memory_space<vmem>>
      %dma_wait3A_174 = tpu.memref_squeeze %dma_wait3A_173 : memref<1x128xi32, #tpu.memory_space<vmem>> -> memref<128xi32, #tpu.memory_space<vmem>>
      %dma_wait3A_175 = arith.constant 0 : i32
      %dma_wait3A_176 = arith.constant 0 : i32
      %dma_wait3A_177 = tpu.memref_slice %arg2[%dma_wait3A_175, %dma_wait3A_176] : memref<10000x128xf32, #tpu.memory_space<hbm>> -> memref<10000x128xf32, #tpu.memory_space<hbm>>
      tpu.wait_indirect_dma semaphore(%arg10 : memref<!tpu.dma_semaphore, #tpu.memory_space<semaphore_mem>>) src(%dma_wait3A_177 : memref<10000x128xf32, #tpu.memory_space<hbm>>) dst(%dma_wait3A_171 : memref<128x128xf32, #tpu.memory_space<vmem>>)
      %dma_wait3A_178 = arith.constant 1 : i32
      %dma_wait3A_179 = arith.constant 1 : i32
      %dma_wait3A_180 = arith.constant 0 : i32
      %dma_wait3A_181 = arith.constant 0 : i32
      %dma_wait3A_182 = tpu.memref_slice %arg8[%dma_wait3A_178, %dma_wait3A_180, %dma_wait3A_181] : memref<2x128x128xf32, #tpu.memory_space<vmem>> -> memref<1x128x128xf32, #tpu.memory_space<vmem>>
      %dma_wait3A_183 = tpu.memref_squeeze %dma_wait3A_182 : memref<1x128x128xf32, #tpu.memory_space<vmem>> -> memref<128x128xf32, #tpu.memory_space<vmem>>
      %dma_wait3A_184 = arith.constant 0 : i32
      %dma_wait3A_185 = tpu.memref_slice %arg7[%dma_wait3A_179, %dma_wait3A_184] : memref<2x128xi32, #tpu.memory_space<vmem>> -> memref<1x128xi32, #tpu.memory_space<vmem>>
      %dma_wait3A_186 = tpu.memref_squeeze %dma_wait3A_185 : memref<1x128xi32, #tpu.memory_space<vmem>> -> memref<128xi32, #tpu.memory_space<vmem>>
      %dma_wait3A_187 = arith.constant 0 : i32
      %dma_wait3A_188 = arith.constant 0 : i32
      %dma_wait3A_189 = tpu.memref_slice %arg9[%dma_wait3A_187, %dma_wait3A_188] : memref<5120x128xf32, #tpu.memory_space<vmem_shared>> -> memref<5120x128xf32, #tpu.memory_space<vmem_shared>>
      tpu.wait_indirect_dma semaphore(%arg12 : memref<!tpu.dma_semaphore, #tpu.memory_space<semaphore_mem>>) src(%dma_wait3A_183 : memref<128x128xf32, #tpu.memory_space<vmem>>) dst(%dma_wait3A_189 : memref<5120x128xf32, #tpu.memory_space<vmem_shared>>)
      %mul3A_190 = arith.constant 2 : i32
      %mul3A_191 = arith.muli %mul3A_190, %scan3A_102 : i32
      %add3A_192 = arith.constant 3 : i32
      %add3A_193 = arith.addi %mul3A_191, %add3A_192 : i32
      %lt3A_194 = arith.constant 157 : i32
      %lt3A_195 = arith.cmpi slt, %add3A_193, %lt3A_194 : i32
      %convert_element_type3A_196 = arith.extui %lt3A_195 : i1 to i32
      %cond3A_197 = arith.constant 0 : i32
      %cond3A_198 = arith.cmpi ne, %convert_element_type3A_196, %cond3A_197 : i32
      scf.if %cond3A_198 {
        %mul3A_212 = arith.constant 2 : i32
        %mul3A_213 = arith.muli %mul3A_212, %scan3A_102 : i32
        %add3A_214 = arith.constant 3 : i32
        %add3A_215 = arith.addi %mul3A_213, %add3A_214 : i32
        %mul3A_216 = arith.constant 16 : i32
        %mul3A_217 = arith.muli %add3A_215, %mul3A_216 : i32
        %add3A_218 = arith.addi %mul3A_217, %arg1 : i32
        %mul3A_219 = arith.constant 128 : i32
        %mul3A_220 = arith.muli %add3A_218, %mul3A_219 : i32
        %run_scoped3A_221 = arith.constant 1 : i32
        "tpu.region"() ({
          %run_scoped3A_238 = tpu.sem_alloc : memref<!tpu.dma_semaphore, #tpu.memory_space<semaphore_mem>>
          %dma_start3A_239 = arith.constant 0 : i32
          %dma_start3A_240 = tpu.memref_slice %arg6[%run_scoped3A_221, %dma_start3A_239] : memref<2x128xi32, #tpu.memory_space<vmem>> -> memref<1x128xi32, #tpu.memory_space<vmem>>
          %dma_start3A_241 = tpu.memref_squeeze %dma_start3A_240 : memref<1x128xi32, #tpu.memory_space<vmem>> -> memref<128xi32, #tpu.memory_space<vmem>>
          %dma_start3A_242 = tpu.memref_slice %arg3[%mul3A_220] : memref<321536xi32, #tpu.memory_space<hbm>> -> memref<128xi32, #tpu.memory_space<hbm>>
          %dma_start3A_243 = arith.constant 0 : i32
          %dma_start3A_244 = tpu.memref_slice %arg6[%run_scoped3A_221, %dma_start3A_243] : memref<2x128xi32, #tpu.memory_space<vmem>> -> memref<1x128xi32, #tpu.memory_space<vmem>>
          %dma_start3A_245 = tpu.memref_squeeze %dma_start3A_244 : memref<1x128xi32, #tpu.memory_space<vmem>> -> memref<128xi32, #tpu.memory_space<vmem>>
          %dma_start3A_246 = tpu.memref_slice %arg3[%mul3A_220] : memref<321536xi32, #tpu.memory_space<hbm>> -> memref<128xi32, #tpu.memory_space<hbm>>
          tpu.enqueue_dma source(%dma_start3A_246 : memref<128xi32, #tpu.memory_space<hbm>>) target(%dma_start3A_245 : memref<128xi32, #tpu.memory_space<vmem>>) target_semaphore(%run_scoped3A_238 : memref<!tpu.dma_semaphore, #tpu.memory_space<semaphore_mem>>)
          %dma_wait3A_247 = arith.constant 0 : i32
          %dma_wait3A_248 = tpu.memref_slice %arg6[%run_scoped3A_221, %dma_wait3A_247] : memref<2x128xi32, #tpu.memory_space<vmem>> -> memref<1x128xi32, #tpu.memory_space<vmem>>
          %dma_wait3A_249 = tpu.memref_squeeze %dma_wait3A_248 : memref<1x128xi32, #tpu.memory_space<vmem>> -> memref<128xi32, #tpu.memory_space<vmem>>
          %dma_wait3A_250 = tpu.memref_slice %arg3[%mul3A_220] : memref<321536xi32, #tpu.memory_space<hbm>> -> memref<128xi32, #tpu.memory_space<hbm>>
          %dma_wait3A_251 = arith.constant 0 : i32
          %dma_wait3A_252 = tpu.memref_slice %arg6[%run_scoped3A_221, %dma_wait3A_251] : memref<2x128xi32, #tpu.memory_space<vmem>> -> memref<1x128xi32, #tpu.memory_space<vmem>>
          %dma_wait3A_253 = tpu.memref_squeeze %dma_wait3A_252 : memref<1x128xi32, #tpu.memory_space<vmem>> -> memref<128xi32, #tpu.memory_space<vmem>>
          %dma_wait3A_254 = tpu.memref_slice %arg3[%mul3A_220] : memref<321536xi32, #tpu.memory_space<hbm>> -> memref<128xi32, #tpu.memory_space<hbm>>
          tpu.wait_dma2 semaphore(%run_scoped3A_238 : memref<!tpu.dma_semaphore, #tpu.memory_space<semaphore_mem>>) src(%dma_wait3A_254 : memref<128xi32, #tpu.memory_space<hbm>>) dst(%dma_wait3A_253 : memref<128xi32, #tpu.memory_space<vmem>>)
          tpu.yield
        }) : () -> ()
        %mul3A_222 = arith.constant 321536 : i32
        %mul3A_223 = arith.muli %arg0, %mul3A_222 : i32
        %add3A_224 = arith.addi %mul3A_223, %mul3A_220 : i32
        %run_scoped3A_225 = arith.constant 1 : i32
        "tpu.region"() ({
          %run_scoped3A_238 = tpu.sem_alloc : memref<!tpu.dma_semaphore, #tpu.memory_space<semaphore_mem>>
          %dma_start3A_239 = arith.constant 0 : i32
          %dma_start3A_240 = tpu.memref_slice %arg7[%run_scoped3A_225, %dma_start3A_239] : memref<2x128xi32, #tpu.memory_space<vmem>> -> memref<1x128xi32, #tpu.memory_space<vmem>>
          %dma_start3A_241 = tpu.memref_squeeze %dma_start3A_240 : memref<1x128xi32, #tpu.memory_space<vmem>> -> memref<128xi32, #tpu.memory_space<vmem>>
          %dma_start3A_242 = tpu.memref_slice %arg4[%add3A_224] : memref<643072xi32, #tpu.memory_space<hbm>> -> memref<128xi32, #tpu.memory_space<hbm>>
          %dma_start3A_243 = arith.constant 0 : i32
          %dma_start3A_244 = tpu.memref_slice %arg7[%run_scoped3A_225, %dma_start3A_243] : memref<2x128xi32, #tpu.memory_space<vmem>> -> memref<1x128xi32, #tpu.memory_space<vmem>>
          %dma_start3A_245 = tpu.memref_squeeze %dma_start3A_244 : memref<1x128xi32, #tpu.memory_space<vmem>> -> memref<128xi32, #tpu.memory_space<vmem>>
          %dma_start3A_246 = tpu.memref_slice %arg4[%add3A_224] : memref<643072xi32, #tpu.memory_space<hbm>> -> memref<128xi32, #tpu.memory_space<hbm>>
          tpu.enqueue_dma source(%dma_start3A_246 : memref<128xi32, #tpu.memory_space<hbm>>) target(%dma_start3A_245 : memref<128xi32, #tpu.memory_space<vmem>>) target_semaphore(%run_scoped3A_238 : memref<!tpu.dma_semaphore, #tpu.memory_space<semaphore_mem>>)
          %dma_wait3A_247 = arith.constant 0 : i32
          %dma_wait3A_248 = tpu.memref_slice %arg7[%run_scoped3A_225, %dma_wait3A_247] : memref<2x128xi32, #tpu.memory_space<vmem>> -> memref<1x128xi32, #tpu.memory_space<vmem>>
          %dma_wait3A_249 = tpu.memref_squeeze %dma_wait3A_248 : memref<1x128xi32, #tpu.memory_space<vmem>> -> memref<128xi32, #tpu.memory_space<vmem>>
          %dma_wait3A_250 = tpu.memref_slice %arg4[%add3A_224] : memref<643072xi32, #tpu.memory_space<hbm>> -> memref<128xi32, #tpu.memory_space<hbm>>
          %dma_wait3A_251 = arith.constant 0 : i32
          %dma_wait3A_252 = tpu.memref_slice %arg7[%run_scoped3A_225, %dma_wait3A_251] : memref<2x128xi32, #tpu.memory_space<vmem>> -> memref<1x128xi32, #tpu.memory_space<vmem>>
          %dma_wait3A_253 = tpu.memref_squeeze %dma_wait3A_252 : memref<1x128xi32, #tpu.memory_space<vmem>> -> memref<128xi32, #tpu.memory_space<vmem>>
          %dma_wait3A_254 = tpu.memref_slice %arg4[%add3A_224] : memref<643072xi32, #tpu.memory_space<hbm>> -> memref<128xi32, #tpu.memory_space<hbm>>
          tpu.wait_dma2 semaphore(%run_scoped3A_238 : memref<!tpu.dma_semaphore, #tpu.memory_space<semaphore_mem>>) src(%dma_wait3A_254 : memref<128xi32, #tpu.memory_space<hbm>>) dst(%dma_wait3A_253 : memref<128xi32, #tpu.memory_space<vmem>>)
          tpu.yield
        }) : () -> ()
        %dma_start3A_226 = arith.constant 1 : i32
        %dma_start3A_227 = arith.constant 1 : i32
        %dma_start3A_228 = arith.constant 0 : i32
        %dma_start3A_229 = arith.constant 0 : i32
        %dma_start3A_230 = tpu.memref_slice %arg8[%dma_start3A_227, %dma_start3A_228, %dma_start3A_229] : memref<2x128x128xf32, #tpu.memory_space<vmem>> -> memref<1x128x128xf32, #tpu.memory_space<vmem>>
        %dma_start3A_231 = tpu.memref_squeeze %dma_start3A_230 : memref<1x128x128xf32, #tpu.memory_space<vmem>> -> memref<128x128xf32, #tpu.memory_space<vmem>>
        %dma_start3A_232 = arith.constant 0 : i32
        %dma_start3A_233 = tpu.memref_slice %arg6[%dma_start3A_226, %dma_start3A_232] : memref<2x128xi32, #tpu.memory_space<vmem>> -> memref<1x128xi32, #tpu.memory_space<vmem>>
        %dma_start3A_234 = tpu.memref_squeeze %dma_start3A_233 : memref<1x128xi32, #tpu.memory_space<vmem>> -> memref<128xi32, #tpu.memory_space<vmem>>
        %dma_start3A_235 = arith.constant 0 : i32
        %dma_start3A_236 = arith.constant 0 : i32
        %dma_start3A_237 = tpu.memref_slice %arg2[%dma_start3A_235, %dma_start3A_236] : memref<10000x128xf32, #tpu.memory_space<hbm>> -> memref<10000x128xf32, #tpu.memory_space<hbm>>
        tpu.enqueue_indirect_dma source(%dma_start3A_237 : memref<10000x128xf32, #tpu.memory_space<hbm>>) target(%dma_start3A_231 : memref<128x128xf32, #tpu.memory_space<vmem>>) offsets(%dma_start3A_234 : memref<128xi32, #tpu.memory_space<vmem>>) semaphore(%arg10 : memref<!tpu.dma_semaphore, #tpu.memory_space<semaphore_mem>>)
      } else {
      }
      %dma_start3A_199 = arith.constant 0 : i32
      %dma_start3A_200 = arith.constant 0 : i32
      %dma_start3A_201 = arith.constant 0 : i32
      %dma_start3A_202 = arith.constant 0 : i32
      %dma_start3A_203 = tpu.memref_slice %arg8[%dma_start3A_199, %dma_start3A_201, %dma_start3A_202] : memref<2x128x128xf32, #tpu.memory_space<vmem>> -> memref<1x128x128xf32, #tpu.memory_space<vmem>>
      %dma_start3A_204 = tpu.memref_squeeze %dma_start3A_203 : memref<1x128x128xf32, #tpu.memory_space<vmem>> -> memref<128x128xf32, #tpu.memory_space<vmem>>
      %dma_start3A_205 = arith.constant 0 : i32
      %dma_start3A_206 = tpu.memref_slice %arg7[%dma_start3A_200, %dma_start3A_205] : memref<2x128xi32, #tpu.memory_space<vmem>> -> memref<1x128xi32, #tpu.memory_space<vmem>>
      %dma_start3A_207 = tpu.memref_squeeze %dma_start3A_206 : memref<1x128xi32, #tpu.memory_space<vmem>> -> memref<128xi32, #tpu.memory_space<vmem>>
      %dma_start3A_208 = arith.constant 0 : i32
      %dma_start3A_209 = arith.constant 0 : i32
      %dma_start3A_210 = tpu.memref_slice %arg9[%dma_start3A_208, %dma_start3A_209] : memref<5120x128xf32, #tpu.memory_space<vmem_shared>> -> memref<5120x128xf32, #tpu.memory_space<vmem_shared>>
      tpu.enqueue_indirect_dma source(%dma_start3A_204 : memref<128x128xf32, #tpu.memory_space<vmem>>) target(%dma_start3A_210 : memref<5120x128xf32, #tpu.memory_space<vmem_shared>>) offsets(%dma_start3A_207 : memref<128xi32, #tpu.memory_space<vmem>>) semaphore(%arg11 : memref<!tpu.dma_semaphore, #tpu.memory_space<semaphore_mem>>) {add = true}
      %scan3A_211 = arith.constant 0 : i32
      scf.yield %scan3A_211 : i32
    }
    %scan3A_82 = arith.constant 78 : i32
    %dma_wait3A_83 = arith.constant 0 : i32
    %dma_wait3A_84 = arith.constant 0 : i32
    %dma_wait3A_85 = arith.constant 0 : i32
    %dma_wait3A_86 = arith.constant 0 : i32
    %dma_wait3A_87 = tpu.memref_slice %arg8[%dma_wait3A_83, %dma_wait3A_85, %dma_wait3A_86] : memref<2x128x128xf32, #tpu.memory_space<vmem>> -> memref<1x128x128xf32, #tpu.memory_space<vmem>>
    %dma_wait3A_88 = tpu.memref_squeeze %dma_wait3A_87 : memref<1x128x128xf32, #tpu.memory_space<vmem>> -> memref<128x128xf32, #tpu.memory_space<vmem>>
    %dma_wait3A_89 = arith.constant 0 : i32
    %dma_wait3A_90 = tpu.memref_slice %arg7[%dma_wait3A_84, %dma_wait3A_89] : memref<2x128xi32, #tpu.memory_space<vmem>> -> memref<1x128xi32, #tpu.memory_space<vmem>>
    %dma_wait3A_91 = tpu.memref_squeeze %dma_wait3A_90 : memref<1x128xi32, #tpu.memory_space<vmem>> -> memref<128xi32, #tpu.memory_space<vmem>>
    %dma_wait3A_92 = arith.constant 0 : i32
    %dma_wait3A_93 = arith.constant 0 : i32
    %dma_wait3A_94 = tpu.memref_slice %arg9[%dma_wait3A_92, %dma_wait3A_93] : memref<5120x128xf32, #tpu.memory_space<vmem_shared>> -> memref<5120x128xf32, #tpu.memory_space<vmem_shared>>
    tpu.wait_indirect_dma semaphore(%arg11 : memref<!tpu.dma_semaphore, #tpu.memory_space<semaphore_mem>>) src(%dma_wait3A_88 : memref<128x128xf32, #tpu.memory_space<vmem>>) dst(%dma_wait3A_94 : memref<5120x128xf32, #tpu.memory_space<vmem_shared>>)
    %barrier3A_95 = arith.constant 0 : index
    tpu.barrier barrier_id(%barrier3A_95)
    %lt3A = arith.constant 15 : i32
    %lt3A_96 = arith.cmpi slt, %arg1, %lt3A : i32
    %convert_element_type3A = arith.extui %lt3A_96 : i1 to i32
    %cond3A = arith.constant 0 : i32
    %cond3A_97 = arith.cmpi ne, %convert_element_type3A, %cond3A : i32
    scf.if %cond3A_97 {
      %mul3A_102 = arith.constant 320 : i32
      %mul3A_103 = arith.muli %arg1, %mul3A_102 : i32
      %mul3A_104 = arith.constant 5000 : i32
      %mul3A_105 = arith.muli %arg0, %mul3A_104 : i32
      %mul3A_106 = arith.constant 320 : i32
      %mul3A_107 = arith.muli %arg1, %mul3A_106 : i32
      %add3A_108 = arith.addi %mul3A_105, %mul3A_107 : i32
      "tpu.region"() ({
        %run_scoped3A_109 = tpu.sem_alloc : memref<!tpu.dma_semaphore, #tpu.memory_space<semaphore_mem>>
        %dma_start3A_110 = arith.constant 0 : i32
        %dma_start3A_111 = tpu.memref_slice %arg5[%add3A_108, %dma_start3A_110] : memref<10000x128xf32, #tpu.memory_space<hbm>> -> memref<320x128xf32, #tpu.memory_space<hbm>>
        %dma_start3A_112 = arith.constant 0 : i32
        %dma_start3A_113 = tpu.memref_slice %arg9[%mul3A_103, %dma_start3A_112] : memref<5120x128xf32, #tpu.memory_space<vmem_shared>> -> memref<320x128xf32, #tpu.memory_space<vmem_shared>>
        tpu.enqueue_dma source(%dma_start3A_113 : memref<320x128xf32, #tpu.memory_space<vmem_shared>>) target(%dma_start3A_111 : memref<320x128xf32, #tpu.memory_space<hbm>>) target_semaphore(%run_scoped3A_109 : memref<!tpu.dma_semaphore, #tpu.memory_space<semaphore_mem>>)
        %dma_wait3A_114 = arith.constant 0 : i32
        %dma_wait3A_115 = tpu.memref_slice %arg5[%add3A_108, %dma_wait3A_114] : memref<10000x128xf32, #tpu.memory_space<hbm>> -> memref<320x128xf32, #tpu.memory_space<hbm>>
        %dma_wait3A_116 = arith.constant 0 : i32
        %dma_wait3A_117 = tpu.memref_slice %arg9[%mul3A_103, %dma_wait3A_116] : memref<5120x128xf32, #tpu.memory_space<vmem_shared>> -> memref<320x128xf32, #tpu.memory_space<vmem_shared>>
        tpu.wait_dma2 semaphore(%run_scoped3A_109 : memref<!tpu.dma_semaphore, #tpu.memory_space<semaphore_mem>>) src(%dma_wait3A_117 : memref<320x128xf32, #tpu.memory_space<vmem_shared>>) dst(%dma_wait3A_115 : memref<320x128xf32, #tpu.memory_space<hbm>>)
        tpu.yield
      }) : () -> ()
    } else {
    }
    %eq3A = arith.constant 15 : i32
    %eq3A_98 = arith.cmpi eq, %arg1, %eq3A : i32
    %convert_element_type3A_99 = arith.extui %eq3A_98 : i1 to i32
    %cond3A_100 = arith.constant 0 : i32
    %cond3A_101 = arith.cmpi ne, %convert_element_type3A_99, %cond3A_100 : i32
    scf.if %cond3A_101 {
      %mul3A_102 = arith.constant 5000 : i32
      %mul3A_103 = arith.muli %arg0, %mul3A_102 : i32
      %add3A_104 = arith.constant 4800 : i32
      %add3A_105 = arith.addi %mul3A_103, %add3A_104 : i32
      "tpu.region"() ({
        %run_scoped3A_106 = tpu.sem_alloc : memref<!tpu.dma_semaphore, #tpu.memory_space<semaphore_mem>>
        %dma_start3A_107 = arith.constant 0 : i32
        %dma_start3A_108 = tpu.memref_slice %arg5[%add3A_105, %dma_start3A_107] : memref<10000x128xf32, #tpu.memory_space<hbm>> -> memref<200x128xf32, #tpu.memory_space<hbm>>
        %dma_start3A_109 = arith.constant 4800 : i32
        %dma_start3A_110 = arith.constant 0 : i32
        %dma_start3A_111 = tpu.memref_slice %arg9[%dma_start3A_109, %dma_start3A_110] : memref<5120x128xf32, #tpu.memory_space<vmem_shared>> -> memref<200x128xf32, #tpu.memory_space<vmem_shared>>
        tpu.enqueue_dma source(%dma_start3A_111 : memref<200x128xf32, #tpu.memory_space<vmem_shared>>) target(%dma_start3A_108 : memref<200x128xf32, #tpu.memory_space<hbm>>) target_semaphore(%run_scoped3A_106 : memref<!tpu.dma_semaphore, #tpu.memory_space<semaphore_mem>>)
        %dma_wait3A_112 = arith.constant 0 : i32
        %dma_wait3A_113 = tpu.memref_slice %arg5[%add3A_105, %dma_wait3A_112] : memref<10000x128xf32, #tpu.memory_space<hbm>> -> memref<200x128xf32, #tpu.memory_space<hbm>>
        %dma_wait3A_114 = arith.constant 4800 : i32
        %dma_wait3A_115 = arith.constant 0 : i32
        %dma_wait3A_116 = tpu.memref_slice %arg9[%dma_wait3A_114, %dma_wait3A_115] : memref<5120x128xf32, #tpu.memory_space<vmem_shared>> -> memref<200x128xf32, #tpu.memory_space<vmem_shared>>
        tpu.wait_dma2 semaphore(%run_scoped3A_106 : memref<!tpu.dma_semaphore, #tpu.memory_space<semaphore_mem>>) src(%dma_wait3A_116 : memref<200x128xf32, #tpu.memory_space<vmem_shared>>) dst(%dma_wait3A_113 : memref<200x128xf32, #tpu.memory_space<hbm>>)
        tpu.yield
      }) : () -> ()
    } else {
    }
    return
  }
}

module attributes {stable_mosaic.version = 14 : i64} {
  func.func @_e0_body(%arg0: i32, %arg1: memref<1000x128xf32, #tpu.memory_space<vmem>>, %arg2: memref<1000x128xf32, #tpu.memory_space<vmem>>, %arg3: memref<1000x128xf32, #tpu.memory_space<vmem>>, %arg4: memref<1000x1xf32, #tpu.memory_space<vmem>>, %arg5: memref<1000x1xf32, #tpu.memory_space<vmem>>) attributes {dimension_semantics = [#tpu.dimension_semantics<arbitrary>], iteration_bounds = array<i64: 10>, scalar_prefetch = 0 : i64, scratch_operands = 0 : i64, tpu.core_type = #tpu.core_type<tc>, window_params = [{transform_indices = @transform_0, window_bounds = array<i64: 1000, 128>}, {transform_indices = @transform_1, window_bounds = array<i64: 1000, 128>}, {transform_indices = @transform_2, window_bounds = array<i64: 1000, 128>}, {transform_indices = @transform_3, window_bounds = array<i64: 1000, 1>}, {transform_indices = @transform_4, window_bounds = array<i64: 1000, 1>}]} {
    %get3A = arith.constant 0 : index
    %get3A_0 = arith.constant 0 : index
    %get3A_1 = vector.load %arg1[%get3A, %get3A_0] : memref<1000x128xf32, #tpu.memory_space<vmem>>, vector<1000x1xf32>
    %get3A_2 = vector.shape_cast %get3A_1 : vector<1000x1xf32> to vector<1000xf32>
    %max3A = arith.constant 1.000000e+00 : f32
    %max3A_3 = vector.broadcast %max3A : f32 to vector<1000xf32>
    %max3A_4 = arith.maximumf %get3A_2, %max3A_3 : vector<1000xf32>
    %broadcast_in_dim3A = vector.shape_cast %max3A_4 : vector<1000xf32> to vector<1000x1xf32>
    %rsqrt3A = math.rsqrt %broadcast_in_dim3A : vector<1000x1xf32>
    %swap3A = arith.constant 0 : index
    %swap3A_5 = arith.constant 0 : index
    %swap3A_6 = vector.load %arg4[%swap3A, %swap3A_5] : memref<1000x1xf32, #tpu.memory_space<vmem>>, vector<1000x1xf32>
    tpu.vector_store %arg4[%swap3A, %swap3A_5], %rsqrt3A {strides = array<i32>} : memref<1000x1xf32, #tpu.memory_space<vmem>>, vector<1000x1xf32>,
    %div3A = arith.constant 1.000000e+00 : f32
    %div3A_7 = vector.broadcast %div3A : f32 to vector<1000x1xf32>
    %div3A_8 = arith.divf %div3A_7, %broadcast_in_dim3A : vector<1000x1xf32>
    %swap3A_9 = arith.constant 0 : index
    %swap3A_10 = arith.constant 0 : index
    %swap3A_11 = vector.load %arg5[%swap3A_9, %swap3A_10] : memref<1000x1xf32, #tpu.memory_space<vmem>>, vector<1000x1xf32>
    tpu.vector_store %arg5[%swap3A_9, %swap3A_10], %div3A_8 {strides = array<i32>} : memref<1000x1xf32, #tpu.memory_space<vmem>>, vector<1000x1xf32>,
    %get3A_12 = arith.constant 0 : index
    %get3A_13 = arith.constant 0 : index
    %get3A_14 = vector.load %arg2[%get3A_12, %get3A_13] : memref<1000x128xf32, #tpu.memory_space<vmem>>, vector<1000x128xf32>
    %mul3A = vector.broadcast %rsqrt3A : vector<1000x1xf32> to vector<1000x128xf32>
    %mul3A_15 = arith.mulf %get3A_14, %mul3A : vector<1000x128xf32>
    %swap3A_16 = arith.constant 0 : index
    %swap3A_17 = arith.constant 0 : index
    %swap3A_18 = vector.load %arg3[%swap3A_16, %swap3A_17] : memref<1000x128xf32, #tpu.memory_space<vmem>>, vector<1000x128xf32>
    tpu.vector_store %arg3[%swap3A_16, %swap3A_17], %mul3A_15 {strides = array<i32>} : memref<1000x128xf32, #tpu.memory_space<vmem>>, vector<1000x128xf32>,
    return
  }
  func.func @transform_0(%arg0: i32) -> (i32, i32) {
    %c0_i32 = arith.constant 0 : i32
    %c0_i32_0 = arith.constant 0 : i32
    return %arg0, %c0_i32 : i32, i32
  }
  func.func @transform_1(%arg0: i32) -> (i32, i32) {
    %c0_i32 = arith.constant 0 : i32
    %c0_i32_0 = arith.constant 0 : i32
    return %arg0, %c0_i32 : i32, i32
  }
  func.func @transform_2(%arg0: i32) -> (i32, i32) {
    %c0_i32 = arith.constant 0 : i32
    %c0_i32_0 = arith.constant 0 : i32
    return %arg0, %c0_i32 : i32, i32
  }
  func.func @transform_3(%arg0: i32) -> (i32, i32) {
    %c0_i32 = arith.constant 0 : i32
    %c0_i32_0 = arith.constant 0 : i32
    return %arg0, %c0_i32 : i32, i32
  }
  func.func @transform_4(%arg0: i32) -> (i32, i32) {
    %c0_i32 = arith.constant 0 : i32
    %c0_i32_0 = arith.constant 0 : i32
    return %arg0, %c0_i32 : i32, i32
  }
}

module attributes {stable_mosaic.version = 14 : i64} {
  func.func @_e1_body(%arg0: i32, %arg1: memref<4xf32, #tpu.memory_space<smem>>, %arg2: memref<1000x128xf32, #tpu.memory_space<vmem>>, %arg3: memref<1000x128xf32, #tpu.memory_space<vmem>>, %arg4: memref<1000x1xf32, #tpu.memory_space<vmem>>, %arg5: memref<1000x1xf32, #tpu.memory_space<vmem>>, %arg6: memref<1000x128xf32, #tpu.memory_space<vmem>>, %arg7: memref<1000x128xf32, #tpu.memory_space<vmem>>, %arg8: memref<1000x128xf32, #tpu.memory_space<vmem>>) attributes {dimension_semantics = [#tpu.dimension_semantics<arbitrary>], iteration_bounds = array<i64: 10>, scalar_prefetch = 0 : i64, scratch_operands = 0 : i64, tpu.core_type = #tpu.core_type<tc>, window_params = [{transform_indices = @transform_0, window_bounds = array<i64: 4>}, {transform_indices = @transform_1, window_bounds = array<i64: 1000, 128>}, {transform_indices = @transform_2, window_bounds = array<i64: 1000, 128>}, {transform_indices = @transform_3, window_bounds = array<i64: 1000, 1>}, {transform_indices = @transform_4, window_bounds = array<i64: 1000, 1>}, {transform_indices = @transform_5, window_bounds = array<i64: 1000, 128>}, {transform_indices = @transform_6, window_bounds = array<i64: 1000, 128>}, {transform_indices = @transform_7, window_bounds = array<i64: 1000, 128>}]} {
    %get3A = arith.constant 0 : index
    %get3A_0 = arith.constant 0 : index
    %get3A_1 = vector.load %arg2[%get3A, %get3A_0] : memref<1000x128xf32, #tpu.memory_space<vmem>>, vector<1000x128xf32>
    %get3A_2 = arith.constant 0 : index
    %get3A_3 = arith.constant 0 : index
    %get3A_4 = vector.load %arg4[%get3A_2, %get3A_3] : memref<1000x1xf32, #tpu.memory_space<vmem>>, vector<1000x1xf32>
    %neg3A = arith.constant 0.000000e+00 : f32
    %neg3A_5 = vector.broadcast %neg3A : f32 to vector<1000x1xf32>
    %neg3A_6 = arith.subf %neg3A_5, %get3A_4 : vector<1000x1xf32>
    %mul3A = vector.broadcast %neg3A_6 : vector<1000x1xf32> to vector<1000x128xf32>
    %mul3A_7 = arith.mulf %mul3A, %get3A_1 : vector<1000x128xf32>
    %swap3A = arith.constant 0 : index
    %swap3A_8 = arith.constant 0 : index
    %swap3A_9 = vector.load %arg7[%swap3A, %swap3A_8] : memref<1000x128xf32, #tpu.memory_space<vmem>>, vector<1000x128xf32>
    tpu.vector_store %arg7[%swap3A, %swap3A_8], %mul3A_7 {strides = array<i32>} : memref<1000x128xf32, #tpu.memory_space<vmem>>, vector<1000x128xf32>,
    %get3A_10 = arith.constant 0 : index
    %get3A_11 = arith.constant 0 : index
    %get3A_12 = vector.load %arg5[%get3A_10, %get3A_11] : memref<1000x1xf32, #tpu.memory_space<vmem>>, vector<1000x1xf32>
    %neg3A_13 = arith.constant 0.000000e+00 : f32
    %neg3A_14 = vector.broadcast %neg3A_13 : f32 to vector<1000x1xf32>
    %neg3A_15 = arith.subf %neg3A_14, %get3A_12 : vector<1000x1xf32>
    %mul3A_16 = vector.broadcast %neg3A_15 : vector<1000x1xf32> to vector<1000x128xf32>
    %mul3A_17 = arith.mulf %mul3A_16, %get3A_1 : vector<1000x128xf32>
    %swap3A_18 = arith.constant 0 : index
    %swap3A_19 = arith.constant 0 : index
    %swap3A_20 = vector.load %arg6[%swap3A_18, %swap3A_19] : memref<1000x128xf32, #tpu.memory_space<vmem>>, vector<1000x128xf32>
    tpu.vector_store %arg6[%swap3A_18, %swap3A_19], %mul3A_17 {strides = array<i32>} : memref<1000x128xf32, #tpu.memory_space<vmem>>, vector<1000x128xf32>,
    %get3A_21 = arith.constant 0 : index
    %get3A_22 = memref.load %arg1[%get3A_21] : memref<4xf32, #tpu.memory_space<smem>>
    %get3A_23 = arith.constant 0 : index
    %get3A_24 = arith.constant 0 : index
    %get3A_25 = vector.load %arg3[%get3A_23, %get3A_24] : memref<1000x128xf32, #tpu.memory_space<vmem>>, vector<1000x128xf32>
    %mul3A_26 = vector.broadcast %get3A_22 : f32 to vector<1000x128xf32>
    %mul3A_27 = arith.mulf %mul3A_26, %get3A_25 : vector<1000x128xf32>
    %get3A_28 = arith.constant 1 : index
    %get3A_29 = memref.load %arg1[%get3A_28] : memref<4xf32, #tpu.memory_space<smem>>
    %add3A = arith.constant 1.000000e+00 : f32
    %add3A_30 = vector.broadcast %add3A : f32 to vector<1000x128xf32>
    %add3A_31 = arith.addf %mul3A_7, %add3A_30 : vector<1000x128xf32>
    %mul3A_32 = vector.broadcast %get3A_29 : f32 to vector<1000x128xf32>
    %mul3A_33 = arith.mulf %mul3A_32, %add3A_31 : vector<1000x128xf32>
    %mul3A_34 = arith.constant 5.000000e-01 : f32
    %mul3A_35 = vector.broadcast %mul3A_34 : f32 to vector<1000x128xf32>
    %mul3A_36 = arith.mulf %mul3A_33, %mul3A_35 : vector<1000x128xf32>
    %add3A_37 = arith.addf %mul3A_27, %mul3A_36 : vector<1000x128xf32>
    %swap3A_38 = arith.constant 0 : index
    %swap3A_39 = arith.constant 0 : index
    %swap3A_40 = vector.load %arg8[%swap3A_38, %swap3A_39] : memref<1000x128xf32, #tpu.memory_space<vmem>>, vector<1000x128xf32>
    tpu.vector_store %arg8[%swap3A_38, %swap3A_39], %add3A_37 {strides = array<i32>} : memref<1000x128xf32, #tpu.memory_space<vmem>>, vector<1000x128xf32>,
    return
  }
  func.func @transform_0(%arg0: i32) -> i32 {
    %c0_i32 = arith.constant 0 : i32
    %c0_i32_0 = arith.constant 0 : i32
    return %c0_i32 : i32
  }
  func.func @transform_1(%arg0: i32) -> (i32, i32) {
    %c0_i32 = arith.constant 0 : i32
    %c0_i32_0 = arith.constant 0 : i32
    return %arg0, %c0_i32 : i32, i32
  }
  func.func @transform_2(%arg0: i32) -> (i32, i32) {
    %c0_i32 = arith.constant 0 : i32
    %c0_i32_0 = arith.constant 0 : i32
    return %arg0, %c0_i32 : i32, i32
  }
  func.func @transform_3(%arg0: i32) -> (i32, i32) {
    %c0_i32 = arith.constant 0 : i32
    %c0_i32_0 = arith.constant 0 : i32
    return %arg0, %c0_i32 : i32, i32
  }
  func.func @transform_4(%arg0: i32) -> (i32, i32) {
    %c0_i32 = arith.constant 0 : i32
    %c0_i32_0 = arith.constant 0 : i32
    return %arg0, %c0_i32 : i32, i32
  }
  func.func @transform_5(%arg0: i32) -> (i32, i32) {
    %c0_i32 = arith.constant 0 : i32
    %c0_i32_0 = arith.constant 0 : i32
    return %arg0, %c0_i32 : i32, i32
  }
  func.func @transform_6(%arg0: i32) -> (i32, i32) {
    %c0_i32 = arith.constant 0 : i32
    %c0_i32_0 = arith.constant 0 : i32
    return %arg0, %c0_i32 : i32, i32
  }
  func.func @transform_7(%arg0: i32) -> (i32, i32) {
    %c0_i32 = arith.constant 0 : i32
    %c0_i32_0 = arith.constant 0 : i32
    return %arg0, %c0_i32 : i32, i32
  }
}

module attributes {stable_mosaic.version = 14 : i64} {
  func.func @_e2_body(%arg0: i32, %arg1: memref<4xf32, #tpu.memory_space<smem>>, %arg2: memref<1000x128xf32, #tpu.memory_space<vmem>>, %arg3: memref<1000x128xf32, #tpu.memory_space<vmem>>, %arg4: memref<1000x128xf32, #tpu.memory_space<vmem>>, %arg5: memref<1000x1xf32, #tpu.memory_space<vmem>>, %arg6: memref<1000x1xf32, #tpu.memory_space<vmem>>, %arg7: memref<1000x128xf32, #tpu.memory_space<vmem>>, %arg8: memref<1000x128xf32, #tpu.memory_space<vmem>>, %arg9: memref<1000x128xf32, #tpu.memory_space<vmem>>) attributes {dimension_semantics = [#tpu.dimension_semantics<arbitrary>], iteration_bounds = array<i64: 10>, scalar_prefetch = 0 : i64, scratch_operands = 0 : i64, tpu.core_type = #tpu.core_type<tc>, window_params = [{transform_indices = @transform_0, window_bounds = array<i64: 4>}, {transform_indices = @transform_1, window_bounds = array<i64: 1000, 128>}, {transform_indices = @transform_2, window_bounds = array<i64: 1000, 128>}, {transform_indices = @transform_3, window_bounds = array<i64: 1000, 128>}, {transform_indices = @transform_4, window_bounds = array<i64: 1000, 1>}, {transform_indices = @transform_5, window_bounds = array<i64: 1000, 1>}, {transform_indices = @transform_6, window_bounds = array<i64: 1000, 128>}, {transform_indices = @transform_7, window_bounds = array<i64: 1000, 128>}, {transform_indices = @transform_8, window_bounds = array<i64: 1000, 128>}]} {
    %get3A = arith.constant 0 : index
    %get3A_0 = arith.constant 0 : index
    %get3A_1 = vector.load %arg2[%get3A, %get3A_0] : memref<1000x128xf32, #tpu.memory_space<vmem>>, vector<1000x128xf32>
    %get3A_2 = arith.constant 0 : index
    %get3A_3 = arith.constant 0 : index
    %get3A_4 = vector.load %arg5[%get3A_2, %get3A_3] : memref<1000x1xf32, #tpu.memory_space<vmem>>, vector<1000x1xf32>
    %mul3A = arith.constant -2.000000e+00 : f32
    %mul3A_5 = vector.broadcast %mul3A : f32 to vector<1000x1xf32>
    %mul3A_6 = arith.mulf %mul3A_5, %get3A_4 : vector<1000x1xf32>
    %mul3A_7 = vector.broadcast %mul3A_6 : vector<1000x1xf32> to vector<1000x128xf32>
    %mul3A_8 = arith.mulf %mul3A_7, %get3A_1 : vector<1000x128xf32>
    %get3A_9 = arith.constant 0 : index
    %get3A_10 = arith.constant 0 : index
    %get3A_11 = vector.load %arg3[%get3A_9, %get3A_10] : memref<1000x128xf32, #tpu.memory_space<vmem>>, vector<1000x128xf32>
    %sub3A = arith.subf %mul3A_8, %get3A_11 : vector<1000x128xf32>
    %get3A_12 = arith.constant 0 : index
    %get3A_13 = arith.constant 0 : index
    %get3A_14 = vector.load %arg6[%get3A_12, %get3A_13] : memref<1000x1xf32, #tpu.memory_space<vmem>>, vector<1000x1xf32>
    %mul3A_15 = arith.constant -2.000000e+00 : f32
    %mul3A_16 = vector.broadcast %mul3A_15 : f32 to vector<1000x1xf32>
    %mul3A_17 = arith.mulf %mul3A_16, %get3A_14 : vector<1000x1xf32>
    %mul3A_18 = vector.broadcast %mul3A_17 : vector<1000x1xf32> to vector<1000x128xf32>
    %mul3A_19 = arith.mulf %mul3A_18, %get3A_1 : vector<1000x128xf32>
    %get3A_20 = arith.constant 0 : index
    %get3A_21 = arith.constant 0 : index
    %get3A_22 = vector.load %arg4[%get3A_20, %get3A_21] : memref<1000x128xf32, #tpu.memory_space<vmem>>, vector<1000x128xf32>
    %sub3A_23 = arith.subf %mul3A_19, %get3A_22 : vector<1000x128xf32>
    %swap3A = arith.constant 0 : index
    %swap3A_24 = arith.constant 0 : index
    %swap3A_25 = vector.load %arg8[%swap3A, %swap3A_24] : memref<1000x128xf32, #tpu.memory_space<vmem>>, vector<1000x128xf32>
    tpu.vector_store %arg8[%swap3A, %swap3A_24], %sub3A_23 {strides = array<i32>} : memref<1000x128xf32, #tpu.memory_space<vmem>>, vector<1000x128xf32>,
    %get3A_26 = arith.constant 0 : index
    %get3A_27 = arith.constant 0 : index
    %get3A_28 = vector.load %arg7[%get3A_26, %get3A_27] : memref<1000x128xf32, #tpu.memory_space<vmem>>, vector<1000x128xf32>
    %get3A_29 = arith.constant 2 : index
    %get3A_30 = memref.load %arg1[%get3A_29] : memref<4xf32, #tpu.memory_space<smem>>
    %add3A = arith.constant 1.000000e+00 : f32
    %add3A_31 = vector.broadcast %add3A : f32 to vector<1000x128xf32>
    %add3A_32 = arith.addf %sub3A, %add3A_31 : vector<1000x128xf32>
    %mul3A_33 = vector.broadcast %get3A_30 : f32 to vector<1000x128xf32>
    %mul3A_34 = arith.mulf %mul3A_33, %add3A_32 : vector<1000x128xf32>
    %mul3A_35 = arith.constant 5.000000e-01 : f32
    %mul3A_36 = vector.broadcast %mul3A_35 : f32 to vector<1000x128xf32>
    %mul3A_37 = arith.mulf %mul3A_34, %mul3A_36 : vector<1000x128xf32>
    %add3A_38 = arith.addf %get3A_28, %mul3A_37 : vector<1000x128xf32>
    %swap3A_39 = arith.constant 0 : index
    %swap3A_40 = arith.constant 0 : index
    %swap3A_41 = vector.load %arg9[%swap3A_39, %swap3A_40] : memref<1000x128xf32, #tpu.memory_space<vmem>>, vector<1000x128xf32>
    tpu.vector_store %arg9[%swap3A_39, %swap3A_40], %add3A_38 {strides = array<i32>} : memref<1000x128xf32, #tpu.memory_space<vmem>>, vector<1000x128xf32>,
    return
  }
  func.func @transform_0(%arg0: i32) -> i32 {
    %c0_i32 = arith.constant 0 : i32
    %c0_i32_0 = arith.constant 0 : i32
    return %c0_i32 : i32
  }
  func.func @transform_1(%arg0: i32) -> (i32, i32) {
    %c0_i32 = arith.constant 0 : i32
    %c0_i32_0 = arith.constant 0 : i32
    return %arg0, %c0_i32 : i32, i32
  }
  func.func @transform_2(%arg0: i32) -> (i32, i32) {
    %c0_i32 = arith.constant 0 : i32
    %c0_i32_0 = arith.constant 0 : i32
    return %arg0, %c0_i32 : i32, i32
  }
  func.func @transform_3(%arg0: i32) -> (i32, i32) {
    %c0_i32 = arith.constant 0 : i32
    %c0_i32_0 = arith.constant 0 : i32
    return %arg0, %c0_i32 : i32, i32
  }
  func.func @transform_4(%arg0: i32) -> (i32, i32) {
    %c0_i32 = arith.constant 0 : i32
    %c0_i32_0 = arith.constant 0 : i32
    return %arg0, %c0_i32 : i32, i32
  }
  func.func @transform_5(%arg0: i32) -> (i32, i32) {
    %c0_i32 = arith.constant 0 : i32
    %c0_i32_0 = arith.constant 0 : i32
    return %arg0, %c0_i32 : i32, i32
  }
  func.func @transform_6(%arg0: i32) -> (i32, i32) {
    %c0_i32 = arith.constant 0 : i32
    %c0_i32_0 = arith.constant 0 : i32
    return %arg0, %c0_i32 : i32, i32
  }
  func.func @transform_7(%arg0: i32) -> (i32, i32) {
    %c0_i32 = arith.constant 0 : i32
    %c0_i32_0 = arith.constant 0 : i32
    return %arg0, %c0_i32 : i32, i32
  }
  func.func @transform_8(%arg0: i32) -> (i32, i32) {
    %c0_i32 = arith.constant 0 : i32
    %c0_i32_0 = arith.constant 0 : i32
    return %arg0, %c0_i32 : i32, i32
  }
}

module attributes {stable_mosaic.version = 14 : i64} {
  func.func @_e3_body(%arg0: i32, %arg1: memref<4xf32, #tpu.memory_space<smem>>, %arg2: memref<1000x128xf32, #tpu.memory_space<vmem>>, %arg3: memref<1000x128xf32, #tpu.memory_space<vmem>>, %arg4: memref<1000x1xf32, #tpu.memory_space<vmem>>, %arg5: memref<1000x128xf32, #tpu.memory_space<vmem>>, %arg6: memref<128x128xf32, #tpu.memory_space<vmem>>, %arg7: memref<1000x128xf32, #tpu.memory_space<vmem>>) attributes {dimension_semantics = [#tpu.dimension_semantics<arbitrary>], iteration_bounds = array<i64: 10>, scalar_prefetch = 0 : i64, scratch_operands = 0 : i64, tpu.core_type = #tpu.core_type<tc>, window_params = [{transform_indices = @transform_0, window_bounds = array<i64: 4>}, {transform_indices = @transform_1, window_bounds = array<i64: 1000, 128>}, {transform_indices = @transform_2, window_bounds = array<i64: 1000, 128>}, {transform_indices = @transform_3, window_bounds = array<i64: 1000, 1>}, {transform_indices = @transform_4, window_bounds = array<i64: 1000, 128>}, {pipeline_mode = #tpu.pipeline_mode<synchronous>, transform_indices = @transform_5, window_bounds = array<i64: 128, 128>}, {transform_indices = @transform_6, window_bounds = array<i64: 1000, 128>}]} {
    %get3A = arith.constant 0 : index
    %get3A_0 = arith.constant 0 : index
    %get3A_1 = vector.load %arg2[%get3A, %get3A_0] : memref<1000x128xf32, #tpu.memory_space<vmem>>, vector<1000x128xf32>
    %get3A_2 = arith.constant 0 : index
    %get3A_3 = arith.constant 0 : index
    %get3A_4 = vector.load %arg4[%get3A_2, %get3A_3] : memref<1000x1xf32, #tpu.memory_space<vmem>>, vector<1000x1xf32>
    %mul3A = arith.constant -2.000000e+00 : f32
    %mul3A_5 = vector.broadcast %mul3A : f32 to vector<1000x1xf32>
    %mul3A_6 = arith.mulf %mul3A_5, %get3A_4 : vector<1000x1xf32>
    %mul3A_7 = vector.broadcast %mul3A_6 : vector<1000x1xf32> to vector<1000x128xf32>
    %mul3A_8 = arith.mulf %mul3A_7, %get3A_1 : vector<1000x128xf32>
    %get3A_9 = arith.constant 0 : index
    %get3A_10 = arith.constant 0 : index
    %get3A_11 = vector.load %arg3[%get3A_9, %get3A_10] : memref<1000x128xf32, #tpu.memory_space<vmem>>, vector<1000x128xf32>
    %sub3A = arith.subf %mul3A_8, %get3A_11 : vector<1000x128xf32>
    %get3A_12 = arith.constant 0 : index
    %get3A_13 = arith.constant 0 : index
    %get3A_14 = vector.load %arg5[%get3A_12, %get3A_13] : memref<1000x128xf32, #tpu.memory_space<vmem>>, vector<1000x128xf32>
    %get3A_15 = arith.constant 3 : index
    %get3A_16 = memref.load %arg1[%get3A_15] : memref<4xf32, #tpu.memory_space<smem>>
    %add3A = arith.constant 1.000000e+00 : f32
    %add3A_17 = vector.broadcast %add3A : f32 to vector<1000x128xf32>
    %add3A_18 = arith.addf %sub3A, %add3A_17 : vector<1000x128xf32>
    %mul3A_19 = vector.broadcast %get3A_16 : f32 to vector<1000x128xf32>
    %mul3A_20 = arith.mulf %mul3A_19, %add3A_18 : vector<1000x128xf32>
    %mul3A_21 = arith.constant 5.000000e-01 : f32
    %mul3A_22 = vector.broadcast %mul3A_21 : f32 to vector<1000x128xf32>
    %mul3A_23 = arith.mulf %mul3A_20, %mul3A_22 : vector<1000x128xf32>
    %add3A_24 = arith.addf %get3A_14, %mul3A_23 : vector<1000x128xf32>
    %get3A_25 = arith.constant 0 : index
    %get3A_26 = arith.constant 0 : index
    %get3A_27 = vector.load %arg6[%get3A_25, %get3A_26] : memref<128x128xf32, #tpu.memory_space<vmem>>, vector<128x128xf32>
    %dot_general3A = arith.constant dense<0.000000e+00> : vector<1000x128xf32>
    %dot_general3A_28 = tpu.matmul %add3A_24, %get3A_27, %dot_general3A {dimension_numbers = #tpu.dot_dimension_numbers<[1], [1], [0], [0], [0, 0, 1, 0], [], []>, transpose_lhs_hint = false} : vector<1000x128xf32>, vector<128x128xf32>, vector<1000x128xf32> -> vector<1000x128xf32>
    %ge3A = arith.constant 0.000000e+00 : f32
    %ge3A_29 = vector.broadcast %ge3A : f32 to vector<1000x128xf32>
    %ge3A_30 = arith.cmpf oge, %dot_general3A_28, %ge3A_29 : vector<1000x128xf32>
    %mul3A_31 = arith.constant 0.00999999977 : f32
    %mul3A_32 = vector.broadcast %mul3A_31 : f32 to vector<1000x128xf32>
    %mul3A_33 = arith.mulf %mul3A_32, %dot_general3A_28 : vector<1000x128xf32>
    %select_n3A = arith.select %ge3A_30, %dot_general3A_28, %mul3A_33 : vector<1000x128xi1>, vector<1000x128xf32>
    %swap3A = arith.constant 0 : index
    %swap3A_34 = arith.constant 0 : index
    %swap3A_35 = vector.load %arg7[%swap3A, %swap3A_34] : memref<1000x128xf32, #tpu.memory_space<vmem>>, vector<1000x128xf32>
    tpu.vector_store %arg7[%swap3A, %swap3A_34], %select_n3A {strides = array<i32>} : memref<1000x128xf32, #tpu.memory_space<vmem>>, vector<1000x128xf32>,
    return
  }
  func.func @transform_0(%arg0: i32) -> i32 {
    %c0_i32 = arith.constant 0 : i32
    %c0_i32_0 = arith.constant 0 : i32
    return %c0_i32 : i32
  }
  func.func @transform_1(%arg0: i32) -> (i32, i32) {
    %c0_i32 = arith.constant 0 : i32
    %c0_i32_0 = arith.constant 0 : i32
    return %arg0, %c0_i32 : i32, i32
  }
  func.func @transform_2(%arg0: i32) -> (i32, i32) {
    %c0_i32 = arith.constant 0 : i32
    %c0_i32_0 = arith.constant 0 : i32
    return %arg0, %c0_i32 : i32, i32
  }
  func.func @transform_3(%arg0: i32) -> (i32, i32) {
    %c0_i32 = arith.constant 0 : i32
    %c0_i32_0 = arith.constant 0 : i32
    return %arg0, %c0_i32 : i32, i32
  }
  func.func @transform_4(%arg0: i32) -> (i32, i32) {
    %c0_i32 = arith.constant 0 : i32
    %c0_i32_0 = arith.constant 0 : i32
    return %arg0, %c0_i32 : i32, i32
  }
  func.func @transform_5(%arg0: i32) -> (i32, i32) {
    %c0_i32 = arith.constant 0 : i32
    %c0_i32_0 = arith.constant 0 : i32
    %c0_i32_1 = arith.constant 0 : i32
    return %c0_i32, %c0_i32_0 : i32, i32
  }
  func.func @transform_6(%arg0: i32) -> (i32, i32) {
    %c0_i32 = arith.constant 0 : i32
    %c0_i32_0 = arith.constant 0 : i32
    return %arg0, %c0_i32 : i32, i32
  }
}

</mosaic_0001>

<sc_bundles>
// kernel: kernel.10.cloned.1.call-start
scs
__scs_entry_jumppad:
0x0: {  	(pc) =	sbr.rel $0x88, $3  }
0x1: {  	(tag) =	ssettag $0x0;
	lr =	simm.s32 $0x1  }
0x2: {  	[smem:$0x3F9D] =	sst lr;
	_ =	strace $0xD0000000  }
0x3: {  	_ = 	snop  }
0x4: {  	_ = 	snop  }
0x5: {  	_ = 	snop  }
0x6: {  	_ = 	snop  }
0x7: {  	_ = 	snop  }
__scs_overlays_trampoline_lowered:
0x8: {  	[smem:$0x3FAC] =	sst s0  }
0x9: {  	[smem:$0x3FAD] =	sst s1  }
0xa: {  	[smem:$0x3FAE] =	sst s2  }
0xb: {  	[smem:$0x3FAF] =	sst s3  }
0xc: {  	[smem:$0x3FB0] =	sst s4  }
0xd: {  	[smem:$0x3FB1] =	sst s5  }
0xe: {  	[smem:$0x3FB2] =	sst s6  }
0xf: {  	[smem:$0x3FB3] =	sst s7  }
0x10: {  	[smem:$0x3FB4] =	sst s8  }
0x11: {  	[smem:$0x3FB5] =	sst s9;
	s0 =	simm.s32 @!p0 $0x0  }
0x12: {  	s1 =	sld [smem:$0x3F9B];
	s0 =	simm.s32 @p0 $0x1  }
0x13: {  	[smem:$0x3FB6] =	sst s0;
	s0 =	simm.s32 @!p1 $0x0  }
0x14: {  	s2 =	sld [smem:$0x3F9A];
	s0 =	simm.s32 @p1 $0x1  }
0x15: {  	[smem:$0x3FB7] =	sst s0;
	s0 =	simm.s32 @!p2 $0x0  }
0x16: {  	s3 =	sld [smem:$0x3FDB];
	s0 =	simm.s32 @p2 $0x1  }
0x17: {  	s4 =	simm.s32 $0x1BF5;
	[smem:$0x3FB9] =	sst s0  }
0x18: {  	s0 =	sld [smem:$0x3F9C];
	_ =	swait.ge [sflag:s4], $0x0  }
0x19: {  	s7 =	sld [smem:$0x3F9D]  }
0x1a: {  	s8 =	sadd.s32 $0xFFFFE003, lr  }
0x1b: {  	s9 =	sadd.s32 $0xFFFFFEF7, lr;
	s5 =	simm.s32 $0xFFFFFFFF;
	p2 =	slt.u32 s8, $0xFFFFF086  }
0x1c: {  	p1 =	slt.u32 s9, $0xF7A;
	s5 =	simm.s32 @!p2 $0x0  }
0x1d: {  	s5 =	simm.s32 @p1 $0x1;
	p0 =	seq.s32 s7, s2  }
0x1e: {  	s7 =	smul.u32 @!p0 $0xF7A, s2;
	p2 =	seq.s32 @!p0 s5, $0x0  }
0x1f: {  	s9 =	smul.u32 $0xF7A, s1;
	s8 =	simm.s32 @!p0 $0x1BF5;
	p2 =	por !p2, p0  }
0x20: {  	[sflag:s8] =	ssyncset.s32 @!p0 $0xFFFFF086;
	s6 =	sadd.s32 @!p0 s3, s7;
	s7 =	simm.s32 @!p0 $0x108  }
0x21: {  	s3 =	sadd.s32 s3, s9;
	s6 =	sadd.s32 @!p0 $0x88, s6;
	s7 =	simm.s32 @p2 $0x1082  }
0x22: {  	[simem:s7], [sflag:s8] =	dma.local @!p0 [hbm:s6], $0xF7A  }
0x23: {  	s9 =	sor.u32 $0xD0000000, s2;
	s6 =	simm.s32 $0x108;
	_ =	swait.ge @!p0 [sflag:s8], $0x0  }
0x24: {  	s3 =	sadd.s32 $0x88, s3;
	s6 =	simm.s32 @!p1 $0x1082;
	[sflag:s4] =	ssyncset.s32 $0xFFFFF086  }
0x25: {  	[simem:s6], [sflag:s4] =	dma.local [hbm:s3], $0xF7A  }
0x26: {  	[smem:$0x3F9D] =	sst s1;
	(tag) =	ssettag s2;
	_ =	strace s9  }
0x27: {  	s1 =	sld [smem:$0x3FAD]  }
0x28: {  	s2 =	sld [smem:$0x3FAE]  }
0x29: {  	s4 =	sld [smem:$0x3FB0]  }
0x2a: {  	p0 =	seq.s32 s5, $0x0;
	s5 =	sld [smem:$0x3FB1]  }
0x2b: {  	s6 =	sld [smem:$0x3FB2]  }
0x2c: {  	s7 =	sld [smem:$0x3FB3]  }
0x2d: {  	s3 =	simm.s32 $0x108;
	s8 =	sld [smem:$0x3FB4]  }
0x2e: {  	s3 =	simm.s32 @!p0 $0x1082;
	s9 =	sld [smem:$0x3FB5]  }
0x2f: {  	lr =	sadd.s32 s0, s3;
	s0 =	sld [smem:$0x3FAC]  }
0x30: {  	s3 =	sld [smem:$0x3FAF]  }
0x31: {  	[smem:$0x3FB8] =	sst s10  }
0x32: {  	s10 =	sld [smem:$0x3FB6];
	_ =	sdelay $0x3  }
0x33: {  	p0 =	seq.s32 s10, $0x1;
	s10 =	sld [smem:$0x3FB8];
	_ =	sdelay $0x3  }
0x34: {  	[smem:$0x3FB8] =	sst s10  }
0x35: {  	s10 =	sld [smem:$0x3FB7];
	_ =	sdelay $0x3  }
0x36: {  	p1 =	seq.s32 s10, $0x1;
	s10 =	sld [smem:$0x3FB8];
	_ =	sdelay $0x3  }
0x37: {  	[smem:$0x3FB8] =	sst s10  }
0x38: {  	s10 =	sld [smem:$0x3FB9]  }
0x39: {  	_ = 	snop;
	(pc) =	sbr.ind lr, $3  }
0x3a: {  	_ = 	snop  }
0x3b: {  	_ = 	snop  }
0x3c: {  	p2 =	seq.s32 s10, $0x1;
	s10 =	sld [smem:$0x3FB8]  }
0x3d: {  	_ =	shalt  }
0x3e: {  	_ =	shalt  }
0x3f: {  	_ =	shalt  }
0x40: {  	_ =	shalt  }
0x41: {  	_ =	shalt  }
0x42: {  	_ =	shalt  }
0x43: {  	_ =	shalt  }
0x44: {  	_ =	shalt  }
0x45: {  	_ =	shalt  }
0x46: {  	_ =	shalt  }
0x47: {  	_ =	shalt  }
0x48: {  	_ =	shalt  }
0x49: {  	_ =	shalt  }
0x4a: {  	_ =	shalt  }
0x4b: {  	_ =	shalt  }
0x4c: {  	_ =	shalt  }
0x4d: {  	_ =	shalt  }
0x4e: {  	_ =	shalt  }
0x4f: {  	_ =	shalt  }
0x50: {  	_ =	shalt  }
0x51: {  	_ =	shalt  }
0x52: {  	_ =	shalt  }
0x53: {  	_ =	shalt  }
0x54: {  	_ =	shalt  }
0x55: {  	_ =	shalt  }
0x56: {  	_ =	shalt  }
0x57: {  	_ =	shalt  }
0x58: {  	_ =	shalt  }
0x59: {  	_ =	shalt  }
0x5a: {  	_ =	shalt  }
0x5b: {  	_ =	shalt  }
0x5c: {  	_ =	shalt  }
0x5d: {  	_ =	shalt  }
0x5e: {  	_ =	shalt  }
0x5f: {  	_ =	shalt  }
0x60: {  	_ =	shalt  }
0x61: {  	_ =	shalt  }
0x62: {  	_ =	shalt  }
0x63: {  	_ =	shalt  }
0x64: {  	_ =	shalt  }
0x65: {  	_ =	shalt  }
0x66: {  	_ =	shalt  }
0x67: {  	_ =	shalt  }
0x68: {  	_ =	shalt  }
0x69: {  	_ =	shalt  }
0x6a: {  	_ =	shalt  }
0x6b: {  	_ =	shalt  }
0x6c: {  	_ =	shalt  }
0x6d: {  	_ =	shalt  }
0x6e: {  	_ =	shalt  }
0x6f: {  	_ =	shalt  }
0x70: {  	_ =	shalt  }
0x71: {  	_ =	shalt  }
0x72: {  	_ =	shalt  }
0x73: {  	_ =	shalt  }
0x74: {  	_ =	shalt  }
0x75: {  	_ =	shalt  }
0x76: {  	_ =	shalt  }
0x77: {  	_ =	shalt  }
0x78: {  	_ =	shalt  }
0x79: {  	_ =	shalt  }
0x7a: {  	_ =	shalt  }
0x7b: {  	_ =	shalt  }
0x7c: {  	_ =	shalt  }
0x7d: {  	_ =	shalt  }
0x7e: {  	_ =	shalt  }
0x7f: {  	_ =	shalt  }
0x80: {  	_ =	shalt  }
0x81: {  	_ =	shalt  }
0x82: {  	_ =	shalt  }
0x83: {  	_ =	shalt  }
0x84: {  	_ =	shalt  }
0x85: {  	_ =	shalt  }
0x86: {  	_ =	shalt  }
0x87: {  	_ =	shalt  }
.Lfunc_end0:
.L_simem_size_0:
called_computation_lowered:
.L_overlay_start_0:
0x88: {  	s2 =	sld [smem:$0x3FD9]  }
0x89: {  	s3 =	sld [smem:$0x3FFE];
	_ =	sdelay $0x1  }
0x8a: {  	s1 =	srdreg.scid  }
0x8b: {  	s0 =	sand.u32 $0x1, s1  }
0x8c: {  	s17 =	sshll.u32 s0, $0xA;
	s2 =	sadd.s32 s3, s2  }
0x8d: {  	s2 =	sadd.s32 s2, s17  }
0x8e: {  	[smem:$0x3FC4] =	sst s2  }
0x8f: {  	_ = 	snop  }
0x90: {  	s2 =	sld [smem:$0x3FD0];
	(tm) =	ssettm $0x1  }
0x91: {  	s18 =	sld [smem:$0x3FFB];
	_ =	sdelay $0x3  }
0x92: {  	_ =	strace s18  }
0x93: {  	s3 =	sld [smem:$0x3FFC];
	_ =	sdelay $0x3  }
0x94: {  	_ =	strace s3  }
0x95: {  	s3 =	sld [smem:$0x3FFD];
	_ =	sdelay $0x3  }
0x96: {  	_ =	strace s3  }
0x97: {  	_ =	strace $0x8FFFFFFF  }
0x98: {  	s19 =	sld [smem:$0x3FDB];
	_ =	sdelay $0x1  }
0x99: {  	s4 =	simm.s32 $_scs_section_size  }
0x9a: {  	s5 =	simm.s32 $_size__tile_overlayer_lowered;
	s6 =	simm.s32 $_tile_overlayer_lowered  }
0x9b: {  	s22 =	simm.s32 $0x1BFF;
	s21 =	sshll.u32 s6, $0x1;
	s3 =	sadd.s32 s4, s19  }
0x9c: {  	s7 =	simm.s32 $0x0;
	s20 =	sshll.u32 s5, $0x1;
	s5 =	sadd.s32 s21, s3  }
0x9d: {  	[timem:s7], [sflag:s22] =	dma.local [hbm:s5], s20  }
0x9e: {  	_ =	swait.ge [sflag:s22], s20  }
0x9f: {  	s4 =	ssub.s32 $0x0, s20;
	[sflag:s22] =	ssyncset.done $0x0  }
0xa0: {  	[sflag:s22] =	ssyncadd.s32 s4;
	_ =	sdelay $0x1  }
0xa1: {  	s23 =	simm.s32 $0x1B8B  }
0xa2: {  	_ =	swait.ge [sflag:s23], $0x1  }
0xa3: {  	[sflag:s23] =	ssyncset.done $0x0  }
0xa4: {  	s25 =	simm.s32 $0x1B8E;
	s24 =	sld [smem:$0x3FFE];
	[sflag:s23] =	ssyncadd.s32 $0xFFFFFFFF  }
0xa5: {  	s26 =	simm.s32 $execute0_lowered;
	[smem:$0x3FD2] =	sst s25  }
0xa6: {  	s5 =	sshll.u32 s26, $0x1;
	_ =	strace $0x80000046;
	[dreg:$0x1] =	wrdreg $0xFFFFFFFF  }
0xa7: {  	s28 =	simm.s32 $_size_execute0_lowered;
	s3 =	sadd.s32 s3, s5;
	[dreg:$0x0] =	wrdreg $0x0  }
0xa8: {  	s5 =	sshll.u32 s28, $0x1;
	[dreg:$0x2] =	wrdreg s3  }
0xa9: {  	[dreg:$0x3] =	wrdreg s5  }
0xaa: {  	[dreg:$0x4] =	wrdreg $0xC0  }
0xab: {  	_ =	task [dreg:s7], $0x5FFFF  }
0xac: {  	[dreg:$0x1] =	wrdreg $0xFFFFFFFF  }
0xad: {  	[dreg:$0x0] =	wrdreg $0x60  }
0xae: {  	[dreg:$0x2] =	wrdreg s24  }
0xaf: {  	[dreg:$0x3] =	wrdreg s2  }
0xb0: {  	[dreg:$0x4] =	wrdreg $0x80800  }
0xb1: {  	[dreg:$0x5] =	wrdreg $0x9  }
0xb2: {  	_ =	task.clear_ibuf [dreg:s7], $0x6FFFF;
	_ =	strace $0x90000046  }
0xb3: {  	s29 =	simm.s32 $0x9;
	_ =	strace $0x80000048  }
0xb4: {  	_ =	swait.ge [sflag:s29], $0x1  }
0xb5: {  	[sflag:s29] =	ssyncadd.s32 $0xFFFFFFFF  }
0xb6: {  	_ =	strace $0x90000048  }
0xb7: {  	_ =	sfence  }
0xb8: {  	s30 =	sld [smem:$0x0];
	_ =	sdelay $0x2  }
0xb9: {  	s31 =	sshll.u32 s1, $0xD;
	s1 =	sshrl.u32 s1, $0x2  }
0xba: {  	s3 =	sand.u32 $0x4000, s31;
	s1 =	sadd.s32 s1, s30  }
0xbb: {  	s0 =	sor.u32 s3, s0;
	s1 =	sshll.u32 s1, $0x11  }
0xbc: {  	s0 =	sor.u32 s1, s0  }
0xbd: {  	s0 =	sadd.s32 $0x8F2B, s0  }
0xbe: {  	[sflag:s0] =	ssyncadd.remote.s32 $0x1  }
0xbf: {  	_ =	sfence.sel $0xFFFF  }
0xc0: {  	[dreg:$0x0] =	wrdreg $0xFFFFFFFF;
	(pc) =	sbr.abs _section_cstart, $3  }
0xc1: {  	[dreg:$0x1] =	wrdreg $0xFFFFFFFF  }
0xc2: {  	_ =	task.clear_ibuf [dreg:s7], $0x2FFFF;
	_ =	strace $0x9FFFFFFF  }
0xc3: {  	(tm) =	ssettm $0x7FFFFFFF  }
tec
execute0_lowered:
.L_overlay_start_1:
0x0: {  	(tag) =	ssettag $0x1  }
0x1: {  	s4 =	rddreg [dreg:$0x0]  }
0x2: {  	s7 =	rddreg [dreg:$0x1]  }
0x3: {  	s2 =	rddreg [dreg:$0x2]  }
0x4: {  	s0 =	srdreg.scid;
	s1 =	rddreg [dreg:$0x3]  }
0x5: {  	s3 =	simm.s32 $0x0;
	s13 =	simm.s32 $0x1;
	s5 =	sand.u32 $0x1, s0  }
0x6: {  	s14 =	simm.s32 $0x80;
	s0 =	stileid.u32;
	s6 =	smul.u32 $0x4E800, s5  }
0x7: {  	s18 =	simm.s32 $0x0;
	[smem:$0x7FF] =	sst s3;
	s28 =	smul.u32 $0x28000, s0  }
0x8: {  	s15 =	sadd.s32 $0x96000, s2;
	s8 =	sshll.u32 s0, $0x7;
	s9 =	smul.u32 $0x1400, s0  }
0x9: {  	_ =	strace $0x80000047;
	s29 =	ssub.s32 $0x2, s5;
	s31 =	smul.u32 $0x9C400, s5  }
0xa: {  	s12 =	smul.u32 $0x13880, s5;
	p0 =	seq.s32 s0, $0xF;
	s11 =	sshrl.u32 s29, $0x1  }
0xb: {  	s15 =	sshrl.u32 @p0 s15, $0x3;
	s16 =	sshll.u32 @!p0 s0, $0x6;
	s6 =	sor.u32 s8, s6  }
0xc: {  	s30 =	sshrl.u32 s28, $0x2;
	s11 =	ssub.s32 s29, s11;
	s8 =	sshrl.u32 s31, $0x3  }
0xd: {  	s9 =	sadd.s32 s9, s12;
	s12 =	simm.s32 $0x2;
	s16 =	sor.u32 @!p0 $0x1C02, s16  }
0xe: {  	s6 =	sshrl.u32 s6, $0x3;
	s8 =	sadd.s32 s7, s8;
	s7 =	sadd.s32 s7, s9  }
0xf: {  	s9 =	smax.u32 s11, $0x1;
	s10 =	sadd.s32 s6, s4;
	s4 =	sadd.s32 s30, s2  }
0x10: {  	s11 =	simm.s32 $0x4080;
	s8 =	sadd.s32 $0x12C00, s8;
	s5 =	sadd.s32 $0x4000, s4  }
0x11: {  	v0 =	vimm.f32 $1.000000000e+00;
	v1 =	vimm.f32 $0.0e+00;
	s6 =	sadd.s32 $0x8000, s4;
	s10 =	sadd.s32 $0x3800, s10;
	s17 =	sshrl.u32 @!p0 s4, $0x3  }
.LBB2_1:
0x12: {  	s19 =	simm.s32 $0x0;
	s20 =	simm.s32 $0x200  }
.LBB2_2:
0x13: {  	p1 =	sne.s32 s20, $0xFE00;
	[tilespmem:s19+$0x40F0] =	vst v1  }
0x14: {  	[tilespmem:s19+$0x80] =	vst v0  }
0x15: {  	[tilespmem:s19+$0x4080] =	vst v1  }
0x16: {  	[tilespmem:s19+$0x90] =	vst v0  }
0x17: {  	[tilespmem:s19+$0x4090] =	vst v1  }
0x18: {  	[tilespmem:s19+$0xA0] =	vst v0  }
0x19: {  	[tilespmem:s19+$0x40A0] =	vst v1  }
0x1a: {  	[tilespmem:s19+$0xB0] =	vst v0  }
0x1b: {  	[tilespmem:s19+$0x40B0] =	vst v1  }
0x1c: {  	[tilespmem:s19+$0xC0] =	vst v0  }
0x1d: {  	[tilespmem:s19+$0x40C0] =	vst v1  }
.Ltmp0:
0x1e: {  	[tilespmem:s19+$0xD0] =	vst v0;
	(pc) =	sbr.rel @p1 .LBB2_2-.Ltmp0, $4  }
0x1f: {  	[tilespmem:s19+$0x40D0] =	vst v1  }
0x20: {  	[tilespmem:s19+$0xE0] =	vst v0  }
0x21: {  	[tilespmem:s19+$0x40E0] =	vst v1  }
0x22: {  	[tilespmem:s19+$0xF0] =	vst v0;
	s19 =	sshra.s32 s20, $0x2;
	s20 =	sadd.s32 $0x200, s20  }
0x23: {  	[tilespmem:s19+$0x40F0] =	vst v1  }
0x24: {  	[tilespmem:s19+$0x80] =	vst v0  }
0x25: {  	[tilespmem:s19+$0x4080] =	vst v1  }
0x26: {  	[tilespmem:s19+$0x90] =	vst v0  }
0x27: {  	[tilespmem:s19+$0x4090] =	vst v1  }
0x28: {  	[tilespmem:s19+$0xA0] =	vst v0  }
0x29: {  	[tilespmem:s19+$0x40A0] =	vst v1  }
0x2a: {  	[tilespmem:s19+$0xB0] =	vst v0  }
0x2b: {  	[tilespmem:s19+$0x40B0] =	vst v1  }
0x2c: {  	[tilespmem:s19+$0xC0] =	vst v0  }
0x2d: {  	[tilespmem:s19+$0x40C0] =	vst v1  }
0x2e: {  	[tilespmem:s19+$0xD0] =	vst v0  }
0x2f: {  	[tilespmem:s19+$0x40D0] =	vst v1  }
0x30: {  	[tilespmem:s19+$0xE0] =	vst v0  }
0x31: {  	[tilespmem:s19+$0x40E0] =	vst v1  }
0x32: {  	[tilespmem:s19+$0xF0] =	vst v0  }
0x33: {  	[spmem:s4] =	stream.linear.scatter [tilespmem:s11], [sflag:$0x2], $0x4000, $0x38;
	[tilespmem:$0x12080] =	vst v63  }
0x34: {  	_ =	swait.ge [sflag:s12], $0x4000  }
0x35: {  	[sflag:s12] =	ssyncset.done $0x0  }
0x36: {  	[sflag:s12] =	ssyncadd.s32 $0xFFFFC000  }
0x37: {  	[spmem:s5] =	stream.linear.scatter [tilespmem:s11], [sflag:$0x2], $0x4000, $0x38;
	[tilespmem:$0x12080] =	vst v63  }
0x38: {  	_ =	swait.ge [sflag:s12], $0x4000  }
0x39: {  	[sflag:s12] =	ssyncset.done $0x0  }
0x3a: {  	[sflag:s12] =	ssyncadd.s32 $0xFFFFC000  }
0x3b: {  	[spmem:s6] =	stream.linear.scatter [tilespmem:s11], [sflag:$0x2], $0x2000, $0x38;
	[tilespmem:$0x12080] =	vst v63  }
0x3c: {  	_ =	swait.ge [sflag:s12], $0x2000  }
0x3d: {  	[sflag:s12] =	ssyncset.done $0x0  }
0x3e: {  	[sflag:s12] =	ssyncadd.s32 $0xFFFFE000  }
0x3f: {  	s31 =	sadd.s32 $0x0, s10;
	[bflag:$0x0] =	sbarrier.arrive $0xFFFF  }
0x40: {  	[tilespmem:s3], [sflag:$0x1] =	stream.linear.gather [hbm4b:s31+s3], $0x80, $0x38;
	[tilespmem:$0x12080] =	vst v63  }
0x41: {  	_ =	swait.ge [sflag:s13], $0x80  }
0x42: {  	[sflag:s13] =	ssyncset.done $0x0  }
0x43: {  	[sflag:s13] =	ssyncadd.s32 $0xFFFFFF80  }
0x44: {  	[spmem:s2] =	stream.indirect.scatter.add.f32 [tilespmem:s14], [sflag:$0x2], $0x80, s3, s14, $0xb8;
	[tilespmem:$0x12080] =	vst v63  }
0x45: {  	_ =	swait.ge [sflag:s12], $0x4000  }
0x46: {  	s19 =	simm.s32 $0x100;
	s20 =	simm.s32 $0x200;
	[sflag:s12] =	ssyncset.done $0x0  }
.LBB2_4:
0x47: {  	s21 =	sadd.s32 s19, s10  }
0x48: {  	[sflag:s12] =	ssyncadd.s32 $0xFFFFC000;
	s19 =	smov.u32 s20;
	s22 =	sadd.s32 $0x100, s20  }
0x49: {  	[tilespmem:s3], [sflag:$0x1] =	stream.linear.gather [hbm4b:s21+s3], $0x80, $0x38;
	[tilespmem:$0x12080] =	vst v63  }
0x4a: {  	p1 =	sne.s32 s20, $0x9C00;
	_ =	swait.ge [sflag:s13], $0x80  }
.Ltmp1:
0x4b: {  	[sflag:s13] =	ssyncset.done $0x0;
	(pc) =	sbr.rel @p1 .LBB2_4-.Ltmp1, $4  }
0x4c: {  	[sflag:s13] =	ssyncadd.s32 $0xFFFFFF80  }
0x4d: {  	[spmem:s2] =	stream.indirect.scatter.add.f32 [tilespmem:s14], [sflag:$0x2], $0x80, s3, s14, $0xb8;
	[tilespmem:$0x12080] =	vst v63  }
0x4e: {  	_ =	swait.ge [sflag:s12], $0x4000  }
0x4f: {  	s20 =	smov.u32 s22;
	[sflag:s12] =	ssyncset.done $0x0  }
0x50: {  	s19 =	sadd.s32 s19, s10;
	[sflag:s12] =	ssyncadd.s32 $0xFFFFC000  }
0x51: {  	[tilespmem:s3], [sflag:$0x1] =	stream.linear.gather [hbm4b:s19+s3], $0x80, $0x38;
	[tilespmem:$0x12080] =	vst v63  }
0x52: {  	_ =	swait.ge [sflag:s13], $0x80  }
0x53: {  	[sflag:s13] =	ssyncset.done $0x0  }
0x54: {  	[sflag:s13] =	ssyncadd.s32 $0xFFFFFF80  }
0x55: {  	[spmem:s2] =	stream.indirect.scatter.add.f32 [tilespmem:s14], [sflag:$0x2], $0x80, s3, s14, $0xb8;
	[tilespmem:$0x12080] =	vst v63  }
0x56: {  	_ =	swait.ge [sflag:s12], $0x4000  }
0x57: {  	[sflag:s12] =	ssyncset.done $0x0  }
0x58: {  	[sflag:s12] =	ssyncadd.s32 $0xFFFFC000  }
0x59: {  	s19 =	simm.s32 @p0 $0x1FC2;
	[bflag:$0x0] =	sbarrier.arrive $0xFFFF  }
0x5a: {  	[hbm:s8], [sflag:s19] =	dma.local @p0 [spmem:s15], $0xC80  }
0x5b: {  	s19 =	simm.s32 @p0 $0x2  }
0x5c: {  	s18 =	sadd.s32 $0x1, s18;
	_ =	swait.ge @p0 [sflag:s19], $0xC80  }
0x5d: {  	p1 =	sne.s32 s18, s9;
	[sflag:s19] =	ssyncset.done @p0 $0x0  }
.Ltmp2:
0x5e: {  	[sflag:s19] =	ssyncadd.s32 @p0 $0xFFFFF380;
	s19 =	simm.s32 @!p0 $0x2;
	(pc) =	sbr.rel @p1 .LBB2_1-.Ltmp2, $4  }
0x5f: {  	[hbm:s7], [sflag:s16] =	dma.local @!p0 [spmem:s17], $0x1400  }
0x60: {  	_ =	swait.ge @!p0 [sflag:s19], $0x1400  }
0x61: {  	[sflag:s19] =	ssyncset.done @!p0 $0x0  }
0x62: {  	[sflag:s19] =	ssyncadd.s32 @!p0 $0xFFFFEC00  }
0x63: {  	_ =	sfence.sel $0x180000  }
0x64: {  	[bflag:$0x0] =	sbarrier.arrive $0xFFFF  }
0x65: {  	p0 =	sne.s32 s0, $0x0;
	_ =	strace $0x90000047  }
0x66: {  	s0 =	sadd.s32 @!p0 $0x100000, s1;
	[bflag:$0x2] =	sbarrier.arrive $0xFFFF  }
0x67: {  	[sflag:s0] =	ssyncadd.tile.s32 @!p0 $0x1;
	_ =	shalt  }
.Lfunc_end2:
_tile_overlayer_lowered:
.L_overlay_start_2:
0x68: {  	(tag) =	ssettag $0x2  }
0x69: {  	s0 =	rddreg [dreg:$0x0];
	s2 =	stileid.u32  }
0x6a: {  	s1 =	rddreg [dreg:$0x1];
	p0 =	sne.s32 s2, $0x0  }
0x6b: {  	s3 =	rddreg [dreg:$0x2];
	[bflag:$0x3] =	sbarrier.arrive $0xFFFF;
	s2 =	simm.s32 @!p0 $0x1C02  }
0x6c: {  	[timem:s3], [sflag:s2] =	dma.local @!p0 [hbm:s0], s1  }
0x6d: {  	s0 =	simm.s32 @!p0 $0x2  }
0x6e: {  	_ =	swait.ge @!p0 [sflag:s0], s1  }
0x6f: {  	s1 =	ssub.s32 @!p0 $0x0, s1;
	[sflag:s0] =	ssyncset.done @!p0 $0x0  }
0x70: {  	[sflag:s0] =	ssyncadd.s32 @!p0 s1  }
0x71: {  	[bflag:$0x3] =	sbarrier.arrive $0xFFFF  }
0x72: {  	_ =	shalt  }

// kernel: kernel.13.cloned.1.call-start
scs
__scs_entry_jumppad:
0x0: {  	(pc) =	sbr.rel $0x88, $3  }
0x1: {  	(tag) =	ssettag $0x0;
	lr =	simm.s32 $0x1  }
0x2: {  	[smem:$0x3F9D] =	sst lr;
	_ =	strace $0xD0000000  }
0x3: {  	_ = 	snop  }
0x4: {  	_ = 	snop  }
0x5: {  	_ = 	snop  }
0x6: {  	_ = 	snop  }
0x7: {  	_ = 	snop  }
__scs_overlays_trampoline_lowered:
0x8: {  	[smem:$0x3FAC] =	sst s0  }
0x9: {  	[smem:$0x3FAD] =	sst s1  }
0xa: {  	[smem:$0x3FAE] =	sst s2  }
0xb: {  	[smem:$0x3FAF] =	sst s3  }
0xc: {  	[smem:$0x3FB0] =	sst s4  }
0xd: {  	[smem:$0x3FB1] =	sst s5  }
0xe: {  	[smem:$0x3FB2] =	sst s6  }
0xf: {  	[smem:$0x3FB3] =	sst s7  }
0x10: {  	[smem:$0x3FB4] =	sst s8  }
0x11: {  	[smem:$0x3FB5] =	sst s9;
	s0 =	simm.s32 @!p0 $0x0  }
0x12: {  	s1 =	sld [smem:$0x3F9B];
	s0 =	simm.s32 @p0 $0x1  }
0x13: {  	[smem:$0x3FB6] =	sst s0;
	s0 =	simm.s32 @!p1 $0x0  }
0x14: {  	s2 =	sld [smem:$0x3F9A];
	s0 =	simm.s32 @p1 $0x1  }
0x15: {  	[smem:$0x3FB7] =	sst s0;
	s0 =	simm.s32 @!p2 $0x0  }
0x16: {  	s3 =	sld [smem:$0x3FDB];
	s0 =	simm.s32 @p2 $0x1  }
0x17: {  	s4 =	simm.s32 $0x1BF5;
	[smem:$0x3FB9] =	sst s0  }
0x18: {  	s0 =	sld [smem:$0x3F9C];
	_ =	swait.ge [sflag:s4], $0x0  }
0x19: {  	s7 =	sld [smem:$0x3F9D]  }
0x1a: {  	s8 =	sadd.s32 $0xFFFFE003, lr  }
0x1b: {  	s9 =	sadd.s32 $0xFFFFFEF7, lr;
	s5 =	simm.s32 $0xFFFFFFFF;
	p2 =	slt.u32 s8, $0xFFFFF086  }
0x1c: {  	p1 =	slt.u32 s9, $0xF7A;
	s5 =	simm.s32 @!p2 $0x0  }
0x1d: {  	s5 =	simm.s32 @p1 $0x1;
	p0 =	seq.s32 s7, s2  }
0x1e: {  	s7 =	smul.u32 @!p0 $0xF7A, s2;
	p2 =	seq.s32 @!p0 s5, $0x0  }
0x1f: {  	s9 =	smul.u32 $0xF7A, s1;
	s8 =	simm.s32 @!p0 $0x1BF5;
	p2 =	por !p2, p0  }
0x20: {  	[sflag:s8] =	ssyncset.s32 @!p0 $0xFFFFF086;
	s6 =	sadd.s32 @!p0 s3, s7;
	s7 =	simm.s32 @!p0 $0x108  }
0x21: {  	s3 =	sadd.s32 s3, s9;
	s6 =	sadd.s32 @!p0 $0x88, s6;
	s7 =	simm.s32 @p2 $0x1082  }
0x22: {  	[simem:s7], [sflag:s8] =	dma.local @!p0 [hbm:s6], $0xF7A  }
0x23: {  	s9 =	sor.u32 $0xD0000000, s2;
	s6 =	simm.s32 $0x108;
	_ =	swait.ge @!p0 [sflag:s8], $0x0  }
0x24: {  	s3 =	sadd.s32 $0x88, s3;
	s6 =	simm.s32 @!p1 $0x1082;
	[sflag:s4] =	ssyncset.s32 $0xFFFFF086  }
0x25: {  	[simem:s6], [sflag:s4] =	dma.local [hbm:s3], $0xF7A  }
0x26: {  	[smem:$0x3F9D] =	sst s1;
	(tag) =	ssettag s2;
	_ =	strace s9  }
0x27: {  	s1 =	sld [smem:$0x3FAD]  }
0x28: {  	s2 =	sld [smem:$0x3FAE]  }
0x29: {  	s4 =	sld [smem:$0x3FB0]  }
0x2a: {  	p0 =	seq.s32 s5, $0x0;
	s5 =	sld [smem:$0x3FB1]  }
0x2b: {  	s6 =	sld [smem:$0x3FB2]  }
0x2c: {  	s7 =	sld [smem:$0x3FB3]  }
0x2d: {  	s3 =	simm.s32 $0x108;
	s8 =	sld [smem:$0x3FB4]  }
0x2e: {  	s3 =	simm.s32 @!p0 $0x1082;
	s9 =	sld [smem:$0x3FB5]  }
0x2f: {  	lr =	sadd.s32 s0, s3;
	s0 =	sld [smem:$0x3FAC]  }
0x30: {  	s3 =	sld [smem:$0x3FAF]  }
0x31: {  	[smem:$0x3FB8] =	sst s10  }
0x32: {  	s10 =	sld [smem:$0x3FB6];
	_ =	sdelay $0x3  }
0x33: {  	p0 =	seq.s32 s10, $0x1;
	s10 =	sld [smem:$0x3FB8];
	_ =	sdelay $0x3  }
0x34: {  	[smem:$0x3FB8] =	sst s10  }
0x35: {  	s10 =	sld [smem:$0x3FB7];
	_ =	sdelay $0x3  }
0x36: {  	p1 =	seq.s32 s10, $0x1;
	s10 =	sld [smem:$0x3FB8];
	_ =	sdelay $0x3  }
0x37: {  	[smem:$0x3FB8] =	sst s10  }
0x38: {  	s10 =	sld [smem:$0x3FB9]  }
0x39: {  	_ = 	snop;
	(pc) =	sbr.ind lr, $3  }
0x3a: {  	_ = 	snop  }
0x3b: {  	_ = 	snop  }
0x3c: {  	p2 =	seq.s32 s10, $0x1;
	s10 =	sld [smem:$0x3FB8]  }
0x3d: {  	_ =	shalt  }
0x3e: {  	_ =	shalt  }
0x3f: {  	_ =	shalt  }
0x40: {  	_ =	shalt  }
0x41: {  	_ =	shalt  }
0x42: {  	_ =	shalt  }
0x43: {  	_ =	shalt  }
0x44: {  	_ =	shalt  }
0x45: {  	_ =	shalt  }
0x46: {  	_ =	shalt  }
0x47: {  	_ =	shalt  }
0x48: {  	_ =	shalt  }
0x49: {  	_ =	shalt  }
0x4a: {  	_ =	shalt  }
0x4b: {  	_ =	shalt  }
0x4c: {  	_ =	shalt  }
0x4d: {  	_ =	shalt  }
0x4e: {  	_ =	shalt  }
0x4f: {  	_ =	shalt  }
0x50: {  	_ =	shalt  }
0x51: {  	_ =	shalt  }
0x52: {  	_ =	shalt  }
0x53: {  	_ =	shalt  }
0x54: {  	_ =	shalt  }
0x55: {  	_ =	shalt  }
0x56: {  	_ =	shalt  }
0x57: {  	_ =	shalt  }
0x58: {  	_ =	shalt  }
0x59: {  	_ =	shalt  }
0x5a: {  	_ =	shalt  }
0x5b: {  	_ =	shalt  }
0x5c: {  	_ =	shalt  }
0x5d: {  	_ =	shalt  }
0x5e: {  	_ =	shalt  }
0x5f: {  	_ =	shalt  }
0x60: {  	_ =	shalt  }
0x61: {  	_ =	shalt  }
0x62: {  	_ =	shalt  }
0x63: {  	_ =	shalt  }
0x64: {  	_ =	shalt  }
0x65: {  	_ =	shalt  }
0x66: {  	_ =	shalt  }
0x67: {  	_ =	shalt  }
0x68: {  	_ =	shalt  }
0x69: {  	_ =	shalt  }
0x6a: {  	_ =	shalt  }
0x6b: {  	_ =	shalt  }
0x6c: {  	_ =	shalt  }
0x6d: {  	_ =	shalt  }
0x6e: {  	_ =	shalt  }
0x6f: {  	_ =	shalt  }
0x70: {  	_ =	shalt  }
0x71: {  	_ =	shalt  }
0x72: {  	_ =	shalt  }
0x73: {  	_ =	shalt  }
0x74: {  	_ =	shalt  }
0x75: {  	_ =	shalt  }
0x76: {  	_ =	shalt  }
0x77: {  	_ =	shalt  }
0x78: {  	_ =	shalt  }
0x79: {  	_ =	shalt  }
0x7a: {  	_ =	shalt  }
0x7b: {  	_ =	shalt  }
0x7c: {  	_ =	shalt  }
0x7d: {  	_ =	shalt  }
0x7e: {  	_ =	shalt  }
0x7f: {  	_ =	shalt  }
0x80: {  	_ =	shalt  }
0x81: {  	_ =	shalt  }
0x82: {  	_ =	shalt  }
0x83: {  	_ =	shalt  }
0x84: {  	_ =	shalt  }
0x85: {  	_ =	shalt  }
0x86: {  	_ =	shalt  }
0x87: {  	_ =	shalt  }
.Lfunc_end0:
.L_simem_size_0:
called_computation.1_lowered:
.L_overlay_start_0:
0x88: {  	s2 =	sld [smem:$0x3FD9]  }
0x89: {  	s3 =	sld [smem:$0x3FFE];
	_ =	sdelay $0x1  }
0x8a: {  	s1 =	srdreg.scid  }
0x8b: {  	s0 =	sand.u32 $0x1, s1  }
0x8c: {  	s17 =	sshll.u32 s0, $0xA;
	s2 =	sadd.s32 s3, s2  }
0x8d: {  	s2 =	sadd.s32 s2, s17  }
0x8e: {  	[smem:$0x3FC4] =	sst s2  }
0x8f: {  	_ = 	snop  }
0x90: {  	s2 =	sld [smem:$0x3FD0];
	(tm) =	ssettm $0x1  }
0x91: {  	s18 =	sld [smem:$0x3FFB];
	_ =	sdelay $0x3  }
0x92: {  	_ =	strace s18  }
0x93: {  	s3 =	sld [smem:$0x3FFC];
	_ =	sdelay $0x3  }
0x94: {  	_ =	strace s3  }
0x95: {  	s3 =	sld [smem:$0x3FFD];
	_ =	sdelay $0x3  }
0x96: {  	_ =	strace s3  }
0x97: {  	_ =	strace $0x8FFFFFFF  }
0x98: {  	s19 =	sld [smem:$0x3FDB];
	_ =	sdelay $0x1  }
0x99: {  	s4 =	simm.s32 $_scs_section_size  }
0x9a: {  	s5 =	simm.s32 $_size__tile_overlayer_lowered;
	s6 =	simm.s32 $_tile_overlayer_lowered  }
0x9b: {  	s22 =	simm.s32 $0x1BFF;
	s21 =	sshll.u32 s6, $0x1;
	s3 =	sadd.s32 s4, s19  }
0x9c: {  	s7 =	simm.s32 $0x0;
	s20 =	sshll.u32 s5, $0x1;
	s5 =	sadd.s32 s21, s3  }
0x9d: {  	[timem:s7], [sflag:s22] =	dma.local [hbm:s5], s20  }
0x9e: {  	_ =	swait.ge [sflag:s22], s20  }
0x9f: {  	s4 =	ssub.s32 $0x0, s20;
	[sflag:s22] =	ssyncset.done $0x0  }
0xa0: {  	[sflag:s22] =	ssyncadd.s32 s4;
	_ =	sdelay $0x1  }
0xa1: {  	s23 =	simm.s32 $0x1B8B  }
0xa2: {  	_ =	swait.ge [sflag:s23], $0x1  }
0xa3: {  	[sflag:s23] =	ssyncset.done $0x0  }
0xa4: {  	s25 =	simm.s32 $0x1B8E;
	s24 =	sld [smem:$0x3FFE];
	[sflag:s23] =	ssyncadd.s32 $0xFFFFFFFF  }
0xa5: {  	s26 =	simm.s32 $execute0_lowered;
	[smem:$0x3FD2] =	sst s25  }
0xa6: {  	s5 =	sshll.u32 s26, $0x1;
	_ =	strace $0x80000049;
	[dreg:$0x1] =	wrdreg $0xFFFFFFFF  }
0xa7: {  	s28 =	simm.s32 $_size_execute0_lowered;
	s3 =	sadd.s32 s3, s5;
	[dreg:$0x0] =	wrdreg $0x0  }
0xa8: {  	s5 =	sshll.u32 s28, $0x1;
	[dreg:$0x2] =	wrdreg s3  }
0xa9: {  	[dreg:$0x3] =	wrdreg s5  }
0xaa: {  	[dreg:$0x4] =	wrdreg $0xC0  }
0xab: {  	_ =	task [dreg:s7], $0x5FFFF  }
0xac: {  	[dreg:$0x1] =	wrdreg $0xFFFFFFFF  }
0xad: {  	[dreg:$0x0] =	wrdreg $0x60  }
0xae: {  	[dreg:$0x2] =	wrdreg s2  }
0xaf: {  	[dreg:$0x3] =	wrdreg s24  }
0xb0: {  	[dreg:$0x4] =	wrdreg $0x82000  }
0xb1: {  	[dreg:$0x5] =	wrdreg $0x9  }
0xb2: {  	_ =	task.clear_ibuf [dreg:s7], $0x6FFFF;
	_ =	strace $0x90000049  }
0xb3: {  	s29 =	simm.s32 $0x9;
	_ =	strace $0x8000004B  }
0xb4: {  	_ =	swait.ge [sflag:s29], $0x1  }
0xb5: {  	[sflag:s29] =	ssyncadd.s32 $0xFFFFFFFF  }
0xb6: {  	_ =	strace $0x9000004B  }
0xb7: {  	_ =	sfence  }
0xb8: {  	s30 =	sld [smem:$0x0];
	_ =	sdelay $0x2  }
0xb9: {  	s31 =	sshll.u32 s1, $0xD;
	s1 =	sshrl.u32 s1, $0x2  }
0xba: {  	s3 =	sand.u32 $0x4000, s31;
	s1 =	sadd.s32 s1, s30  }
0xbb: {  	s0 =	sor.u32 s3, s0;
	s1 =	sshll.u32 s1, $0x11  }
0xbc: {  	s0 =	sor.u32 s1, s0  }
0xbd: {  	s0 =	sadd.s32 $0x8F2B, s0  }
0xbe: {  	[sflag:s0] =	ssyncadd.remote.s32 $0x1  }
0xbf: {  	_ =	sfence.sel $0xFFFF  }
0xc0: {  	[dreg:$0x0] =	wrdreg $0xFFFFFFFF;
	(pc) =	sbr.abs _section_cstart, $3  }
0xc1: {  	[dreg:$0x1] =	wrdreg $0xFFFFFFFF  }
0xc2: {  	_ =	task.clear_ibuf [dreg:s7], $0x2FFFF;
	_ =	strace $0x9FFFFFFF  }
0xc3: {  	(tm) =	ssettm $0x7FFFFFFF  }
tec
execute0_lowered:
.L_overlay_start_1:
0x0: {  	(tag) =	ssettag $0x1  }
0x1: {  	s1 =	rddreg [dreg:$0x0]  }
0x2: {  	s0 =	rddreg [dreg:$0x1]  }
0x3: {  	s2 =	rddreg [dreg:$0x2]  }
0x4: {  	s4 =	simm.s32 $0x0;
	s3 =	srdreg.scid;
	s26 =	stileid.u32  }
0x5: {  	s28 =	simm.s32 $0x4200;
	s29 =	simm.s32 $0x2;
	s30 =	simm.s32 $0x3  }
0x6: {  	s31 =	simm.s32 $0x0;
	[smem:$0x7FF] =	sst s4;
	s3 =	sand.u32 $0x1, s3  }
0x7: {  	s16 =	sadd.s32 $0x17200, s0;
	s7 =	smul.u32 $0x28000, s26;
	s5 =	sadd.s32 $0x3800, s0  }
0x8: {  	s0 =	sadd.s32 $0x6F400, s0;
	s12 =	smul.u32 $0x1400, s26;
	s9 =	sshll.u32 s26, $0x4  }
0x9: {  	s25 =	sadd.s32 $0x96000, s2;
	s21 =	sor.u32 $0x9C0, s26;
	p0 =	seq.s32 s26, $0xF  }
0xa: {  	_ =	strace $0x8000004A;
	s6 =	ssub.s32 $0x2, s3;
	s17 =	smul.u32 $0x4E800, s3  }
0xb: {  	s9 =	sadd.s32 s16, s9;
	s22 =	sshll.u32 s21, $0x7;
	s8 =	sshrl.u32 s6, $0x1  }
0xc: {  	s25 =	sshrl.u32 @p0 s25, $0x3;
	s11 =	sshrl.u32 s7, $0x2;
	s15 =	ssub.s32 s6, s8  }
0xd: {  	s6 =	sadd.s32 s11, s2;
	s11 =	sshll.u32 s26, $0x7;
	s26 =	simm.s32 $0x180  }
0xe: {  	s13 =	sadd.s32 $0x4000, s6;
	s19 =	sor.u32 s11, s17;
	s14 =	sadd.s32 $0x8000, s6  }
0xf: {  	s11 =	sor.u32 $0x800, s11;
	s15 =	smax.u32 s15, $0x1;
	[dreg:$0x4] =	wrdreg s13  }
0x10: {  	[dreg:$0x5] =	wrdreg s14;
	s10 =	sshrl.u32 s19, $0x3;
	s13 =	smul.u32 $0x13880, s3  }
0x11: {  	s14 =	sshrl.u32 s11, $0x3;
	s3 =	smul.u32 $0x9C400, s3;
	s23 =	sadd.s32 $0x1800, s19  }
0x12: {  	s19 =	sadd.s32 $0x1000, s19;
	s18 =	sadd.s32 s5, s10;
	s24 =	sshrl.u32 s23, $0x3  }
0x13: {  	s23 =	simm.s32 $0x80;
	[dreg:$0x6] =	wrdreg s18;
	s18 =	sadd.s32 s17, s11  }
0x14: {  	s11 =	sadd.s32 s16, s14;
	s13 =	sadd.s32 s12, s13;
	s3 =	sshrl.u32 s3, $0x3  }
0x15: {  	s20 =	sshrl.u32 s18, $0x3;
	s13 =	sadd.s32 s0, s13;
	s0 =	sadd.s32 s0, s3  }
0x16: {  	s3 =	sshll.u32 s21, $0x4;
	s18 =	sadd.s32 s24, s5;
	s21 =	simm.s32 $0x4  }
0x17: {  	s24 =	simm.s32 $0x1;
	s14 =	sadd.s32 $0x12C00, s0;
	s0 =	sadd.s32 s17, s22  }
0x18: {  	s12 =	sadd.s32 s5, s20;
	s16 =	sadd.s32 s16, s3;
	s0 =	sshrl.u32 s0, $0x3  }
0x19: {  	v0 =	vimm.f32 $0.0e+00;
	s20 =	simm.s32 $0x200;
	s22 =	simm.s32 $0x100;
	s17 =	sadd.s32 s5, s0  }
.LBB2_1:
0x1a: {  	s0 =	simm.s32 $0x0;
	s3 =	simm.s32 $0x200  }
.LBB2_2:
0x1b: {  	p1 =	sne.s32 s3, $0xFE00;
	[tilespmem:s0+$0x270] =	vst v0  }
0x1c: {  	[tilespmem:s0+$0x200] =	vst v0  }
0x1d: {  	[tilespmem:s0+$0x210] =	vst v0  }
.Ltmp0:
0x1e: {  	[tilespmem:s0+$0x220] =	vst v0;
	(pc) =	sbr.rel @p1 .LBB2_2-.Ltmp0, $4  }
0x1f: {  	[tilespmem:s0+$0x230] =	vst v0  }
0x20: {  	[tilespmem:s0+$0x240] =	vst v0  }
0x21: {  	[tilespmem:s0+$0x250] =	vst v0  }
0x22: {  	[tilespmem:s0+$0x260] =	vst v0;
	s0 =	sshra.s32 s3, $0x2;
	s3 =	sadd.s32 $0x200, s3  }
0x23: {  	[tilespmem:s0+$0x270] =	vst v0  }
0x24: {  	[tilespmem:s0+$0x200] =	vst v0  }
0x25: {  	[tilespmem:s0+$0x210] =	vst v0  }
0x26: {  	[tilespmem:s0+$0x220] =	vst v0  }
0x27: {  	[tilespmem:s0+$0x230] =	vst v0  }
0x28: {  	[tilespmem:s0+$0x240] =	vst v0  }
0x29: {  	[tilespmem:s0+$0x250] =	vst v0  }
0x2a: {  	[tilespmem:s0+$0x260] =	vst v0  }
0x2b: {  	[spmem:s6] =	stream.linear.scatter [tilespmem:s20], [sflag:$0x4], $0x4000, $0x38;
	[tilespmem:$0x12200] =	vst v63  }
0x2c: {  	_ =	swait.ge [sflag:s21], $0x4000  }
0x2d: {  	[sflag:s21] =	ssyncset.done $0x0  }
0x2e: {  	s3 =	rddreg [dreg:$0x4];
	[sflag:s21] =	ssyncadd.s32 $0xFFFFC000  }
0x2f: {  	[spmem:s3] =	stream.linear.scatter [tilespmem:s20], [sflag:$0x4], $0x4000, $0x38;
	[tilespmem:$0x12200] =	vst v63  }
0x30: {  	_ =	swait.ge [sflag:s21], $0x4000  }
0x31: {  	[sflag:s21] =	ssyncset.done $0x0  }
0x32: {  	s7 =	rddreg [dreg:$0x5];
	[sflag:s21] =	ssyncadd.s32 $0xFFFFC000  }
0x33: {  	[spmem:s7] =	stream.linear.scatter [tilespmem:s20], [sflag:$0x4], $0x2000, $0x38;
	[tilespmem:$0x12200] =	vst v63  }
0x34: {  	_ =	swait.ge [sflag:s21], $0x2000  }
0x35: {  	[sflag:s21] =	ssyncset.done $0x0  }
0x36: {  	[sflag:s21] =	ssyncadd.s32 $0xFFFFE000  }
0x37: {  	s8 =	simm.s32 $0x0;
	[bflag:$0x0] =	sbarrier.arrive $0xFFFF  }
0x38: {  	[tilespmem:s8], [sflag:$0x4] =	stream.linear.gather [hbm4b:s9+s8], $0x80, $0x38;
	[tilespmem:$0x12200] =	vst v63  }
0x39: {  	_ =	swait.ge [sflag:s21], $0x80  }
0x3a: {  	[sflag:s21] =	ssyncset.done $0x0  }
0x3b: {  	s3 =	rddreg [dreg:$0x6];
	[sflag:s21] =	ssyncadd.s32 $0xFFFFFF80  }
0x3c: {  	[tilespmem:s22], [sflag:$0x4] =	stream.linear.gather [hbm4b:s3+s8], $0x80, $0x38;
	[tilespmem:$0x12200] =	vst v63  }
0x3d: {  	_ =	swait.ge [sflag:s21], $0x80  }
0x3e: {  	[sflag:s21] =	ssyncset.done $0x0  }
0x3f: {  	[sflag:s21] =	ssyncadd.s32 $0xFFFFFF80  }
0x40: {  	[tilespmem:s20], [sflag:$0x1] =	stream.indirect.gather [hbm4b:s1+s23], $0x80, s8, s23, $0xb8;
	[tilespmem:$0x12200] =	vst v63  }
0x41: {  	_ =	swait.ge [sflag:s24], $0x4000  }
0x42: {  	[sflag:s24] =	ssyncset.done $0x0  }
0x43: {  	[sflag:s24] =	ssyncadd.s32 $0xFFFFC000  }
0x44: {  	[tilespmem:s23], [sflag:$0x4] =	stream.linear.gather [hbm4b:s11+s8], $0x80, $0x38;
	[tilespmem:$0x12200] =	vst v63  }
0x45: {  	_ =	swait.ge [sflag:s21], $0x80  }
0x46: {  	[sflag:s21] =	ssyncset.done $0x0  }
0x47: {  	[sflag:s21] =	ssyncadd.s32 $0xFFFFFF80  }
0x48: {  	[tilespmem:s26], [sflag:$0x4] =	stream.linear.gather [hbm4b:s12+s8], $0x80, $0x38;
	[tilespmem:$0x12200] =	vst v63  }
0x49: {  	_ =	swait.ge [sflag:s21], $0x80  }
0x4a: {  	[sflag:s21] =	ssyncset.done $0x0  }
0x4b: {  	[sflag:s21] =	ssyncadd.s32 $0xFFFFFF80  }
0x4c: {  	[tilespmem:s28], [sflag:$0x1] =	stream.indirect.gather [hbm4b:s1+s23], $0x80, s23, s23, $0xb8;
	[tilespmem:$0x12200] =	vst v63  }
0x4d: {  	_ = 	snop  }
0x4e: {  	[spmem:s2] =	stream.indirect.scatter.add.f32 [tilespmem:s20], [sflag:$0x2], $0x80, s22, s23, $0xb8;
	[tilespmem:$0x12200] =	vst v63  }
0x4f: {  	_ =	swait.ge [sflag:s24], $0x4000  }
0x50: {  	[sflag:s24] =	ssyncset.done $0x0  }
0x51: {  	[sflag:s24] =	ssyncadd.s32 $0xFFFFC000  }
0x52: {  	_ =	swait.ge [sflag:s29], $0x4000  }
0x53: {  	s10 =	sadd.s32 $0x0, s9;
	[sflag:s29] =	ssyncset.done $0x0  }
0x54: {  	s7 =	sadd.s32 $0x200, s10;
	[sflag:s29] =	ssyncadd.s32 $0xFFFFC000  }
0x55: {  	[tilespmem:s4], [sflag:$0x4] =	stream.linear.gather [hbm4b:s7+s4], $0x80, $0x38;
	[tilespmem:$0x12200] =	vst v63  }
0x56: {  	_ =	swait.ge [sflag:s21], $0x80  }
0x57: {  	s8 =	sshrl.u32 s19, $0x3;
	[sflag:s21] =	ssyncset.done $0x0  }
0x58: {  	s3 =	sadd.s32 s5, s8;
	[sflag:s21] =	ssyncadd.s32 $0xFFFFFF80  }
0x59: {  	[tilespmem:s22], [sflag:$0x4] =	stream.linear.gather [hbm4b:s3+s4], $0x80, $0x38;
	[tilespmem:$0x12200] =	vst v63  }
0x5a: {  	_ =	swait.ge [sflag:s21], $0x80  }
0x5b: {  	[sflag:s21] =	ssyncset.done $0x0  }
0x5c: {  	[sflag:s21] =	ssyncadd.s32 $0xFFFFFF80  }
0x5d: {  	[tilespmem:s20], [sflag:$0x1] =	stream.indirect.gather [hbm4b:s1+s23], $0x80, s4, s23, $0xb8;
	[tilespmem:$0x12200] =	vst v63  }
0x5e: {  	_ = 	snop  }
0x5f: {  	[spmem:s2] =	stream.indirect.scatter.add.f32 [tilespmem:s28], [sflag:$0x3], $0x80, s26, s23, $0xb8;
	[tilespmem:$0x12200] =	vst v63  }
0x60: {  	_ =	swait.ge [sflag:s24], $0x4000  }
0x61: {  	[sflag:s24] =	ssyncset.done $0x0  }
0x62: {  	[sflag:s24] =	ssyncadd.s32 $0xFFFFC000  }
0x63: {  	_ =	swait.ge [sflag:s30], $0x4000  }
0x64: {  	[sflag:s30] =	ssyncset.done $0x0  }
0x65: {  	s0 =	sadd.s32 $0x300, s10;
	[sflag:s30] =	ssyncadd.s32 $0xFFFFC000  }
0x66: {  	[tilespmem:s23], [sflag:$0x4] =	stream.linear.gather [hbm4b:s0+s4], $0x80, $0x38;
	[tilespmem:$0x12200] =	vst v63  }
0x67: {  	_ =	swait.ge [sflag:s21], $0x80  }
0x68: {  	[sflag:s21] =	ssyncset.done $0x0  }
0x69: {  	s10 =	sadd.s32 $0x0, s18;
	[sflag:s21] =	ssyncadd.s32 $0xFFFFFF80  }
0x6a: {  	[tilespmem:s26], [sflag:$0x4] =	stream.linear.gather [hbm4b:s10+s4], $0x80, $0x38;
	[tilespmem:$0x12200] =	vst v63  }
0x6b: {  	_ =	swait.ge [sflag:s21], $0x80  }
0x6c: {  	[sflag:s21] =	ssyncset.done $0x0  }
0x6d: {  	s3 =	sadd.s32 $0x1000, s19;
	s0 =	simm.s32 $0x200;
	[sflag:s21] =	ssyncadd.s32 $0xFFFFFF80  }
0x6e: {  	[tilespmem:s28], [sflag:$0x1] =	stream.indirect.gather [hbm4b:s1+s23], $0x80, s23, s23, $0xb8;
	[tilespmem:$0x12200] =	vst v63  }
.LBB2_4:
0x6f: {  	[spmem:s2] =	stream.indirect.scatter.add.f32 [tilespmem:s20], [sflag:$0x2], $0x80, s22, s23, $0xb8;
	[tilespmem:$0x12200] =	vst v63  }
0x70: {  	s7 =	smov.u32 s0  }
0x71: {  	p1 =	sne.s32 s0, $0x9800;
	s0 =	sadd.s32 $0x200, s0;
	_ =	swait.ge [sflag:s24], $0x4000  }
0x72: {  	[sflag:s24] =	ssyncset.done $0x0  }
0x73: {  	[sflag:s24] =	ssyncadd.s32 $0xFFFFC000  }
0x74: {  	_ =	swait.ge [sflag:s29], $0x4000  }
0x75: {  	s8 =	sadd.s32 s7, s9;
	[sflag:s29] =	ssyncset.done $0x0  }
0x76: {  	s10 =	sadd.s32 $0x200, s8;
	[sflag:s29] =	ssyncadd.s32 $0xFFFFC000  }
0x77: {  	[tilespmem:s4], [sflag:$0x4] =	stream.linear.gather [hbm4b:s10+s4], $0x80, $0x38;
	[tilespmem:$0x12200] =	vst v63  }
0x78: {  	_ =	swait.ge [sflag:s21], $0x80  }
0x79: {  	s10 =	sshrl.u32 s3, $0x3;
	[sflag:s21] =	ssyncset.done $0x0  }
0x7a: {  	s10 =	sadd.s32 s5, s10;
	[sflag:s21] =	ssyncadd.s32 $0xFFFFFF80  }
0x7b: {  	[tilespmem:s22], [sflag:$0x4] =	stream.linear.gather [hbm4b:s10+s4], $0x80, $0x38;
	[tilespmem:$0x12200] =	vst v63  }
0x7c: {  	_ =	swait.ge [sflag:s21], $0x80  }
0x7d: {  	[sflag:s21] =	ssyncset.done $0x0  }
0x7e: {  	[sflag:s21] =	ssyncadd.s32 $0xFFFFFF80  }
0x7f: {  	[tilespmem:s20], [sflag:$0x1] =	stream.indirect.gather [hbm4b:s1+s23], $0x80, s4, s23, $0xb8;
	[tilespmem:$0x12200] =	vst v63  }
0x80: {  	_ = 	snop  }
0x81: {  	[spmem:s2] =	stream.indirect.scatter.add.f32 [tilespmem:s28], [sflag:$0x3], $0x80, s26, s23, $0xb8;
	[tilespmem:$0x12200] =	vst v63  }
0x82: {  	_ =	swait.ge [sflag:s24], $0x4000  }
0x83: {  	[sflag:s24] =	ssyncset.done $0x0  }
0x84: {  	[sflag:s24] =	ssyncadd.s32 $0xFFFFC000  }
0x85: {  	_ =	swait.ge [sflag:s30], $0x4000  }
0x86: {  	[sflag:s30] =	ssyncset.done $0x0  }
0x87: {  	s8 =	sadd.s32 $0x300, s8;
	[sflag:s30] =	ssyncadd.s32 $0xFFFFC000  }
0x88: {  	[tilespmem:s23], [sflag:$0x4] =	stream.linear.gather [hbm4b:s8+s4], $0x80, $0x38;
	[tilespmem:$0x12200] =	vst v63  }
0x89: {  	_ =	swait.ge [sflag:s21], $0x80  }
0x8a: {  	[sflag:s21] =	ssyncset.done $0x0  }
0x8b: {  	s7 =	sadd.s32 s7, s18;
	[sflag:s21] =	ssyncadd.s32 $0xFFFFFF80  }
0x8c: {  	[tilespmem:s26], [sflag:$0x4] =	stream.linear.gather [hbm4b:s7+s4], $0x80, $0x38;
	[tilespmem:$0x12200] =	vst v63  }
.Ltmp1:
0x8d: {  	_ =	swait.ge [sflag:s21], $0x80;
	(pc) =	sbr.rel @p1 .LBB2_4-.Ltmp1, $4  }
0x8e: {  	[sflag:s21] =	ssyncset.done $0x0  }
0x8f: {  	[sflag:s21] =	ssyncadd.s32 $0xFFFFFF80  }
0x90: {  	[tilespmem:s28], [sflag:$0x1] =	stream.indirect.gather [hbm4b:s1+s23], $0x80, s23, s23, $0xb8;
	[tilespmem:$0x12200] =	vst v63  }
0x91: {  	s3 =	sadd.s32 $0x1000, s3  }
0x92: {  	[spmem:s2] =	stream.indirect.scatter.add.f32 [tilespmem:s20], [sflag:$0x2], $0x80, s22, s23, $0xb8;
	[tilespmem:$0x12200] =	vst v63  }
0x93: {  	_ =	swait.ge [sflag:s24], $0x4000  }
0x94: {  	[sflag:s24] =	ssyncset.done $0x0  }
0x95: {  	[sflag:s24] =	ssyncadd.s32 $0xFFFFC000  }
0x96: {  	_ =	swait.ge [sflag:s29], $0x4000  }
0x97: {  	[sflag:s29] =	ssyncset.done $0x0  }
0x98: {  	[sflag:s29] =	ssyncadd.s32 $0xFFFFC000  }
0x99: {  	[tilespmem:s4], [sflag:$0x4] =	stream.linear.gather [hbm4b:s16+s4], $0x80, $0x38;
	[tilespmem:$0x12200] =	vst v63  }
0x9a: {  	_ =	swait.ge [sflag:s21], $0x80  }
0x9b: {  	[sflag:s21] =	ssyncset.done $0x0  }
0x9c: {  	[sflag:s21] =	ssyncadd.s32 $0xFFFFFF80  }
0x9d: {  	[tilespmem:s22], [sflag:$0x4] =	stream.linear.gather [hbm4b:s17+s4], $0x80, $0x38;
	[tilespmem:$0x12200] =	vst v63  }
0x9e: {  	_ =	swait.ge [sflag:s21], $0x80  }
0x9f: {  	[sflag:s21] =	ssyncset.done $0x0  }
0xa0: {  	[sflag:s21] =	ssyncadd.s32 $0xFFFFFF80  }
0xa1: {  	[tilespmem:s20], [sflag:$0x1] =	stream.indirect.gather [hbm4b:s1+s23], $0x80, s4, s23, $0xb8;
	[tilespmem:$0x12200] =	vst v63  }
0xa2: {  	_ = 	snop  }
0xa3: {  	[spmem:s2] =	stream.indirect.scatter.add.f32 [tilespmem:s28], [sflag:$0x3], $0x80, s26, s23, $0xb8;
	[tilespmem:$0x12200] =	vst v63  }
0xa4: {  	_ =	swait.ge [sflag:s24], $0x4000  }
0xa5: {  	[sflag:s24] =	ssyncset.done $0x0  }
0xa6: {  	[sflag:s24] =	ssyncadd.s32 $0xFFFFC000  }
0xa7: {  	_ =	swait.ge [sflag:s30], $0x4000  }
0xa8: {  	[sflag:s30] =	ssyncset.done $0x0  }
0xa9: {  	[sflag:s30] =	ssyncadd.s32 $0xFFFFC000  }
0xaa: {  	[spmem:s2] =	stream.indirect.scatter.add.f32 [tilespmem:s20], [sflag:$0x2], $0x80, s22, s23, $0xb8;
	[tilespmem:$0x12200] =	vst v63  }
0xab: {  	_ =	swait.ge [sflag:s29], $0x4000  }
0xac: {  	[sflag:s29] =	ssyncset.done $0x0  }
0xad: {  	[sflag:s29] =	ssyncadd.s32 $0xFFFFC000  }
0xae: {  	s0 =	simm.s32 @p0 $0x1FC4;
	[bflag:$0x0] =	sbarrier.arrive $0xFFFF  }
0xaf: {  	[hbm:s14], [sflag:s0] =	dma.local @p0 [spmem:s25], $0xC80  }
0xb0: {  	s0 =	simm.s32 @p0 $0x4  }
0xb1: {  	s3 =	stileid.u32;
	s31 =	sadd.s32 $0x1, s31;
	_ =	swait.ge @p0 [sflag:s0], $0xC80  }
0xb2: {  	s3 =	sshll.u32 @!p0 s3, $0x6;
	p1 =	sne.s32 s31, s15;
	[sflag:s0] =	ssyncset.done @p0 $0x0  }
0xb3: {  	[sflag:s0] =	ssyncadd.s32 @p0 $0xFFFFF380;
	s0 =	sor.u32 @!p0 $0x1C04, s3;
	s3 =	sshrl.u32 @!p0 s6, $0x3  }
0xb4: {  	[hbm:s13], [sflag:s0] =	dma.local @!p0 [spmem:s3], $0x1400  }
.Ltmp2:
0xb5: {  	_ = 	snop;
	(pc) =	sbr.rel @p1 .LBB2_1-.Ltmp2, $4  }
0xb6: {  	s0 =	simm.s32 @!p0 $0x4  }
0xb7: {  	_ =	swait.ge @!p0 [sflag:s0], $0x1400  }
0xb8: {  	[sflag:s0] =	ssyncset.done @!p0 $0x0  }
0xb9: {  	[sflag:s0] =	ssyncadd.s32 @!p0 $0xFFFFEC00  }
0xba: {  	_ =	sfence.sel $0x180000  }
0xbb: {  	[bflag:$0x0] =	sbarrier.arrive $0xFFFF  }
0xbc: {  	_ =	strace $0x9000004A  }
0xbd: {  	s0 =	stileid.u32;
	[bflag:$0x2] =	sbarrier.arrive $0xFFFF  }
0xbe: {  	p0 =	sne.s32 s0, $0x0;
	s0 =	rddreg [dreg:$0x3]  }
0xbf: {  	s0 =	sadd.s32 @!p0 $0x100000, s0  }
0xc0: {  	[sflag:s0] =	ssyncadd.tile.s32 @!p0 $0x1;
	_ =	shalt  }
.Lfunc_end2:
_tile_overlayer_lowered:
.L_overlay_start_2:
0xc1: {  	(tag) =	ssettag $0x2  }
0xc2: {  	s0 =	rddreg [dreg:$0x0];
	s2 =	stileid.u32  }
0xc3: {  	s1 =	rddreg [dreg:$0x1];
	p0 =	sne.s32 s2, $0x0  }
0xc4: {  	s3 =	rddreg [dreg:$0x2];
	[bflag:$0x3] =	sbarrier.arrive $0xFFFF;
	s2 =	simm.s32 @!p0 $0x1C04  }
0xc5: {  	[timem:s3], [sflag:s2] =	dma.local @!p0 [hbm:s0], s1  }
0xc6: {  	s0 =	simm.s32 @!p0 $0x4  }
0xc7: {  	_ =	swait.ge @!p0 [sflag:s0], s1  }
0xc8: {  	s1 =	ssub.s32 @!p0 $0x0, s1;
	[sflag:s0] =	ssyncset.done @!p0 $0x0  }
0xc9: {  	[sflag:s0] =	ssyncadd.s32 @!p0 s1  }
0xca: {  	[bflag:$0x3] =	sbarrier.arrive $0xFFFF  }
0xcb: {  	_ =	shalt  }

// kernel: kernel.16.cloned.1.call-start
scs
__scs_entry_jumppad:
0x0: {  	(pc) =	sbr.rel $0x88, $3  }
0x1: {  	(tag) =	ssettag $0x0;
	lr =	simm.s32 $0x1  }
0x2: {  	[smem:$0x3F9D] =	sst lr;
	_ =	strace $0xD0000000  }
0x3: {  	_ = 	snop  }
0x4: {  	_ = 	snop  }
0x5: {  	_ = 	snop  }
0x6: {  	_ = 	snop  }
0x7: {  	_ = 	snop  }
__scs_overlays_trampoline_lowered:
0x8: {  	[smem:$0x3FAC] =	sst s0  }
0x9: {  	[smem:$0x3FAD] =	sst s1  }
0xa: {  	[smem:$0x3FAE] =	sst s2  }
0xb: {  	[smem:$0x3FAF] =	sst s3  }
0xc: {  	[smem:$0x3FB0] =	sst s4  }
0xd: {  	[smem:$0x3FB1] =	sst s5  }
0xe: {  	[smem:$0x3FB2] =	sst s6  }
0xf: {  	[smem:$0x3FB3] =	sst s7  }
0x10: {  	[smem:$0x3FB4] =	sst s8  }
0x11: {  	[smem:$0x3FB5] =	sst s9;
	s0 =	simm.s32 @!p0 $0x0  }
0x12: {  	s1 =	sld [smem:$0x3F9B];
	s0 =	simm.s32 @p0 $0x1  }
0x13: {  	[smem:$0x3FB6] =	sst s0;
	s0 =	simm.s32 @!p1 $0x0  }
0x14: {  	s2 =	sld [smem:$0x3F9A];
	s0 =	simm.s32 @p1 $0x1  }
0x15: {  	[smem:$0x3FB7] =	sst s0;
	s0 =	simm.s32 @!p2 $0x0  }
0x16: {  	s3 =	sld [smem:$0x3FDB];
	s0 =	simm.s32 @p2 $0x1  }
0x17: {  	s4 =	simm.s32 $0x1BF5;
	[smem:$0x3FB9] =	sst s0  }
0x18: {  	s0 =	sld [smem:$0x3F9C];
	_ =	swait.ge [sflag:s4], $0x0  }
0x19: {  	s7 =	sld [smem:$0x3F9D]  }
0x1a: {  	s8 =	sadd.s32 $0xFFFFE003, lr  }
0x1b: {  	s9 =	sadd.s32 $0xFFFFFEF7, lr;
	s5 =	simm.s32 $0xFFFFFFFF;
	p2 =	slt.u32 s8, $0xFFFFF086  }
0x1c: {  	p1 =	slt.u32 s9, $0xF7A;
	s5 =	simm.s32 @!p2 $0x0  }
0x1d: {  	s5 =	simm.s32 @p1 $0x1;
	p0 =	seq.s32 s7, s2  }
0x1e: {  	s7 =	smul.u32 @!p0 $0xF7A, s2;
	p2 =	seq.s32 @!p0 s5, $0x0  }
0x1f: {  	s9 =	smul.u32 $0xF7A, s1;
	s8 =	simm.s32 @!p0 $0x1BF5;
	p2 =	por !p2, p0  }
0x20: {  	[sflag:s8] =	ssyncset.s32 @!p0 $0xFFFFF086;
	s6 =	sadd.s32 @!p0 s3, s7;
	s7 =	simm.s32 @!p0 $0x108  }
0x21: {  	s3 =	sadd.s32 s3, s9;
	s6 =	sadd.s32 @!p0 $0x88, s6;
	s7 =	simm.s32 @p2 $0x1082  }
0x22: {  	[simem:s7], [sflag:s8] =	dma.local @!p0 [hbm:s6], $0xF7A  }
0x23: {  	s9 =	sor.u32 $0xD0000000, s2;
	s6 =	simm.s32 $0x108;
	_ =	swait.ge @!p0 [sflag:s8], $0x0  }
0x24: {  	s3 =	sadd.s32 $0x88, s3;
	s6 =	simm.s32 @!p1 $0x1082;
	[sflag:s4] =	ssyncset.s32 $0xFFFFF086  }
0x25: {  	[simem:s6], [sflag:s4] =	dma.local [hbm:s3], $0xF7A  }
0x26: {  	[smem:$0x3F9D] =	sst s1;
	(tag) =	ssettag s2;
	_ =	strace s9  }
0x27: {  	s1 =	sld [smem:$0x3FAD]  }
0x28: {  	s2 =	sld [smem:$0x3FAE]  }
0x29: {  	s4 =	sld [smem:$0x3FB0]  }
0x2a: {  	p0 =	seq.s32 s5, $0x0;
	s5 =	sld [smem:$0x3FB1]  }
0x2b: {  	s6 =	sld [smem:$0x3FB2]  }
0x2c: {  	s7 =	sld [smem:$0x3FB3]  }
0x2d: {  	s3 =	simm.s32 $0x108;
	s8 =	sld [smem:$0x3FB4]  }
0x2e: {  	s3 =	simm.s32 @!p0 $0x1082;
	s9 =	sld [smem:$0x3FB5]  }
0x2f: {  	lr =	sadd.s32 s0, s3;
	s0 =	sld [smem:$0x3FAC]  }
0x30: {  	s3 =	sld [smem:$0x3FAF]  }
0x31: {  	[smem:$0x3FB8] =	sst s10  }
0x32: {  	s10 =	sld [smem:$0x3FB6];
	_ =	sdelay $0x3  }
0x33: {  	p0 =	seq.s32 s10, $0x1;
	s10 =	sld [smem:$0x3FB8];
	_ =	sdelay $0x3  }
0x34: {  	[smem:$0x3FB8] =	sst s10  }
0x35: {  	s10 =	sld [smem:$0x3FB7];
	_ =	sdelay $0x3  }
0x36: {  	p1 =	seq.s32 s10, $0x1;
	s10 =	sld [smem:$0x3FB8];
	_ =	sdelay $0x3  }
0x37: {  	[smem:$0x3FB8] =	sst s10  }
0x38: {  	s10 =	sld [smem:$0x3FB9]  }
0x39: {  	_ = 	snop;
	(pc) =	sbr.ind lr, $3  }
0x3a: {  	_ = 	snop  }
0x3b: {  	_ = 	snop  }
0x3c: {  	p2 =	seq.s32 s10, $0x1;
	s10 =	sld [smem:$0x3FB8]  }
0x3d: {  	_ =	shalt  }
0x3e: {  	_ =	shalt  }
0x3f: {  	_ =	shalt  }
0x40: {  	_ =	shalt  }
0x41: {  	_ =	shalt  }
0x42: {  	_ =	shalt  }
0x43: {  	_ =	shalt  }
0x44: {  	_ =	shalt  }
0x45: {  	_ =	shalt  }
0x46: {  	_ =	shalt  }
0x47: {  	_ =	shalt  }
0x48: {  	_ =	shalt  }
0x49: {  	_ =	shalt  }
0x4a: {  	_ =	shalt  }
0x4b: {  	_ =	shalt  }
0x4c: {  	_ =	shalt  }
0x4d: {  	_ =	shalt  }
0x4e: {  	_ =	shalt  }
0x4f: {  	_ =	shalt  }
0x50: {  	_ =	shalt  }
0x51: {  	_ =	shalt  }
0x52: {  	_ =	shalt  }
0x53: {  	_ =	shalt  }
0x54: {  	_ =	shalt  }
0x55: {  	_ =	shalt  }
0x56: {  	_ =	shalt  }
0x57: {  	_ =	shalt  }
0x58: {  	_ =	shalt  }
0x59: {  	_ =	shalt  }
0x5a: {  	_ =	shalt  }
0x5b: {  	_ =	shalt  }
0x5c: {  	_ =	shalt  }
0x5d: {  	_ =	shalt  }
0x5e: {  	_ =	shalt  }
0x5f: {  	_ =	shalt  }
0x60: {  	_ =	shalt  }
0x61: {  	_ =	shalt  }
0x62: {  	_ =	shalt  }
0x63: {  	_ =	shalt  }
0x64: {  	_ =	shalt  }
0x65: {  	_ =	shalt  }
0x66: {  	_ =	shalt  }
0x67: {  	_ =	shalt  }
0x68: {  	_ =	shalt  }
0x69: {  	_ =	shalt  }
0x6a: {  	_ =	shalt  }
0x6b: {  	_ =	shalt  }
0x6c: {  	_ =	shalt  }
0x6d: {  	_ =	shalt  }
0x6e: {  	_ =	shalt  }
0x6f: {  	_ =	shalt  }
0x70: {  	_ =	shalt  }
0x71: {  	_ =	shalt  }
0x72: {  	_ =	shalt  }
0x73: {  	_ =	shalt  }
0x74: {  	_ =	shalt  }
0x75: {  	_ =	shalt  }
0x76: {  	_ =	shalt  }
0x77: {  	_ =	shalt  }
0x78: {  	_ =	shalt  }
0x79: {  	_ =	shalt  }
0x7a: {  	_ =	shalt  }
0x7b: {  	_ =	shalt  }
0x7c: {  	_ =	shalt  }
0x7d: {  	_ =	shalt  }
0x7e: {  	_ =	shalt  }
0x7f: {  	_ =	shalt  }
0x80: {  	_ =	shalt  }
0x81: {  	_ =	shalt  }
0x82: {  	_ =	shalt  }
0x83: {  	_ =	shalt  }
0x84: {  	_ =	shalt  }
0x85: {  	_ =	shalt  }
0x86: {  	_ =	shalt  }
0x87: {  	_ =	shalt  }
.Lfunc_end0:
.L_simem_size_0:
called_computation.2_lowered:
.L_overlay_start_0:
0x88: {  	s2 =	sld [smem:$0x3FD9]  }
0x89: {  	s3 =	sld [smem:$0x3FFE];
	_ =	sdelay $0x1  }
0x8a: {  	s1 =	srdreg.scid  }
0x8b: {  	s0 =	sand.u32 $0x1, s1  }
0x8c: {  	s16 =	sshll.u32 s0, $0xA;
	s2 =	sadd.s32 s3, s2  }
0x8d: {  	s2 =	sadd.s32 s2, s16  }
0x8e: {  	[smem:$0x3FC4] =	sst s2  }
0x8f: {  	_ = 	snop  }
0x90: {  	(tm) =	ssettm $0x1  }
0x91: {  	s17 =	sld [smem:$0x3FFB];
	_ =	sdelay $0x3  }
0x92: {  	_ =	strace s17  }
0x93: {  	s2 =	sld [smem:$0x3FFC];
	_ =	sdelay $0x3  }
0x94: {  	_ =	strace s2  }
0x95: {  	s2 =	sld [smem:$0x3FFD];
	_ =	sdelay $0x3  }
0x96: {  	_ =	strace s2  }
0x97: {  	_ =	strace $0x8FFFFFFF  }
0x98: {  	s18 =	sld [smem:$0x3FDB];
	_ =	sdelay $0x1  }
0x99: {  	s19 =	simm.s32 $_scs_section_size  }
0x9a: {  	s4 =	simm.s32 $_size__tile_overlayer_lowered;
	s5 =	simm.s32 $_tile_overlayer_lowered  }
0x9b: {  	s22 =	simm.s32 $0x1BFF;
	s21 =	sshll.u32 s5, $0x1;
	s2 =	sadd.s32 s19, s18  }
0x9c: {  	s6 =	simm.s32 $0x0;
	s20 =	sshll.u32 s4, $0x1;
	s4 =	sadd.s32 s21, s2  }
0x9d: {  	[timem:s6], [sflag:s22] =	dma.local [hbm:s4], s20  }
0x9e: {  	_ =	swait.ge [sflag:s22], s20  }
0x9f: {  	s3 =	ssub.s32 $0x0, s20;
	[sflag:s22] =	ssyncset.done $0x0  }
0xa0: {  	[sflag:s22] =	ssyncadd.s32 s3;
	_ =	sdelay $0x1  }
0xa1: {  	s23 =	simm.s32 $0x1B8B  }
0xa2: {  	_ =	swait.ge [sflag:s23], $0x1  }
0xa3: {  	[sflag:s23] =	ssyncset.done $0x0  }
0xa4: {  	s25 =	simm.s32 $0x1B8E;
	s24 =	sld [smem:$0x3FFE];
	[sflag:s23] =	ssyncadd.s32 $0xFFFFFFFF  }
0xa5: {  	s26 =	simm.s32 $execute0_lowered;
	[smem:$0x3FD2] =	sst s25  }
0xa6: {  	s4 =	sshll.u32 s26, $0x1;
	_ =	strace $0x8000004C;
	[dreg:$0x1] =	wrdreg $0xFFFFFFFF  }
0xa7: {  	s28 =	simm.s32 $_size_execute0_lowered;
	s2 =	sadd.s32 s2, s4;
	[dreg:$0x0] =	wrdreg $0x0  }
0xa8: {  	s4 =	sshll.u32 s28, $0x1;
	[dreg:$0x2] =	wrdreg s2  }
0xa9: {  	[dreg:$0x3] =	wrdreg s4  }
0xaa: {  	[dreg:$0x4] =	wrdreg $0xC0  }
0xab: {  	_ =	task [dreg:s6], $0x5FFFF  }
0xac: {  	[dreg:$0x1] =	wrdreg $0xFFFFFFFF  }
0xad: {  	[dreg:$0x0] =	wrdreg $0x60  }
0xae: {  	[dreg:$0x2] =	wrdreg s24  }
0xaf: {  	[dreg:$0x3] =	wrdreg $0x82000  }
0xb0: {  	[dreg:$0x4] =	wrdreg $0x9  }
0xb1: {  	_ =	task.clear_ibuf [dreg:s6], $0x5FFFF;
	_ =	strace $0x9000004C  }
0xb2: {  	s29 =	simm.s32 $0x9;
	_ =	strace $0x8000004E  }
0xb3: {  	_ =	swait.ge [sflag:s29], $0x1  }
0xb4: {  	[sflag:s29] =	ssyncadd.s32 $0xFFFFFFFF  }
0xb5: {  	_ =	strace $0x9000004E  }
0xb6: {  	_ =	sfence  }
0xb7: {  	s30 =	sld [smem:$0x0];
	_ =	sdelay $0x2  }
0xb8: {  	s31 =	sshll.u32 s1, $0xD;
	s1 =	sshrl.u32 s1, $0x2  }
0xb9: {  	s3 =	sand.u32 $0x4000, s31;
	s1 =	sadd.s32 s1, s30  }
0xba: {  	s0 =	sor.u32 s3, s0;
	s1 =	sshll.u32 s1, $0x11  }
0xbb: {  	s0 =	sor.u32 s1, s0  }
0xbc: {  	s0 =	sadd.s32 $0x8F2B, s0  }
0xbd: {  	[sflag:s0] =	ssyncadd.remote.s32 $0x1  }
0xbe: {  	_ =	sfence.sel $0xFFFF  }
0xbf: {  	[dreg:$0x0] =	wrdreg $0xFFFFFFFF;
	(pc) =	sbr.abs _section_cstart, $3  }
0xc0: {  	[dreg:$0x1] =	wrdreg $0xFFFFFFFF  }
0xc1: {  	_ =	task.clear_ibuf [dreg:s6], $0x2FFFF;
	_ =	strace $0x9FFFFFFF  }
0xc2: {  	(tm) =	ssettm $0x7FFFFFFF  }
0xc3: {  	_ =	shalt  }
tec
execute0_lowered:
.L_overlay_start_1:
0x0: {  	(tag) =	ssettag $0x1  }
0x1: {  	s0 =	rddreg [dreg:$0x0]  }
0x2: {  	s1 =	rddreg [dreg:$0x1];
	s2 =	simm.s32 $0x0  }
0x3: {  	s3 =	srdreg.scid;
	s26 =	stileid.u32;
	s28 =	simm.s32 $0x4200  }
0x4: {  	s29 =	simm.s32 $0x2;
	s30 =	simm.s32 $0x3;
	s31 =	simm.s32 $0x0  }
0x5: {  	[smem:$0x7FF] =	sst s2;
	s4 =	sadd.s32 $0x6F400, s0;
	s3 =	sand.u32 $0x1, s3  }
0x6: {  	s16 =	sadd.s32 $0x17200, s0;
	s7 =	smul.u32 $0x28000, s26;
	s5 =	sadd.s32 $0x3800, s0  }
0x7: {  	s0 =	sadd.s32 $0xBD800, s0;
	s12 =	smul.u32 $0x1400, s26;
	s9 =	sshll.u32 s26, $0x4  }
0x8: {  	s25 =	sadd.s32 $0x96000, s1;
	s21 =	sor.u32 $0x9C0, s26;
	p0 =	seq.s32 s26, $0xF  }
0x9: {  	_ =	strace $0x8000004D;
	s6 =	ssub.s32 $0x2, s3;
	s17 =	smul.u32 $0x4E800, s3  }
0xa: {  	s9 =	sadd.s32 s16, s9;
	s22 =	sshll.u32 s21, $0x7;
	s8 =	sshrl.u32 s6, $0x1  }
0xb: {  	s25 =	sshrl.u32 @p0 s25, $0x3;
	s11 =	sshrl.u32 s7, $0x2;
	s15 =	ssub.s32 s6, s8  }
0xc: {  	s6 =	sadd.s32 s11, s1;
	s11 =	sshll.u32 s26, $0x7;
	s26 =	simm.s32 $0x180  }
0xd: {  	s13 =	sadd.s32 $0x4000, s6;
	s19 =	sor.u32 s11, s17;
	s14 =	sadd.s32 $0x8000, s6  }
0xe: {  	s11 =	sor.u32 $0x800, s11;
	s15 =	smax.u32 s15, $0x1;
	[dreg:$0x3] =	wrdreg s13  }
0xf: {  	[dreg:$0x4] =	wrdreg s14;
	s10 =	sshrl.u32 s19, $0x3;
	s13 =	smul.u32 $0x13880, s3  }
0x10: {  	s14 =	sshrl.u32 s11, $0x3;
	s3 =	smul.u32 $0x9C400, s3;
	s23 =	sadd.s32 $0x1800, s19  }
0x11: {  	s19 =	sadd.s32 $0x1000, s19;
	s18 =	sadd.s32 s5, s10;
	s24 =	sshrl.u32 s23, $0x3  }
0x12: {  	s23 =	simm.s32 $0x80;
	[dreg:$0x5] =	wrdreg s18;
	s18 =	sadd.s32 s17, s11  }
0x13: {  	s11 =	sadd.s32 s16, s14;
	s13 =	sadd.s32 s12, s13;
	s3 =	sshrl.u32 s3, $0x3  }
0x14: {  	s20 =	sshrl.u32 s18, $0x3;
	s13 =	sadd.s32 s0, s13;
	s0 =	sadd.s32 s0, s3  }
0x15: {  	s3 =	sshll.u32 s21, $0x4;
	s18 =	sadd.s32 s24, s5;
	s21 =	simm.s32 $0x4  }
0x16: {  	s24 =	simm.s32 $0x1;
	s14 =	sadd.s32 $0x12C00, s0;
	s0 =	sadd.s32 s17, s22  }
0x17: {  	s12 =	sadd.s32 s5, s20;
	s16 =	sadd.s32 s16, s3;
	s0 =	sshrl.u32 s0, $0x3  }
0x18: {  	v0 =	vimm.f32 $0.0e+00;
	s20 =	simm.s32 $0x200;
	s22 =	simm.s32 $0x100;
	s17 =	sadd.s32 s5, s0  }
.LBB2_1:
0x19: {  	s0 =	simm.s32 $0x0;
	s3 =	simm.s32 $0x200  }
.LBB2_2:
0x1a: {  	p1 =	sne.s32 s3, $0xFE00;
	[tilespmem:s0+$0x270] =	vst v0  }
0x1b: {  	[tilespmem:s0+$0x200] =	vst v0  }
0x1c: {  	[tilespmem:s0+$0x210] =	vst v0  }
.Ltmp0:
0x1d: {  	[tilespmem:s0+$0x220] =	vst v0;
	(pc) =	sbr.rel @p1 .LBB2_2-.Ltmp0, $4  }
0x1e: {  	[tilespmem:s0+$0x230] =	vst v0  }
0x1f: {  	[tilespmem:s0+$0x240] =	vst v0  }
0x20: {  	[tilespmem:s0+$0x250] =	vst v0  }
0x21: {  	[tilespmem:s0+$0x260] =	vst v0;
	s0 =	sshra.s32 s3, $0x2;
	s3 =	sadd.s32 $0x200, s3  }
0x22: {  	[tilespmem:s0+$0x270] =	vst v0  }
0x23: {  	[tilespmem:s0+$0x200] =	vst v0  }
0x24: {  	[tilespmem:s0+$0x210] =	vst v0  }
0x25: {  	[tilespmem:s0+$0x220] =	vst v0  }
0x26: {  	[tilespmem:s0+$0x230] =	vst v0  }
0x27: {  	[tilespmem:s0+$0x240] =	vst v0  }
0x28: {  	[tilespmem:s0+$0x250] =	vst v0  }
0x29: {  	[tilespmem:s0+$0x260] =	vst v0  }
0x2a: {  	[spmem:s6] =	stream.linear.scatter [tilespmem:s20], [sflag:$0x4], $0x4000, $0x38;
	[tilespmem:$0x12200] =	vst v63  }
0x2b: {  	_ =	swait.ge [sflag:s21], $0x4000  }
0x2c: {  	[sflag:s21] =	ssyncset.done $0x0  }
0x2d: {  	s3 =	rddreg [dreg:$0x3];
	[sflag:s21] =	ssyncadd.s32 $0xFFFFC000  }
0x2e: {  	[spmem:s3] =	stream.linear.scatter [tilespmem:s20], [sflag:$0x4], $0x4000, $0x38;
	[tilespmem:$0x12200] =	vst v63  }
0x2f: {  	_ =	swait.ge [sflag:s21], $0x4000  }
0x30: {  	[sflag:s21] =	ssyncset.done $0x0  }
0x31: {  	s7 =	rddreg [dreg:$0x4];
	[sflag:s21] =	ssyncadd.s32 $0xFFFFC000  }
0x32: {  	[spmem:s7] =	stream.linear.scatter [tilespmem:s20], [sflag:$0x4], $0x2000, $0x38;
	[tilespmem:$0x12200] =	vst v63  }
0x33: {  	_ =	swait.ge [sflag:s21], $0x2000  }
0x34: {  	[sflag:s21] =	ssyncset.done $0x0  }
0x35: {  	[sflag:s21] =	ssyncadd.s32 $0xFFFFE000  }
0x36: {  	s8 =	simm.s32 $0x0;
	[bflag:$0x0] =	sbarrier.arrive $0xFFFF  }
0x37: {  	[tilespmem:s8], [sflag:$0x4] =	stream.linear.gather [hbm4b:s9+s8], $0x80, $0x38;
	[tilespmem:$0x12200] =	vst v63  }
0x38: {  	_ =	swait.ge [sflag:s21], $0x80  }
0x39: {  	[sflag:s21] =	ssyncset.done $0x0  }
0x3a: {  	s3 =	rddreg [dreg:$0x5];
	[sflag:s21] =	ssyncadd.s32 $0xFFFFFF80  }
0x3b: {  	[tilespmem:s22], [sflag:$0x4] =	stream.linear.gather [hbm4b:s3+s8], $0x80, $0x38;
	[tilespmem:$0x12200] =	vst v63  }
0x3c: {  	_ =	swait.ge [sflag:s21], $0x80  }
0x3d: {  	[sflag:s21] =	ssyncset.done $0x0  }
0x3e: {  	[sflag:s21] =	ssyncadd.s32 $0xFFFFFF80  }
0x3f: {  	[tilespmem:s20], [sflag:$0x1] =	stream.indirect.gather [hbm4b:s4+s23], $0x80, s8, s23, $0xb8;
	[tilespmem:$0x12200] =	vst v63  }
0x40: {  	_ =	swait.ge [sflag:s24], $0x4000  }
0x41: {  	[sflag:s24] =	ssyncset.done $0x0  }
0x42: {  	[sflag:s24] =	ssyncadd.s32 $0xFFFFC000  }
0x43: {  	[tilespmem:s23], [sflag:$0x4] =	stream.linear.gather [hbm4b:s11+s8], $0x80, $0x38;
	[tilespmem:$0x12200] =	vst v63  }
0x44: {  	_ =	swait.ge [sflag:s21], $0x80  }
0x45: {  	[sflag:s21] =	ssyncset.done $0x0  }
0x46: {  	[sflag:s21] =	ssyncadd.s32 $0xFFFFFF80  }
0x47: {  	[tilespmem:s26], [sflag:$0x4] =	stream.linear.gather [hbm4b:s12+s8], $0x80, $0x38;
	[tilespmem:$0x12200] =	vst v63  }
0x48: {  	_ =	swait.ge [sflag:s21], $0x80  }
0x49: {  	[sflag:s21] =	ssyncset.done $0x0  }
0x4a: {  	[sflag:s21] =	ssyncadd.s32 $0xFFFFFF80  }
0x4b: {  	[tilespmem:s28], [sflag:$0x1] =	stream.indirect.gather [hbm4b:s4+s23], $0x80, s23, s23, $0xb8;
	[tilespmem:$0x12200] =	vst v63  }
0x4c: {  	_ = 	snop  }
0x4d: {  	[spmem:s1] =	stream.indirect.scatter.add.f32 [tilespmem:s20], [sflag:$0x2], $0x80, s22, s23, $0xb8;
	[tilespmem:$0x12200] =	vst v63  }
0x4e: {  	_ =	swait.ge [sflag:s24], $0x4000  }
0x4f: {  	[sflag:s24] =	ssyncset.done $0x0  }
0x50: {  	[sflag:s24] =	ssyncadd.s32 $0xFFFFC000  }
0x51: {  	_ =	swait.ge [sflag:s29], $0x4000  }
0x52: {  	s10 =	sadd.s32 $0x0, s9;
	[sflag:s29] =	ssyncset.done $0x0  }
0x53: {  	s7 =	sadd.s32 $0x200, s10;
	[sflag:s29] =	ssyncadd.s32 $0xFFFFC000  }
0x54: {  	[tilespmem:s2], [sflag:$0x4] =	stream.linear.gather [hbm4b:s7+s2], $0x80, $0x38;
	[tilespmem:$0x12200] =	vst v63  }
0x55: {  	_ =	swait.ge [sflag:s21], $0x80  }
0x56: {  	s8 =	sshrl.u32 s19, $0x3;
	[sflag:s21] =	ssyncset.done $0x0  }
0x57: {  	s3 =	sadd.s32 s5, s8;
	[sflag:s21] =	ssyncadd.s32 $0xFFFFFF80  }
0x58: {  	[tilespmem:s22], [sflag:$0x4] =	stream.linear.gather [hbm4b:s3+s2], $0x80, $0x38;
	[tilespmem:$0x12200] =	vst v63  }
0x59: {  	_ =	swait.ge [sflag:s21], $0x80  }
0x5a: {  	[sflag:s21] =	ssyncset.done $0x0  }
0x5b: {  	[sflag:s21] =	ssyncadd.s32 $0xFFFFFF80  }
0x5c: {  	[tilespmem:s20], [sflag:$0x1] =	stream.indirect.gather [hbm4b:s4+s23], $0x80, s2, s23, $0xb8;
	[tilespmem:$0x12200] =	vst v63  }
0x5d: {  	_ = 	snop  }
0x5e: {  	[spmem:s1] =	stream.indirect.scatter.add.f32 [tilespmem:s28], [sflag:$0x3], $0x80, s26, s23, $0xb8;
	[tilespmem:$0x12200] =	vst v63  }
0x5f: {  	_ =	swait.ge [sflag:s24], $0x4000  }
0x60: {  	[sflag:s24] =	ssyncset.done $0x0  }
0x61: {  	[sflag:s24] =	ssyncadd.s32 $0xFFFFC000  }
0x62: {  	_ =	swait.ge [sflag:s30], $0x4000  }
0x63: {  	[sflag:s30] =	ssyncset.done $0x0  }
0x64: {  	s0 =	sadd.s32 $0x300, s10;
	[sflag:s30] =	ssyncadd.s32 $0xFFFFC000  }
0x65: {  	[tilespmem:s23], [sflag:$0x4] =	stream.linear.gather [hbm4b:s0+s2], $0x80, $0x38;
	[tilespmem:$0x12200] =	vst v63  }
0x66: {  	_ =	swait.ge [sflag:s21], $0x80  }
0x67: {  	[sflag:s21] =	ssyncset.done $0x0  }
0x68: {  	s10 =	sadd.s32 $0x0, s18;
	[sflag:s21] =	ssyncadd.s32 $0xFFFFFF80  }
0x69: {  	[tilespmem:s26], [sflag:$0x4] =	stream.linear.gather [hbm4b:s10+s2], $0x80, $0x38;
	[tilespmem:$0x12200] =	vst v63  }
0x6a: {  	_ =	swait.ge [sflag:s21], $0x80  }
0x6b: {  	[sflag:s21] =	ssyncset.done $0x0  }
0x6c: {  	s3 =	sadd.s32 $0x1000, s19;
	s0 =	simm.s32 $0x200;
	[sflag:s21] =	ssyncadd.s32 $0xFFFFFF80  }
0x6d: {  	[tilespmem:s28], [sflag:$0x1] =	stream.indirect.gather [hbm4b:s4+s23], $0x80, s23, s23, $0xb8;
	[tilespmem:$0x12200] =	vst v63  }
.LBB2_4:
0x6e: {  	[spmem:s1] =	stream.indirect.scatter.add.f32 [tilespmem:s20], [sflag:$0x2], $0x80, s22, s23, $0xb8;
	[tilespmem:$0x12200] =	vst v63  }
0x6f: {  	s7 =	smov.u32 s0  }
0x70: {  	p1 =	sne.s32 s0, $0x9800;
	s0 =	sadd.s32 $0x200, s0;
	_ =	swait.ge [sflag:s24], $0x4000  }
0x71: {  	[sflag:s24] =	ssyncset.done $0x0  }
0x72: {  	[sflag:s24] =	ssyncadd.s32 $0xFFFFC000  }
0x73: {  	_ =	swait.ge [sflag:s29], $0x4000  }
0x74: {  	s8 =	sadd.s32 s7, s9;
	[sflag:s29] =	ssyncset.done $0x0  }
0x75: {  	s10 =	sadd.s32 $0x200, s8;
	[sflag:s29] =	ssyncadd.s32 $0xFFFFC000  }
0x76: {  	[tilespmem:s2], [sflag:$0x4] =	stream.linear.gather [hbm4b:s10+s2], $0x80, $0x38;
	[tilespmem:$0x12200] =	vst v63  }
0x77: {  	_ =	swait.ge [sflag:s21], $0x80  }
0x78: {  	s10 =	sshrl.u32 s3, $0x3;
	[sflag:s21] =	ssyncset.done $0x0  }
0x79: {  	s10 =	sadd.s32 s5, s10;
	[sflag:s21] =	ssyncadd.s32 $0xFFFFFF80  }
0x7a: {  	[tilespmem:s22], [sflag:$0x4] =	stream.linear.gather [hbm4b:s10+s2], $0x80, $0x38;
	[tilespmem:$0x12200] =	vst v63  }
0x7b: {  	_ =	swait.ge [sflag:s21], $0x80  }
0x7c: {  	[sflag:s21] =	ssyncset.done $0x0  }
0x7d: {  	[sflag:s21] =	ssyncadd.s32 $0xFFFFFF80  }
0x7e: {  	[tilespmem:s20], [sflag:$0x1] =	stream.indirect.gather [hbm4b:s4+s23], $0x80, s2, s23, $0xb8;
	[tilespmem:$0x12200] =	vst v63  }
0x7f: {  	_ = 	snop  }
0x80: {  	[spmem:s1] =	stream.indirect.scatter.add.f32 [tilespmem:s28], [sflag:$0x3], $0x80, s26, s23, $0xb8;
	[tilespmem:$0x12200] =	vst v63  }
0x81: {  	_ =	swait.ge [sflag:s24], $0x4000  }
0x82: {  	[sflag:s24] =	ssyncset.done $0x0  }
0x83: {  	[sflag:s24] =	ssyncadd.s32 $0xFFFFC000  }
0x84: {  	_ =	swait.ge [sflag:s30], $0x4000  }
0x85: {  	[sflag:s30] =	ssyncset.done $0x0  }
0x86: {  	s8 =	sadd.s32 $0x300, s8;
	[sflag:s30] =	ssyncadd.s32 $0xFFFFC000  }
0x87: {  	[tilespmem:s23], [sflag:$0x4] =	stream.linear.gather [hbm4b:s8+s2], $0x80, $0x38;
	[tilespmem:$0x12200] =	vst v63  }
0x88: {  	_ =	swait.ge [sflag:s21], $0x80  }
0x89: {  	[sflag:s21] =	ssyncset.done $0x0  }
0x8a: {  	s7 =	sadd.s32 s7, s18;
	[sflag:s21] =	ssyncadd.s32 $0xFFFFFF80  }
0x8b: {  	[tilespmem:s26], [sflag:$0x4] =	stream.linear.gather [hbm4b:s7+s2], $0x80, $0x38;
	[tilespmem:$0x12200] =	vst v63  }
.Ltmp1:
0x8c: {  	_ =	swait.ge [sflag:s21], $0x80;
	(pc) =	sbr.rel @p1 .LBB2_4-.Ltmp1, $4  }
0x8d: {  	[sflag:s21] =	ssyncset.done $0x0  }
0x8e: {  	[sflag:s21] =	ssyncadd.s32 $0xFFFFFF80  }
0x8f: {  	[tilespmem:s28], [sflag:$0x1] =	stream.indirect.gather [hbm4b:s4+s23], $0x80, s23, s23, $0xb8;
	[tilespmem:$0x12200] =	vst v63  }
0x90: {  	s3 =	sadd.s32 $0x1000, s3  }
0x91: {  	[spmem:s1] =	stream.indirect.scatter.add.f32 [tilespmem:s20], [sflag:$0x2], $0x80, s22, s23, $0xb8;
	[tilespmem:$0x12200] =	vst v63  }
0x92: {  	_ =	swait.ge [sflag:s24], $0x4000  }
0x93: {  	[sflag:s24] =	ssyncset.done $0x0  }
0x94: {  	[sflag:s24] =	ssyncadd.s32 $0xFFFFC000  }
0x95: {  	_ =	swait.ge [sflag:s29], $0x4000  }
0x96: {  	[sflag:s29] =	ssyncset.done $0x0  }
0x97: {  	[sflag:s29] =	ssyncadd.s32 $0xFFFFC000  }
0x98: {  	[tilespmem:s2], [sflag:$0x4] =	stream.linear.gather [hbm4b:s16+s2], $0x80, $0x38;
	[tilespmem:$0x12200] =	vst v63  }
0x99: {  	_ =	swait.ge [sflag:s21], $0x80  }
0x9a: {  	[sflag:s21] =	ssyncset.done $0x0  }
0x9b: {  	[sflag:s21] =	ssyncadd.s32 $0xFFFFFF80  }
0x9c: {  	[tilespmem:s22], [sflag:$0x4] =	stream.linear.gather [hbm4b:s17+s2], $0x80, $0x38;
	[tilespmem:$0x12200] =	vst v63  }
0x9d: {  	_ =	swait.ge [sflag:s21], $0x80  }
0x9e: {  	[sflag:s21] =	ssyncset.done $0x0  }
0x9f: {  	[sflag:s21] =	ssyncadd.s32 $0xFFFFFF80  }
0xa0: {  	[tilespmem:s20], [sflag:$0x1] =	stream.indirect.gather [hbm4b:s4+s23], $0x80, s2, s23, $0xb8;
	[tilespmem:$0x12200] =	vst v63  }
0xa1: {  	_ = 	snop  }
0xa2: {  	[spmem:s1] =	stream.indirect.scatter.add.f32 [tilespmem:s28], [sflag:$0x3], $0x80, s26, s23, $0xb8;
	[tilespmem:$0x12200] =	vst v63  }
0xa3: {  	_ =	swait.ge [sflag:s24], $0x4000  }
0xa4: {  	[sflag:s24] =	ssyncset.done $0x0  }
0xa5: {  	[sflag:s24] =	ssyncadd.s32 $0xFFFFC000  }
0xa6: {  	_ =	swait.ge [sflag:s30], $0x4000  }
0xa7: {  	[sflag:s30] =	ssyncset.done $0x0  }
0xa8: {  	[sflag:s30] =	ssyncadd.s32 $0xFFFFC000  }
0xa9: {  	[spmem:s1] =	stream.indirect.scatter.add.f32 [tilespmem:s20], [sflag:$0x2], $0x80, s22, s23, $0xb8;
	[tilespmem:$0x12200] =	vst v63  }
0xaa: {  	_ =	swait.ge [sflag:s29], $0x4000  }
0xab: {  	[sflag:s29] =	ssyncset.done $0x0  }
0xac: {  	[sflag:s29] =	ssyncadd.s32 $0xFFFFC000  }
0xad: {  	s0 =	simm.s32 @p0 $0x1FC4;
	[bflag:$0x0] =	sbarrier.arrive $0xFFFF  }
0xae: {  	[hbm:s14], [sflag:s0] =	dma.local @p0 [spmem:s25], $0xC80  }
0xaf: {  	s0 =	simm.s32 @p0 $0x4  }
0xb0: {  	s3 =	stileid.u32;
	s31 =	sadd.s32 $0x1, s31;
	_ =	swait.ge @p0 [sflag:s0], $0xC80  }
0xb1: {  	s3 =	sshll.u32 @!p0 s3, $0x6;
	p1 =	sne.s32 s31, s15;
	[sflag:s0] =	ssyncset.done @p0 $0x0  }
0xb2: {  	[sflag:s0] =	ssyncadd.s32 @p0 $0xFFFFF380;
	s0 =	sor.u32 @!p0 $0x1C04, s3;
	s3 =	sshrl.u32 @!p0 s6, $0x3  }
0xb3: {  	[hbm:s13], [sflag:s0] =	dma.local @!p0 [spmem:s3], $0x1400  }
.Ltmp2:
0xb4: {  	_ = 	snop;
	(pc) =	sbr.rel @p1 .LBB2_1-.Ltmp2, $4  }
0xb5: {  	s0 =	simm.s32 @!p0 $0x4  }
0xb6: {  	_ =	swait.ge @!p0 [sflag:s0], $0x1400  }
0xb7: {  	[sflag:s0] =	ssyncset.done @!p0 $0x0  }
0xb8: {  	[sflag:s0] =	ssyncadd.s32 @!p0 $0xFFFFEC00  }
0xb9: {  	_ =	sfence.sel $0x180000  }
0xba: {  	[bflag:$0x0] =	sbarrier.arrive $0xFFFF  }
0xbb: {  	_ =	strace $0x9000004D  }
0xbc: {  	s0 =	stileid.u32;
	[bflag:$0x2] =	sbarrier.arrive $0xFFFF  }
0xbd: {  	p0 =	sne.s32 s0, $0x0;
	s0 =	rddreg [dreg:$0x2]  }
0xbe: {  	s0 =	sadd.s32 @!p0 $0x100000, s0  }
0xbf: {  	[sflag:s0] =	ssyncadd.tile.s32 @!p0 $0x1;
	_ =	shalt  }
.Lfunc_end2:
_tile_overlayer_lowered:
.L_overlay_start_2:
0xc0: {  	(tag) =	ssettag $0x2  }
0xc1: {  	s0 =	rddreg [dreg:$0x0];
	s2 =	stileid.u32  }
0xc2: {  	s1 =	rddreg [dreg:$0x1];
	p0 =	sne.s32 s2, $0x0  }
0xc3: {  	s3 =	rddreg [dreg:$0x2];
	[bflag:$0x3] =	sbarrier.arrive $0xFFFF;
	s2 =	simm.s32 @!p0 $0x1C04  }
0xc4: {  	[timem:s3], [sflag:s2] =	dma.local @!p0 [hbm:s0], s1  }
0xc5: {  	s0 =	simm.s32 @!p0 $0x4  }
0xc6: {  	_ =	swait.ge @!p0 [sflag:s0], s1  }
0xc7: {  	s1 =	ssub.s32 @!p0 $0x0, s1;
	[sflag:s0] =	ssyncset.done @!p0 $0x0  }
0xc8: {  	[sflag:s0] =	ssyncadd.s32 @!p0 s1  }
0xc9: {  	[bflag:$0x3] =	sbarrier.arrive $0xFFFF  }
0xca: {  	_ =	shalt  }

// kernel: kernel.19.cloned.1.call-start
scs
__scs_entry_jumppad:
0x0: {  	(pc) =	sbr.rel $0x88, $3  }
0x1: {  	(tag) =	ssettag $0x0;
	lr =	simm.s32 $0x1  }
0x2: {  	[smem:$0x3F9D] =	sst lr;
	_ =	strace $0xD0000000  }
0x3: {  	_ = 	snop  }
0x4: {  	_ = 	snop  }
0x5: {  	_ = 	snop  }
0x6: {  	_ = 	snop  }
0x7: {  	_ = 	snop  }
__scs_overlays_trampoline_lowered:
0x8: {  	[smem:$0x3FAC] =	sst s0  }
0x9: {  	[smem:$0x3FAD] =	sst s1  }
0xa: {  	[smem:$0x3FAE] =	sst s2  }
0xb: {  	[smem:$0x3FAF] =	sst s3  }
0xc: {  	[smem:$0x3FB0] =	sst s4  }
0xd: {  	[smem:$0x3FB1] =	sst s5  }
0xe: {  	[smem:$0x3FB2] =	sst s6  }
0xf: {  	[smem:$0x3FB3] =	sst s7  }
0x10: {  	[smem:$0x3FB4] =	sst s8  }
0x11: {  	[smem:$0x3FB5] =	sst s9;
	s0 =	simm.s32 @!p0 $0x0  }
0x12: {  	s1 =	sld [smem:$0x3F9B];
	s0 =	simm.s32 @p0 $0x1  }
0x13: {  	[smem:$0x3FB6] =	sst s0;
	s0 =	simm.s32 @!p1 $0x0  }
0x14: {  	s2 =	sld [smem:$0x3F9A];
	s0 =	simm.s32 @p1 $0x1  }
0x15: {  	[smem:$0x3FB7] =	sst s0;
	s0 =	simm.s32 @!p2 $0x0  }
0x16: {  	s3 =	sld [smem:$0x3FDB];
	s0 =	simm.s32 @p2 $0x1  }
0x17: {  	s4 =	simm.s32 $0x1BF5;
	[smem:$0x3FB9] =	sst s0  }
0x18: {  	s0 =	sld [smem:$0x3F9C];
	_ =	swait.ge [sflag:s4], $0x0  }
0x19: {  	s7 =	sld [smem:$0x3F9D]  }
0x1a: {  	s8 =	sadd.s32 $0xFFFFE003, lr  }
0x1b: {  	s9 =	sadd.s32 $0xFFFFFEF7, lr;
	s5 =	simm.s32 $0xFFFFFFFF;
	p2 =	slt.u32 s8, $0xFFFFF086  }
0x1c: {  	p1 =	slt.u32 s9, $0xF7A;
	s5 =	simm.s32 @!p2 $0x0  }
0x1d: {  	s5 =	simm.s32 @p1 $0x1;
	p0 =	seq.s32 s7, s2  }
0x1e: {  	s7 =	smul.u32 @!p0 $0xF7A, s2;
	p2 =	seq.s32 @!p0 s5, $0x0  }
0x1f: {  	s9 =	smul.u32 $0xF7A, s1;
	s8 =	simm.s32 @!p0 $0x1BF5;
	p2 =	por !p2, p0  }
0x20: {  	[sflag:s8] =	ssyncset.s32 @!p0 $0xFFFFF086;
	s6 =	sadd.s32 @!p0 s3, s7;
	s7 =	simm.s32 @!p0 $0x108  }
0x21: {  	s3 =	sadd.s32 s3, s9;
	s6 =	sadd.s32 @!p0 $0x88, s6;
	s7 =	simm.s32 @p2 $0x1082  }
0x22: {  	[simem:s7], [sflag:s8] =	dma.local @!p0 [hbm:s6], $0xF7A  }
0x23: {  	s9 =	sor.u32 $0xD0000000, s2;
	s6 =	simm.s32 $0x108;
	_ =	swait.ge @!p0 [sflag:s8], $0x0  }
0x24: {  	s3 =	sadd.s32 $0x88, s3;
	s6 =	simm.s32 @!p1 $0x1082;
	[sflag:s4] =	ssyncset.s32 $0xFFFFF086  }
0x25: {  	[simem:s6], [sflag:s4] =	dma.local [hbm:s3], $0xF7A  }
0x26: {  	[smem:$0x3F9D] =	sst s1;
	(tag) =	ssettag s2;
	_ =	strace s9  }
0x27: {  	s1 =	sld [smem:$0x3FAD]  }
0x28: {  	s2 =	sld [smem:$0x3FAE]  }
0x29: {  	s4 =	sld [smem:$0x3FB0]  }
0x2a: {  	p0 =	seq.s32 s5, $0x0;
	s5 =	sld [smem:$0x3FB1]  }
0x2b: {  	s6 =	sld [smem:$0x3FB2]  }
0x2c: {  	s7 =	sld [smem:$0x3FB3]  }
0x2d: {  	s3 =	simm.s32 $0x108;
	s8 =	sld [smem:$0x3FB4]  }
0x2e: {  	s3 =	simm.s32 @!p0 $0x1082;
	s9 =	sld [smem:$0x3FB5]  }
0x2f: {  	lr =	sadd.s32 s0, s3;
	s0 =	sld [smem:$0x3FAC]  }
0x30: {  	s3 =	sld [smem:$0x3FAF]  }
0x31: {  	[smem:$0x3FB8] =	sst s10  }
0x32: {  	s10 =	sld [smem:$0x3FB6];
	_ =	sdelay $0x3  }
0x33: {  	p0 =	seq.s32 s10, $0x1;
	s10 =	sld [smem:$0x3FB8];
	_ =	sdelay $0x3  }
0x34: {  	[smem:$0x3FB8] =	sst s10  }
0x35: {  	s10 =	sld [smem:$0x3FB7];
	_ =	sdelay $0x3  }
0x36: {  	p1 =	seq.s32 s10, $0x1;
	s10 =	sld [smem:$0x3FB8];
	_ =	sdelay $0x3  }
0x37: {  	[smem:$0x3FB8] =	sst s10  }
0x38: {  	s10 =	sld [smem:$0x3FB9]  }
0x39: {  	_ = 	snop;
	(pc) =	sbr.ind lr, $3  }
0x3a: {  	_ = 	snop  }
0x3b: {  	_ = 	snop  }
0x3c: {  	p2 =	seq.s32 s10, $0x1;
	s10 =	sld [smem:$0x3FB8]  }
0x3d: {  	_ =	shalt  }
0x3e: {  	_ =	shalt  }
0x3f: {  	_ =	shalt  }
0x40: {  	_ =	shalt  }
0x41: {  	_ =	shalt  }
0x42: {  	_ =	shalt  }
0x43: {  	_ =	shalt  }
0x44: {  	_ =	shalt  }
0x45: {  	_ =	shalt  }
0x46: {  	_ =	shalt  }
0x47: {  	_ =	shalt  }
0x48: {  	_ =	shalt  }
0x49: {  	_ =	shalt  }
0x4a: {  	_ =	shalt  }
0x4b: {  	_ =	shalt  }
0x4c: {  	_ =	shalt  }
0x4d: {  	_ =	shalt  }
0x4e: {  	_ =	shalt  }
0x4f: {  	_ =	shalt  }
0x50: {  	_ =	shalt  }
0x51: {  	_ =	shalt  }
0x52: {  	_ =	shalt  }
0x53: {  	_ =	shalt  }
0x54: {  	_ =	shalt  }
0x55: {  	_ =	shalt  }
0x56: {  	_ =	shalt  }
0x57: {  	_ =	shalt  }
0x58: {  	_ =	shalt  }
0x59: {  	_ =	shalt  }
0x5a: {  	_ =	shalt  }
0x5b: {  	_ =	shalt  }
0x5c: {  	_ =	shalt  }
0x5d: {  	_ =	shalt  }
0x5e: {  	_ =	shalt  }
0x5f: {  	_ =	shalt  }
0x60: {  	_ =	shalt  }
0x61: {  	_ =	shalt  }
0x62: {  	_ =	shalt  }
0x63: {  	_ =	shalt  }
0x64: {  	_ =	shalt  }
0x65: {  	_ =	shalt  }
0x66: {  	_ =	shalt  }
0x67: {  	_ =	shalt  }
0x68: {  	_ =	shalt  }
0x69: {  	_ =	shalt  }
0x6a: {  	_ =	shalt  }
0x6b: {  	_ =	shalt  }
0x6c: {  	_ =	shalt  }
0x6d: {  	_ =	shalt  }
0x6e: {  	_ =	shalt  }
0x6f: {  	_ =	shalt  }
0x70: {  	_ =	shalt  }
0x71: {  	_ =	shalt  }
0x72: {  	_ =	shalt  }
0x73: {  	_ =	shalt  }
0x74: {  	_ =	shalt  }
0x75: {  	_ =	shalt  }
0x76: {  	_ =	shalt  }
0x77: {  	_ =	shalt  }
0x78: {  	_ =	shalt  }
0x79: {  	_ =	shalt  }
0x7a: {  	_ =	shalt  }
0x7b: {  	_ =	shalt  }
0x7c: {  	_ =	shalt  }
0x7d: {  	_ =	shalt  }
0x7e: {  	_ =	shalt  }
0x7f: {  	_ =	shalt  }
0x80: {  	_ =	shalt  }
0x81: {  	_ =	shalt  }
0x82: {  	_ =	shalt  }
0x83: {  	_ =	shalt  }
0x84: {  	_ =	shalt  }
0x85: {  	_ =	shalt  }
0x86: {  	_ =	shalt  }
0x87: {  	_ =	shalt  }
.Lfunc_end0:
.L_simem_size_0:
called_computation.3_lowered:
.L_overlay_start_0:
0x88: {  	s2 =	sld [smem:$0x3FD9]  }
0x89: {  	s3 =	sld [smem:$0x3FFE];
	_ =	sdelay $0x1  }
0x8a: {  	s1 =	srdreg.scid  }
0x8b: {  	s0 =	sand.u32 $0x1, s1  }
0x8c: {  	s17 =	sshll.u32 s0, $0xA;
	s2 =	sadd.s32 s3, s2  }
0x8d: {  	s2 =	sadd.s32 s2, s17  }
0x8e: {  	[smem:$0x3FC4] =	sst s2  }
0x8f: {  	_ = 	snop  }
0x90: {  	s2 =	sld [smem:$0x3FD0];
	(tm) =	ssettm $0x1  }
0x91: {  	s18 =	sld [smem:$0x3FFB];
	_ =	sdelay $0x3  }
0x92: {  	_ =	strace s18  }
0x93: {  	s3 =	sld [smem:$0x3FFC];
	_ =	sdelay $0x3  }
0x94: {  	_ =	strace s3  }
0x95: {  	s3 =	sld [smem:$0x3FFD];
	_ =	sdelay $0x3  }
0x96: {  	_ =	strace s3  }
0x97: {  	_ =	strace $0x8FFFFFFF  }
0x98: {  	s19 =	sld [smem:$0x3FDB];
	_ =	sdelay $0x1  }
0x99: {  	s4 =	simm.s32 $_scs_section_size  }
0x9a: {  	s5 =	simm.s32 $_size__tile_overlayer_lowered;
	s6 =	simm.s32 $_tile_overlayer_lowered  }
0x9b: {  	s22 =	simm.s32 $0x1BFF;
	s21 =	sshll.u32 s6, $0x1;
	s3 =	sadd.s32 s4, s19  }
0x9c: {  	s7 =	simm.s32 $0x0;
	s20 =	sshll.u32 s5, $0x1;
	s5 =	sadd.s32 s21, s3  }
0x9d: {  	[timem:s7], [sflag:s22] =	dma.local [hbm:s5], s20  }
0x9e: {  	_ =	swait.ge [sflag:s22], s20  }
0x9f: {  	s4 =	ssub.s32 $0x0, s20;
	[sflag:s22] =	ssyncset.done $0x0  }
0xa0: {  	[sflag:s22] =	ssyncadd.s32 s4;
	_ =	sdelay $0x1  }
0xa1: {  	s23 =	simm.s32 $0x1B8B  }
0xa2: {  	_ =	swait.ge [sflag:s23], $0x1  }
0xa3: {  	[sflag:s23] =	ssyncset.done $0x0  }
0xa4: {  	s25 =	simm.s32 $0x1B8E;
	s24 =	sld [smem:$0x3FFE];
	[sflag:s23] =	ssyncadd.s32 $0xFFFFFFFF  }
0xa5: {  	s26 =	simm.s32 $execute0_lowered;
	[smem:$0x3FD2] =	sst s25  }
0xa6: {  	s5 =	sshll.u32 s26, $0x1;
	_ =	strace $0x8000004F;
	[dreg:$0x1] =	wrdreg $0xFFFFFFFF  }
0xa7: {  	s28 =	simm.s32 $_size_execute0_lowered;
	s3 =	sadd.s32 s3, s5;
	[dreg:$0x0] =	wrdreg $0x0  }
0xa8: {  	s5 =	sshll.u32 s28, $0x1;
	[dreg:$0x2] =	wrdreg s3  }
0xa9: {  	[dreg:$0x3] =	wrdreg s5  }
0xaa: {  	[dreg:$0x4] =	wrdreg $0xC0  }
0xab: {  	_ =	task [dreg:s7], $0x5FFFF  }
0xac: {  	[dreg:$0x1] =	wrdreg $0xFFFFFFFF  }
0xad: {  	[dreg:$0x0] =	wrdreg $0x60  }
0xae: {  	[dreg:$0x2] =	wrdreg s2  }
0xaf: {  	[dreg:$0x3] =	wrdreg s24  }
0xb0: {  	[dreg:$0x4] =	wrdreg $0x82000  }
0xb1: {  	[dreg:$0x5] =	wrdreg $0x9  }
0xb2: {  	_ =	task.clear_ibuf [dreg:s7], $0x6FFFF;
	_ =	strace $0x9000004F  }
0xb3: {  	s29 =	simm.s32 $0x9;
	_ =	strace $0x80000051  }
0xb4: {  	_ =	swait.ge [sflag:s29], $0x1  }
0xb5: {  	[sflag:s29] =	ssyncadd.s32 $0xFFFFFFFF  }
0xb6: {  	_ =	strace $0x90000051  }
0xb7: {  	_ =	sfence  }
0xb8: {  	s30 =	sld [smem:$0x0];
	_ =	sdelay $0x2  }
0xb9: {  	s31 =	sshll.u32 s1, $0xD;
	s1 =	sshrl.u32 s1, $0x2  }
0xba: {  	s3 =	sand.u32 $0x4000, s31;
	s1 =	sadd.s32 s1, s30  }
0xbb: {  	s0 =	sor.u32 s3, s0;
	s1 =	sshll.u32 s1, $0x11  }
0xbc: {  	s0 =	sor.u32 s1, s0  }
0xbd: {  	s0 =	sadd.s32 $0x8F2B, s0  }
0xbe: {  	[sflag:s0] =	ssyncadd.remote.s32 $0x1  }
0xbf: {  	_ =	sfence.sel $0xFFFF  }
0xc0: {  	[dreg:$0x0] =	wrdreg $0xFFFFFFFF;
	(pc) =	sbr.abs _section_cstart, $3  }
0xc1: {  	[dreg:$0x1] =	wrdreg $0xFFFFFFFF  }
0xc2: {  	_ =	task.clear_ibuf [dreg:s7], $0x2FFFF;
	_ =	strace $0x9FFFFFFF  }
0xc3: {  	(tm) =	ssettm $0x7FFFFFFF  }
tec
execute0_lowered:
.L_overlay_start_1:
0x0: {  	(tag) =	ssettag $0x1  }
0x1: {  	s1 =	rddreg [dreg:$0x0]  }
0x2: {  	s0 =	rddreg [dreg:$0x1]  }
0x3: {  	s2 =	rddreg [dreg:$0x2]  }
0x4: {  	s4 =	simm.s32 $0x0;
	s3 =	srdreg.scid;
	s26 =	stileid.u32  }
0x5: {  	s28 =	simm.s32 $0x4200;
	s29 =	simm.s32 $0x2;
	s30 =	simm.s32 $0x3  }
0x6: {  	s31 =	simm.s32 $0x0;
	[smem:$0x7FF] =	sst s4;
	s3 =	sand.u32 $0x1, s3  }
0x7: {  	s16 =	sadd.s32 $0x17200, s0;
	s7 =	smul.u32 $0x28000, s26;
	s5 =	sadd.s32 $0x3800, s0  }
0x8: {  	s0 =	sadd.s32 $0x48200, s0;
	s12 =	smul.u32 $0x1400, s26;
	s9 =	sshll.u32 s26, $0x4  }
0x9: {  	s25 =	sadd.s32 $0x96000, s2;
	s21 =	sor.u32 $0x9C0, s26;
	p0 =	seq.s32 s26, $0xF  }
0xa: {  	_ =	strace $0x80000050;
	s6 =	ssub.s32 $0x2, s3;
	s17 =	smul.u32 $0x4E800, s3  }
0xb: {  	s9 =	sadd.s32 s16, s9;
	s22 =	sshll.u32 s21, $0x7;
	s8 =	sshrl.u32 s6, $0x1  }
0xc: {  	s25 =	sshrl.u32 @p0 s25, $0x3;
	s11 =	sshrl.u32 s7, $0x2;
	s15 =	ssub.s32 s6, s8  }
0xd: {  	s6 =	sadd.s32 s11, s2;
	s11 =	sshll.u32 s26, $0x7;
	s26 =	simm.s32 $0x180  }
0xe: {  	s13 =	sadd.s32 $0x4000, s6;
	s19 =	sor.u32 s11, s17;
	s14 =	sadd.s32 $0x8000, s6  }
0xf: {  	s11 =	sor.u32 $0x800, s11;
	s15 =	smax.u32 s15, $0x1;
	[dreg:$0x4] =	wrdreg s13  }
0x10: {  	[dreg:$0x5] =	wrdreg s14;
	s10 =	sshrl.u32 s19, $0x3;
	s13 =	smul.u32 $0x13880, s3  }
0x11: {  	s14 =	sshrl.u32 s11, $0x3;
	s3 =	smul.u32 $0x9C400, s3;
	s23 =	sadd.s32 $0x1800, s19  }
0x12: {  	s19 =	sadd.s32 $0x1000, s19;
	s18 =	sadd.s32 s5, s10;
	s24 =	sshrl.u32 s23, $0x3  }
0x13: {  	s23 =	simm.s32 $0x80;
	[dreg:$0x6] =	wrdreg s18;
	s18 =	sadd.s32 s17, s11  }
0x14: {  	s11 =	sadd.s32 s16, s14;
	s13 =	sadd.s32 s12, s13;
	s3 =	sshrl.u32 s3, $0x3  }
0x15: {  	s20 =	sshrl.u32 s18, $0x3;
	s13 =	sadd.s32 s0, s13;
	s0 =	sadd.s32 s0, s3  }
0x16: {  	s3 =	sshll.u32 s21, $0x4;
	s18 =	sadd.s32 s24, s5;
	s21 =	simm.s32 $0x4  }
0x17: {  	s24 =	simm.s32 $0x1;
	s14 =	sadd.s32 $0x12C00, s0;
	s0 =	sadd.s32 s17, s22  }
0x18: {  	s12 =	sadd.s32 s5, s20;
	s16 =	sadd.s32 s16, s3;
	s0 =	sshrl.u32 s0, $0x3  }
0x19: {  	v0 =	vimm.f32 $0.0e+00;
	s20 =	simm.s32 $0x200;
	s22 =	simm.s32 $0x100;
	s17 =	sadd.s32 s5, s0  }
.LBB2_1:
0x1a: {  	s0 =	simm.s32 $0x0;
	s3 =	simm.s32 $0x200  }
.LBB2_2:
0x1b: {  	p1 =	sne.s32 s3, $0xFE00;
	[tilespmem:s0+$0x270] =	vst v0  }
0x1c: {  	[tilespmem:s0+$0x200] =	vst v0  }
0x1d: {  	[tilespmem:s0+$0x210] =	vst v0  }
.Ltmp0:
0x1e: {  	[tilespmem:s0+$0x220] =	vst v0;
	(pc) =	sbr.rel @p1 .LBB2_2-.Ltmp0, $4  }
0x1f: {  	[tilespmem:s0+$0x230] =	vst v0  }
0x20: {  	[tilespmem:s0+$0x240] =	vst v0  }
0x21: {  	[tilespmem:s0+$0x250] =	vst v0  }
0x22: {  	[tilespmem:s0+$0x260] =	vst v0;
	s0 =	sshra.s32 s3, $0x2;
	s3 =	sadd.s32 $0x200, s3  }
0x23: {  	[tilespmem:s0+$0x270] =	vst v0  }
0x24: {  	[tilespmem:s0+$0x200] =	vst v0  }
0x25: {  	[tilespmem:s0+$0x210] =	vst v0  }
0x26: {  	[tilespmem:s0+$0x220] =	vst v0  }
0x27: {  	[tilespmem:s0+$0x230] =	vst v0  }
0x28: {  	[tilespmem:s0+$0x240] =	vst v0  }
0x29: {  	[tilespmem:s0+$0x250] =	vst v0  }
0x2a: {  	[tilespmem:s0+$0x260] =	vst v0  }
0x2b: {  	[spmem:s6] =	stream.linear.scatter [tilespmem:s20], [sflag:$0x4], $0x4000, $0x38;
	[tilespmem:$0x12200] =	vst v63  }
0x2c: {  	_ =	swait.ge [sflag:s21], $0x4000  }
0x2d: {  	[sflag:s21] =	ssyncset.done $0x0  }
0x2e: {  	s3 =	rddreg [dreg:$0x4];
	[sflag:s21] =	ssyncadd.s32 $0xFFFFC000  }
0x2f: {  	[spmem:s3] =	stream.linear.scatter [tilespmem:s20], [sflag:$0x4], $0x4000, $0x38;
	[tilespmem:$0x12200] =	vst v63  }
0x30: {  	_ =	swait.ge [sflag:s21], $0x4000  }
0x31: {  	[sflag:s21] =	ssyncset.done $0x0  }
0x32: {  	s7 =	rddreg [dreg:$0x5];
	[sflag:s21] =	ssyncadd.s32 $0xFFFFC000  }
0x33: {  	[spmem:s7] =	stream.linear.scatter [tilespmem:s20], [sflag:$0x4], $0x2000, $0x38;
	[tilespmem:$0x12200] =	vst v63  }
0x34: {  	_ =	swait.ge [sflag:s21], $0x2000  }
0x35: {  	[sflag:s21] =	ssyncset.done $0x0  }
0x36: {  	[sflag:s21] =	ssyncadd.s32 $0xFFFFE000  }
0x37: {  	s8 =	simm.s32 $0x0;
	[bflag:$0x0] =	sbarrier.arrive $0xFFFF  }
0x38: {  	[tilespmem:s8], [sflag:$0x4] =	stream.linear.gather [hbm4b:s9+s8], $0x80, $0x38;
	[tilespmem:$0x12200] =	vst v63  }
0x39: {  	_ =	swait.ge [sflag:s21], $0x80  }
0x3a: {  	[sflag:s21] =	ssyncset.done $0x0  }
0x3b: {  	s3 =	rddreg [dreg:$0x6];
	[sflag:s21] =	ssyncadd.s32 $0xFFFFFF80  }
0x3c: {  	[tilespmem:s22], [sflag:$0x4] =	stream.linear.gather [hbm4b:s3+s8], $0x80, $0x38;
	[tilespmem:$0x12200] =	vst v63  }
0x3d: {  	_ =	swait.ge [sflag:s21], $0x80  }
0x3e: {  	[sflag:s21] =	ssyncset.done $0x0  }
0x3f: {  	[sflag:s21] =	ssyncadd.s32 $0xFFFFFF80  }
0x40: {  	[tilespmem:s20], [sflag:$0x1] =	stream.indirect.gather [hbm4b:s1+s23], $0x80, s8, s23, $0xb8;
	[tilespmem:$0x12200] =	vst v63  }
0x41: {  	_ =	swait.ge [sflag:s24], $0x4000  }
0x42: {  	[sflag:s24] =	ssyncset.done $0x0  }
0x43: {  	[sflag:s24] =	ssyncadd.s32 $0xFFFFC000  }
0x44: {  	[tilespmem:s23], [sflag:$0x4] =	stream.linear.gather [hbm4b:s11+s8], $0x80, $0x38;
	[tilespmem:$0x12200] =	vst v63  }
0x45: {  	_ =	swait.ge [sflag:s21], $0x80  }
0x46: {  	[sflag:s21] =	ssyncset.done $0x0  }
0x47: {  	[sflag:s21] =	ssyncadd.s32 $0xFFFFFF80  }
0x48: {  	[tilespmem:s26], [sflag:$0x4] =	stream.linear.gather [hbm4b:s12+s8], $0x80, $0x38;
	[tilespmem:$0x12200] =	vst v63  }
0x49: {  	_ =	swait.ge [sflag:s21], $0x80  }
0x4a: {  	[sflag:s21] =	ssyncset.done $0x0  }
0x4b: {  	[sflag:s21] =	ssyncadd.s32 $0xFFFFFF80  }
0x4c: {  	[tilespmem:s28], [sflag:$0x1] =	stream.indirect.gather [hbm4b:s1+s23], $0x80, s23, s23, $0xb8;
	[tilespmem:$0x12200] =	vst v63  }
0x4d: {  	_ = 	snop  }
0x4e: {  	[spmem:s2] =	stream.indirect.scatter.add.f32 [tilespmem:s20], [sflag:$0x2], $0x80, s22, s23, $0xb8;
	[tilespmem:$0x12200] =	vst v63  }
0x4f: {  	_ =	swait.ge [sflag:s24], $0x4000  }
0x50: {  	[sflag:s24] =	ssyncset.done $0x0  }
0x51: {  	[sflag:s24] =	ssyncadd.s32 $0xFFFFC000  }
0x52: {  	_ =	swait.ge [sflag:s29], $0x4000  }
0x53: {  	s10 =	sadd.s32 $0x0, s9;
	[sflag:s29] =	ssyncset.done $0x0  }
0x54: {  	s7 =	sadd.s32 $0x200, s10;
	[sflag:s29] =	ssyncadd.s32 $0xFFFFC000  }
0x55: {  	[tilespmem:s4], [sflag:$0x4] =	stream.linear.gather [hbm4b:s7+s4], $0x80, $0x38;
	[tilespmem:$0x12200] =	vst v63  }
0x56: {  	_ =	swait.ge [sflag:s21], $0x80  }
0x57: {  	s8 =	sshrl.u32 s19, $0x3;
	[sflag:s21] =	ssyncset.done $0x0  }
0x58: {  	s3 =	sadd.s32 s5, s8;
	[sflag:s21] =	ssyncadd.s32 $0xFFFFFF80  }
0x59: {  	[tilespmem:s22], [sflag:$0x4] =	stream.linear.gather [hbm4b:s3+s4], $0x80, $0x38;
	[tilespmem:$0x12200] =	vst v63  }
0x5a: {  	_ =	swait.ge [sflag:s21], $0x80  }
0x5b: {  	[sflag:s21] =	ssyncset.done $0x0  }
0x5c: {  	[sflag:s21] =	ssyncadd.s32 $0xFFFFFF80  }
0x5d: {  	[tilespmem:s20], [sflag:$0x1] =	stream.indirect.gather [hbm4b:s1+s23], $0x80, s4, s23, $0xb8;
	[tilespmem:$0x12200] =	vst v63  }
0x5e: {  	_ = 	snop  }
0x5f: {  	[spmem:s2] =	stream.indirect.scatter.add.f32 [tilespmem:s28], [sflag:$0x3], $0x80, s26, s23, $0xb8;
	[tilespmem:$0x12200] =	vst v63  }
0x60: {  	_ =	swait.ge [sflag:s24], $0x4000  }
0x61: {  	[sflag:s24] =	ssyncset.done $0x0  }
0x62: {  	[sflag:s24] =	ssyncadd.s32 $0xFFFFC000  }
0x63: {  	_ =	swait.ge [sflag:s30], $0x4000  }
0x64: {  	[sflag:s30] =	ssyncset.done $0x0  }
0x65: {  	s0 =	sadd.s32 $0x300, s10;
	[sflag:s30] =	ssyncadd.s32 $0xFFFFC000  }
0x66: {  	[tilespmem:s23], [sflag:$0x4] =	stream.linear.gather [hbm4b:s0+s4], $0x80, $0x38;
	[tilespmem:$0x12200] =	vst v63  }
0x67: {  	_ =	swait.ge [sflag:s21], $0x80  }
0x68: {  	[sflag:s21] =	ssyncset.done $0x0  }
0x69: {  	s10 =	sadd.s32 $0x0, s18;
	[sflag:s21] =	ssyncadd.s32 $0xFFFFFF80  }
0x6a: {  	[tilespmem:s26], [sflag:$0x4] =	stream.linear.gather [hbm4b:s10+s4], $0x80, $0x38;
	[tilespmem:$0x12200] =	vst v63  }
0x6b: {  	_ =	swait.ge [sflag:s21], $0x80  }
0x6c: {  	[sflag:s21] =	ssyncset.done $0x0  }
0x6d: {  	s3 =	sadd.s32 $0x1000, s19;
	s0 =	simm.s32 $0x200;
	[sflag:s21] =	ssyncadd.s32 $0xFFFFFF80  }
0x6e: {  	[tilespmem:s28], [sflag:$0x1] =	stream.indirect.gather [hbm4b:s1+s23], $0x80, s23, s23, $0xb8;
	[tilespmem:$0x12200] =	vst v63  }
.LBB2_4:
0x6f: {  	[spmem:s2] =	stream.indirect.scatter.add.f32 [tilespmem:s20], [sflag:$0x2], $0x80, s22, s23, $0xb8;
	[tilespmem:$0x12200] =	vst v63  }
0x70: {  	s7 =	smov.u32 s0  }
0x71: {  	p1 =	sne.s32 s0, $0x9800;
	s0 =	sadd.s32 $0x200, s0;
	_ =	swait.ge [sflag:s24], $0x4000  }
0x72: {  	[sflag:s24] =	ssyncset.done $0x0  }
0x73: {  	[sflag:s24] =	ssyncadd.s32 $0xFFFFC000  }
0x74: {  	_ =	swait.ge [sflag:s29], $0x4000  }
0x75: {  	s8 =	sadd.s32 s7, s9;
	[sflag:s29] =	ssyncset.done $0x0  }
0x76: {  	s10 =	sadd.s32 $0x200, s8;
	[sflag:s29] =	ssyncadd.s32 $0xFFFFC000  }
0x77: {  	[tilespmem:s4], [sflag:$0x4] =	stream.linear.gather [hbm4b:s10+s4], $0x80, $0x38;
	[tilespmem:$0x12200] =	vst v63  }
0x78: {  	_ =	swait.ge [sflag:s21], $0x80  }
0x79: {  	s10 =	sshrl.u32 s3, $0x3;
	[sflag:s21] =	ssyncset.done $0x0  }
0x7a: {  	s10 =	sadd.s32 s5, s10;
	[sflag:s21] =	ssyncadd.s32 $0xFFFFFF80  }
0x7b: {  	[tilespmem:s22], [sflag:$0x4] =	stream.linear.gather [hbm4b:s10+s4], $0x80, $0x38;
	[tilespmem:$0x12200] =	vst v63  }
0x7c: {  	_ =	swait.ge [sflag:s21], $0x80  }
0x7d: {  	[sflag:s21] =	ssyncset.done $0x0  }
0x7e: {  	[sflag:s21] =	ssyncadd.s32 $0xFFFFFF80  }
0x7f: {  	[tilespmem:s20], [sflag:$0x1] =	stream.indirect.gather [hbm4b:s1+s23], $0x80, s4, s23, $0xb8;
	[tilespmem:$0x12200] =	vst v63  }
0x80: {  	_ = 	snop  }
0x81: {  	[spmem:s2] =	stream.indirect.scatter.add.f32 [tilespmem:s28], [sflag:$0x3], $0x80, s26, s23, $0xb8;
	[tilespmem:$0x12200] =	vst v63  }
0x82: {  	_ =	swait.ge [sflag:s24], $0x4000  }
0x83: {  	[sflag:s24] =	ssyncset.done $0x0  }
0x84: {  	[sflag:s24] =	ssyncadd.s32 $0xFFFFC000  }
0x85: {  	_ =	swait.ge [sflag:s30], $0x4000  }
0x86: {  	[sflag:s30] =	ssyncset.done $0x0  }
0x87: {  	s8 =	sadd.s32 $0x300, s8;
	[sflag:s30] =	ssyncadd.s32 $0xFFFFC000  }
0x88: {  	[tilespmem:s23], [sflag:$0x4] =	stream.linear.gather [hbm4b:s8+s4], $0x80, $0x38;
	[tilespmem:$0x12200] =	vst v63  }
0x89: {  	_ =	swait.ge [sflag:s21], $0x80  }
0x8a: {  	[sflag:s21] =	ssyncset.done $0x0  }
0x8b: {  	s7 =	sadd.s32 s7, s18;
	[sflag:s21] =	ssyncadd.s32 $0xFFFFFF80  }
0x8c: {  	[tilespmem:s26], [sflag:$0x4] =	stream.linear.gather [hbm4b:s7+s4], $0x80, $0x38;
	[tilespmem:$0x12200] =	vst v63  }
.Ltmp1:
0x8d: {  	_ =	swait.ge [sflag:s21], $0x80;
	(pc) =	sbr.rel @p1 .LBB2_4-.Ltmp1, $4  }
0x8e: {  	[sflag:s21] =	ssyncset.done $0x0  }
0x8f: {  	[sflag:s21] =	ssyncadd.s32 $0xFFFFFF80  }
0x90: {  	[tilespmem:s28], [sflag:$0x1] =	stream.indirect.gather [hbm4b:s1+s23], $0x80, s23, s23, $0xb8;
	[tilespmem:$0x12200] =	vst v63  }
0x91: {  	s3 =	sadd.s32 $0x1000, s3  }
0x92: {  	[spmem:s2] =	stream.indirect.scatter.add.f32 [tilespmem:s20], [sflag:$0x2], $0x80, s22, s23, $0xb8;
	[tilespmem:$0x12200] =	vst v63  }
0x93: {  	_ =	swait.ge [sflag:s24], $0x4000  }
0x94: {  	[sflag:s24] =	ssyncset.done $0x0  }
0x95: {  	[sflag:s24] =	ssyncadd.s32 $0xFFFFC000  }
0x96: {  	_ =	swait.ge [sflag:s29], $0x4000  }
0x97: {  	[sflag:s29] =	ssyncset.done $0x0  }
0x98: {  	[sflag:s29] =	ssyncadd.s32 $0xFFFFC000  }
0x99: {  	[tilespmem:s4], [sflag:$0x4] =	stream.linear.gather [hbm4b:s16+s4], $0x80, $0x38;
	[tilespmem:$0x12200] =	vst v63  }
0x9a: {  	_ =	swait.ge [sflag:s21], $0x80  }
0x9b: {  	[sflag:s21] =	ssyncset.done $0x0  }
0x9c: {  	[sflag:s21] =	ssyncadd.s32 $0xFFFFFF80  }
0x9d: {  	[tilespmem:s22], [sflag:$0x4] =	stream.linear.gather [hbm4b:s17+s4], $0x80, $0x38;
	[tilespmem:$0x12200] =	vst v63  }
0x9e: {  	_ =	swait.ge [sflag:s21], $0x80  }
0x9f: {  	[sflag:s21] =	ssyncset.done $0x0  }
0xa0: {  	[sflag:s21] =	ssyncadd.s32 $0xFFFFFF80  }
0xa1: {  	[tilespmem:s20], [sflag:$0x1] =	stream.indirect.gather [hbm4b:s1+s23], $0x80, s4, s23, $0xb8;
	[tilespmem:$0x12200] =	vst v63  }
0xa2: {  	_ = 	snop  }
0xa3: {  	[spmem:s2] =	stream.indirect.scatter.add.f32 [tilespmem:s28], [sflag:$0x3], $0x80, s26, s23, $0xb8;
	[tilespmem:$0x12200] =	vst v63  }
0xa4: {  	_ =	swait.ge [sflag:s24], $0x4000  }
0xa5: {  	[sflag:s24] =	ssyncset.done $0x0  }
0xa6: {  	[sflag:s24] =	ssyncadd.s32 $0xFFFFC000  }
0xa7: {  	_ =	swait.ge [sflag:s30], $0x4000  }
0xa8: {  	[sflag:s30] =	ssyncset.done $0x0  }
0xa9: {  	[sflag:s30] =	ssyncadd.s32 $0xFFFFC000  }
0xaa: {  	[spmem:s2] =	stream.indirect.scatter.add.f32 [tilespmem:s20], [sflag:$0x2], $0x80, s22, s23, $0xb8;
	[tilespmem:$0x12200] =	vst v63  }
0xab: {  	_ =	swait.ge [sflag:s29], $0x4000  }
0xac: {  	[sflag:s29] =	ssyncset.done $0x0  }
0xad: {  	[sflag:s29] =	ssyncadd.s32 $0xFFFFC000  }
0xae: {  	s0 =	simm.s32 @p0 $0x1FC4;
	[bflag:$0x0] =	sbarrier.arrive $0xFFFF  }
0xaf: {  	[hbm:s14], [sflag:s0] =	dma.local @p0 [spmem:s25], $0xC80  }
0xb0: {  	s0 =	simm.s32 @p0 $0x4  }
0xb1: {  	s3 =	stileid.u32;
	s31 =	sadd.s32 $0x1, s31;
	_ =	swait.ge @p0 [sflag:s0], $0xC80  }
0xb2: {  	s3 =	sshll.u32 @!p0 s3, $0x6;
	p1 =	sne.s32 s31, s15;
	[sflag:s0] =	ssyncset.done @p0 $0x0  }
0xb3: {  	[sflag:s0] =	ssyncadd.s32 @p0 $0xFFFFF380;
	s0 =	sor.u32 @!p0 $0x1C04, s3;
	s3 =	sshrl.u32 @!p0 s6, $0x3  }
0xb4: {  	[hbm:s13], [sflag:s0] =	dma.local @!p0 [spmem:s3], $0x1400  }
.Ltmp2:
0xb5: {  	_ = 	snop;
	(pc) =	sbr.rel @p1 .LBB2_1-.Ltmp2, $4  }
0xb6: {  	s0 =	simm.s32 @!p0 $0x4  }
0xb7: {  	_ =	swait.ge @!p0 [sflag:s0], $0x1400  }
0xb8: {  	[sflag:s0] =	ssyncset.done @!p0 $0x0  }
0xb9: {  	[sflag:s0] =	ssyncadd.s32 @!p0 $0xFFFFEC00  }
0xba: {  	_ =	sfence.sel $0x180000  }
0xbb: {  	[bflag:$0x0] =	sbarrier.arrive $0xFFFF  }
0xbc: {  	_ =	strace $0x90000050  }
0xbd: {  	s0 =	stileid.u32;
	[bflag:$0x2] =	sbarrier.arrive $0xFFFF  }
0xbe: {  	p0 =	sne.s32 s0, $0x0;
	s0 =	rddreg [dreg:$0x3]  }
0xbf: {  	s0 =	sadd.s32 @!p0 $0x100000, s0  }
0xc0: {  	[sflag:s0] =	ssyncadd.tile.s32 @!p0 $0x1;
	_ =	shalt  }
.Lfunc_end2:
_tile_overlayer_lowered:
.L_overlay_start_2:
0xc1: {  	(tag) =	ssettag $0x2  }
0xc2: {  	s0 =	rddreg [dreg:$0x0];
	s2 =	stileid.u32  }
0xc3: {  	s1 =	rddreg [dreg:$0x1];
	p0 =	sne.s32 s2, $0x0  }
0xc4: {  	s3 =	rddreg [dreg:$0x2];
	[bflag:$0x3] =	sbarrier.arrive $0xFFFF;
	s2 =	simm.s32 @!p0 $0x1C04  }
0xc5: {  	[timem:s3], [sflag:s2] =	dma.local @!p0 [hbm:s0], s1  }
0xc6: {  	s0 =	simm.s32 @!p0 $0x4  }
0xc7: {  	_ =	swait.ge @!p0 [sflag:s0], s1  }
0xc8: {  	s1 =	ssub.s32 @!p0 $0x0, s1;
	[sflag:s0] =	ssyncset.done @!p0 $0x0  }
0xc9: {  	[sflag:s0] =	ssyncadd.s32 @!p0 s1  }
0xca: {  	[bflag:$0x3] =	sbarrier.arrive $0xFFFF  }
0xcb: {  	_ =	shalt  }

</sc_bundles>
